<compile_context>
chip_gen: v7x
topology: tpu7x:2x2x1
jax: 0.10.2.dev20260603
libtpu: 0.0.44.dev20260713+nightly
codegen_flags: <defaults>
</compile_context>

<pallas_src>
import jax
import jax.numpy as jnp
from jax import lax
from jax.experimental import pallas as pl
from jax.experimental.pallas import tpu as pltpu
from jax.experimental.pallas import tpu_sc as plsc

N = 1_000_000
L = 16
NT = 16
CH = 65_536
LAST_CH = N - 15 * CH
SUB = CH // 4
NG = CH // 256
NGS = SUB // 256
NG15 = 68
TCAP = 32
MCAP = 128
K = 50
TOP_P = 0.9
NEG = float("-inf")

_f32 = jnp.float32
_i32 = jnp.int32


def _iota():
    return lax.broadcasted_iota(_i32, (L,), 0)


def _lane_f32(v, lane):
    return jnp.max(jnp.where(_iota() == lane, v, jnp.full((L,), NEG, _f32)))


def _lane_i32(v, lane):
    return jnp.max(jnp.where(_iota() == lane, v, jnp.full((L,), -2**31 + 1, _i32)))


def _body(x_hbm, out_hbm, vbuf, gmax, lmall, cval, cidx, zbuf, mval, midx,
          sval, sidx, scatv, scati, stg, sh_in, sh_zero, sh_lmax, sh_cv,
          sh_ci, semh, semld, semz, sems):
    wid = lax.axis_index("s") * 1 + lax.axis_index("c")
    neg16 = jnp.full((L,), NEG, _f32)

    def _slot(s):
        return sh_in.at[pl.ds((wid * 2 + s) * SUB, SUB)]

    @pl.when(wid < 15)
    def _():
        for c in range(2):
            pltpu.async_copy(x_hbm.at[pl.ds(wid * CH + c * SUB, SUB)],
                             _slot(c), semh)

    @pl.when(wid == 15)
    def _():
        pltpu.async_copy(x_hbm.at[pl.ds(15 * CH, LAST_CH)],
                         vbuf.at[pl.ds(0, LAST_CH)], semh)

    z16 = jnp.zeros((L,), _f32)
    for i in range(256):
        zbuf[pl.ds(i * L, L)] = z16
    pltpu.sync_copy(zbuf, sh_zero.at[pl.ds(wid * 4096, 4096)])

    def scan_groups(c, acc):
        def g_body(g, acc):
            m = vbuf[pl.ds(g * 256, L)]
            for j in range(1, 16):
                m = jnp.maximum(m, vbuf[pl.ds(g * 256 + j * L, L)])
            gmax[pl.ds(g * L, L)] = m
            return jnp.maximum(acc, m)
        return lax.fori_loop(c * NGS, (c + 1) * NGS, g_body, acc, unroll=2)

    @pl.when(wid < 15)
    def _():
        lm = neg16

        def wait_h():
            pltpu.make_async_copy(x_hbm.at[pl.ds(0, SUB)],
                                  _slot(0), semh).wait()

        def wait_l():
            pltpu.make_async_copy(_slot(0), vbuf.at[pl.ds(0, SUB)],
                                  semld).wait()

        wait_h()
        pltpu.async_copy(_slot(0), vbuf.at[pl.ds(0, SUB)], semld)
        for c in range(4):
            wait_l()
            if c < 3:
                wait_h()
                pltpu.async_copy(_slot((c + 1) % 2),
                                 vbuf.at[pl.ds((c + 1) * SUB, SUB)], semld)
            if c + 2 < 4:
                pltpu.async_copy(
                    x_hbm.at[pl.ds(wid * CH + (c + 2) * SUB, SUB)],
                    _slot(c % 2), semh)
            lm = scan_groups(c, lm)
        stg[...] = lm

    @pl.when(wid == 15)
    def _():
        for i in range((NG15 * 256 - LAST_CH) // L):
            vbuf[pl.ds(LAST_CH + i * L, L)] = neg16
        pltpu.make_async_copy(x_hbm.at[pl.ds(15 * CH, LAST_CH)],
                              vbuf.at[pl.ds(0, LAST_CH)], semh).wait()

        def g_body(g, acc):
            m = vbuf[pl.ds(g * 256, L)]
            for j in range(1, 16):
                m = jnp.maximum(m, vbuf[pl.ds(g * 256 + j * L, L)])
            gmax[pl.ds(g * L, L)] = m
            return jnp.maximum(acc, m)

        stg[...] = lax.fori_loop(0, NG15, g_body, neg16)

    pltpu.sync_copy(stg, sh_lmax.at[pl.ds(wid * L, L)])
    plsc.subcore_barrier()

    @pl.when(wid < 15)
    def _():
        pltpu.async_copy(sh_zero, out_hbm.at[pl.ds(wid * CH, CH)], semz)

    @pl.when(wid == 15)
    def _():
        for i in range(LAST_CH // 4096):
            pltpu.async_copy(zbuf,
                             out_hbm.at[pl.ds(15 * CH + i * 4096, 4096)],
                             semz)
        pltpu.async_copy(zbuf.at[pl.ds(0, LAST_CH % 4096)],
                         out_hbm.at[pl.ds(15 * CH + (LAST_CH // 4096) * 4096,
                                          LAST_CH % 4096)], semz)

    pltpu.sync_copy(sh_lmax, lmall)
    sgn = jnp.full((L,), -2**31, _i32)
    inv = jnp.full((L,), 0x7FFFFFFF, _i32)
    okeys = []
    for t in range(NT):
        s = plsc.bitcast(lmall[pl.ds(t * L, L)], _i32)
        s = jnp.where(s < jnp.zeros((L,), _i32), s ^ inv, s)
        okeys.append(plsc.bitcast(s ^ sgn, jnp.uint32))
    kv = jnp.full((L,), K, _i32)

    def b_body(b, tacc):
        cand = tacc | plsc.bitcast(
            jnp.full((L,), 1, _i32) << (jnp.full((L,), 31, _i32) - b),
            jnp.uint32)
        cnt = plsc.all_reduce_population_count(okeys[0] >= cand)
        for t in range(1, NT):
            cnt = cnt + plsc.all_reduce_population_count(okeys[t] >= cand)
        return jnp.where(cnt >= kv, cand, tacc)

    tbits = lax.fori_loop(0, 32, b_body, jnp.zeros((L,), jnp.uint32))
    st = plsc.bitcast(tbits, _i32) ^ sgn
    st = jnp.where(st < jnp.zeros((L,), _i32), st ^ inv, st)
    t0v = plsc.bitcast(st, _f32)

    for r in range(TCAP // L):
        cval[pl.ds(r * L, L)] = neg16
        cidx[pl.ds(r * L, L)] = jnp.full((L,), -1, _i32)

    def s_body(b, off):
        gm = gmax[pl.ds(b * (4 * L), L)]
        for u in range(1, 4):
            gm = jnp.maximum(gm, gmax[pl.ds(b * (4 * L) + u * L, L)])

        def hit(offv):
            def inner(j, offv2):
                v = vbuf[pl.ds(b * 1024 + j * L, L)]
                msk = v >= t0v
                idxv = jnp.full((L,), wid * CH + b * 1024 + j * L, _i32) + _iota()
                incl = jnp.cumsum(msk.astype(_i32))
                dest = jnp.minimum(offv2 + incl - 1,
                                   jnp.full((L,), TCAP - 1, _i32))
                plsc.store_scatter(cval, [dest], v, mask=msk)
                plsc.store_scatter(cidx, [dest], idxv, mask=msk)
                return offv2 + plsc.all_reduce_population_count(msk)
            return lax.fori_loop(0, 64, inner, offv)

        return lax.cond(jnp.any(gm >= t0v), hit, lambda o: o, off)

    nb_w = jnp.where(wid == 15, (NG15 + 3) // 4, NG // 4)
    lax.fori_loop(0, nb_w, s_body, jnp.zeros((L,), _i32))
    pltpu.sync_copy(cval, sh_cv.at[pl.ds(wid * TCAP, TCAP)])
    pltpu.sync_copy(cidx, sh_ci.at[pl.ds(wid * TCAP, TCAP)])

    @pl.when(wid < 15)
    def _():
        pltpu.make_async_copy(sh_zero, out_hbm.at[pl.ds(wid * CH, CH)],
                              semz).wait()

    @pl.when(wid == 15)
    def _():
        for i in range(LAST_CH // 4096):
            pltpu.make_async_copy(
                zbuf, out_hbm.at[pl.ds(15 * CH + i * 4096, 4096)],
                semz).wait()
        pltpu.make_async_copy(
            zbuf.at[pl.ds(0, LAST_CH % 4096)],
            out_hbm.at[pl.ds(15 * CH + (LAST_CH // 4096) * 4096,
                             LAST_CH % 4096)], semz).wait()

    plsc.subcore_barrier()

    @pl.when(wid == 0)
    def _():
        pltpu.sync_copy(sh_cv, mval)
        pltpu.sync_copy(sh_ci, midx)
        for r in range(MCAP // L):
            sval[pl.ds(r * L, L)] = neg16
            sidx[pl.ds(r * L, L)] = jnp.full((L,), 2**30, _i32)

        def c_body(r, offv):
            ii = midx[pl.ds(r * L, L)]
            vv = mval[pl.ds(r * L, L)]
            msk = ii >= jnp.zeros((L,), _i32)
            incl = jnp.cumsum(msk.astype(_i32))
            dest = jnp.minimum(offv + incl - 1,
                               jnp.full((L,), MCAP - 1, _i32))
            plsc.store_scatter(sval, [dest], vv, mask=msk)
            plsc.store_scatter(sidx, [dest], ii, mask=msk)
            return offv + plsc.all_reduce_population_count(msk)

        lax.fori_loop(0, (NT * TCAP) // L, c_body, jnp.zeros((L,), _i32))

        pool0 = tuple(sval[pl.ds(r * L, L)] for r in range(MCAP // L))
        pooli = tuple(sidx[pl.ds(r * L, L)] for r in range(MCAP // L))
        big = jnp.full((L,), 2**30, _i32)

        def e_body(t, carry):
            vs, js = carry
            m = vs[0]
            for r in range(1, MCAP // L):
                m = jnp.maximum(m, vs[r])
            msv = jnp.full((L,), jnp.max(m), _f32)
            cand = js[0]
            for r in range(MCAP // L):
                c = jnp.where(vs[r] == msv, js[r], big)
                cand = c if r == 0 else jnp.minimum(cand, c)
            isv = jnp.full((L,), jnp.min(cand), _i32)
            base = (t // L) * L
            onehot = _iota() == (t - base)
            sv = scatv[pl.ds(base, L)]
            si = scati[pl.ds(base, L)]
            scatv[pl.ds(base, L)] = jnp.where(onehot, msv, sv)
            scati[pl.ds(base, L)] = jnp.where(onehot, isv, si)
            vs = tuple(jnp.where((vs[r] == msv) & (js[r] == isv), neg16, vs[r])
                       for r in range(MCAP // L))
            return vs, js

        lax.fori_loop(0, 64, e_body, (pool0, pooli))

        sv = tuple(scatv[pl.ds(r * L, L)] for r in range(4))
        si = tuple(scati[pl.ds(r * L, L)] for r in range(4))
        kthv = jnp.full((L,), _lane_f32(sv[3], 1), _f32)
        m0v = jnp.full((L,), jnp.max(sv[0]), _f32)
        surv = tuple(s >= kthv for s in sv)
        e = tuple(jnp.where(surv[r], jnp.exp(sv[r] - m0v), jnp.zeros((L,), _f32))
                  for r in range(4))
        z1 = jnp.sum(e[0]) + jnp.sum(e[1]) + jnp.sum(e[2]) + jnp.sum(e[3])
        z1v = jnp.full((L,), z1, _f32)
        p = tuple(e[r] / z1v for r in range(4))
        excl = []
        c = jnp.float32(0.0)
        for r in range(4):
            incl = jnp.cumsum(p[r])
            excl.append(jnp.full((L,), c, _f32) + incl - p[r])
            c = c + jnp.sum(p[r])
        pv = jnp.full((L,), TOP_P, _f32)
        keep = tuple(surv[r] & (excl[r] <= pv) for r in range(4))
        z2 = jnp.float32(0.0)
        for r in range(4):
            z2 = z2 + jnp.sum(jnp.where(keep[r], e[r], jnp.zeros((L,), _f32)))
        z2v = jnp.full((L,), z2, _f32)
        q = tuple(e[r] / z2v for r in range(4))
        q0v = jnp.full((L,), _lane_f32(q[0], 0), _f32)
        i0v = jnp.full((L,), _lane_i32(si[0], 0), _i32)
        for r in range(4):
            scatv[pl.ds(r * L, L)] = jnp.where(keep[r], q[r], q0v)
            scati[pl.ds(r * L, L)] = jnp.where(keep[r], si[r], i0v)
        pltpu.async_copy(scatv, out_hbm.at[scati], sems).wait()


@jax.jit
def kernel(logits):
    mesh = plsc.VectorSubcoreMesh(core_axis_name="c", subcore_axis_name="s",
                                  num_cores=1)
    f = pl.kernel(
        _body,
        out_type=jax.ShapeDtypeStruct((N,), _f32),
        mesh=mesh,
        scratch_types=[
            pltpu.VMEM((CH,), _f32),
            pltpu.VMEM((NG * L,), _f32),
            pltpu.VMEM((NT * L,), _f32),
            pltpu.VMEM((TCAP,), _f32),
            pltpu.VMEM((TCAP,), _i32),
            pltpu.VMEM((4096,), _f32),
            pltpu.VMEM((NT * TCAP,), _f32),
            pltpu.VMEM((NT * TCAP,), _i32),
            pltpu.VMEM((MCAP,), _f32),
            pltpu.VMEM((MCAP,), _i32),
            pltpu.VMEM((64,), _f32),
            pltpu.VMEM((64,), _i32),
            pltpu.VMEM((L,), _f32),
            pltpu.VMEM_SHARED((15 * 2 * SUB,), _f32),
            pltpu.VMEM_SHARED((CH,), _f32),
            pltpu.VMEM_SHARED((NT * L,), _f32),
            pltpu.VMEM_SHARED((NT * TCAP,), _f32),
            pltpu.VMEM_SHARED((NT * TCAP,), _i32),
            pltpu.SemaphoreType.DMA,
            pltpu.SemaphoreType.DMA,
            pltpu.SemaphoreType.DMA,
            pltpu.SemaphoreType.DMA,
        ],
        compiler_params=pltpu.CompilerParams(needs_layout_passes=False,
                                             disable_bounds_checks=True),
    )
    return f(logits)

# --- scband reference (transcript-rebuilt; emitter-appended) ---
"""Pipeline reference for scband-categorical-net-19507741459020 (READ-ONLY COPY).

The authoritative reference and input builder live on the scoring server;
editing this copy changes nothing except your own understanding.
"""

import jax, jax.numpy as jnp
import numpy as np

TEMPERATURE = 1.0
TOP_P = 0.9
TOP_K = 50


def setup_inputs(seed: int = 0) -> dict:
    key = jax.random.key(seed)
    logits = jax.random.normal(key, (1000000,), dtype=jnp.float32)
    return {"logits": logits}


def reference(logits):
    x = logits / TEMPERATURE
    # top-k filtering: mask everything strictly below the k-th largest logit
    if TOP_K > 0:
        kth = jax.lax.top_k(x, TOP_K)[0][-1]
        x = jnp.where(x < kth, -jnp.inf, x)
    # top-p (nucleus) filtering
    if 0 < TOP_P <= 1:
        sorted_indices = jnp.argsort(-x)
        sorted_logits = x[sorted_indices]
        cumulative_probs = jnp.cumsum(jax.nn.softmax(sorted_logits, axis=-1), axis=-1)
        sorted_to_remove = cumulative_probs > TOP_P
        # shift right so the first token above the threshold is kept
        sorted_to_remove = jnp.concatenate(
            [jnp.zeros((1,), dtype=bool), sorted_to_remove[:-1]], axis=0
        )
        remove_mask = jnp.zeros(x.shape, dtype=bool).at[sorted_indices].set(sorted_to_remove)
        x = jnp.where(remove_mask, -jnp.inf, x)
    # Categorical(logits=x).probs == softmax(x)
    return jax.nn.softmax(x, axis=-1)

if __name__ == "__main__":
    import jax
    _d = setup_inputs()
    print(jax.jit(kernel)(*tuple(_d.values())))

</pallas_src>

<mosaic_0001>
#map = affine_map<(d0, d1) -> (0)>
module attributes {stable_mosaic.version = 14 : i64} {
  func.func @_body(%arg0: i32, %arg1: i32, %arg2: memref<1000000xf32, #tpu.memory_space<hbm>>, %arg3: memref<1000000xf32, #tpu.memory_space<hbm>>, %arg4: memref<65536xf32, #tpu.memory_space<vmem>>, %arg5: memref<4096xf32, #tpu.memory_space<vmem>>, %arg6: memref<256xf32, #tpu.memory_space<vmem>>, %arg7: memref<32xf32, #tpu.memory_space<vmem>>, %arg8: memref<32xi32, #tpu.memory_space<vmem>>, %arg9: memref<4096xf32, #tpu.memory_space<vmem>>, %arg10: memref<512xf32, #tpu.memory_space<vmem>>, %arg11: memref<512xi32, #tpu.memory_space<vmem>>, %arg12: memref<128xf32, #tpu.memory_space<vmem>>, %arg13: memref<128xi32, #tpu.memory_space<vmem>>, %arg14: memref<64xf32, #tpu.memory_space<vmem>>, %arg15: memref<64xi32, #tpu.memory_space<vmem>>, %arg16: memref<16xf32, #tpu.memory_space<vmem>>, %arg17: memref<491520xf32, #tpu.memory_space<vmem_shared>>, %arg18: memref<65536xf32, #tpu.memory_space<vmem_shared>>, %arg19: memref<256xf32, #tpu.memory_space<vmem_shared>>, %arg20: memref<512xf32, #tpu.memory_space<vmem_shared>>, %arg21: memref<512xi32, #tpu.memory_space<vmem_shared>>, %arg22: memref<!tpu.dma_semaphore, #tpu.memory_space<semaphore_mem>>, %arg23: memref<!tpu.dma_semaphore, #tpu.memory_space<semaphore_mem>>, %arg24: memref<!tpu.dma_semaphore, #tpu.memory_space<semaphore_mem>>, %arg25: memref<!tpu.dma_semaphore, #tpu.memory_space<semaphore_mem>>) attributes {dimension_semantics = [#tpu.dimension_semantics<core_parallel>, #tpu.dimension_semantics<subcore_parallel>], iteration_bounds = array<i64: 1, 16>, scalar_prefetch = 0 : i64, scratch_operands = 22 : i64, tpu.core_type = #tpu.core_type<sc_vector_subcore>, window_params = [{transform_indices = #map}, {transform_indices = #map}]} {
    %mul3A = arith.constant 1 : i32
    %mul3A_0 = arith.muli %arg1, %mul3A : i32
    %add3A = arith.addi %mul3A_0, %arg0 : i32
    %broadcast_in_dim3A = arith.constant 0xFF800000 : f32
    %broadcast_in_dim3A_1 = vector.broadcast %broadcast_in_dim3A : f32 to vector<16xf32>
    %lt3A = arith.constant 15 : i32
    %lt3A_2 = arith.cmpi slt, %add3A, %lt3A : i32
    %convert_element_type3A = arith.extui %lt3A_2 : i1 to i32
    %cond3A = arith.constant 0 : i32
    %cond3A_3 = arith.cmpi ne, %convert_element_type3A, %cond3A : i32
    scf.if %cond3A_3 {
      %mul3A_770 = arith.constant 65536 : i32
      %mul3A_771 = arith.muli %add3A, %mul3A_770 : i32
      %add3A_772 = arith.constant 0 : i32
      %add3A_773 = arith.addi %mul3A_771, %add3A_772 : i32
      %mul3A_774 = arith.constant 2 : i32
      %mul3A_775 = arith.muli %add3A, %mul3A_774 : i32
      %add3A_776 = arith.constant 0 : i32
      %add3A_777 = arith.addi %mul3A_775, %add3A_776 : i32
      %mul3A_778 = arith.constant 16384 : i32
      %mul3A_779 = arith.muli %add3A_777, %mul3A_778 : i32
      %dma_start3A = tpu.memref_slice %arg17[%mul3A_779] : memref<491520xf32, #tpu.memory_space<vmem_shared>> -> memref<16384xf32, #tpu.memory_space<vmem_shared>>
      %dma_start3A_780 = tpu.memref_slice %arg2[%add3A_773] : memref<1000000xf32, #tpu.memory_space<hbm>> -> memref<16384xf32, #tpu.memory_space<hbm>>
      tpu.enqueue_dma source(%dma_start3A_780 : memref<16384xf32, #tpu.memory_space<hbm>>) target(%dma_start3A : memref<16384xf32, #tpu.memory_space<vmem_shared>>) target_semaphore(%arg22 : memref<!tpu.dma_semaphore, #tpu.memory_space<semaphore_mem>>)
      %mul3A_781 = arith.constant 65536 : i32
      %mul3A_782 = arith.muli %add3A, %mul3A_781 : i32
      %add3A_783 = arith.constant 16384 : i32
      %add3A_784 = arith.addi %mul3A_782, %add3A_783 : i32
      %mul3A_785 = arith.constant 2 : i32
      %mul3A_786 = arith.muli %add3A, %mul3A_785 : i32
      %add3A_787 = arith.constant 1 : i32
      %add3A_788 = arith.addi %mul3A_786, %add3A_787 : i32
      %mul3A_789 = arith.constant 16384 : i32
      %mul3A_790 = arith.muli %add3A_788, %mul3A_789 : i32
      %dma_start3A_791 = tpu.memref_slice %arg17[%mul3A_790] : memref<491520xf32, #tpu.memory_space<vmem_shared>> -> memref<16384xf32, #tpu.memory_space<vmem_shared>>
      %dma_start3A_792 = tpu.memref_slice %arg2[%add3A_784] : memref<1000000xf32, #tpu.memory_space<hbm>> -> memref<16384xf32, #tpu.memory_space<hbm>>
      tpu.enqueue_dma source(%dma_start3A_792 : memref<16384xf32, #tpu.memory_space<hbm>>) target(%dma_start3A_791 : memref<16384xf32, #tpu.memory_space<vmem_shared>>) target_semaphore(%arg22 : memref<!tpu.dma_semaphore, #tpu.memory_space<semaphore_mem>>)
    } else {
    }
    %eq3A = arith.constant 15 : i32
    %eq3A_4 = arith.cmpi eq, %add3A, %eq3A : i32
    %convert_element_type3A_5 = arith.extui %eq3A_4 : i1 to i32
    %cond3A_6 = arith.constant 0 : i32
    %cond3A_7 = arith.cmpi ne, %convert_element_type3A_5, %cond3A_6 : i32
    scf.if %cond3A_7 {
      %dma_start3A = arith.constant 0 : i32
      %dma_start3A_770 = tpu.memref_slice %arg4[%dma_start3A] : memref<65536xf32, #tpu.memory_space<vmem>> -> memref<16960xf32, #tpu.memory_space<vmem>>
      %dma_start3A_771 = arith.constant 983040 : i32
      %dma_start3A_772 = tpu.memref_slice %arg2[%dma_start3A_771] : memref<1000000xf32, #tpu.memory_space<hbm>> -> memref<16960xf32, #tpu.memory_space<hbm>>
      %dma_start3A_773 = arith.constant 0 : i32
      %dma_start3A_774 = tpu.memref_slice %arg4[%dma_start3A_773] : memref<65536xf32, #tpu.memory_space<vmem>> -> memref<16960xf32, #tpu.memory_space<vmem>>
      %dma_start3A_775 = arith.constant 983040 : i32
      %dma_start3A_776 = tpu.memref_slice %arg2[%dma_start3A_775] : memref<1000000xf32, #tpu.memory_space<hbm>> -> memref<16960xf32, #tpu.memory_space<hbm>>
      tpu.enqueue_dma source(%dma_start3A_776 : memref<16960xf32, #tpu.memory_space<hbm>>) target(%dma_start3A_774 : memref<16960xf32, #tpu.memory_space<vmem>>) target_semaphore(%arg22 : memref<!tpu.dma_semaphore, #tpu.memory_space<semaphore_mem>>)
    } else {
    }
    %broadcast_in_dim3A_8 = arith.constant 0.000000e+00 : f32
    %broadcast_in_dim3A_9 = vector.broadcast %broadcast_in_dim3A_8 : f32 to vector<16xf32>
    %swap3A = arith.constant 0 : index
    %swap3A_10 = tpu.vector_load %arg9[%swap3A] {strides = array<i32>} : memref<4096xf32, #tpu.memory_space<vmem>>, vector<16xf32>,
    tpu.vector_store %arg9[%swap3A], %broadcast_in_dim3A_9 {strides = array<i32>} : memref<4096xf32, #tpu.memory_space<vmem>>, vector<16xf32>,
    %swap3A_11 = arith.constant 16 : index
    %swap3A_12 = tpu.vector_load %arg9[%swap3A_11] {strides = array<i32>} : memref<4096xf32, #tpu.memory_space<vmem>>, vector<16xf32>,
    tpu.vector_store %arg9[%swap3A_11], %broadcast_in_dim3A_9 {strides = array<i32>} : memref<4096xf32, #tpu.memory_space<vmem>>, vector<16xf32>,
    %swap3A_13 = arith.constant 32 : index
    %swap3A_14 = tpu.vector_load %arg9[%swap3A_13] {strides = array<i32>} : memref<4096xf32, #tpu.memory_space<vmem>>, vector<16xf32>,
    tpu.vector_store %arg9[%swap3A_13], %broadcast_in_dim3A_9 {strides = array<i32>} : memref<4096xf32, #tpu.memory_space<vmem>>, vector<16xf32>,
    %swap3A_15 = arith.constant 48 : index
    %swap3A_16 = tpu.vector_load %arg9[%swap3A_15] {strides = array<i32>} : memref<4096xf32, #tpu.memory_space<vmem>>, vector<16xf32>,
    tpu.vector_store %arg9[%swap3A_15], %broadcast_in_dim3A_9 {strides = array<i32>} : memref<4096xf32, #tpu.memory_space<vmem>>, vector<16xf32>,
    %swap3A_17 = arith.constant 64 : index
    %swap3A_18 = tpu.vector_load %arg9[%swap3A_17] {strides = array<i32>} : memref<4096xf32, #tpu.memory_space<vmem>>, vector<16xf32>,
    tpu.vector_store %arg9[%swap3A_17], %broadcast_in_dim3A_9 {strides = array<i32>} : memref<4096xf32, #tpu.memory_space<vmem>>, vector<16xf32>,
    %swap3A_19 = arith.constant 80 : index
    %swap3A_20 = tpu.vector_load %arg9[%swap3A_19] {strides = array<i32>} : memref<4096xf32, #tpu.memory_space<vmem>>, vector<16xf32>,
    tpu.vector_store %arg9[%swap3A_19], %broadcast_in_dim3A_9 {strides = array<i32>} : memref<4096xf32, #tpu.memory_space<vmem>>, vector<16xf32>,
    %swap3A_21 = arith.constant 96 : index
    %swap3A_22 = tpu.vector_load %arg9[%swap3A_21] {strides = array<i32>} : memref<4096xf32, #tpu.memory_space<vmem>>, vector<16xf32>,
    tpu.vector_store %arg9[%swap3A_21], %broadcast_in_dim3A_9 {strides = array<i32>} : memref<4096xf32, #tpu.memory_space<vmem>>, vector<16xf32>,
    %swap3A_23 = arith.constant 112 : index
    %swap3A_24 = tpu.vector_load %arg9[%swap3A_23] {strides = array<i32>} : memref<4096xf32, #tpu.memory_space<vmem>>, vector<16xf32>,
    tpu.vector_store %arg9[%swap3A_23], %broadcast_in_dim3A_9 {strides = array<i32>} : memref<4096xf32, #tpu.memory_space<vmem>>, vector<16xf32>,
    %swap3A_25 = arith.constant 128 : index
    %swap3A_26 = tpu.vector_load %arg9[%swap3A_25] {strides = array<i32>} : memref<4096xf32, #tpu.memory_space<vmem>>, vector<16xf32>,
    tpu.vector_store %arg9[%swap3A_25], %broadcast_in_dim3A_9 {strides = array<i32>} : memref<4096xf32, #tpu.memory_space<vmem>>, vector<16xf32>,
    %swap3A_27 = arith.constant 144 : index
    %swap3A_28 = tpu.vector_load %arg9[%swap3A_27] {strides = array<i32>} : memref<4096xf32, #tpu.memory_space<vmem>>, vector<16xf32>,
    tpu.vector_store %arg9[%swap3A_27], %broadcast_in_dim3A_9 {strides = array<i32>} : memref<4096xf32, #tpu.memory_space<vmem>>, vector<16xf32>,
    %swap3A_29 = arith.constant 160 : index
    %swap3A_30 = tpu.vector_load %arg9[%swap3A_29] {strides = array<i32>} : memref<4096xf32, #tpu.memory_space<vmem>>, vector<16xf32>,
    tpu.vector_store %arg9[%swap3A_29], %broadcast_in_dim3A_9 {strides = array<i32>} : memref<4096xf32, #tpu.memory_space<vmem>>, vector<16xf32>,
    %swap3A_31 = arith.constant 176 : index
    %swap3A_32 = tpu.vector_load %arg9[%swap3A_31] {strides = array<i32>} : memref<4096xf32, #tpu.memory_space<vmem>>, vector<16xf32>,
    tpu.vector_store %arg9[%swap3A_31], %broadcast_in_dim3A_9 {strides = array<i32>} : memref<4096xf32, #tpu.memory_space<vmem>>, vector<16xf32>,
    %swap3A_33 = arith.constant 192 : index
    %swap3A_34 = tpu.vector_load %arg9[%swap3A_33] {strides = array<i32>} : memref<4096xf32, #tpu.memory_space<vmem>>, vector<16xf32>,
    tpu.vector_store %arg9[%swap3A_33], %broadcast_in_dim3A_9 {strides = array<i32>} : memref<4096xf32, #tpu.memory_space<vmem>>, vector<16xf32>,
    %swap3A_35 = arith.constant 208 : index
    %swap3A_36 = tpu.vector_load %arg9[%swap3A_35] {strides = array<i32>} : memref<4096xf32, #tpu.memory_space<vmem>>, vector<16xf32>,
    tpu.vector_store %arg9[%swap3A_35], %broadcast_in_dim3A_9 {strides = array<i32>} : memref<4096xf32, #tpu.memory_space<vmem>>, vector<16xf32>,
    %swap3A_37 = arith.constant 224 : index
    %swap3A_38 = tpu.vector_load %arg9[%swap3A_37] {strides = array<i32>} : memref<4096xf32, #tpu.memory_space<vmem>>, vector<16xf32>,
    tpu.vector_store %arg9[%swap3A_37], %broadcast_in_dim3A_9 {strides = array<i32>} : memref<4096xf32, #tpu.memory_space<vmem>>, vector<16xf32>,
    %swap3A_39 = arith.constant 240 : index
    %swap3A_40 = tpu.vector_load %arg9[%swap3A_39] {strides = array<i32>} : memref<4096xf32, #tpu.memory_space<vmem>>, vector<16xf32>,
    tpu.vector_store %arg9[%swap3A_39], %broadcast_in_dim3A_9 {strides = array<i32>} : memref<4096xf32, #tpu.memory_space<vmem>>, vector<16xf32>,
    %swap3A_41 = arith.constant 256 : index
    %swap3A_42 = tpu.vector_load %arg9[%swap3A_41] {strides = array<i32>} : memref<4096xf32, #tpu.memory_space<vmem>>, vector<16xf32>,
    tpu.vector_store %arg9[%swap3A_41], %broadcast_in_dim3A_9 {strides = array<i32>} : memref<4096xf32, #tpu.memory_space<vmem>>, vector<16xf32>,
    %swap3A_43 = arith.constant 272 : index
    %swap3A_44 = tpu.vector_load %arg9[%swap3A_43] {strides = array<i32>} : memref<4096xf32, #tpu.memory_space<vmem>>, vector<16xf32>,
    tpu.vector_store %arg9[%swap3A_43], %broadcast_in_dim3A_9 {strides = array<i32>} : memref<4096xf32, #tpu.memory_space<vmem>>, vector<16xf32>,
    %swap3A_45 = arith.constant 288 : index
    %swap3A_46 = tpu.vector_load %arg9[%swap3A_45] {strides = array<i32>} : memref<4096xf32, #tpu.memory_space<vmem>>, vector<16xf32>,
    tpu.vector_store %arg9[%swap3A_45], %broadcast_in_dim3A_9 {strides = array<i32>} : memref<4096xf32, #tpu.memory_space<vmem>>, vector<16xf32>,
    %swap3A_47 = arith.constant 304 : index
    %swap3A_48 = tpu.vector_load %arg9[%swap3A_47] {strides = array<i32>} : memref<4096xf32, #tpu.memory_space<vmem>>, vector<16xf32>,
    tpu.vector_store %arg9[%swap3A_47], %broadcast_in_dim3A_9 {strides = array<i32>} : memref<4096xf32, #tpu.memory_space<vmem>>, vector<16xf32>,
    %swap3A_49 = arith.constant 320 : index
    %swap3A_50 = tpu.vector_load %arg9[%swap3A_49] {strides = array<i32>} : memref<4096xf32, #tpu.memory_space<vmem>>, vector<16xf32>,
    tpu.vector_store %arg9[%swap3A_49], %broadcast_in_dim3A_9 {strides = array<i32>} : memref<4096xf32, #tpu.memory_space<vmem>>, vector<16xf32>,
    %swap3A_51 = arith.constant 336 : index
    %swap3A_52 = tpu.vector_load %arg9[%swap3A_51] {strides = array<i32>} : memref<4096xf32, #tpu.memory_space<vmem>>, vector<16xf32>,
    tpu.vector_store %arg9[%swap3A_51], %broadcast_in_dim3A_9 {strides = array<i32>} : memref<4096xf32, #tpu.memory_space<vmem>>, vector<16xf32>,
    %swap3A_53 = arith.constant 352 : index
    %swap3A_54 = tpu.vector_load %arg9[%swap3A_53] {strides = array<i32>} : memref<4096xf32, #tpu.memory_space<vmem>>, vector<16xf32>,
    tpu.vector_store %arg9[%swap3A_53], %broadcast_in_dim3A_9 {strides = array<i32>} : memref<4096xf32, #tpu.memory_space<vmem>>, vector<16xf32>,
    %swap3A_55 = arith.constant 368 : index
    %swap3A_56 = tpu.vector_load %arg9[%swap3A_55] {strides = array<i32>} : memref<4096xf32, #tpu.memory_space<vmem>>, vector<16xf32>,
    tpu.vector_store %arg9[%swap3A_55], %broadcast_in_dim3A_9 {strides = array<i32>} : memref<4096xf32, #tpu.memory_space<vmem>>, vector<16xf32>,
    %swap3A_57 = arith.constant 384 : index
    %swap3A_58 = tpu.vector_load %arg9[%swap3A_57] {strides = array<i32>} : memref<4096xf32, #tpu.memory_space<vmem>>, vector<16xf32>,
    tpu.vector_store %arg9[%swap3A_57], %broadcast_in_dim3A_9 {strides = array<i32>} : memref<4096xf32, #tpu.memory_space<vmem>>, vector<16xf32>,
    %swap3A_59 = arith.constant 400 : index
    %swap3A_60 = tpu.vector_load %arg9[%swap3A_59] {strides = array<i32>} : memref<4096xf32, #tpu.memory_space<vmem>>, vector<16xf32>,
    tpu.vector_store %arg9[%swap3A_59], %broadcast_in_dim3A_9 {strides = array<i32>} : memref<4096xf32, #tpu.memory_space<vmem>>, vector<16xf32>,
    %swap3A_61 = arith.constant 416 : index
    %swap3A_62 = tpu.vector_load %arg9[%swap3A_61] {strides = array<i32>} : memref<4096xf32, #tpu.memory_space<vmem>>, vector<16xf32>,
    tpu.vector_store %arg9[%swap3A_61], %broadcast_in_dim3A_9 {strides = array<i32>} : memref<4096xf32, #tpu.memory_space<vmem>>, vector<16xf32>,
    %swap3A_63 = arith.constant 432 : index
    %swap3A_64 = tpu.vector_load %arg9[%swap3A_63] {strides = array<i32>} : memref<4096xf32, #tpu.memory_space<vmem>>, vector<16xf32>,
    tpu.vector_store %arg9[%swap3A_63], %broadcast_in_dim3A_9 {strides = array<i32>} : memref<4096xf32, #tpu.memory_space<vmem>>, vector<16xf32>,
    %swap3A_65 = arith.constant 448 : index
    %swap3A_66 = tpu.vector_load %arg9[%swap3A_65] {strides = array<i32>} : memref<4096xf32, #tpu.memory_space<vmem>>, vector<16xf32>,
    tpu.vector_store %arg9[%swap3A_65], %broadcast_in_dim3A_9 {strides = array<i32>} : memref<4096xf32, #tpu.memory_space<vmem>>, vector<16xf32>,
    %swap3A_67 = arith.constant 464 : index
    %swap3A_68 = tpu.vector_load %arg9[%swap3A_67] {strides = array<i32>} : memref<4096xf32, #tpu.memory_space<vmem>>, vector<16xf32>,
    tpu.vector_store %arg9[%swap3A_67], %broadcast_in_dim3A_9 {strides = array<i32>} : memref<4096xf32, #tpu.memory_space<vmem>>, vector<16xf32>,
    %swap3A_69 = arith.constant 480 : index
    %swap3A_70 = tpu.vector_load %arg9[%swap3A_69] {strides = array<i32>} : memref<4096xf32, #tpu.memory_space<vmem>>, vector<16xf32>,
    tpu.vector_store %arg9[%swap3A_69], %broadcast_in_dim3A_9 {strides = array<i32>} : memref<4096xf32, #tpu.memory_space<vmem>>, vector<16xf32>,
    %swap3A_71 = arith.constant 496 : index
    %swap3A_72 = tpu.vector_load %arg9[%swap3A_71] {strides = array<i32>} : memref<4096xf32, #tpu.memory_space<vmem>>, vector<16xf32>,
    tpu.vector_store %arg9[%swap3A_71], %broadcast_in_dim3A_9 {strides = array<i32>} : memref<4096xf32, #tpu.memory_space<vmem>>, vector<16xf32>,
    %swap3A_73 = arith.constant 512 : index
    %swap3A_74 = tpu.vector_load %arg9[%swap3A_73] {strides = array<i32>} : memref<4096xf32, #tpu.memory_space<vmem>>, vector<16xf32>,
    tpu.vector_store %arg9[%swap3A_73], %broadcast_in_dim3A_9 {strides = array<i32>} : memref<4096xf32, #tpu.memory_space<vmem>>, vector<16xf32>,
    %swap3A_75 = arith.constant 528 : index
    %swap3A_76 = tpu.vector_load %arg9[%swap3A_75] {strides = array<i32>} : memref<4096xf32, #tpu.memory_space<vmem>>, vector<16xf32>,
    tpu.vector_store %arg9[%swap3A_75], %broadcast_in_dim3A_9 {strides = array<i32>} : memref<4096xf32, #tpu.memory_space<vmem>>, vector<16xf32>,
    %swap3A_77 = arith.constant 544 : index
    %swap3A_78 = tpu.vector_load %arg9[%swap3A_77] {strides = array<i32>} : memref<4096xf32, #tpu.memory_space<vmem>>, vector<16xf32>,
    tpu.vector_store %arg9[%swap3A_77], %broadcast_in_dim3A_9 {strides = array<i32>} : memref<4096xf32, #tpu.memory_space<vmem>>, vector<16xf32>,
    %swap3A_79 = arith.constant 560 : index
    %swap3A_80 = tpu.vector_load %arg9[%swap3A_79] {strides = array<i32>} : memref<4096xf32, #tpu.memory_space<vmem>>, vector<16xf32>,
    tpu.vector_store %arg9[%swap3A_79], %broadcast_in_dim3A_9 {strides = array<i32>} : memref<4096xf32, #tpu.memory_space<vmem>>, vector<16xf32>,
    %swap3A_81 = arith.constant 576 : index
    %swap3A_82 = tpu.vector_load %arg9[%swap3A_81] {strides = array<i32>} : memref<4096xf32, #tpu.memory_space<vmem>>, vector<16xf32>,
    tpu.vector_store %arg9[%swap3A_81], %broadcast_in_dim3A_9 {strides = array<i32>} : memref<4096xf32, #tpu.memory_space<vmem>>, vector<16xf32>,
    %swap3A_83 = arith.constant 592 : index
    %swap3A_84 = tpu.vector_load %arg9[%swap3A_83] {strides = array<i32>} : memref<4096xf32, #tpu.memory_space<vmem>>, vector<16xf32>,
    tpu.vector_store %arg9[%swap3A_83], %broadcast_in_dim3A_9 {strides = array<i32>} : memref<4096xf32, #tpu.memory_space<vmem>>, vector<16xf32>,
    %swap3A_85 = arith.constant 608 : index
    %swap3A_86 = tpu.vector_load %arg9[%swap3A_85] {strides = array<i32>} : memref<4096xf32, #tpu.memory_space<vmem>>, vector<16xf32>,
    tpu.vector_store %arg9[%swap3A_85], %broadcast_in_dim3A_9 {strides = array<i32>} : memref<4096xf32, #tpu.memory_space<vmem>>, vector<16xf32>,
    %swap3A_87 = arith.constant 624 : index
    %swap3A_88 = tpu.vector_load %arg9[%swap3A_87] {strides = array<i32>} : memref<4096xf32, #tpu.memory_space<vmem>>, vector<16xf32>,
    tpu.vector_store %arg9[%swap3A_87], %broadcast_in_dim3A_9 {strides = array<i32>} : memref<4096xf32, #tpu.memory_space<vmem>>, vector<16xf32>,
    %swap3A_89 = arith.constant 640 : index
    %swap3A_90 = tpu.vector_load %arg9[%swap3A_89] {strides = array<i32>} : memref<4096xf32, #tpu.memory_space<vmem>>, vector<16xf32>,
    tpu.vector_store %arg9[%swap3A_89], %broadcast_in_dim3A_9 {strides = array<i32>} : memref<4096xf32, #tpu.memory_space<vmem>>, vector<16xf32>,
    %swap3A_91 = arith.constant 656 : index
    %swap3A_92 = tpu.vector_load %arg9[%swap3A_91] {strides = array<i32>} : memref<4096xf32, #tpu.memory_space<vmem>>, vector<16xf32>,
    tpu.vector_store %arg9[%swap3A_91], %broadcast_in_dim3A_9 {strides = array<i32>} : memref<4096xf32, #tpu.memory_space<vmem>>, vector<16xf32>,
    %swap3A_93 = arith.constant 672 : index
    %swap3A_94 = tpu.vector_load %arg9[%swap3A_93] {strides = array<i32>} : memref<4096xf32, #tpu.memory_space<vmem>>, vector<16xf32>,
    tpu.vector_store %arg9[%swap3A_93], %broadcast_in_dim3A_9 {strides = array<i32>} : memref<4096xf32, #tpu.memory_space<vmem>>, vector<16xf32>,
    %swap3A_95 = arith.constant 688 : index
    %swap3A_96 = tpu.vector_load %arg9[%swap3A_95] {strides = array<i32>} : memref<4096xf32, #tpu.memory_space<vmem>>, vector<16xf32>,
    tpu.vector_store %arg9[%swap3A_95], %broadcast_in_dim3A_9 {strides = array<i32>} : memref<4096xf32, #tpu.memory_space<vmem>>, vector<16xf32>,
    %swap3A_97 = arith.constant 704 : index
    %swap3A_98 = tpu.vector_load %arg9[%swap3A_97] {strides = array<i32>} : memref<4096xf32, #tpu.memory_space<vmem>>, vector<16xf32>,
    tpu.vector_store %arg9[%swap3A_97], %broadcast_in_dim3A_9 {strides = array<i32>} : memref<4096xf32, #tpu.memory_space<vmem>>, vector<16xf32>,
    %swap3A_99 = arith.constant 720 : index
    %swap3A_100 = tpu.vector_load %arg9[%swap3A_99] {strides = array<i32>} : memref<4096xf32, #tpu.memory_space<vmem>>, vector<16xf32>,
    tpu.vector_store %arg9[%swap3A_99], %broadcast_in_dim3A_9 {strides = array<i32>} : memref<4096xf32, #tpu.memory_space<vmem>>, vector<16xf32>,
    %swap3A_101 = arith.constant 736 : index
    %swap3A_102 = tpu.vector_load %arg9[%swap3A_101] {strides = array<i32>} : memref<4096xf32, #tpu.memory_space<vmem>>, vector<16xf32>,
    tpu.vector_store %arg9[%swap3A_101], %broadcast_in_dim3A_9 {strides = array<i32>} : memref<4096xf32, #tpu.memory_space<vmem>>, vector<16xf32>,
    %swap3A_103 = arith.constant 752 : index
    %swap3A_104 = tpu.vector_load %arg9[%swap3A_103] {strides = array<i32>} : memref<4096xf32, #tpu.memory_space<vmem>>, vector<16xf32>,
    tpu.vector_store %arg9[%swap3A_103], %broadcast_in_dim3A_9 {strides = array<i32>} : memref<4096xf32, #tpu.memory_space<vmem>>, vector<16xf32>,
    %swap3A_105 = arith.constant 768 : index
    %swap3A_106 = tpu.vector_load %arg9[%swap3A_105] {strides = array<i32>} : memref<4096xf32, #tpu.memory_space<vmem>>, vector<16xf32>,
    tpu.vector_store %arg9[%swap3A_105], %broadcast_in_dim3A_9 {strides = array<i32>} : memref<4096xf32, #tpu.memory_space<vmem>>, vector<16xf32>,
    %swap3A_107 = arith.constant 784 : index
    %swap3A_108 = tpu.vector_load %arg9[%swap3A_107] {strides = array<i32>} : memref<4096xf32, #tpu.memory_space<vmem>>, vector<16xf32>,
    tpu.vector_store %arg9[%swap3A_107], %broadcast_in_dim3A_9 {strides = array<i32>} : memref<4096xf32, #tpu.memory_space<vmem>>, vector<16xf32>,
    %swap3A_109 = arith.constant 800 : index
    %swap3A_110 = tpu.vector_load %arg9[%swap3A_109] {strides = array<i32>} : memref<4096xf32, #tpu.memory_space<vmem>>, vector<16xf32>,
    tpu.vector_store %arg9[%swap3A_109], %broadcast_in_dim3A_9 {strides = array<i32>} : memref<4096xf32, #tpu.memory_space<vmem>>, vector<16xf32>,
    %swap3A_111 = arith.constant 816 : index
    %swap3A_112 = tpu.vector_load %arg9[%swap3A_111] {strides = array<i32>} : memref<4096xf32, #tpu.memory_space<vmem>>, vector<16xf32>,
    tpu.vector_store %arg9[%swap3A_111], %broadcast_in_dim3A_9 {strides = array<i32>} : memref<4096xf32, #tpu.memory_space<vmem>>, vector<16xf32>,
    %swap3A_113 = arith.constant 832 : index
    %swap3A_114 = tpu.vector_load %arg9[%swap3A_113] {strides = array<i32>} : memref<4096xf32, #tpu.memory_space<vmem>>, vector<16xf32>,
    tpu.vector_store %arg9[%swap3A_113], %broadcast_in_dim3A_9 {strides = array<i32>} : memref<4096xf32, #tpu.memory_space<vmem>>, vector<16xf32>,
    %swap3A_115 = arith.constant 848 : index
    %swap3A_116 = tpu.vector_load %arg9[%swap3A_115] {strides = array<i32>} : memref<4096xf32, #tpu.memory_space<vmem>>, vector<16xf32>,
    tpu.vector_store %arg9[%swap3A_115], %broadcast_in_dim3A_9 {strides = array<i32>} : memref<4096xf32, #tpu.memory_space<vmem>>, vector<16xf32>,
    %swap3A_117 = arith.constant 864 : index
    %swap3A_118 = tpu.vector_load %arg9[%swap3A_117] {strides = array<i32>} : memref<4096xf32, #tpu.memory_space<vmem>>, vector<16xf32>,
    tpu.vector_store %arg9[%swap3A_117], %broadcast_in_dim3A_9 {strides = array<i32>} : memref<4096xf32, #tpu.memory_space<vmem>>, vector<16xf32>,
    %swap3A_119 = arith.constant 880 : index
    %swap3A_120 = tpu.vector_load %arg9[%swap3A_119] {strides = array<i32>} : memref<4096xf32, #tpu.memory_space<vmem>>, vector<16xf32>,
    tpu.vector_store %arg9[%swap3A_119], %broadcast_in_dim3A_9 {strides = array<i32>} : memref<4096xf32, #tpu.memory_space<vmem>>, vector<16xf32>,
    %swap3A_121 = arith.constant 896 : index
    %swap3A_122 = tpu.vector_load %arg9[%swap3A_121] {strides = array<i32>} : memref<4096xf32, #tpu.memory_space<vmem>>, vector<16xf32>,
    tpu.vector_store %arg9[%swap3A_121], %broadcast_in_dim3A_9 {strides = array<i32>} : memref<4096xf32, #tpu.memory_space<vmem>>, vector<16xf32>,
    %swap3A_123 = arith.constant 912 : index
    %swap3A_124 = tpu.vector_load %arg9[%swap3A_123] {strides = array<i32>} : memref<4096xf32, #tpu.memory_space<vmem>>, vector<16xf32>,
    tpu.vector_store %arg9[%swap3A_123], %broadcast_in_dim3A_9 {strides = array<i32>} : memref<4096xf32, #tpu.memory_space<vmem>>, vector<16xf32>,
    %swap3A_125 = arith.constant 928 : index
    %swap3A_126 = tpu.vector_load %arg9[%swap3A_125] {strides = array<i32>} : memref<4096xf32, #tpu.memory_space<vmem>>, vector<16xf32>,
    tpu.vector_store %arg9[%swap3A_125], %broadcast_in_dim3A_9 {strides = array<i32>} : memref<4096xf32, #tpu.memory_space<vmem>>, vector<16xf32>,
    %swap3A_127 = arith.constant 944 : index
    %swap3A_128 = tpu.vector_load %arg9[%swap3A_127] {strides = array<i32>} : memref<4096xf32, #tpu.memory_space<vmem>>, vector<16xf32>,
    tpu.vector_store %arg9[%swap3A_127], %broadcast_in_dim3A_9 {strides = array<i32>} : memref<4096xf32, #tpu.memory_space<vmem>>, vector<16xf32>,
    %swap3A_129 = arith.constant 960 : index
    %swap3A_130 = tpu.vector_load %arg9[%swap3A_129] {strides = array<i32>} : memref<4096xf32, #tpu.memory_space<vmem>>, vector<16xf32>,
    tpu.vector_store %arg9[%swap3A_129], %broadcast_in_dim3A_9 {strides = array<i32>} : memref<4096xf32, #tpu.memory_space<vmem>>, vector<16xf32>,
    %swap3A_131 = arith.constant 976 : index
    %swap3A_132 = tpu.vector_load %arg9[%swap3A_131] {strides = array<i32>} : memref<4096xf32, #tpu.memory_space<vmem>>, vector<16xf32>,
    tpu.vector_store %arg9[%swap3A_131], %broadcast_in_dim3A_9 {strides = array<i32>} : memref<4096xf32, #tpu.memory_space<vmem>>, vector<16xf32>,
    %swap3A_133 = arith.constant 992 : index
    %swap3A_134 = tpu.vector_load %arg9[%swap3A_133] {strides = array<i32>} : memref<4096xf32, #tpu.memory_space<vmem>>, vector<16xf32>,
    tpu.vector_store %arg9[%swap3A_133], %broadcast_in_dim3A_9 {strides = array<i32>} : memref<4096xf32, #tpu.memory_space<vmem>>, vector<16xf32>,
    %swap3A_135 = arith.constant 1008 : index
    %swap3A_136 = tpu.vector_load %arg9[%swap3A_135] {strides = array<i32>} : memref<4096xf32, #tpu.memory_space<vmem>>, vector<16xf32>,
    tpu.vector_store %arg9[%swap3A_135], %broadcast_in_dim3A_9 {strides = array<i32>} : memref<4096xf32, #tpu.memory_space<vmem>>, vector<16xf32>,
    %swap3A_137 = arith.constant 1024 : index
    %swap3A_138 = tpu.vector_load %arg9[%swap3A_137] {strides = array<i32>} : memref<4096xf32, #tpu.memory_space<vmem>>, vector<16xf32>,
    tpu.vector_store %arg9[%swap3A_137], %broadcast_in_dim3A_9 {strides = array<i32>} : memref<4096xf32, #tpu.memory_space<vmem>>, vector<16xf32>,
    %swap3A_139 = arith.constant 1040 : index
    %swap3A_140 = tpu.vector_load %arg9[%swap3A_139] {strides = array<i32>} : memref<4096xf32, #tpu.memory_space<vmem>>, vector<16xf32>,
    tpu.vector_store %arg9[%swap3A_139], %broadcast_in_dim3A_9 {strides = array<i32>} : memref<4096xf32, #tpu.memory_space<vmem>>, vector<16xf32>,
    %swap3A_141 = arith.constant 1056 : index
    %swap3A_142 = tpu.vector_load %arg9[%swap3A_141] {strides = array<i32>} : memref<4096xf32, #tpu.memory_space<vmem>>, vector<16xf32>,
    tpu.vector_store %arg9[%swap3A_141], %broadcast_in_dim3A_9 {strides = array<i32>} : memref<4096xf32, #tpu.memory_space<vmem>>, vector<16xf32>,
    %swap3A_143 = arith.constant 1072 : index
    %swap3A_144 = tpu.vector_load %arg9[%swap3A_143] {strides = array<i32>} : memref<4096xf32, #tpu.memory_space<vmem>>, vector<16xf32>,
    tpu.vector_store %arg9[%swap3A_143], %broadcast_in_dim3A_9 {strides = array<i32>} : memref<4096xf32, #tpu.memory_space<vmem>>, vector<16xf32>,
    %swap3A_145 = arith.constant 1088 : index
    %swap3A_146 = tpu.vector_load %arg9[%swap3A_145] {strides = array<i32>} : memref<4096xf32, #tpu.memory_space<vmem>>, vector<16xf32>,
    tpu.vector_store %arg9[%swap3A_145], %broadcast_in_dim3A_9 {strides = array<i32>} : memref<4096xf32, #tpu.memory_space<vmem>>, vector<16xf32>,
    %swap3A_147 = arith.constant 1104 : index
    %swap3A_148 = tpu.vector_load %arg9[%swap3A_147] {strides = array<i32>} : memref<4096xf32, #tpu.memory_space<vmem>>, vector<16xf32>,
    tpu.vector_store %arg9[%swap3A_147], %broadcast_in_dim3A_9 {strides = array<i32>} : memref<4096xf32, #tpu.memory_space<vmem>>, vector<16xf32>,
    %swap3A_149 = arith.constant 1120 : index
    %swap3A_150 = tpu.vector_load %arg9[%swap3A_149] {strides = array<i32>} : memref<4096xf32, #tpu.memory_space<vmem>>, vector<16xf32>,
    tpu.vector_store %arg9[%swap3A_149], %broadcast_in_dim3A_9 {strides = array<i32>} : memref<4096xf32, #tpu.memory_space<vmem>>, vector<16xf32>,
    %swap3A_151 = arith.constant 1136 : index
    %swap3A_152 = tpu.vector_load %arg9[%swap3A_151] {strides = array<i32>} : memref<4096xf32, #tpu.memory_space<vmem>>, vector<16xf32>,
    tpu.vector_store %arg9[%swap3A_151], %broadcast_in_dim3A_9 {strides = array<i32>} : memref<4096xf32, #tpu.memory_space<vmem>>, vector<16xf32>,
    %swap3A_153 = arith.constant 1152 : index
    %swap3A_154 = tpu.vector_load %arg9[%swap3A_153] {strides = array<i32>} : memref<4096xf32, #tpu.memory_space<vmem>>, vector<16xf32>,
    tpu.vector_store %arg9[%swap3A_153], %broadcast_in_dim3A_9 {strides = array<i32>} : memref<4096xf32, #tpu.memory_space<vmem>>, vector<16xf32>,
    %swap3A_155 = arith.constant 1168 : index
    %swap3A_156 = tpu.vector_load %arg9[%swap3A_155] {strides = array<i32>} : memref<4096xf32, #tpu.memory_space<vmem>>, vector<16xf32>,
    tpu.vector_store %arg9[%swap3A_155], %broadcast_in_dim3A_9 {strides = array<i32>} : memref<4096xf32, #tpu.memory_space<vmem>>, vector<16xf32>,
    %swap3A_157 = arith.constant 1184 : index
    %swap3A_158 = tpu.vector_load %arg9[%swap3A_157] {strides = array<i32>} : memref<4096xf32, #tpu.memory_space<vmem>>, vector<16xf32>,
    tpu.vector_store %arg9[%swap3A_157], %broadcast_in_dim3A_9 {strides = array<i32>} : memref<4096xf32, #tpu.memory_space<vmem>>, vector<16xf32>,
    %swap3A_159 = arith.constant 1200 : index
    %swap3A_160 = tpu.vector_load %arg9[%swap3A_159] {strides = array<i32>} : memref<4096xf32, #tpu.memory_space<vmem>>, vector<16xf32>,
    tpu.vector_store %arg9[%swap3A_159], %broadcast_in_dim3A_9 {strides = array<i32>} : memref<4096xf32, #tpu.memory_space<vmem>>, vector<16xf32>,
    %swap3A_161 = arith.constant 1216 : index
    %swap3A_162 = tpu.vector_load %arg9[%swap3A_161] {strides = array<i32>} : memref<4096xf32, #tpu.memory_space<vmem>>, vector<16xf32>,
    tpu.vector_store %arg9[%swap3A_161], %broadcast_in_dim3A_9 {strides = array<i32>} : memref<4096xf32, #tpu.memory_space<vmem>>, vector<16xf32>,
    %swap3A_163 = arith.constant 1232 : index
    %swap3A_164 = tpu.vector_load %arg9[%swap3A_163] {strides = array<i32>} : memref<4096xf32, #tpu.memory_space<vmem>>, vector<16xf32>,
    tpu.vector_store %arg9[%swap3A_163], %broadcast_in_dim3A_9 {strides = array<i32>} : memref<4096xf32, #tpu.memory_space<vmem>>, vector<16xf32>,
    %swap3A_165 = arith.constant 1248 : index
    %swap3A_166 = tpu.vector_load %arg9[%swap3A_165] {strides = array<i32>} : memref<4096xf32, #tpu.memory_space<vmem>>, vector<16xf32>,
    tpu.vector_store %arg9[%swap3A_165], %broadcast_in_dim3A_9 {strides = array<i32>} : memref<4096xf32, #tpu.memory_space<vmem>>, vector<16xf32>,
    %swap3A_167 = arith.constant 1264 : index
    %swap3A_168 = tpu.vector_load %arg9[%swap3A_167] {strides = array<i32>} : memref<4096xf32, #tpu.memory_space<vmem>>, vector<16xf32>,
    tpu.vector_store %arg9[%swap3A_167], %broadcast_in_dim3A_9 {strides = array<i32>} : memref<4096xf32, #tpu.memory_space<vmem>>, vector<16xf32>,
    %swap3A_169 = arith.constant 1280 : index
    %swap3A_170 = tpu.vector_load %arg9[%swap3A_169] {strides = array<i32>} : memref<4096xf32, #tpu.memory_space<vmem>>, vector<16xf32>,
    tpu.vector_store %arg9[%swap3A_169], %broadcast_in_dim3A_9 {strides = array<i32>} : memref<4096xf32, #tpu.memory_space<vmem>>, vector<16xf32>,
    %swap3A_171 = arith.constant 1296 : index
    %swap3A_172 = tpu.vector_load %arg9[%swap3A_171] {strides = array<i32>} : memref<4096xf32, #tpu.memory_space<vmem>>, vector<16xf32>,
    tpu.vector_store %arg9[%swap3A_171], %broadcast_in_dim3A_9 {strides = array<i32>} : memref<4096xf32, #tpu.memory_space<vmem>>, vector<16xf32>,
    %swap3A_173 = arith.constant 1312 : index
    %swap3A_174 = tpu.vector_load %arg9[%swap3A_173] {strides = array<i32>} : memref<4096xf32, #tpu.memory_space<vmem>>, vector<16xf32>,
    tpu.vector_store %arg9[%swap3A_173], %broadcast_in_dim3A_9 {strides = array<i32>} : memref<4096xf32, #tpu.memory_space<vmem>>, vector<16xf32>,
    %swap3A_175 = arith.constant 1328 : index
    %swap3A_176 = tpu.vector_load %arg9[%swap3A_175] {strides = array<i32>} : memref<4096xf32, #tpu.memory_space<vmem>>, vector<16xf32>,
    tpu.vector_store %arg9[%swap3A_175], %broadcast_in_dim3A_9 {strides = array<i32>} : memref<4096xf32, #tpu.memory_space<vmem>>, vector<16xf32>,
    %swap3A_177 = arith.constant 1344 : index
    %swap3A_178 = tpu.vector_load %arg9[%swap3A_177] {strides = array<i32>} : memref<4096xf32, #tpu.memory_space<vmem>>, vector<16xf32>,
    tpu.vector_store %arg9[%swap3A_177], %broadcast_in_dim3A_9 {strides = array<i32>} : memref<4096xf32, #tpu.memory_space<vmem>>, vector<16xf32>,
    %swap3A_179 = arith.constant 1360 : index
    %swap3A_180 = tpu.vector_load %arg9[%swap3A_179] {strides = array<i32>} : memref<4096xf32, #tpu.memory_space<vmem>>, vector<16xf32>,
    tpu.vector_store %arg9[%swap3A_179], %broadcast_in_dim3A_9 {strides = array<i32>} : memref<4096xf32, #tpu.memory_space<vmem>>, vector<16xf32>,
    %swap3A_181 = arith.constant 1376 : index
    %swap3A_182 = tpu.vector_load %arg9[%swap3A_181] {strides = array<i32>} : memref<4096xf32, #tpu.memory_space<vmem>>, vector<16xf32>,
    tpu.vector_store %arg9[%swap3A_181], %broadcast_in_dim3A_9 {strides = array<i32>} : memref<4096xf32, #tpu.memory_space<vmem>>, vector<16xf32>,
    %swap3A_183 = arith.constant 1392 : index
    %swap3A_184 = tpu.vector_load %arg9[%swap3A_183] {strides = array<i32>} : memref<4096xf32, #tpu.memory_space<vmem>>, vector<16xf32>,
    tpu.vector_store %arg9[%swap3A_183], %broadcast_in_dim3A_9 {strides = array<i32>} : memref<4096xf32, #tpu.memory_space<vmem>>, vector<16xf32>,
    %swap3A_185 = arith.constant 1408 : index
    %swap3A_186 = tpu.vector_load %arg9[%swap3A_185] {strides = array<i32>} : memref<4096xf32, #tpu.memory_space<vmem>>, vector<16xf32>,
    tpu.vector_store %arg9[%swap3A_185], %broadcast_in_dim3A_9 {strides = array<i32>} : memref<4096xf32, #tpu.memory_space<vmem>>, vector<16xf32>,
    %swap3A_187 = arith.constant 1424 : index
    %swap3A_188 = tpu.vector_load %arg9[%swap3A_187] {strides = array<i32>} : memref<4096xf32, #tpu.memory_space<vmem>>, vector<16xf32>,
    tpu.vector_store %arg9[%swap3A_187], %broadcast_in_dim3A_9 {strides = array<i32>} : memref<4096xf32, #tpu.memory_space<vmem>>, vector<16xf32>,
    %swap3A_189 = arith.constant 1440 : index
    %swap3A_190 = tpu.vector_load %arg9[%swap3A_189] {strides = array<i32>} : memref<4096xf32, #tpu.memory_space<vmem>>, vector<16xf32>,
    tpu.vector_store %arg9[%swap3A_189], %broadcast_in_dim3A_9 {strides = array<i32>} : memref<4096xf32, #tpu.memory_space<vmem>>, vector<16xf32>,
    %swap3A_191 = arith.constant 1456 : index
    %swap3A_192 = tpu.vector_load %arg9[%swap3A_191] {strides = array<i32>} : memref<4096xf32, #tpu.memory_space<vmem>>, vector<16xf32>,
    tpu.vector_store %arg9[%swap3A_191], %broadcast_in_dim3A_9 {strides = array<i32>} : memref<4096xf32, #tpu.memory_space<vmem>>, vector<16xf32>,
    %swap3A_193 = arith.constant 1472 : index
    %swap3A_194 = tpu.vector_load %arg9[%swap3A_193] {strides = array<i32>} : memref<4096xf32, #tpu.memory_space<vmem>>, vector<16xf32>,
    tpu.vector_store %arg9[%swap3A_193], %broadcast_in_dim3A_9 {strides = array<i32>} : memref<4096xf32, #tpu.memory_space<vmem>>, vector<16xf32>,
    %swap3A_195 = arith.constant 1488 : index
    %swap3A_196 = tpu.vector_load %arg9[%swap3A_195] {strides = array<i32>} : memref<4096xf32, #tpu.memory_space<vmem>>, vector<16xf32>,
    tpu.vector_store %arg9[%swap3A_195], %broadcast_in_dim3A_9 {strides = array<i32>} : memref<4096xf32, #tpu.memory_space<vmem>>, vector<16xf32>,
    %swap3A_197 = arith.constant 1504 : index
    %swap3A_198 = tpu.vector_load %arg9[%swap3A_197] {strides = array<i32>} : memref<4096xf32, #tpu.memory_space<vmem>>, vector<16xf32>,
    tpu.vector_store %arg9[%swap3A_197], %broadcast_in_dim3A_9 {strides = array<i32>} : memref<4096xf32, #tpu.memory_space<vmem>>, vector<16xf32>,
    %swap3A_199 = arith.constant 1520 : index
    %swap3A_200 = tpu.vector_load %arg9[%swap3A_199] {strides = array<i32>} : memref<4096xf32, #tpu.memory_space<vmem>>, vector<16xf32>,
    tpu.vector_store %arg9[%swap3A_199], %broadcast_in_dim3A_9 {strides = array<i32>} : memref<4096xf32, #tpu.memory_space<vmem>>, vector<16xf32>,
    %swap3A_201 = arith.constant 1536 : index
    %swap3A_202 = tpu.vector_load %arg9[%swap3A_201] {strides = array<i32>} : memref<4096xf32, #tpu.memory_space<vmem>>, vector<16xf32>,
    tpu.vector_store %arg9[%swap3A_201], %broadcast_in_dim3A_9 {strides = array<i32>} : memref<4096xf32, #tpu.memory_space<vmem>>, vector<16xf32>,
    %swap3A_203 = arith.constant 1552 : index
    %swap3A_204 = tpu.vector_load %arg9[%swap3A_203] {strides = array<i32>} : memref<4096xf32, #tpu.memory_space<vmem>>, vector<16xf32>,
    tpu.vector_store %arg9[%swap3A_203], %broadcast_in_dim3A_9 {strides = array<i32>} : memref<4096xf32, #tpu.memory_space<vmem>>, vector<16xf32>,
    %swap3A_205 = arith.constant 1568 : index
    %swap3A_206 = tpu.vector_load %arg9[%swap3A_205] {strides = array<i32>} : memref<4096xf32, #tpu.memory_space<vmem>>, vector<16xf32>,
    tpu.vector_store %arg9[%swap3A_205], %broadcast_in_dim3A_9 {strides = array<i32>} : memref<4096xf32, #tpu.memory_space<vmem>>, vector<16xf32>,
    %swap3A_207 = arith.constant 1584 : index
    %swap3A_208 = tpu.vector_load %arg9[%swap3A_207] {strides = array<i32>} : memref<4096xf32, #tpu.memory_space<vmem>>, vector<16xf32>,
    tpu.vector_store %arg9[%swap3A_207], %broadcast_in_dim3A_9 {strides = array<i32>} : memref<4096xf32, #tpu.memory_space<vmem>>, vector<16xf32>,
    %swap3A_209 = arith.constant 1600 : index
    %swap3A_210 = tpu.vector_load %arg9[%swap3A_209] {strides = array<i32>} : memref<4096xf32, #tpu.memory_space<vmem>>, vector<16xf32>,
    tpu.vector_store %arg9[%swap3A_209], %broadcast_in_dim3A_9 {strides = array<i32>} : memref<4096xf32, #tpu.memory_space<vmem>>, vector<16xf32>,
    %swap3A_211 = arith.constant 1616 : index
    %swap3A_212 = tpu.vector_load %arg9[%swap3A_211] {strides = array<i32>} : memref<4096xf32, #tpu.memory_space<vmem>>, vector<16xf32>,
    tpu.vector_store %arg9[%swap3A_211], %broadcast_in_dim3A_9 {strides = array<i32>} : memref<4096xf32, #tpu.memory_space<vmem>>, vector<16xf32>,
    %swap3A_213 = arith.constant 1632 : index
    %swap3A_214 = tpu.vector_load %arg9[%swap3A_213] {strides = array<i32>} : memref<4096xf32, #tpu.memory_space<vmem>>, vector<16xf32>,
    tpu.vector_store %arg9[%swap3A_213], %broadcast_in_dim3A_9 {strides = array<i32>} : memref<4096xf32, #tpu.memory_space<vmem>>, vector<16xf32>,
    %swap3A_215 = arith.constant 1648 : index
    %swap3A_216 = tpu.vector_load %arg9[%swap3A_215] {strides = array<i32>} : memref<4096xf32, #tpu.memory_space<vmem>>, vector<16xf32>,
    tpu.vector_store %arg9[%swap3A_215], %broadcast_in_dim3A_9 {strides = array<i32>} : memref<4096xf32, #tpu.memory_space<vmem>>, vector<16xf32>,
    %swap3A_217 = arith.constant 1664 : index
    %swap3A_218 = tpu.vector_load %arg9[%swap3A_217] {strides = array<i32>} : memref<4096xf32, #tpu.memory_space<vmem>>, vector<16xf32>,
    tpu.vector_store %arg9[%swap3A_217], %broadcast_in_dim3A_9 {strides = array<i32>} : memref<4096xf32, #tpu.memory_space<vmem>>, vector<16xf32>,
    %swap3A_219 = arith.constant 1680 : index
    %swap3A_220 = tpu.vector_load %arg9[%swap3A_219] {strides = array<i32>} : memref<4096xf32, #tpu.memory_space<vmem>>, vector<16xf32>,
    tpu.vector_store %arg9[%swap3A_219], %broadcast_in_dim3A_9 {strides = array<i32>} : memref<4096xf32, #tpu.memory_space<vmem>>, vector<16xf32>,
    %swap3A_221 = arith.constant 1696 : index
    %swap3A_222 = tpu.vector_load %arg9[%swap3A_221] {strides = array<i32>} : memref<4096xf32, #tpu.memory_space<vmem>>, vector<16xf32>,
    tpu.vector_store %arg9[%swap3A_221], %broadcast_in_dim3A_9 {strides = array<i32>} : memref<4096xf32, #tpu.memory_space<vmem>>, vector<16xf32>,
    %swap3A_223 = arith.constant 1712 : index
    %swap3A_224 = tpu.vector_load %arg9[%swap3A_223] {strides = array<i32>} : memref<4096xf32, #tpu.memory_space<vmem>>, vector<16xf32>,
    tpu.vector_store %arg9[%swap3A_223], %broadcast_in_dim3A_9 {strides = array<i32>} : memref<4096xf32, #tpu.memory_space<vmem>>, vector<16xf32>,
    %swap3A_225 = arith.constant 1728 : index
    %swap3A_226 = tpu.vector_load %arg9[%swap3A_225] {strides = array<i32>} : memref<4096xf32, #tpu.memory_space<vmem>>, vector<16xf32>,
    tpu.vector_store %arg9[%swap3A_225], %broadcast_in_dim3A_9 {strides = array<i32>} : memref<4096xf32, #tpu.memory_space<vmem>>, vector<16xf32>,
    %swap3A_227 = arith.constant 1744 : index
    %swap3A_228 = tpu.vector_load %arg9[%swap3A_227] {strides = array<i32>} : memref<4096xf32, #tpu.memory_space<vmem>>, vector<16xf32>,
    tpu.vector_store %arg9[%swap3A_227], %broadcast_in_dim3A_9 {strides = array<i32>} : memref<4096xf32, #tpu.memory_space<vmem>>, vector<16xf32>,
    %swap3A_229 = arith.constant 1760 : index
    %swap3A_230 = tpu.vector_load %arg9[%swap3A_229] {strides = array<i32>} : memref<4096xf32, #tpu.memory_space<vmem>>, vector<16xf32>,
    tpu.vector_store %arg9[%swap3A_229], %broadcast_in_dim3A_9 {strides = array<i32>} : memref<4096xf32, #tpu.memory_space<vmem>>, vector<16xf32>,
    %swap3A_231 = arith.constant 1776 : index
    %swap3A_232 = tpu.vector_load %arg9[%swap3A_231] {strides = array<i32>} : memref<4096xf32, #tpu.memory_space<vmem>>, vector<16xf32>,
    tpu.vector_store %arg9[%swap3A_231], %broadcast_in_dim3A_9 {strides = array<i32>} : memref<4096xf32, #tpu.memory_space<vmem>>, vector<16xf32>,
    %swap3A_233 = arith.constant 1792 : index
    %swap3A_234 = tpu.vector_load %arg9[%swap3A_233] {strides = array<i32>} : memref<4096xf32, #tpu.memory_space<vmem>>, vector<16xf32>,
    tpu.vector_store %arg9[%swap3A_233], %broadcast_in_dim3A_9 {strides = array<i32>} : memref<4096xf32, #tpu.memory_space<vmem>>, vector<16xf32>,
    %swap3A_235 = arith.constant 1808 : index
    %swap3A_236 = tpu.vector_load %arg9[%swap3A_235] {strides = array<i32>} : memref<4096xf32, #tpu.memory_space<vmem>>, vector<16xf32>,
    tpu.vector_store %arg9[%swap3A_235], %broadcast_in_dim3A_9 {strides = array<i32>} : memref<4096xf32, #tpu.memory_space<vmem>>, vector<16xf32>,
    %swap3A_237 = arith.constant 1824 : index
    %swap3A_238 = tpu.vector_load %arg9[%swap3A_237] {strides = array<i32>} : memref<4096xf32, #tpu.memory_space<vmem>>, vector<16xf32>,
    tpu.vector_store %arg9[%swap3A_237], %broadcast_in_dim3A_9 {strides = array<i32>} : memref<4096xf32, #tpu.memory_space<vmem>>, vector<16xf32>,
    %swap3A_239 = arith.constant 1840 : index
    %swap3A_240 = tpu.vector_load %arg9[%swap3A_239] {strides = array<i32>} : memref<4096xf32, #tpu.memory_space<vmem>>, vector<16xf32>,
    tpu.vector_store %arg9[%swap3A_239], %broadcast_in_dim3A_9 {strides = array<i32>} : memref<4096xf32, #tpu.memory_space<vmem>>, vector<16xf32>,
    %swap3A_241 = arith.constant 1856 : index
    %swap3A_242 = tpu.vector_load %arg9[%swap3A_241] {strides = array<i32>} : memref<4096xf32, #tpu.memory_space<vmem>>, vector<16xf32>,
    tpu.vector_store %arg9[%swap3A_241], %broadcast_in_dim3A_9 {strides = array<i32>} : memref<4096xf32, #tpu.memory_space<vmem>>, vector<16xf32>,
    %swap3A_243 = arith.constant 1872 : index
    %swap3A_244 = tpu.vector_load %arg9[%swap3A_243] {strides = array<i32>} : memref<4096xf32, #tpu.memory_space<vmem>>, vector<16xf32>,
    tpu.vector_store %arg9[%swap3A_243], %broadcast_in_dim3A_9 {strides = array<i32>} : memref<4096xf32, #tpu.memory_space<vmem>>, vector<16xf32>,
    %swap3A_245 = arith.constant 1888 : index
    %swap3A_246 = tpu.vector_load %arg9[%swap3A_245] {strides = array<i32>} : memref<4096xf32, #tpu.memory_space<vmem>>, vector<16xf32>,
    tpu.vector_store %arg9[%swap3A_245], %broadcast_in_dim3A_9 {strides = array<i32>} : memref<4096xf32, #tpu.memory_space<vmem>>, vector<16xf32>,
    %swap3A_247 = arith.constant 1904 : index
    %swap3A_248 = tpu.vector_load %arg9[%swap3A_247] {strides = array<i32>} : memref<4096xf32, #tpu.memory_space<vmem>>, vector<16xf32>,
    tpu.vector_store %arg9[%swap3A_247], %broadcast_in_dim3A_9 {strides = array<i32>} : memref<4096xf32, #tpu.memory_space<vmem>>, vector<16xf32>,
    %swap3A_249 = arith.constant 1920 : index
    %swap3A_250 = tpu.vector_load %arg9[%swap3A_249] {strides = array<i32>} : memref<4096xf32, #tpu.memory_space<vmem>>, vector<16xf32>,
    tpu.vector_store %arg9[%swap3A_249], %broadcast_in_dim3A_9 {strides = array<i32>} : memref<4096xf32, #tpu.memory_space<vmem>>, vector<16xf32>,
    %swap3A_251 = arith.constant 1936 : index
    %swap3A_252 = tpu.vector_load %arg9[%swap3A_251] {strides = array<i32>} : memref<4096xf32, #tpu.memory_space<vmem>>, vector<16xf32>,
    tpu.vector_store %arg9[%swap3A_251], %broadcast_in_dim3A_9 {strides = array<i32>} : memref<4096xf32, #tpu.memory_space<vmem>>, vector<16xf32>,
    %swap3A_253 = arith.constant 1952 : index
    %swap3A_254 = tpu.vector_load %arg9[%swap3A_253] {strides = array<i32>} : memref<4096xf32, #tpu.memory_space<vmem>>, vector<16xf32>,
    tpu.vector_store %arg9[%swap3A_253], %broadcast_in_dim3A_9 {strides = array<i32>} : memref<4096xf32, #tpu.memory_space<vmem>>, vector<16xf32>,
    %swap3A_255 = arith.constant 1968 : index
    %swap3A_256 = tpu.vector_load %arg9[%swap3A_255] {strides = array<i32>} : memref<4096xf32, #tpu.memory_space<vmem>>, vector<16xf32>,
    tpu.vector_store %arg9[%swap3A_255], %broadcast_in_dim3A_9 {strides = array<i32>} : memref<4096xf32, #tpu.memory_space<vmem>>, vector<16xf32>,
    %swap3A_257 = arith.constant 1984 : index
    %swap3A_258 = tpu.vector_load %arg9[%swap3A_257] {strides = array<i32>} : memref<4096xf32, #tpu.memory_space<vmem>>, vector<16xf32>,
    tpu.vector_store %arg9[%swap3A_257], %broadcast_in_dim3A_9 {strides = array<i32>} : memref<4096xf32, #tpu.memory_space<vmem>>, vector<16xf32>,
    %swap3A_259 = arith.constant 2000 : index
    %swap3A_260 = tpu.vector_load %arg9[%swap3A_259] {strides = array<i32>} : memref<4096xf32, #tpu.memory_space<vmem>>, vector<16xf32>,
    tpu.vector_store %arg9[%swap3A_259], %broadcast_in_dim3A_9 {strides = array<i32>} : memref<4096xf32, #tpu.memory_space<vmem>>, vector<16xf32>,
    %swap3A_261 = arith.constant 2016 : index
    %swap3A_262 = tpu.vector_load %arg9[%swap3A_261] {strides = array<i32>} : memref<4096xf32, #tpu.memory_space<vmem>>, vector<16xf32>,
    tpu.vector_store %arg9[%swap3A_261], %broadcast_in_dim3A_9 {strides = array<i32>} : memref<4096xf32, #tpu.memory_space<vmem>>, vector<16xf32>,
    %swap3A_263 = arith.constant 2032 : index
    %swap3A_264 = tpu.vector_load %arg9[%swap3A_263] {strides = array<i32>} : memref<4096xf32, #tpu.memory_space<vmem>>, vector<16xf32>,
    tpu.vector_store %arg9[%swap3A_263], %broadcast_in_dim3A_9 {strides = array<i32>} : memref<4096xf32, #tpu.memory_space<vmem>>, vector<16xf32>,
    %swap3A_265 = arith.constant 2048 : index
    %swap3A_266 = tpu.vector_load %arg9[%swap3A_265] {strides = array<i32>} : memref<4096xf32, #tpu.memory_space<vmem>>, vector<16xf32>,
    tpu.vector_store %arg9[%swap3A_265], %broadcast_in_dim3A_9 {strides = array<i32>} : memref<4096xf32, #tpu.memory_space<vmem>>, vector<16xf32>,
    %swap3A_267 = arith.constant 2064 : index
    %swap3A_268 = tpu.vector_load %arg9[%swap3A_267] {strides = array<i32>} : memref<4096xf32, #tpu.memory_space<vmem>>, vector<16xf32>,
    tpu.vector_store %arg9[%swap3A_267], %broadcast_in_dim3A_9 {strides = array<i32>} : memref<4096xf32, #tpu.memory_space<vmem>>, vector<16xf32>,
    %swap3A_269 = arith.constant 2080 : index
    %swap3A_270 = tpu.vector_load %arg9[%swap3A_269] {strides = array<i32>} : memref<4096xf32, #tpu.memory_space<vmem>>, vector<16xf32>,
    tpu.vector_store %arg9[%swap3A_269], %broadcast_in_dim3A_9 {strides = array<i32>} : memref<4096xf32, #tpu.memory_space<vmem>>, vector<16xf32>,
    %swap3A_271 = arith.constant 2096 : index
    %swap3A_272 = tpu.vector_load %arg9[%swap3A_271] {strides = array<i32>} : memref<4096xf32, #tpu.memory_space<vmem>>, vector<16xf32>,
    tpu.vector_store %arg9[%swap3A_271], %broadcast_in_dim3A_9 {strides = array<i32>} : memref<4096xf32, #tpu.memory_space<vmem>>, vector<16xf32>,
    %swap3A_273 = arith.constant 2112 : index
    %swap3A_274 = tpu.vector_load %arg9[%swap3A_273] {strides = array<i32>} : memref<4096xf32, #tpu.memory_space<vmem>>, vector<16xf32>,
    tpu.vector_store %arg9[%swap3A_273], %broadcast_in_dim3A_9 {strides = array<i32>} : memref<4096xf32, #tpu.memory_space<vmem>>, vector<16xf32>,
    %swap3A_275 = arith.constant 2128 : index
    %swap3A_276 = tpu.vector_load %arg9[%swap3A_275] {strides = array<i32>} : memref<4096xf32, #tpu.memory_space<vmem>>, vector<16xf32>,
    tpu.vector_store %arg9[%swap3A_275], %broadcast_in_dim3A_9 {strides = array<i32>} : memref<4096xf32, #tpu.memory_space<vmem>>, vector<16xf32>,
    %swap3A_277 = arith.constant 2144 : index
    %swap3A_278 = tpu.vector_load %arg9[%swap3A_277] {strides = array<i32>} : memref<4096xf32, #tpu.memory_space<vmem>>, vector<16xf32>,
    tpu.vector_store %arg9[%swap3A_277], %broadcast_in_dim3A_9 {strides = array<i32>} : memref<4096xf32, #tpu.memory_space<vmem>>, vector<16xf32>,
    %swap3A_279 = arith.constant 2160 : index
    %swap3A_280 = tpu.vector_load %arg9[%swap3A_279] {strides = array<i32>} : memref<4096xf32, #tpu.memory_space<vmem>>, vector<16xf32>,
    tpu.vector_store %arg9[%swap3A_279], %broadcast_in_dim3A_9 {strides = array<i32>} : memref<4096xf32, #tpu.memory_space<vmem>>, vector<16xf32>,
    %swap3A_281 = arith.constant 2176 : index
    %swap3A_282 = tpu.vector_load %arg9[%swap3A_281] {strides = array<i32>} : memref<4096xf32, #tpu.memory_space<vmem>>, vector<16xf32>,
    tpu.vector_store %arg9[%swap3A_281], %broadcast_in_dim3A_9 {strides = array<i32>} : memref<4096xf32, #tpu.memory_space<vmem>>, vector<16xf32>,
    %swap3A_283 = arith.constant 2192 : index
    %swap3A_284 = tpu.vector_load %arg9[%swap3A_283] {strides = array<i32>} : memref<4096xf32, #tpu.memory_space<vmem>>, vector<16xf32>,
    tpu.vector_store %arg9[%swap3A_283], %broadcast_in_dim3A_9 {strides = array<i32>} : memref<4096xf32, #tpu.memory_space<vmem>>, vector<16xf32>,
    %swap3A_285 = arith.constant 2208 : index
    %swap3A_286 = tpu.vector_load %arg9[%swap3A_285] {strides = array<i32>} : memref<4096xf32, #tpu.memory_space<vmem>>, vector<16xf32>,
    tpu.vector_store %arg9[%swap3A_285], %broadcast_in_dim3A_9 {strides = array<i32>} : memref<4096xf32, #tpu.memory_space<vmem>>, vector<16xf32>,
    %swap3A_287 = arith.constant 2224 : index
    %swap3A_288 = tpu.vector_load %arg9[%swap3A_287] {strides = array<i32>} : memref<4096xf32, #tpu.memory_space<vmem>>, vector<16xf32>,
    tpu.vector_store %arg9[%swap3A_287], %broadcast_in_dim3A_9 {strides = array<i32>} : memref<4096xf32, #tpu.memory_space<vmem>>, vector<16xf32>,
    %swap3A_289 = arith.constant 2240 : index
    %swap3A_290 = tpu.vector_load %arg9[%swap3A_289] {strides = array<i32>} : memref<4096xf32, #tpu.memory_space<vmem>>, vector<16xf32>,
    tpu.vector_store %arg9[%swap3A_289], %broadcast_in_dim3A_9 {strides = array<i32>} : memref<4096xf32, #tpu.memory_space<vmem>>, vector<16xf32>,
    %swap3A_291 = arith.constant 2256 : index
    %swap3A_292 = tpu.vector_load %arg9[%swap3A_291] {strides = array<i32>} : memref<4096xf32, #tpu.memory_space<vmem>>, vector<16xf32>,
    tpu.vector_store %arg9[%swap3A_291], %broadcast_in_dim3A_9 {strides = array<i32>} : memref<4096xf32, #tpu.memory_space<vmem>>, vector<16xf32>,
    %swap3A_293 = arith.constant 2272 : index
    %swap3A_294 = tpu.vector_load %arg9[%swap3A_293] {strides = array<i32>} : memref<4096xf32, #tpu.memory_space<vmem>>, vector<16xf32>,
    tpu.vector_store %arg9[%swap3A_293], %broadcast_in_dim3A_9 {strides = array<i32>} : memref<4096xf32, #tpu.memory_space<vmem>>, vector<16xf32>,
    %swap3A_295 = arith.constant 2288 : index
    %swap3A_296 = tpu.vector_load %arg9[%swap3A_295] {strides = array<i32>} : memref<4096xf32, #tpu.memory_space<vmem>>, vector<16xf32>,
    tpu.vector_store %arg9[%swap3A_295], %broadcast_in_dim3A_9 {strides = array<i32>} : memref<4096xf32, #tpu.memory_space<vmem>>, vector<16xf32>,
    %swap3A_297 = arith.constant 2304 : index
    %swap3A_298 = tpu.vector_load %arg9[%swap3A_297] {strides = array<i32>} : memref<4096xf32, #tpu.memory_space<vmem>>, vector<16xf32>,
    tpu.vector_store %arg9[%swap3A_297], %broadcast_in_dim3A_9 {strides = array<i32>} : memref<4096xf32, #tpu.memory_space<vmem>>, vector<16xf32>,
    %swap3A_299 = arith.constant 2320 : index
    %swap3A_300 = tpu.vector_load %arg9[%swap3A_299] {strides = array<i32>} : memref<4096xf32, #tpu.memory_space<vmem>>, vector<16xf32>,
    tpu.vector_store %arg9[%swap3A_299], %broadcast_in_dim3A_9 {strides = array<i32>} : memref<4096xf32, #tpu.memory_space<vmem>>, vector<16xf32>,
    %swap3A_301 = arith.constant 2336 : index
    %swap3A_302 = tpu.vector_load %arg9[%swap3A_301] {strides = array<i32>} : memref<4096xf32, #tpu.memory_space<vmem>>, vector<16xf32>,
    tpu.vector_store %arg9[%swap3A_301], %broadcast_in_dim3A_9 {strides = array<i32>} : memref<4096xf32, #tpu.memory_space<vmem>>, vector<16xf32>,
    %swap3A_303 = arith.constant 2352 : index
    %swap3A_304 = tpu.vector_load %arg9[%swap3A_303] {strides = array<i32>} : memref<4096xf32, #tpu.memory_space<vmem>>, vector<16xf32>,
    tpu.vector_store %arg9[%swap3A_303], %broadcast_in_dim3A_9 {strides = array<i32>} : memref<4096xf32, #tpu.memory_space<vmem>>, vector<16xf32>,
    %swap3A_305 = arith.constant 2368 : index
    %swap3A_306 = tpu.vector_load %arg9[%swap3A_305] {strides = array<i32>} : memref<4096xf32, #tpu.memory_space<vmem>>, vector<16xf32>,
    tpu.vector_store %arg9[%swap3A_305], %broadcast_in_dim3A_9 {strides = array<i32>} : memref<4096xf32, #tpu.memory_space<vmem>>, vector<16xf32>,
    %swap3A_307 = arith.constant 2384 : index
    %swap3A_308 = tpu.vector_load %arg9[%swap3A_307] {strides = array<i32>} : memref<4096xf32, #tpu.memory_space<vmem>>, vector<16xf32>,
    tpu.vector_store %arg9[%swap3A_307], %broadcast_in_dim3A_9 {strides = array<i32>} : memref<4096xf32, #tpu.memory_space<vmem>>, vector<16xf32>,
    %swap3A_309 = arith.constant 2400 : index
    %swap3A_310 = tpu.vector_load %arg9[%swap3A_309] {strides = array<i32>} : memref<4096xf32, #tpu.memory_space<vmem>>, vector<16xf32>,
    tpu.vector_store %arg9[%swap3A_309], %broadcast_in_dim3A_9 {strides = array<i32>} : memref<4096xf32, #tpu.memory_space<vmem>>, vector<16xf32>,
    %swap3A_311 = arith.constant 2416 : index
    %swap3A_312 = tpu.vector_load %arg9[%swap3A_311] {strides = array<i32>} : memref<4096xf32, #tpu.memory_space<vmem>>, vector<16xf32>,
    tpu.vector_store %arg9[%swap3A_311], %broadcast_in_dim3A_9 {strides = array<i32>} : memref<4096xf32, #tpu.memory_space<vmem>>, vector<16xf32>,
    %swap3A_313 = arith.constant 2432 : index
    %swap3A_314 = tpu.vector_load %arg9[%swap3A_313] {strides = array<i32>} : memref<4096xf32, #tpu.memory_space<vmem>>, vector<16xf32>,
    tpu.vector_store %arg9[%swap3A_313], %broadcast_in_dim3A_9 {strides = array<i32>} : memref<4096xf32, #tpu.memory_space<vmem>>, vector<16xf32>,
    %swap3A_315 = arith.constant 2448 : index
    %swap3A_316 = tpu.vector_load %arg9[%swap3A_315] {strides = array<i32>} : memref<4096xf32, #tpu.memory_space<vmem>>, vector<16xf32>,
    tpu.vector_store %arg9[%swap3A_315], %broadcast_in_dim3A_9 {strides = array<i32>} : memref<4096xf32, #tpu.memory_space<vmem>>, vector<16xf32>,
    %swap3A_317 = arith.constant 2464 : index
    %swap3A_318 = tpu.vector_load %arg9[%swap3A_317] {strides = array<i32>} : memref<4096xf32, #tpu.memory_space<vmem>>, vector<16xf32>,
    tpu.vector_store %arg9[%swap3A_317], %broadcast_in_dim3A_9 {strides = array<i32>} : memref<4096xf32, #tpu.memory_space<vmem>>, vector<16xf32>,
    %swap3A_319 = arith.constant 2480 : index
    %swap3A_320 = tpu.vector_load %arg9[%swap3A_319] {strides = array<i32>} : memref<4096xf32, #tpu.memory_space<vmem>>, vector<16xf32>,
    tpu.vector_store %arg9[%swap3A_319], %broadcast_in_dim3A_9 {strides = array<i32>} : memref<4096xf32, #tpu.memory_space<vmem>>, vector<16xf32>,
    %swap3A_321 = arith.constant 2496 : index
    %swap3A_322 = tpu.vector_load %arg9[%swap3A_321] {strides = array<i32>} : memref<4096xf32, #tpu.memory_space<vmem>>, vector<16xf32>,
    tpu.vector_store %arg9[%swap3A_321], %broadcast_in_dim3A_9 {strides = array<i32>} : memref<4096xf32, #tpu.memory_space<vmem>>, vector<16xf32>,
    %swap3A_323 = arith.constant 2512 : index
    %swap3A_324 = tpu.vector_load %arg9[%swap3A_323] {strides = array<i32>} : memref<4096xf32, #tpu.memory_space<vmem>>, vector<16xf32>,
    tpu.vector_store %arg9[%swap3A_323], %broadcast_in_dim3A_9 {strides = array<i32>} : memref<4096xf32, #tpu.memory_space<vmem>>, vector<16xf32>,
    %swap3A_325 = arith.constant 2528 : index
    %swap3A_326 = tpu.vector_load %arg9[%swap3A_325] {strides = array<i32>} : memref<4096xf32, #tpu.memory_space<vmem>>, vector<16xf32>,
    tpu.vector_store %arg9[%swap3A_325], %broadcast_in_dim3A_9 {strides = array<i32>} : memref<4096xf32, #tpu.memory_space<vmem>>, vector<16xf32>,
    %swap3A_327 = arith.constant 2544 : index
    %swap3A_328 = tpu.vector_load %arg9[%swap3A_327] {strides = array<i32>} : memref<4096xf32, #tpu.memory_space<vmem>>, vector<16xf32>,
    tpu.vector_store %arg9[%swap3A_327], %broadcast_in_dim3A_9 {strides = array<i32>} : memref<4096xf32, #tpu.memory_space<vmem>>, vector<16xf32>,
    %swap3A_329 = arith.constant 2560 : index
    %swap3A_330 = tpu.vector_load %arg9[%swap3A_329] {strides = array<i32>} : memref<4096xf32, #tpu.memory_space<vmem>>, vector<16xf32>,
    tpu.vector_store %arg9[%swap3A_329], %broadcast_in_dim3A_9 {strides = array<i32>} : memref<4096xf32, #tpu.memory_space<vmem>>, vector<16xf32>,
    %swap3A_331 = arith.constant 2576 : index
    %swap3A_332 = tpu.vector_load %arg9[%swap3A_331] {strides = array<i32>} : memref<4096xf32, #tpu.memory_space<vmem>>, vector<16xf32>,
    tpu.vector_store %arg9[%swap3A_331], %broadcast_in_dim3A_9 {strides = array<i32>} : memref<4096xf32, #tpu.memory_space<vmem>>, vector<16xf32>,
    %swap3A_333 = arith.constant 2592 : index
    %swap3A_334 = tpu.vector_load %arg9[%swap3A_333] {strides = array<i32>} : memref<4096xf32, #tpu.memory_space<vmem>>, vector<16xf32>,
    tpu.vector_store %arg9[%swap3A_333], %broadcast_in_dim3A_9 {strides = array<i32>} : memref<4096xf32, #tpu.memory_space<vmem>>, vector<16xf32>,
    %swap3A_335 = arith.constant 2608 : index
    %swap3A_336 = tpu.vector_load %arg9[%swap3A_335] {strides = array<i32>} : memref<4096xf32, #tpu.memory_space<vmem>>, vector<16xf32>,
    tpu.vector_store %arg9[%swap3A_335], %broadcast_in_dim3A_9 {strides = array<i32>} : memref<4096xf32, #tpu.memory_space<vmem>>, vector<16xf32>,
    %swap3A_337 = arith.constant 2624 : index
    %swap3A_338 = tpu.vector_load %arg9[%swap3A_337] {strides = array<i32>} : memref<4096xf32, #tpu.memory_space<vmem>>, vector<16xf32>,
    tpu.vector_store %arg9[%swap3A_337], %broadcast_in_dim3A_9 {strides = array<i32>} : memref<4096xf32, #tpu.memory_space<vmem>>, vector<16xf32>,
    %swap3A_339 = arith.constant 2640 : index
    %swap3A_340 = tpu.vector_load %arg9[%swap3A_339] {strides = array<i32>} : memref<4096xf32, #tpu.memory_space<vmem>>, vector<16xf32>,
    tpu.vector_store %arg9[%swap3A_339], %broadcast_in_dim3A_9 {strides = array<i32>} : memref<4096xf32, #tpu.memory_space<vmem>>, vector<16xf32>,
    %swap3A_341 = arith.constant 2656 : index
    %swap3A_342 = tpu.vector_load %arg9[%swap3A_341] {strides = array<i32>} : memref<4096xf32, #tpu.memory_space<vmem>>, vector<16xf32>,
    tpu.vector_store %arg9[%swap3A_341], %broadcast_in_dim3A_9 {strides = array<i32>} : memref<4096xf32, #tpu.memory_space<vmem>>, vector<16xf32>,
    %swap3A_343 = arith.constant 2672 : index
    %swap3A_344 = tpu.vector_load %arg9[%swap3A_343] {strides = array<i32>} : memref<4096xf32, #tpu.memory_space<vmem>>, vector<16xf32>,
    tpu.vector_store %arg9[%swap3A_343], %broadcast_in_dim3A_9 {strides = array<i32>} : memref<4096xf32, #tpu.memory_space<vmem>>, vector<16xf32>,
    %swap3A_345 = arith.constant 2688 : index
    %swap3A_346 = tpu.vector_load %arg9[%swap3A_345] {strides = array<i32>} : memref<4096xf32, #tpu.memory_space<vmem>>, vector<16xf32>,
    tpu.vector_store %arg9[%swap3A_345], %broadcast_in_dim3A_9 {strides = array<i32>} : memref<4096xf32, #tpu.memory_space<vmem>>, vector<16xf32>,
    %swap3A_347 = arith.constant 2704 : index
    %swap3A_348 = tpu.vector_load %arg9[%swap3A_347] {strides = array<i32>} : memref<4096xf32, #tpu.memory_space<vmem>>, vector<16xf32>,
    tpu.vector_store %arg9[%swap3A_347], %broadcast_in_dim3A_9 {strides = array<i32>} : memref<4096xf32, #tpu.memory_space<vmem>>, vector<16xf32>,
    %swap3A_349 = arith.constant 2720 : index
    %swap3A_350 = tpu.vector_load %arg9[%swap3A_349] {strides = array<i32>} : memref<4096xf32, #tpu.memory_space<vmem>>, vector<16xf32>,
    tpu.vector_store %arg9[%swap3A_349], %broadcast_in_dim3A_9 {strides = array<i32>} : memref<4096xf32, #tpu.memory_space<vmem>>, vector<16xf32>,
    %swap3A_351 = arith.constant 2736 : index
    %swap3A_352 = tpu.vector_load %arg9[%swap3A_351] {strides = array<i32>} : memref<4096xf32, #tpu.memory_space<vmem>>, vector<16xf32>,
    tpu.vector_store %arg9[%swap3A_351], %broadcast_in_dim3A_9 {strides = array<i32>} : memref<4096xf32, #tpu.memory_space<vmem>>, vector<16xf32>,
    %swap3A_353 = arith.constant 2752 : index
    %swap3A_354 = tpu.vector_load %arg9[%swap3A_353] {strides = array<i32>} : memref<4096xf32, #tpu.memory_space<vmem>>, vector<16xf32>,
    tpu.vector_store %arg9[%swap3A_353], %broadcast_in_dim3A_9 {strides = array<i32>} : memref<4096xf32, #tpu.memory_space<vmem>>, vector<16xf32>,
    %swap3A_355 = arith.constant 2768 : index
    %swap3A_356 = tpu.vector_load %arg9[%swap3A_355] {strides = array<i32>} : memref<4096xf32, #tpu.memory_space<vmem>>, vector<16xf32>,
    tpu.vector_store %arg9[%swap3A_355], %broadcast_in_dim3A_9 {strides = array<i32>} : memref<4096xf32, #tpu.memory_space<vmem>>, vector<16xf32>,
    %swap3A_357 = arith.constant 2784 : index
    %swap3A_358 = tpu.vector_load %arg9[%swap3A_357] {strides = array<i32>} : memref<4096xf32, #tpu.memory_space<vmem>>, vector<16xf32>,
    tpu.vector_store %arg9[%swap3A_357], %broadcast_in_dim3A_9 {strides = array<i32>} : memref<4096xf32, #tpu.memory_space<vmem>>, vector<16xf32>,
    %swap3A_359 = arith.constant 2800 : index
    %swap3A_360 = tpu.vector_load %arg9[%swap3A_359] {strides = array<i32>} : memref<4096xf32, #tpu.memory_space<vmem>>, vector<16xf32>,
    tpu.vector_store %arg9[%swap3A_359], %broadcast_in_dim3A_9 {strides = array<i32>} : memref<4096xf32, #tpu.memory_space<vmem>>, vector<16xf32>,
    %swap3A_361 = arith.constant 2816 : index
    %swap3A_362 = tpu.vector_load %arg9[%swap3A_361] {strides = array<i32>} : memref<4096xf32, #tpu.memory_space<vmem>>, vector<16xf32>,
    tpu.vector_store %arg9[%swap3A_361], %broadcast_in_dim3A_9 {strides = array<i32>} : memref<4096xf32, #tpu.memory_space<vmem>>, vector<16xf32>,
    %swap3A_363 = arith.constant 2832 : index
    %swap3A_364 = tpu.vector_load %arg9[%swap3A_363] {strides = array<i32>} : memref<4096xf32, #tpu.memory_space<vmem>>, vector<16xf32>,
    tpu.vector_store %arg9[%swap3A_363], %broadcast_in_dim3A_9 {strides = array<i32>} : memref<4096xf32, #tpu.memory_space<vmem>>, vector<16xf32>,
    %swap3A_365 = arith.constant 2848 : index
    %swap3A_366 = tpu.vector_load %arg9[%swap3A_365] {strides = array<i32>} : memref<4096xf32, #tpu.memory_space<vmem>>, vector<16xf32>,
    tpu.vector_store %arg9[%swap3A_365], %broadcast_in_dim3A_9 {strides = array<i32>} : memref<4096xf32, #tpu.memory_space<vmem>>, vector<16xf32>,
    %swap3A_367 = arith.constant 2864 : index
    %swap3A_368 = tpu.vector_load %arg9[%swap3A_367] {strides = array<i32>} : memref<4096xf32, #tpu.memory_space<vmem>>, vector<16xf32>,
    tpu.vector_store %arg9[%swap3A_367], %broadcast_in_dim3A_9 {strides = array<i32>} : memref<4096xf32, #tpu.memory_space<vmem>>, vector<16xf32>,
    %swap3A_369 = arith.constant 2880 : index
    %swap3A_370 = tpu.vector_load %arg9[%swap3A_369] {strides = array<i32>} : memref<4096xf32, #tpu.memory_space<vmem>>, vector<16xf32>,
    tpu.vector_store %arg9[%swap3A_369], %broadcast_in_dim3A_9 {strides = array<i32>} : memref<4096xf32, #tpu.memory_space<vmem>>, vector<16xf32>,
    %swap3A_371 = arith.constant 2896 : index
    %swap3A_372 = tpu.vector_load %arg9[%swap3A_371] {strides = array<i32>} : memref<4096xf32, #tpu.memory_space<vmem>>, vector<16xf32>,
    tpu.vector_store %arg9[%swap3A_371], %broadcast_in_dim3A_9 {strides = array<i32>} : memref<4096xf32, #tpu.memory_space<vmem>>, vector<16xf32>,
    %swap3A_373 = arith.constant 2912 : index
    %swap3A_374 = tpu.vector_load %arg9[%swap3A_373] {strides = array<i32>} : memref<4096xf32, #tpu.memory_space<vmem>>, vector<16xf32>,
    tpu.vector_store %arg9[%swap3A_373], %broadcast_in_dim3A_9 {strides = array<i32>} : memref<4096xf32, #tpu.memory_space<vmem>>, vector<16xf32>,
    %swap3A_375 = arith.constant 2928 : index
    %swap3A_376 = tpu.vector_load %arg9[%swap3A_375] {strides = array<i32>} : memref<4096xf32, #tpu.memory_space<vmem>>, vector<16xf32>,
    tpu.vector_store %arg9[%swap3A_375], %broadcast_in_dim3A_9 {strides = array<i32>} : memref<4096xf32, #tpu.memory_space<vmem>>, vector<16xf32>,
    %swap3A_377 = arith.constant 2944 : index
    %swap3A_378 = tpu.vector_load %arg9[%swap3A_377] {strides = array<i32>} : memref<4096xf32, #tpu.memory_space<vmem>>, vector<16xf32>,
    tpu.vector_store %arg9[%swap3A_377], %broadcast_in_dim3A_9 {strides = array<i32>} : memref<4096xf32, #tpu.memory_space<vmem>>, vector<16xf32>,
    %swap3A_379 = arith.constant 2960 : index
    %swap3A_380 = tpu.vector_load %arg9[%swap3A_379] {strides = array<i32>} : memref<4096xf32, #tpu.memory_space<vmem>>, vector<16xf32>,
    tpu.vector_store %arg9[%swap3A_379], %broadcast_in_dim3A_9 {strides = array<i32>} : memref<4096xf32, #tpu.memory_space<vmem>>, vector<16xf32>,
    %swap3A_381 = arith.constant 2976 : index
    %swap3A_382 = tpu.vector_load %arg9[%swap3A_381] {strides = array<i32>} : memref<4096xf32, #tpu.memory_space<vmem>>, vector<16xf32>,
    tpu.vector_store %arg9[%swap3A_381], %broadcast_in_dim3A_9 {strides = array<i32>} : memref<4096xf32, #tpu.memory_space<vmem>>, vector<16xf32>,
    %swap3A_383 = arith.constant 2992 : index
    %swap3A_384 = tpu.vector_load %arg9[%swap3A_383] {strides = array<i32>} : memref<4096xf32, #tpu.memory_space<vmem>>, vector<16xf32>,
    tpu.vector_store %arg9[%swap3A_383], %broadcast_in_dim3A_9 {strides = array<i32>} : memref<4096xf32, #tpu.memory_space<vmem>>, vector<16xf32>,
    %swap3A_385 = arith.constant 3008 : index
    %swap3A_386 = tpu.vector_load %arg9[%swap3A_385] {strides = array<i32>} : memref<4096xf32, #tpu.memory_space<vmem>>, vector<16xf32>,
    tpu.vector_store %arg9[%swap3A_385], %broadcast_in_dim3A_9 {strides = array<i32>} : memref<4096xf32, #tpu.memory_space<vmem>>, vector<16xf32>,
    %swap3A_387 = arith.constant 3024 : index
    %swap3A_388 = tpu.vector_load %arg9[%swap3A_387] {strides = array<i32>} : memref<4096xf32, #tpu.memory_space<vmem>>, vector<16xf32>,
    tpu.vector_store %arg9[%swap3A_387], %broadcast_in_dim3A_9 {strides = array<i32>} : memref<4096xf32, #tpu.memory_space<vmem>>, vector<16xf32>,
    %swap3A_389 = arith.constant 3040 : index
    %swap3A_390 = tpu.vector_load %arg9[%swap3A_389] {strides = array<i32>} : memref<4096xf32, #tpu.memory_space<vmem>>, vector<16xf32>,
    tpu.vector_store %arg9[%swap3A_389], %broadcast_in_dim3A_9 {strides = array<i32>} : memref<4096xf32, #tpu.memory_space<vmem>>, vector<16xf32>,
    %swap3A_391 = arith.constant 3056 : index
    %swap3A_392 = tpu.vector_load %arg9[%swap3A_391] {strides = array<i32>} : memref<4096xf32, #tpu.memory_space<vmem>>, vector<16xf32>,
    tpu.vector_store %arg9[%swap3A_391], %broadcast_in_dim3A_9 {strides = array<i32>} : memref<4096xf32, #tpu.memory_space<vmem>>, vector<16xf32>,
    %swap3A_393 = arith.constant 3072 : index
    %swap3A_394 = tpu.vector_load %arg9[%swap3A_393] {strides = array<i32>} : memref<4096xf32, #tpu.memory_space<vmem>>, vector<16xf32>,
    tpu.vector_store %arg9[%swap3A_393], %broadcast_in_dim3A_9 {strides = array<i32>} : memref<4096xf32, #tpu.memory_space<vmem>>, vector<16xf32>,
    %swap3A_395 = arith.constant 3088 : index
    %swap3A_396 = tpu.vector_load %arg9[%swap3A_395] {strides = array<i32>} : memref<4096xf32, #tpu.memory_space<vmem>>, vector<16xf32>,
    tpu.vector_store %arg9[%swap3A_395], %broadcast_in_dim3A_9 {strides = array<i32>} : memref<4096xf32, #tpu.memory_space<vmem>>, vector<16xf32>,
    %swap3A_397 = arith.constant 3104 : index
    %swap3A_398 = tpu.vector_load %arg9[%swap3A_397] {strides = array<i32>} : memref<4096xf32, #tpu.memory_space<vmem>>, vector<16xf32>,
    tpu.vector_store %arg9[%swap3A_397], %broadcast_in_dim3A_9 {strides = array<i32>} : memref<4096xf32, #tpu.memory_space<vmem>>, vector<16xf32>,
    %swap3A_399 = arith.constant 3120 : index
    %swap3A_400 = tpu.vector_load %arg9[%swap3A_399] {strides = array<i32>} : memref<4096xf32, #tpu.memory_space<vmem>>, vector<16xf32>,
    tpu.vector_store %arg9[%swap3A_399], %broadcast_in_dim3A_9 {strides = array<i32>} : memref<4096xf32, #tpu.memory_space<vmem>>, vector<16xf32>,
    %swap3A_401 = arith.constant 3136 : index
    %swap3A_402 = tpu.vector_load %arg9[%swap3A_401] {strides = array<i32>} : memref<4096xf32, #tpu.memory_space<vmem>>, vector<16xf32>,
    tpu.vector_store %arg9[%swap3A_401], %broadcast_in_dim3A_9 {strides = array<i32>} : memref<4096xf32, #tpu.memory_space<vmem>>, vector<16xf32>,
    %swap3A_403 = arith.constant 3152 : index
    %swap3A_404 = tpu.vector_load %arg9[%swap3A_403] {strides = array<i32>} : memref<4096xf32, #tpu.memory_space<vmem>>, vector<16xf32>,
    tpu.vector_store %arg9[%swap3A_403], %broadcast_in_dim3A_9 {strides = array<i32>} : memref<4096xf32, #tpu.memory_space<vmem>>, vector<16xf32>,
    %swap3A_405 = arith.constant 3168 : index
    %swap3A_406 = tpu.vector_load %arg9[%swap3A_405] {strides = array<i32>} : memref<4096xf32, #tpu.memory_space<vmem>>, vector<16xf32>,
    tpu.vector_store %arg9[%swap3A_405], %broadcast_in_dim3A_9 {strides = array<i32>} : memref<4096xf32, #tpu.memory_space<vmem>>, vector<16xf32>,
    %swap3A_407 = arith.constant 3184 : index
    %swap3A_408 = tpu.vector_load %arg9[%swap3A_407] {strides = array<i32>} : memref<4096xf32, #tpu.memory_space<vmem>>, vector<16xf32>,
    tpu.vector_store %arg9[%swap3A_407], %broadcast_in_dim3A_9 {strides = array<i32>} : memref<4096xf32, #tpu.memory_space<vmem>>, vector<16xf32>,
    %swap3A_409 = arith.constant 3200 : index
    %swap3A_410 = tpu.vector_load %arg9[%swap3A_409] {strides = array<i32>} : memref<4096xf32, #tpu.memory_space<vmem>>, vector<16xf32>,
    tpu.vector_store %arg9[%swap3A_409], %broadcast_in_dim3A_9 {strides = array<i32>} : memref<4096xf32, #tpu.memory_space<vmem>>, vector<16xf32>,
    %swap3A_411 = arith.constant 3216 : index
    %swap3A_412 = tpu.vector_load %arg9[%swap3A_411] {strides = array<i32>} : memref<4096xf32, #tpu.memory_space<vmem>>, vector<16xf32>,
    tpu.vector_store %arg9[%swap3A_411], %broadcast_in_dim3A_9 {strides = array<i32>} : memref<4096xf32, #tpu.memory_space<vmem>>, vector<16xf32>,
    %swap3A_413 = arith.constant 3232 : index
    %swap3A_414 = tpu.vector_load %arg9[%swap3A_413] {strides = array<i32>} : memref<4096xf32, #tpu.memory_space<vmem>>, vector<16xf32>,
    tpu.vector_store %arg9[%swap3A_413], %broadcast_in_dim3A_9 {strides = array<i32>} : memref<4096xf32, #tpu.memory_space<vmem>>, vector<16xf32>,
    %swap3A_415 = arith.constant 3248 : index
    %swap3A_416 = tpu.vector_load %arg9[%swap3A_415] {strides = array<i32>} : memref<4096xf32, #tpu.memory_space<vmem>>, vector<16xf32>,
    tpu.vector_store %arg9[%swap3A_415], %broadcast_in_dim3A_9 {strides = array<i32>} : memref<4096xf32, #tpu.memory_space<vmem>>, vector<16xf32>,
    %swap3A_417 = arith.constant 3264 : index
    %swap3A_418 = tpu.vector_load %arg9[%swap3A_417] {strides = array<i32>} : memref<4096xf32, #tpu.memory_space<vmem>>, vector<16xf32>,
    tpu.vector_store %arg9[%swap3A_417], %broadcast_in_dim3A_9 {strides = array<i32>} : memref<4096xf32, #tpu.memory_space<vmem>>, vector<16xf32>,
    %swap3A_419 = arith.constant 3280 : index
    %swap3A_420 = tpu.vector_load %arg9[%swap3A_419] {strides = array<i32>} : memref<4096xf32, #tpu.memory_space<vmem>>, vector<16xf32>,
    tpu.vector_store %arg9[%swap3A_419], %broadcast_in_dim3A_9 {strides = array<i32>} : memref<4096xf32, #tpu.memory_space<vmem>>, vector<16xf32>,
    %swap3A_421 = arith.constant 3296 : index
    %swap3A_422 = tpu.vector_load %arg9[%swap3A_421] {strides = array<i32>} : memref<4096xf32, #tpu.memory_space<vmem>>, vector<16xf32>,
    tpu.vector_store %arg9[%swap3A_421], %broadcast_in_dim3A_9 {strides = array<i32>} : memref<4096xf32, #tpu.memory_space<vmem>>, vector<16xf32>,
    %swap3A_423 = arith.constant 3312 : index
    %swap3A_424 = tpu.vector_load %arg9[%swap3A_423] {strides = array<i32>} : memref<4096xf32, #tpu.memory_space<vmem>>, vector<16xf32>,
    tpu.vector_store %arg9[%swap3A_423], %broadcast_in_dim3A_9 {strides = array<i32>} : memref<4096xf32, #tpu.memory_space<vmem>>, vector<16xf32>,
    %swap3A_425 = arith.constant 3328 : index
    %swap3A_426 = tpu.vector_load %arg9[%swap3A_425] {strides = array<i32>} : memref<4096xf32, #tpu.memory_space<vmem>>, vector<16xf32>,
    tpu.vector_store %arg9[%swap3A_425], %broadcast_in_dim3A_9 {strides = array<i32>} : memref<4096xf32, #tpu.memory_space<vmem>>, vector<16xf32>,
    %swap3A_427 = arith.constant 3344 : index
    %swap3A_428 = tpu.vector_load %arg9[%swap3A_427] {strides = array<i32>} : memref<4096xf32, #tpu.memory_space<vmem>>, vector<16xf32>,
    tpu.vector_store %arg9[%swap3A_427], %broadcast_in_dim3A_9 {strides = array<i32>} : memref<4096xf32, #tpu.memory_space<vmem>>, vector<16xf32>,
    %swap3A_429 = arith.constant 3360 : index
    %swap3A_430 = tpu.vector_load %arg9[%swap3A_429] {strides = array<i32>} : memref<4096xf32, #tpu.memory_space<vmem>>, vector<16xf32>,
    tpu.vector_store %arg9[%swap3A_429], %broadcast_in_dim3A_9 {strides = array<i32>} : memref<4096xf32, #tpu.memory_space<vmem>>, vector<16xf32>,
    %swap3A_431 = arith.constant 3376 : index
    %swap3A_432 = tpu.vector_load %arg9[%swap3A_431] {strides = array<i32>} : memref<4096xf32, #tpu.memory_space<vmem>>, vector<16xf32>,
    tpu.vector_store %arg9[%swap3A_431], %broadcast_in_dim3A_9 {strides = array<i32>} : memref<4096xf32, #tpu.memory_space<vmem>>, vector<16xf32>,
    %swap3A_433 = arith.constant 3392 : index
    %swap3A_434 = tpu.vector_load %arg9[%swap3A_433] {strides = array<i32>} : memref<4096xf32, #tpu.memory_space<vmem>>, vector<16xf32>,
    tpu.vector_store %arg9[%swap3A_433], %broadcast_in_dim3A_9 {strides = array<i32>} : memref<4096xf32, #tpu.memory_space<vmem>>, vector<16xf32>,
    %swap3A_435 = arith.constant 3408 : index
    %swap3A_436 = tpu.vector_load %arg9[%swap3A_435] {strides = array<i32>} : memref<4096xf32, #tpu.memory_space<vmem>>, vector<16xf32>,
    tpu.vector_store %arg9[%swap3A_435], %broadcast_in_dim3A_9 {strides = array<i32>} : memref<4096xf32, #tpu.memory_space<vmem>>, vector<16xf32>,
    %swap3A_437 = arith.constant 3424 : index
    %swap3A_438 = tpu.vector_load %arg9[%swap3A_437] {strides = array<i32>} : memref<4096xf32, #tpu.memory_space<vmem>>, vector<16xf32>,
    tpu.vector_store %arg9[%swap3A_437], %broadcast_in_dim3A_9 {strides = array<i32>} : memref<4096xf32, #tpu.memory_space<vmem>>, vector<16xf32>,
    %swap3A_439 = arith.constant 3440 : index
    %swap3A_440 = tpu.vector_load %arg9[%swap3A_439] {strides = array<i32>} : memref<4096xf32, #tpu.memory_space<vmem>>, vector<16xf32>,
    tpu.vector_store %arg9[%swap3A_439], %broadcast_in_dim3A_9 {strides = array<i32>} : memref<4096xf32, #tpu.memory_space<vmem>>, vector<16xf32>,
    %swap3A_441 = arith.constant 3456 : index
    %swap3A_442 = tpu.vector_load %arg9[%swap3A_441] {strides = array<i32>} : memref<4096xf32, #tpu.memory_space<vmem>>, vector<16xf32>,
    tpu.vector_store %arg9[%swap3A_441], %broadcast_in_dim3A_9 {strides = array<i32>} : memref<4096xf32, #tpu.memory_space<vmem>>, vector<16xf32>,
    %swap3A_443 = arith.constant 3472 : index
    %swap3A_444 = tpu.vector_load %arg9[%swap3A_443] {strides = array<i32>} : memref<4096xf32, #tpu.memory_space<vmem>>, vector<16xf32>,
    tpu.vector_store %arg9[%swap3A_443], %broadcast_in_dim3A_9 {strides = array<i32>} : memref<4096xf32, #tpu.memory_space<vmem>>, vector<16xf32>,
    %swap3A_445 = arith.constant 3488 : index
    %swap3A_446 = tpu.vector_load %arg9[%swap3A_445] {strides = array<i32>} : memref<4096xf32, #tpu.memory_space<vmem>>, vector<16xf32>,
    tpu.vector_store %arg9[%swap3A_445], %broadcast_in_dim3A_9 {strides = array<i32>} : memref<4096xf32, #tpu.memory_space<vmem>>, vector<16xf32>,
    %swap3A_447 = arith.constant 3504 : index
    %swap3A_448 = tpu.vector_load %arg9[%swap3A_447] {strides = array<i32>} : memref<4096xf32, #tpu.memory_space<vmem>>, vector<16xf32>,
    tpu.vector_store %arg9[%swap3A_447], %broadcast_in_dim3A_9 {strides = array<i32>} : memref<4096xf32, #tpu.memory_space<vmem>>, vector<16xf32>,
    %swap3A_449 = arith.constant 3520 : index
    %swap3A_450 = tpu.vector_load %arg9[%swap3A_449] {strides = array<i32>} : memref<4096xf32, #tpu.memory_space<vmem>>, vector<16xf32>,
    tpu.vector_store %arg9[%swap3A_449], %broadcast_in_dim3A_9 {strides = array<i32>} : memref<4096xf32, #tpu.memory_space<vmem>>, vector<16xf32>,
    %swap3A_451 = arith.constant 3536 : index
    %swap3A_452 = tpu.vector_load %arg9[%swap3A_451] {strides = array<i32>} : memref<4096xf32, #tpu.memory_space<vmem>>, vector<16xf32>,
    tpu.vector_store %arg9[%swap3A_451], %broadcast_in_dim3A_9 {strides = array<i32>} : memref<4096xf32, #tpu.memory_space<vmem>>, vector<16xf32>,
    %swap3A_453 = arith.constant 3552 : index
    %swap3A_454 = tpu.vector_load %arg9[%swap3A_453] {strides = array<i32>} : memref<4096xf32, #tpu.memory_space<vmem>>, vector<16xf32>,
    tpu.vector_store %arg9[%swap3A_453], %broadcast_in_dim3A_9 {strides = array<i32>} : memref<4096xf32, #tpu.memory_space<vmem>>, vector<16xf32>,
    %swap3A_455 = arith.constant 3568 : index
    %swap3A_456 = tpu.vector_load %arg9[%swap3A_455] {strides = array<i32>} : memref<4096xf32, #tpu.memory_space<vmem>>, vector<16xf32>,
    tpu.vector_store %arg9[%swap3A_455], %broadcast_in_dim3A_9 {strides = array<i32>} : memref<4096xf32, #tpu.memory_space<vmem>>, vector<16xf32>,
    %swap3A_457 = arith.constant 3584 : index
    %swap3A_458 = tpu.vector_load %arg9[%swap3A_457] {strides = array<i32>} : memref<4096xf32, #tpu.memory_space<vmem>>, vector<16xf32>,
    tpu.vector_store %arg9[%swap3A_457], %broadcast_in_dim3A_9 {strides = array<i32>} : memref<4096xf32, #tpu.memory_space<vmem>>, vector<16xf32>,
    %swap3A_459 = arith.constant 3600 : index
    %swap3A_460 = tpu.vector_load %arg9[%swap3A_459] {strides = array<i32>} : memref<4096xf32, #tpu.memory_space<vmem>>, vector<16xf32>,
    tpu.vector_store %arg9[%swap3A_459], %broadcast_in_dim3A_9 {strides = array<i32>} : memref<4096xf32, #tpu.memory_space<vmem>>, vector<16xf32>,
    %swap3A_461 = arith.constant 3616 : index
    %swap3A_462 = tpu.vector_load %arg9[%swap3A_461] {strides = array<i32>} : memref<4096xf32, #tpu.memory_space<vmem>>, vector<16xf32>,
    tpu.vector_store %arg9[%swap3A_461], %broadcast_in_dim3A_9 {strides = array<i32>} : memref<4096xf32, #tpu.memory_space<vmem>>, vector<16xf32>,
    %swap3A_463 = arith.constant 3632 : index
    %swap3A_464 = tpu.vector_load %arg9[%swap3A_463] {strides = array<i32>} : memref<4096xf32, #tpu.memory_space<vmem>>, vector<16xf32>,
    tpu.vector_store %arg9[%swap3A_463], %broadcast_in_dim3A_9 {strides = array<i32>} : memref<4096xf32, #tpu.memory_space<vmem>>, vector<16xf32>,
    %swap3A_465 = arith.constant 3648 : index
    %swap3A_466 = tpu.vector_load %arg9[%swap3A_465] {strides = array<i32>} : memref<4096xf32, #tpu.memory_space<vmem>>, vector<16xf32>,
    tpu.vector_store %arg9[%swap3A_465], %broadcast_in_dim3A_9 {strides = array<i32>} : memref<4096xf32, #tpu.memory_space<vmem>>, vector<16xf32>,
    %swap3A_467 = arith.constant 3664 : index
    %swap3A_468 = tpu.vector_load %arg9[%swap3A_467] {strides = array<i32>} : memref<4096xf32, #tpu.memory_space<vmem>>, vector<16xf32>,
    tpu.vector_store %arg9[%swap3A_467], %broadcast_in_dim3A_9 {strides = array<i32>} : memref<4096xf32, #tpu.memory_space<vmem>>, vector<16xf32>,
    %swap3A_469 = arith.constant 3680 : index
    %swap3A_470 = tpu.vector_load %arg9[%swap3A_469] {strides = array<i32>} : memref<4096xf32, #tpu.memory_space<vmem>>, vector<16xf32>,
    tpu.vector_store %arg9[%swap3A_469], %broadcast_in_dim3A_9 {strides = array<i32>} : memref<4096xf32, #tpu.memory_space<vmem>>, vector<16xf32>,
    %swap3A_471 = arith.constant 3696 : index
    %swap3A_472 = tpu.vector_load %arg9[%swap3A_471] {strides = array<i32>} : memref<4096xf32, #tpu.memory_space<vmem>>, vector<16xf32>,
    tpu.vector_store %arg9[%swap3A_471], %broadcast_in_dim3A_9 {strides = array<i32>} : memref<4096xf32, #tpu.memory_space<vmem>>, vector<16xf32>,
    %swap3A_473 = arith.constant 3712 : index
    %swap3A_474 = tpu.vector_load %arg9[%swap3A_473] {strides = array<i32>} : memref<4096xf32, #tpu.memory_space<vmem>>, vector<16xf32>,
    tpu.vector_store %arg9[%swap3A_473], %broadcast_in_dim3A_9 {strides = array<i32>} : memref<4096xf32, #tpu.memory_space<vmem>>, vector<16xf32>,
    %swap3A_475 = arith.constant 3728 : index
    %swap3A_476 = tpu.vector_load %arg9[%swap3A_475] {strides = array<i32>} : memref<4096xf32, #tpu.memory_space<vmem>>, vector<16xf32>,
    tpu.vector_store %arg9[%swap3A_475], %broadcast_in_dim3A_9 {strides = array<i32>} : memref<4096xf32, #tpu.memory_space<vmem>>, vector<16xf32>,
    %swap3A_477 = arith.constant 3744 : index
    %swap3A_478 = tpu.vector_load %arg9[%swap3A_477] {strides = array<i32>} : memref<4096xf32, #tpu.memory_space<vmem>>, vector<16xf32>,
    tpu.vector_store %arg9[%swap3A_477], %broadcast_in_dim3A_9 {strides = array<i32>} : memref<4096xf32, #tpu.memory_space<vmem>>, vector<16xf32>,
    %swap3A_479 = arith.constant 3760 : index
    %swap3A_480 = tpu.vector_load %arg9[%swap3A_479] {strides = array<i32>} : memref<4096xf32, #tpu.memory_space<vmem>>, vector<16xf32>,
    tpu.vector_store %arg9[%swap3A_479], %broadcast_in_dim3A_9 {strides = array<i32>} : memref<4096xf32, #tpu.memory_space<vmem>>, vector<16xf32>,
    %swap3A_481 = arith.constant 3776 : index
    %swap3A_482 = tpu.vector_load %arg9[%swap3A_481] {strides = array<i32>} : memref<4096xf32, #tpu.memory_space<vmem>>, vector<16xf32>,
    tpu.vector_store %arg9[%swap3A_481], %broadcast_in_dim3A_9 {strides = array<i32>} : memref<4096xf32, #tpu.memory_space<vmem>>, vector<16xf32>,
    %swap3A_483 = arith.constant 3792 : index
    %swap3A_484 = tpu.vector_load %arg9[%swap3A_483] {strides = array<i32>} : memref<4096xf32, #tpu.memory_space<vmem>>, vector<16xf32>,
    tpu.vector_store %arg9[%swap3A_483], %broadcast_in_dim3A_9 {strides = array<i32>} : memref<4096xf32, #tpu.memory_space<vmem>>, vector<16xf32>,
    %swap3A_485 = arith.constant 3808 : index
    %swap3A_486 = tpu.vector_load %arg9[%swap3A_485] {strides = array<i32>} : memref<4096xf32, #tpu.memory_space<vmem>>, vector<16xf32>,
    tpu.vector_store %arg9[%swap3A_485], %broadcast_in_dim3A_9 {strides = array<i32>} : memref<4096xf32, #tpu.memory_space<vmem>>, vector<16xf32>,
    %swap3A_487 = arith.constant 3824 : index
    %swap3A_488 = tpu.vector_load %arg9[%swap3A_487] {strides = array<i32>} : memref<4096xf32, #tpu.memory_space<vmem>>, vector<16xf32>,
    tpu.vector_store %arg9[%swap3A_487], %broadcast_in_dim3A_9 {strides = array<i32>} : memref<4096xf32, #tpu.memory_space<vmem>>, vector<16xf32>,
    %swap3A_489 = arith.constant 3840 : index
    %swap3A_490 = tpu.vector_load %arg9[%swap3A_489] {strides = array<i32>} : memref<4096xf32, #tpu.memory_space<vmem>>, vector<16xf32>,
    tpu.vector_store %arg9[%swap3A_489], %broadcast_in_dim3A_9 {strides = array<i32>} : memref<4096xf32, #tpu.memory_space<vmem>>, vector<16xf32>,
    %swap3A_491 = arith.constant 3856 : index
    %swap3A_492 = tpu.vector_load %arg9[%swap3A_491] {strides = array<i32>} : memref<4096xf32, #tpu.memory_space<vmem>>, vector<16xf32>,
    tpu.vector_store %arg9[%swap3A_491], %broadcast_in_dim3A_9 {strides = array<i32>} : memref<4096xf32, #tpu.memory_space<vmem>>, vector<16xf32>,
    %swap3A_493 = arith.constant 3872 : index
    %swap3A_494 = tpu.vector_load %arg9[%swap3A_493] {strides = array<i32>} : memref<4096xf32, #tpu.memory_space<vmem>>, vector<16xf32>,
    tpu.vector_store %arg9[%swap3A_493], %broadcast_in_dim3A_9 {strides = array<i32>} : memref<4096xf32, #tpu.memory_space<vmem>>, vector<16xf32>,
    %swap3A_495 = arith.constant 3888 : index
    %swap3A_496 = tpu.vector_load %arg9[%swap3A_495] {strides = array<i32>} : memref<4096xf32, #tpu.memory_space<vmem>>, vector<16xf32>,
    tpu.vector_store %arg9[%swap3A_495], %broadcast_in_dim3A_9 {strides = array<i32>} : memref<4096xf32, #tpu.memory_space<vmem>>, vector<16xf32>,
    %swap3A_497 = arith.constant 3904 : index
    %swap3A_498 = tpu.vector_load %arg9[%swap3A_497] {strides = array<i32>} : memref<4096xf32, #tpu.memory_space<vmem>>, vector<16xf32>,
    tpu.vector_store %arg9[%swap3A_497], %broadcast_in_dim3A_9 {strides = array<i32>} : memref<4096xf32, #tpu.memory_space<vmem>>, vector<16xf32>,
    %swap3A_499 = arith.constant 3920 : index
    %swap3A_500 = tpu.vector_load %arg9[%swap3A_499] {strides = array<i32>} : memref<4096xf32, #tpu.memory_space<vmem>>, vector<16xf32>,
    tpu.vector_store %arg9[%swap3A_499], %broadcast_in_dim3A_9 {strides = array<i32>} : memref<4096xf32, #tpu.memory_space<vmem>>, vector<16xf32>,
    %swap3A_501 = arith.constant 3936 : index
    %swap3A_502 = tpu.vector_load %arg9[%swap3A_501] {strides = array<i32>} : memref<4096xf32, #tpu.memory_space<vmem>>, vector<16xf32>,
    tpu.vector_store %arg9[%swap3A_501], %broadcast_in_dim3A_9 {strides = array<i32>} : memref<4096xf32, #tpu.memory_space<vmem>>, vector<16xf32>,
    %swap3A_503 = arith.constant 3952 : index
    %swap3A_504 = tpu.vector_load %arg9[%swap3A_503] {strides = array<i32>} : memref<4096xf32, #tpu.memory_space<vmem>>, vector<16xf32>,
    tpu.vector_store %arg9[%swap3A_503], %broadcast_in_dim3A_9 {strides = array<i32>} : memref<4096xf32, #tpu.memory_space<vmem>>, vector<16xf32>,
    %swap3A_505 = arith.constant 3968 : index
    %swap3A_506 = tpu.vector_load %arg9[%swap3A_505] {strides = array<i32>} : memref<4096xf32, #tpu.memory_space<vmem>>, vector<16xf32>,
    tpu.vector_store %arg9[%swap3A_505], %broadcast_in_dim3A_9 {strides = array<i32>} : memref<4096xf32, #tpu.memory_space<vmem>>, vector<16xf32>,
    %swap3A_507 = arith.constant 3984 : index
    %swap3A_508 = tpu.vector_load %arg9[%swap3A_507] {strides = array<i32>} : memref<4096xf32, #tpu.memory_space<vmem>>, vector<16xf32>,
    tpu.vector_store %arg9[%swap3A_507], %broadcast_in_dim3A_9 {strides = array<i32>} : memref<4096xf32, #tpu.memory_space<vmem>>, vector<16xf32>,
    %swap3A_509 = arith.constant 4000 : index
    %swap3A_510 = tpu.vector_load %arg9[%swap3A_509] {strides = array<i32>} : memref<4096xf32, #tpu.memory_space<vmem>>, vector<16xf32>,
    tpu.vector_store %arg9[%swap3A_509], %broadcast_in_dim3A_9 {strides = array<i32>} : memref<4096xf32, #tpu.memory_space<vmem>>, vector<16xf32>,
    %swap3A_511 = arith.constant 4016 : index
    %swap3A_512 = tpu.vector_load %arg9[%swap3A_511] {strides = array<i32>} : memref<4096xf32, #tpu.memory_space<vmem>>, vector<16xf32>,
    tpu.vector_store %arg9[%swap3A_511], %broadcast_in_dim3A_9 {strides = array<i32>} : memref<4096xf32, #tpu.memory_space<vmem>>, vector<16xf32>,
    %swap3A_513 = arith.constant 4032 : index
    %swap3A_514 = tpu.vector_load %arg9[%swap3A_513] {strides = array<i32>} : memref<4096xf32, #tpu.memory_space<vmem>>, vector<16xf32>,
    tpu.vector_store %arg9[%swap3A_513], %broadcast_in_dim3A_9 {strides = array<i32>} : memref<4096xf32, #tpu.memory_space<vmem>>, vector<16xf32>,
    %swap3A_515 = arith.constant 4048 : index
    %swap3A_516 = tpu.vector_load %arg9[%swap3A_515] {strides = array<i32>} : memref<4096xf32, #tpu.memory_space<vmem>>, vector<16xf32>,
    tpu.vector_store %arg9[%swap3A_515], %broadcast_in_dim3A_9 {strides = array<i32>} : memref<4096xf32, #tpu.memory_space<vmem>>, vector<16xf32>,
    %swap3A_517 = arith.constant 4064 : index
    %swap3A_518 = tpu.vector_load %arg9[%swap3A_517] {strides = array<i32>} : memref<4096xf32, #tpu.memory_space<vmem>>, vector<16xf32>,
    tpu.vector_store %arg9[%swap3A_517], %broadcast_in_dim3A_9 {strides = array<i32>} : memref<4096xf32, #tpu.memory_space<vmem>>, vector<16xf32>,
    %swap3A_519 = arith.constant 4080 : index
    %swap3A_520 = tpu.vector_load %arg9[%swap3A_519] {strides = array<i32>} : memref<4096xf32, #tpu.memory_space<vmem>>, vector<16xf32>,
    tpu.vector_store %arg9[%swap3A_519], %broadcast_in_dim3A_9 {strides = array<i32>} : memref<4096xf32, #tpu.memory_space<vmem>>, vector<16xf32>,
    %mul3A_521 = arith.constant 4096 : i32
    %mul3A_522 = arith.muli %add3A, %mul3A_521 : i32
    "tpu.region"() ({
      %run_scoped3A = tpu.sem_alloc : memref<!tpu.dma_semaphore, #tpu.memory_space<semaphore_mem>>
      %dma_start3A = tpu.memref_slice %arg18[%mul3A_522] : memref<65536xf32, #tpu.memory_space<vmem_shared>> -> memref<4096xf32, #tpu.memory_space<vmem_shared>>
      %dma_start3A_770 = tpu.memref_slice %arg18[%mul3A_522] : memref<65536xf32, #tpu.memory_space<vmem_shared>> -> memref<4096xf32, #tpu.memory_space<vmem_shared>>
      tpu.enqueue_dma source(%arg9 : memref<4096xf32, #tpu.memory_space<vmem>>) target(%dma_start3A_770 : memref<4096xf32, #tpu.memory_space<vmem_shared>>) target_semaphore(%run_scoped3A : memref<!tpu.dma_semaphore, #tpu.memory_space<semaphore_mem>>)
      %dma_wait3A = tpu.memref_slice %arg18[%mul3A_522] : memref<65536xf32, #tpu.memory_space<vmem_shared>> -> memref<4096xf32, #tpu.memory_space<vmem_shared>>
      %dma_wait3A_771 = tpu.memref_slice %arg18[%mul3A_522] : memref<65536xf32, #tpu.memory_space<vmem_shared>> -> memref<4096xf32, #tpu.memory_space<vmem_shared>>
      tpu.wait_dma2 semaphore(%run_scoped3A : memref<!tpu.dma_semaphore, #tpu.memory_space<semaphore_mem>>) src(%arg9 : memref<4096xf32, #tpu.memory_space<vmem>>) dst(%dma_wait3A_771 : memref<4096xf32, #tpu.memory_space<vmem_shared>>)
      tpu.yield
    }) : () -> ()
    %lt3A_523 = arith.constant 15 : i32
    %lt3A_524 = arith.cmpi slt, %add3A, %lt3A_523 : i32
    %convert_element_type3A_525 = arith.extui %lt3A_524 : i1 to i32
    %cond3A_526 = arith.constant 0 : i32
    %cond3A_527 = arith.cmpi ne, %convert_element_type3A_525, %cond3A_526 : i32
    scf.if %cond3A_527 {
      %mul3A_770 = arith.constant 2 : i32
      %mul3A_771 = arith.muli %add3A, %mul3A_770 : i32
      %add3A_772 = arith.constant 0 : i32
      %add3A_773 = arith.addi %mul3A_771, %add3A_772 : i32
      %mul3A_774 = arith.constant 16384 : i32
      %mul3A_775 = arith.muli %add3A_773, %mul3A_774 : i32
      %dma_wait3A = tpu.memref_slice %arg17[%mul3A_775] : memref<491520xf32, #tpu.memory_space<vmem_shared>> -> memref<16384xf32, #tpu.memory_space<vmem_shared>>
      %dma_wait3A_776 = arith.constant 0 : i32
      %dma_wait3A_777 = tpu.memref_slice %arg2[%dma_wait3A_776] : memref<1000000xf32, #tpu.memory_space<hbm>> -> memref<16384xf32, #tpu.memory_space<hbm>>
      tpu.wait_dma2 semaphore(%arg22 : memref<!tpu.dma_semaphore, #tpu.memory_space<semaphore_mem>>) src(%dma_wait3A_777 : memref<16384xf32, #tpu.memory_space<hbm>>) dst(%dma_wait3A : memref<16384xf32, #tpu.memory_space<vmem_shared>>)
      %mul3A_778 = arith.constant 2 : i32
      %mul3A_779 = arith.muli %add3A, %mul3A_778 : i32
      %add3A_780 = arith.constant 0 : i32
      %add3A_781 = arith.addi %mul3A_779, %add3A_780 : i32
      %mul3A_782 = arith.constant 16384 : i32
      %mul3A_783 = arith.muli %add3A_781, %mul3A_782 : i32
      %dma_start3A = arith.constant 0 : i32
      %dma_start3A_784 = tpu.memref_slice %arg4[%dma_start3A] : memref<65536xf32, #tpu.memory_space<vmem>> -> memref<16384xf32, #tpu.memory_space<vmem>>
      %dma_start3A_785 = tpu.memref_slice %arg17[%mul3A_783] : memref<491520xf32, #tpu.memory_space<vmem_shared>> -> memref<16384xf32, #tpu.memory_space<vmem_shared>>
      %dma_start3A_786 = arith.constant 0 : i32
      %dma_start3A_787 = tpu.memref_slice %arg4[%dma_start3A_786] : memref<65536xf32, #tpu.memory_space<vmem>> -> memref<16384xf32, #tpu.memory_space<vmem>>
      %dma_start3A_788 = tpu.memref_slice %arg17[%mul3A_783] : memref<491520xf32, #tpu.memory_space<vmem_shared>> -> memref<16384xf32, #tpu.memory_space<vmem_shared>>
      tpu.enqueue_dma source(%dma_start3A_788 : memref<16384xf32, #tpu.memory_space<vmem_shared>>) target(%dma_start3A_787 : memref<16384xf32, #tpu.memory_space<vmem>>) target_semaphore(%arg23 : memref<!tpu.dma_semaphore, #tpu.memory_space<semaphore_mem>>)
      %mul3A_789 = arith.constant 2 : i32
      %mul3A_790 = arith.muli %add3A, %mul3A_789 : i32
      %add3A_791 = arith.constant 0 : i32
      %add3A_792 = arith.addi %mul3A_790, %add3A_791 : i32
      %mul3A_793 = arith.constant 16384 : i32
      %mul3A_794 = arith.muli %add3A_792, %mul3A_793 : i32
      %dma_wait3A_795 = arith.constant 0 : i32
      %dma_wait3A_796 = tpu.memref_slice %arg4[%dma_wait3A_795] : memref<65536xf32, #tpu.memory_space<vmem>> -> memref<16384xf32, #tpu.memory_space<vmem>>
      %dma_wait3A_797 = tpu.memref_slice %arg17[%mul3A_794] : memref<491520xf32, #tpu.memory_space<vmem_shared>> -> memref<16384xf32, #tpu.memory_space<vmem_shared>>
      %dma_wait3A_798 = arith.constant 0 : i32
      %dma_wait3A_799 = tpu.memref_slice %arg4[%dma_wait3A_798] : memref<65536xf32, #tpu.memory_space<vmem>> -> memref<16384xf32, #tpu.memory_space<vmem>>
      %dma_wait3A_800 = tpu.memref_slice %arg17[%mul3A_794] : memref<491520xf32, #tpu.memory_space<vmem_shared>> -> memref<16384xf32, #tpu.memory_space<vmem_shared>>
      tpu.wait_dma2 semaphore(%arg23 : memref<!tpu.dma_semaphore, #tpu.memory_space<semaphore_mem>>) src(%dma_wait3A_800 : memref<16384xf32, #tpu.memory_space<vmem_shared>>) dst(%dma_wait3A_799 : memref<16384xf32, #tpu.memory_space<vmem>>)
      %mul3A_801 = arith.constant 2 : i32
      %mul3A_802 = arith.muli %add3A, %mul3A_801 : i32
      %add3A_803 = arith.constant 0 : i32
      %add3A_804 = arith.addi %mul3A_802, %add3A_803 : i32
      %mul3A_805 = arith.constant 16384 : i32
      %mul3A_806 = arith.muli %add3A_804, %mul3A_805 : i32
      %dma_wait3A_807 = tpu.memref_slice %arg17[%mul3A_806] : memref<491520xf32, #tpu.memory_space<vmem_shared>> -> memref<16384xf32, #tpu.memory_space<vmem_shared>>
      %dma_wait3A_808 = arith.constant 0 : i32
      %dma_wait3A_809 = tpu.memref_slice %arg2[%dma_wait3A_808] : memref<1000000xf32, #tpu.memory_space<hbm>> -> memref<16384xf32, #tpu.memory_space<hbm>>
      tpu.wait_dma2 semaphore(%arg22 : memref<!tpu.dma_semaphore, #tpu.memory_space<semaphore_mem>>) src(%dma_wait3A_809 : memref<16384xf32, #tpu.memory_space<hbm>>) dst(%dma_wait3A_807 : memref<16384xf32, #tpu.memory_space<vmem_shared>>)
      %mul3A_810 = arith.constant 2 : i32
      %mul3A_811 = arith.muli %add3A, %mul3A_810 : i32
      %add3A_812 = arith.constant 1 : i32
      %add3A_813 = arith.addi %mul3A_811, %add3A_812 : i32
      %mul3A_814 = arith.constant 16384 : i32
      %mul3A_815 = arith.muli %add3A_813, %mul3A_814 : i32
      %dma_start3A_816 = arith.constant 16384 : i32
      %dma_start3A_817 = tpu.memref_slice %arg4[%dma_start3A_816] : memref<65536xf32, #tpu.memory_space<vmem>> -> memref<16384xf32, #tpu.memory_space<vmem>>
      %dma_start3A_818 = tpu.memref_slice %arg17[%mul3A_815] : memref<491520xf32, #tpu.memory_space<vmem_shared>> -> memref<16384xf32, #tpu.memory_space<vmem_shared>>
      %dma_start3A_819 = arith.constant 16384 : i32
      %dma_start3A_820 = tpu.memref_slice %arg4[%dma_start3A_819] : memref<65536xf32, #tpu.memory_space<vmem>> -> memref<16384xf32, #tpu.memory_space<vmem>>
      %dma_start3A_821 = tpu.memref_slice %arg17[%mul3A_815] : memref<491520xf32, #tpu.memory_space<vmem_shared>> -> memref<16384xf32, #tpu.memory_space<vmem_shared>>
      tpu.enqueue_dma source(%dma_start3A_821 : memref<16384xf32, #tpu.memory_space<vmem_shared>>) target(%dma_start3A_820 : memref<16384xf32, #tpu.memory_space<vmem>>) target_semaphore(%arg23 : memref<!tpu.dma_semaphore, #tpu.memory_space<semaphore_mem>>)
      %mul3A_822 = arith.constant 65536 : i32
      %mul3A_823 = arith.muli %add3A, %mul3A_822 : i32
      %add3A_824 = arith.constant 32768 : i32
      %add3A_825 = arith.addi %mul3A_823, %add3A_824 : i32
      %mul3A_826 = arith.constant 2 : i32
      %mul3A_827 = arith.muli %add3A, %mul3A_826 : i32
      %add3A_828 = arith.constant 0 : i32
      %add3A_829 = arith.addi %mul3A_827, %add3A_828 : i32
      %mul3A_830 = arith.constant 16384 : i32
      %mul3A_831 = arith.muli %add3A_829, %mul3A_830 : i32
      %dma_start3A_832 = tpu.memref_slice %arg17[%mul3A_831] : memref<491520xf32, #tpu.memory_space<vmem_shared>> -> memref<16384xf32, #tpu.memory_space<vmem_shared>>
      %dma_start3A_833 = tpu.memref_slice %arg2[%add3A_825] : memref<1000000xf32, #tpu.memory_space<hbm>> -> memref<16384xf32, #tpu.memory_space<hbm>>
      tpu.enqueue_dma source(%dma_start3A_833 : memref<16384xf32, #tpu.memory_space<hbm>>) target(%dma_start3A_832 : memref<16384xf32, #tpu.memory_space<vmem_shared>>) target_semaphore(%arg22 : memref<!tpu.dma_semaphore, #tpu.memory_space<semaphore_mem>>)
      %scan3A_834 = arith.constant 0 : i32
      %scan3A_835 = arith.constant 64 : i32
      %scan3A_836 = arith.addi %scan3A_834, %scan3A_835 : i32
      %scan3A_837 = arith.constant 2 : i32
      %scan3A_838 = scf.for %scan3A_950 = %scan3A_834 to %scan3A_836 step %scan3A_837 iter_args(%scan3A_951 = %broadcast_in_dim3A_1) -> (vector<16xf32>)  : i32 {
        %mul3A_952 = arith.constant 256 : i32
        %mul3A_953 = arith.muli %scan3A_950, %mul3A_952 : i32
        %get3A_954 = arith.index_cast %mul3A_953 : i32 to index
        %get3A_955 = tpu.vector_load %arg4[%get3A_954] {strides = array<i32>} : memref<65536xf32, #tpu.memory_space<vmem>>, vector<16xf32>,
        %mul3A_956 = arith.constant 256 : i32
        %mul3A_957 = arith.muli %scan3A_950, %mul3A_956 : i32
        %add3A_958 = arith.constant 16 : i32
        %add3A_959 = arith.addi %mul3A_957, %add3A_958 : i32
        %get3A_960 = arith.index_cast %add3A_959 : i32 to index
        %get3A_961 = tpu.vector_load %arg4[%get3A_960] {strides = array<i32>} : memref<65536xf32, #tpu.memory_space<vmem>>, vector<16xf32>,
        %max3A = arith.maximumf %get3A_955, %get3A_961 : vector<16xf32>
        %mul3A_962 = arith.constant 256 : i32
        %mul3A_963 = arith.muli %scan3A_950, %mul3A_962 : i32
        %add3A_964 = arith.constant 32 : i32
        %add3A_965 = arith.addi %mul3A_963, %add3A_964 : i32
        %get3A_966 = arith.index_cast %add3A_965 : i32 to index
        %get3A_967 = tpu.vector_load %arg4[%get3A_966] {strides = array<i32>} : memref<65536xf32, #tpu.memory_space<vmem>>, vector<16xf32>,
        %max3A_968 = arith.maximumf %max3A, %get3A_967 : vector<16xf32>
        %mul3A_969 = arith.constant 256 : i32
        %mul3A_970 = arith.muli %scan3A_950, %mul3A_969 : i32
        %add3A_971 = arith.constant 48 : i32
        %add3A_972 = arith.addi %mul3A_970, %add3A_971 : i32
        %get3A_973 = arith.index_cast %add3A_972 : i32 to index
        %get3A_974 = tpu.vector_load %arg4[%get3A_973] {strides = array<i32>} : memref<65536xf32, #tpu.memory_space<vmem>>, vector<16xf32>,
        %max3A_975 = arith.maximumf %max3A_968, %get3A_974 : vector<16xf32>
        %mul3A_976 = arith.constant 256 : i32
        %mul3A_977 = arith.muli %scan3A_950, %mul3A_976 : i32
        %add3A_978 = arith.constant 64 : i32
        %add3A_979 = arith.addi %mul3A_977, %add3A_978 : i32
        %get3A_980 = arith.index_cast %add3A_979 : i32 to index
        %get3A_981 = tpu.vector_load %arg4[%get3A_980] {strides = array<i32>} : memref<65536xf32, #tpu.memory_space<vmem>>, vector<16xf32>,
        %max3A_982 = arith.maximumf %max3A_975, %get3A_981 : vector<16xf32>
        %mul3A_983 = arith.constant 256 : i32
        %mul3A_984 = arith.muli %scan3A_950, %mul3A_983 : i32
        %add3A_985 = arith.constant 80 : i32
        %add3A_986 = arith.addi %mul3A_984, %add3A_985 : i32
        %get3A_987 = arith.index_cast %add3A_986 : i32 to index
        %get3A_988 = tpu.vector_load %arg4[%get3A_987] {strides = array<i32>} : memref<65536xf32, #tpu.memory_space<vmem>>, vector<16xf32>,
        %max3A_989 = arith.maximumf %max3A_982, %get3A_988 : vector<16xf32>
        %mul3A_990 = arith.constant 256 : i32
        %mul3A_991 = arith.muli %scan3A_950, %mul3A_990 : i32
        %add3A_992 = arith.constant 96 : i32
        %add3A_993 = arith.addi %mul3A_991, %add3A_992 : i32
        %get3A_994 = arith.index_cast %add3A_993 : i32 to index
        %get3A_995 = tpu.vector_load %arg4[%get3A_994] {strides = array<i32>} : memref<65536xf32, #tpu.memory_space<vmem>>, vector<16xf32>,
        %max3A_996 = arith.maximumf %max3A_989, %get3A_995 : vector<16xf32>
        %mul3A_997 = arith.constant 256 : i32
        %mul3A_998 = arith.muli %scan3A_950, %mul3A_997 : i32
        %add3A_999 = arith.constant 112 : i32
        %add3A_1000 = arith.addi %mul3A_998, %add3A_999 : i32
        %get3A_1001 = arith.index_cast %add3A_1000 : i32 to index
        %get3A_1002 = tpu.vector_load %arg4[%get3A_1001] {strides = array<i32>} : memref<65536xf32, #tpu.memory_space<vmem>>, vector<16xf32>,
        %max3A_1003 = arith.maximumf %max3A_996, %get3A_1002 : vector<16xf32>
        %mul3A_1004 = arith.constant 256 : i32
        %mul3A_1005 = arith.muli %scan3A_950, %mul3A_1004 : i32
        %add3A_1006 = arith.constant 128 : i32
        %add3A_1007 = arith.addi %mul3A_1005, %add3A_1006 : i32
        %get3A_1008 = arith.index_cast %add3A_1007 : i32 to index
        %get3A_1009 = tpu.vector_load %arg4[%get3A_1008] {strides = array<i32>} : memref<65536xf32, #tpu.memory_space<vmem>>, vector<16xf32>,
        %max3A_1010 = arith.maximumf %max3A_1003, %get3A_1009 : vector<16xf32>
        %mul3A_1011 = arith.constant 256 : i32
        %mul3A_1012 = arith.muli %scan3A_950, %mul3A_1011 : i32
        %add3A_1013 = arith.constant 144 : i32
        %add3A_1014 = arith.addi %mul3A_1012, %add3A_1013 : i32
        %get3A_1015 = arith.index_cast %add3A_1014 : i32 to index
        %get3A_1016 = tpu.vector_load %arg4[%get3A_1015] {strides = array<i32>} : memref<65536xf32, #tpu.memory_space<vmem>>, vector<16xf32>,
        %max3A_1017 = arith.maximumf %max3A_1010, %get3A_1016 : vector<16xf32>
        %mul3A_1018 = arith.constant 256 : i32
        %mul3A_1019 = arith.muli %scan3A_950, %mul3A_1018 : i32
        %add3A_1020 = arith.constant 160 : i32
        %add3A_1021 = arith.addi %mul3A_1019, %add3A_1020 : i32
        %get3A_1022 = arith.index_cast %add3A_1021 : i32 to index
        %get3A_1023 = tpu.vector_load %arg4[%get3A_1022] {strides = array<i32>} : memref<65536xf32, #tpu.memory_space<vmem>>, vector<16xf32>,
        %max3A_1024 = arith.maximumf %max3A_1017, %get3A_1023 : vector<16xf32>
        %mul3A_1025 = arith.constant 256 : i32
        %mul3A_1026 = arith.muli %scan3A_950, %mul3A_1025 : i32
        %add3A_1027 = arith.constant 176 : i32
        %add3A_1028 = arith.addi %mul3A_1026, %add3A_1027 : i32
        %get3A_1029 = arith.index_cast %add3A_1028 : i32 to index
        %get3A_1030 = tpu.vector_load %arg4[%get3A_1029] {strides = array<i32>} : memref<65536xf32, #tpu.memory_space<vmem>>, vector<16xf32>,
        %max3A_1031 = arith.maximumf %max3A_1024, %get3A_1030 : vector<16xf32>
        %mul3A_1032 = arith.constant 256 : i32
        %mul3A_1033 = arith.muli %scan3A_950, %mul3A_1032 : i32
        %add3A_1034 = arith.constant 192 : i32
        %add3A_1035 = arith.addi %mul3A_1033, %add3A_1034 : i32
        %get3A_1036 = arith.index_cast %add3A_1035 : i32 to index
        %get3A_1037 = tpu.vector_load %arg4[%get3A_1036] {strides = array<i32>} : memref<65536xf32, #tpu.memory_space<vmem>>, vector<16xf32>,
        %max3A_1038 = arith.maximumf %max3A_1031, %get3A_1037 : vector<16xf32>
        %mul3A_1039 = arith.constant 256 : i32
        %mul3A_1040 = arith.muli %scan3A_950, %mul3A_1039 : i32
        %add3A_1041 = arith.constant 208 : i32
        %add3A_1042 = arith.addi %mul3A_1040, %add3A_1041 : i32
        %get3A_1043 = arith.index_cast %add3A_1042 : i32 to index
        %get3A_1044 = tpu.vector_load %arg4[%get3A_1043] {strides = array<i32>} : memref<65536xf32, #tpu.memory_space<vmem>>, vector<16xf32>,
        %max3A_1045 = arith.maximumf %max3A_1038, %get3A_1044 : vector<16xf32>
        %mul3A_1046 = arith.constant 256 : i32
        %mul3A_1047 = arith.muli %scan3A_950, %mul3A_1046 : i32
        %add3A_1048 = arith.constant 224 : i32
        %add3A_1049 = arith.addi %mul3A_1047, %add3A_1048 : i32
        %get3A_1050 = arith.index_cast %add3A_1049 : i32 to index
        %get3A_1051 = tpu.vector_load %arg4[%get3A_1050] {strides = array<i32>} : memref<65536xf32, #tpu.memory_space<vmem>>, vector<16xf32>,
        %max3A_1052 = arith.maximumf %max3A_1045, %get3A_1051 : vector<16xf32>
        %mul3A_1053 = arith.constant 256 : i32
        %mul3A_1054 = arith.muli %scan3A_950, %mul3A_1053 : i32
        %add3A_1055 = arith.constant 240 : i32
        %add3A_1056 = arith.addi %mul3A_1054, %add3A_1055 : i32
        %get3A_1057 = arith.index_cast %add3A_1056 : i32 to index
        %get3A_1058 = tpu.vector_load %arg4[%get3A_1057] {strides = array<i32>} : memref<65536xf32, #tpu.memory_space<vmem>>, vector<16xf32>,
        %max3A_1059 = arith.maximumf %max3A_1052, %get3A_1058 : vector<16xf32>
        %mul3A_1060 = arith.constant 16 : i32
        %mul3A_1061 = arith.muli %scan3A_950, %mul3A_1060 : i32
        %swap3A_1062 = arith.index_cast %mul3A_1061 : i32 to index
        %swap3A_1063 = tpu.vector_load %arg5[%swap3A_1062] {strides = array<i32>} : memref<4096xf32, #tpu.memory_space<vmem>>, vector<16xf32>,
        tpu.vector_store %arg5[%swap3A_1062], %max3A_1059 {strides = array<i32>} : memref<4096xf32, #tpu.memory_space<vmem>>, vector<16xf32>,
        %max3A_1064 = arith.maximumf %scan3A_951, %max3A_1059 : vector<16xf32>
        %scan3A_1065 = arith.constant 1 : i32
        %scan3A_1066 = arith.addi %scan3A_950, %scan3A_1065 : i32
        %mul3A_1067 = arith.constant 256 : i32
        %mul3A_1068 = arith.muli %scan3A_1066, %mul3A_1067 : i32
        %get3A_1069 = arith.index_cast %mul3A_1068 : i32 to index
        %get3A_1070 = tpu.vector_load %arg4[%get3A_1069] {strides = array<i32>} : memref<65536xf32, #tpu.memory_space<vmem>>, vector<16xf32>,
        %mul3A_1071 = arith.constant 256 : i32
        %mul3A_1072 = arith.muli %scan3A_1066, %mul3A_1071 : i32
        %add3A_1073 = arith.constant 16 : i32
        %add3A_1074 = arith.addi %mul3A_1072, %add3A_1073 : i32
        %get3A_1075 = arith.index_cast %add3A_1074 : i32 to index
        %get3A_1076 = tpu.vector_load %arg4[%get3A_1075] {strides = array<i32>} : memref<65536xf32, #tpu.memory_space<vmem>>, vector<16xf32>,
        %max3A_1077 = arith.maximumf %get3A_1070, %get3A_1076 : vector<16xf32>
        %mul3A_1078 = arith.constant 256 : i32
        %mul3A_1079 = arith.muli %scan3A_1066, %mul3A_1078 : i32
        %add3A_1080 = arith.constant 32 : i32
        %add3A_1081 = arith.addi %mul3A_1079, %add3A_1080 : i32
        %get3A_1082 = arith.index_cast %add3A_1081 : i32 to index
        %get3A_1083 = tpu.vector_load %arg4[%get3A_1082] {strides = array<i32>} : memref<65536xf32, #tpu.memory_space<vmem>>, vector<16xf32>,
        %max3A_1084 = arith.maximumf %max3A_1077, %get3A_1083 : vector<16xf32>
        %mul3A_1085 = arith.constant 256 : i32
        %mul3A_1086 = arith.muli %scan3A_1066, %mul3A_1085 : i32
        %add3A_1087 = arith.constant 48 : i32
        %add3A_1088 = arith.addi %mul3A_1086, %add3A_1087 : i32
        %get3A_1089 = arith.index_cast %add3A_1088 : i32 to index
        %get3A_1090 = tpu.vector_load %arg4[%get3A_1089] {strides = array<i32>} : memref<65536xf32, #tpu.memory_space<vmem>>, vector<16xf32>,
        %max3A_1091 = arith.maximumf %max3A_1084, %get3A_1090 : vector<16xf32>
        %mul3A_1092 = arith.constant 256 : i32
        %mul3A_1093 = arith.muli %scan3A_1066, %mul3A_1092 : i32
        %add3A_1094 = arith.constant 64 : i32
        %add3A_1095 = arith.addi %mul3A_1093, %add3A_1094 : i32
        %get3A_1096 = arith.index_cast %add3A_1095 : i32 to index
        %get3A_1097 = tpu.vector_load %arg4[%get3A_1096] {strides = array<i32>} : memref<65536xf32, #tpu.memory_space<vmem>>, vector<16xf32>,
        %max3A_1098 = arith.maximumf %max3A_1091, %get3A_1097 : vector<16xf32>
        %mul3A_1099 = arith.constant 256 : i32
        %mul3A_1100 = arith.muli %scan3A_1066, %mul3A_1099 : i32
        %add3A_1101 = arith.constant 80 : i32
        %add3A_1102 = arith.addi %mul3A_1100, %add3A_1101 : i32
        %get3A_1103 = arith.index_cast %add3A_1102 : i32 to index
        %get3A_1104 = tpu.vector_load %arg4[%get3A_1103] {strides = array<i32>} : memref<65536xf32, #tpu.memory_space<vmem>>, vector<16xf32>,
        %max3A_1105 = arith.maximumf %max3A_1098, %get3A_1104 : vector<16xf32>
        %mul3A_1106 = arith.constant 256 : i32
        %mul3A_1107 = arith.muli %scan3A_1066, %mul3A_1106 : i32
        %add3A_1108 = arith.constant 96 : i32
        %add3A_1109 = arith.addi %mul3A_1107, %add3A_1108 : i32
        %get3A_1110 = arith.index_cast %add3A_1109 : i32 to index
        %get3A_1111 = tpu.vector_load %arg4[%get3A_1110] {strides = array<i32>} : memref<65536xf32, #tpu.memory_space<vmem>>, vector<16xf32>,
        %max3A_1112 = arith.maximumf %max3A_1105, %get3A_1111 : vector<16xf32>
        %mul3A_1113 = arith.constant 256 : i32
        %mul3A_1114 = arith.muli %scan3A_1066, %mul3A_1113 : i32
        %add3A_1115 = arith.constant 112 : i32
        %add3A_1116 = arith.addi %mul3A_1114, %add3A_1115 : i32
        %get3A_1117 = arith.index_cast %add3A_1116 : i32 to index
        %get3A_1118 = tpu.vector_load %arg4[%get3A_1117] {strides = array<i32>} : memref<65536xf32, #tpu.memory_space<vmem>>, vector<16xf32>,
        %max3A_1119 = arith.maximumf %max3A_1112, %get3A_1118 : vector<16xf32>
        %mul3A_1120 = arith.constant 256 : i32
        %mul3A_1121 = arith.muli %scan3A_1066, %mul3A_1120 : i32
        %add3A_1122 = arith.constant 128 : i32
        %add3A_1123 = arith.addi %mul3A_1121, %add3A_1122 : i32
        %get3A_1124 = arith.index_cast %add3A_1123 : i32 to index
        %get3A_1125 = tpu.vector_load %arg4[%get3A_1124] {strides = array<i32>} : memref<65536xf32, #tpu.memory_space<vmem>>, vector<16xf32>,
        %max3A_1126 = arith.maximumf %max3A_1119, %get3A_1125 : vector<16xf32>
        %mul3A_1127 = arith.constant 256 : i32
        %mul3A_1128 = arith.muli %scan3A_1066, %mul3A_1127 : i32
        %add3A_1129 = arith.constant 144 : i32
        %add3A_1130 = arith.addi %mul3A_1128, %add3A_1129 : i32
        %get3A_1131 = arith.index_cast %add3A_1130 : i32 to index
        %get3A_1132 = tpu.vector_load %arg4[%get3A_1131] {strides = array<i32>} : memref<65536xf32, #tpu.memory_space<vmem>>, vector<16xf32>,
        %max3A_1133 = arith.maximumf %max3A_1126, %get3A_1132 : vector<16xf32>
        %mul3A_1134 = arith.constant 256 : i32
        %mul3A_1135 = arith.muli %scan3A_1066, %mul3A_1134 : i32
        %add3A_1136 = arith.constant 160 : i32
        %add3A_1137 = arith.addi %mul3A_1135, %add3A_1136 : i32
        %get3A_1138 = arith.index_cast %add3A_1137 : i32 to index
        %get3A_1139 = tpu.vector_load %arg4[%get3A_1138] {strides = array<i32>} : memref<65536xf32, #tpu.memory_space<vmem>>, vector<16xf32>,
        %max3A_1140 = arith.maximumf %max3A_1133, %get3A_1139 : vector<16xf32>
        %mul3A_1141 = arith.constant 256 : i32
        %mul3A_1142 = arith.muli %scan3A_1066, %mul3A_1141 : i32
        %add3A_1143 = arith.constant 176 : i32
        %add3A_1144 = arith.addi %mul3A_1142, %add3A_1143 : i32
        %get3A_1145 = arith.index_cast %add3A_1144 : i32 to index
        %get3A_1146 = tpu.vector_load %arg4[%get3A_1145] {strides = array<i32>} : memref<65536xf32, #tpu.memory_space<vmem>>, vector<16xf32>,
        %max3A_1147 = arith.maximumf %max3A_1140, %get3A_1146 : vector<16xf32>
        %mul3A_1148 = arith.constant 256 : i32
        %mul3A_1149 = arith.muli %scan3A_1066, %mul3A_1148 : i32
        %add3A_1150 = arith.constant 192 : i32
        %add3A_1151 = arith.addi %mul3A_1149, %add3A_1150 : i32
        %get3A_1152 = arith.index_cast %add3A_1151 : i32 to index
        %get3A_1153 = tpu.vector_load %arg4[%get3A_1152] {strides = array<i32>} : memref<65536xf32, #tpu.memory_space<vmem>>, vector<16xf32>,
        %max3A_1154 = arith.maximumf %max3A_1147, %get3A_1153 : vector<16xf32>
        %mul3A_1155 = arith.constant 256 : i32
        %mul3A_1156 = arith.muli %scan3A_1066, %mul3A_1155 : i32
        %add3A_1157 = arith.constant 208 : i32
        %add3A_1158 = arith.addi %mul3A_1156, %add3A_1157 : i32
        %get3A_1159 = arith.index_cast %add3A_1158 : i32 to index
        %get3A_1160 = tpu.vector_load %arg4[%get3A_1159] {strides = array<i32>} : memref<65536xf32, #tpu.memory_space<vmem>>, vector<16xf32>,
        %max3A_1161 = arith.maximumf %max3A_1154, %get3A_1160 : vector<16xf32>
        %mul3A_1162 = arith.constant 256 : i32
        %mul3A_1163 = arith.muli %scan3A_1066, %mul3A_1162 : i32
        %add3A_1164 = arith.constant 224 : i32
        %add3A_1165 = arith.addi %mul3A_1163, %add3A_1164 : i32
        %get3A_1166 = arith.index_cast %add3A_1165 : i32 to index
        %get3A_1167 = tpu.vector_load %arg4[%get3A_1166] {strides = array<i32>} : memref<65536xf32, #tpu.memory_space<vmem>>, vector<16xf32>,
        %max3A_1168 = arith.maximumf %max3A_1161, %get3A_1167 : vector<16xf32>
        %mul3A_1169 = arith.constant 256 : i32
        %mul3A_1170 = arith.muli %scan3A_1066, %mul3A_1169 : i32
        %add3A_1171 = arith.constant 240 : i32
        %add3A_1172 = arith.addi %mul3A_1170, %add3A_1171 : i32
        %get3A_1173 = arith.index_cast %add3A_1172 : i32 to index
        %get3A_1174 = tpu.vector_load %arg4[%get3A_1173] {strides = array<i32>} : memref<65536xf32, #tpu.memory_space<vmem>>, vector<16xf32>,
        %max3A_1175 = arith.maximumf %max3A_1168, %get3A_1174 : vector<16xf32>
        %mul3A_1176 = arith.constant 16 : i32
        %mul3A_1177 = arith.muli %scan3A_1066, %mul3A_1176 : i32
        %swap3A_1178 = arith.index_cast %mul3A_1177 : i32 to index
        %swap3A_1179 = tpu.vector_load %arg5[%swap3A_1178] {strides = array<i32>} : memref<4096xf32, #tpu.memory_space<vmem>>, vector<16xf32>,
        tpu.vector_store %arg5[%swap3A_1178], %max3A_1175 {strides = array<i32>} : memref<4096xf32, #tpu.memory_space<vmem>>, vector<16xf32>,
        %max3A_1180 = arith.maximumf %max3A_1064, %max3A_1175 : vector<16xf32>
        scf.yield %max3A_1180 : vector<16xf32>
      }
      %scan3A_839 = arith.constant 64 : i32
      %mul3A_840 = arith.constant 2 : i32
      %mul3A_841 = arith.muli %add3A, %mul3A_840 : i32
      %add3A_842 = arith.constant 0 : i32
      %add3A_843 = arith.addi %mul3A_841, %add3A_842 : i32
      %mul3A_844 = arith.constant 16384 : i32
      %mul3A_845 = arith.muli %add3A_843, %mul3A_844 : i32
      %dma_wait3A_846 = arith.constant 0 : i32
      %dma_wait3A_847 = tpu.memref_slice %arg4[%dma_wait3A_846] : memref<65536xf32, #tpu.memory_space<vmem>> -> memref<16384xf32, #tpu.memory_space<vmem>>
      %dma_wait3A_848 = tpu.memref_slice %arg17[%mul3A_845] : memref<491520xf32, #tpu.memory_space<vmem_shared>> -> memref<16384xf32, #tpu.memory_space<vmem_shared>>
      %dma_wait3A_849 = arith.constant 0 : i32
      %dma_wait3A_850 = tpu.memref_slice %arg4[%dma_wait3A_849] : memref<65536xf32, #tpu.memory_space<vmem>> -> memref<16384xf32, #tpu.memory_space<vmem>>
      %dma_wait3A_851 = tpu.memref_slice %arg17[%mul3A_845] : memref<491520xf32, #tpu.memory_space<vmem_shared>> -> memref<16384xf32, #tpu.memory_space<vmem_shared>>
      tpu.wait_dma2 semaphore(%arg23 : memref<!tpu.dma_semaphore, #tpu.memory_space<semaphore_mem>>) src(%dma_wait3A_851 : memref<16384xf32, #tpu.memory_space<vmem_shared>>) dst(%dma_wait3A_850 : memref<16384xf32, #tpu.memory_space<vmem>>)
      %mul3A_852 = arith.constant 2 : i32
      %mul3A_853 = arith.muli %add3A, %mul3A_852 : i32
      %add3A_854 = arith.constant 0 : i32
      %add3A_855 = arith.addi %mul3A_853, %add3A_854 : i32
      %mul3A_856 = arith.constant 16384 : i32
      %mul3A_857 = arith.muli %add3A_855, %mul3A_856 : i32
      %dma_wait3A_858 = tpu.memref_slice %arg17[%mul3A_857] : memref<491520xf32, #tpu.memory_space<vmem_shared>> -> memref<16384xf32, #tpu.memory_space<vmem_shared>>
      %dma_wait3A_859 = arith.constant 0 : i32
      %dma_wait3A_860 = tpu.memref_slice %arg2[%dma_wait3A_859] : memref<1000000xf32, #tpu.memory_space<hbm>> -> memref<16384xf32, #tpu.memory_space<hbm>>
      tpu.wait_dma2 semaphore(%arg22 : memref<!tpu.dma_semaphore, #tpu.memory_space<semaphore_mem>>) src(%dma_wait3A_860 : memref<16384xf32, #tpu.memory_space<hbm>>) dst(%dma_wait3A_858 : memref<16384xf32, #tpu.memory_space<vmem_shared>>)
      %mul3A_861 = arith.constant 2 : i32
      %mul3A_862 = arith.muli %add3A, %mul3A_861 : i32
      %add3A_863 = arith.constant 0 : i32
      %add3A_864 = arith.addi %mul3A_862, %add3A_863 : i32
      %mul3A_865 = arith.constant 16384 : i32
      %mul3A_866 = arith.muli %add3A_864, %mul3A_865 : i32
      %dma_start3A_867 = arith.constant 32768 : i32
      %dma_start3A_868 = tpu.memref_slice %arg4[%dma_start3A_867] : memref<65536xf32, #tpu.memory_space<vmem>> -> memref<16384xf32, #tpu.memory_space<vmem>>
      %dma_start3A_869 = tpu.memref_slice %arg17[%mul3A_866] : memref<491520xf32, #tpu.memory_space<vmem_shared>> -> memref<16384xf32, #tpu.memory_space<vmem_shared>>
      %dma_start3A_870 = arith.constant 32768 : i32
      %dma_start3A_871 = tpu.memref_slice %arg4[%dma_start3A_870] : memref<65536xf32, #tpu.memory_space<vmem>> -> memref<16384xf32, #tpu.memory_space<vmem>>
      %dma_start3A_872 = tpu.memref_slice %arg17[%mul3A_866] : memref<491520xf32, #tpu.memory_space<vmem_shared>> -> memref<16384xf32, #tpu.memory_space<vmem_shared>>
      tpu.enqueue_dma source(%dma_start3A_872 : memref<16384xf32, #tpu.memory_space<vmem_shared>>) target(%dma_start3A_871 : memref<16384xf32, #tpu.memory_space<vmem>>) target_semaphore(%arg23 : memref<!tpu.dma_semaphore, #tpu.memory_space<semaphore_mem>>)
      %mul3A_873 = arith.constant 65536 : i32
      %mul3A_874 = arith.muli %add3A, %mul3A_873 : i32
      %add3A_875 = arith.constant 49152 : i32
      %add3A_876 = arith.addi %mul3A_874, %add3A_875 : i32
      %mul3A_877 = arith.constant 2 : i32
      %mul3A_878 = arith.muli %add3A, %mul3A_877 : i32
      %add3A_879 = arith.constant 1 : i32
      %add3A_880 = arith.addi %mul3A_878, %add3A_879 : i32
      %mul3A_881 = arith.constant 16384 : i32
      %mul3A_882 = arith.muli %add3A_880, %mul3A_881 : i32
      %dma_start3A_883 = tpu.memref_slice %arg17[%mul3A_882] : memref<491520xf32, #tpu.memory_space<vmem_shared>> -> memref<16384xf32, #tpu.memory_space<vmem_shared>>
      %dma_start3A_884 = tpu.memref_slice %arg2[%add3A_876] : memref<1000000xf32, #tpu.memory_space<hbm>> -> memref<16384xf32, #tpu.memory_space<hbm>>
      tpu.enqueue_dma source(%dma_start3A_884 : memref<16384xf32, #tpu.memory_space<hbm>>) target(%dma_start3A_883 : memref<16384xf32, #tpu.memory_space<vmem_shared>>) target_semaphore(%arg22 : memref<!tpu.dma_semaphore, #tpu.memory_space<semaphore_mem>>)
      %scan3A_885 = arith.constant 64 : i32
      %scan3A_886 = arith.constant 64 : i32
      %scan3A_887 = arith.addi %scan3A_885, %scan3A_886 : i32
      %scan3A_888 = arith.constant 2 : i32
      %scan3A_889 = scf.for %scan3A_950 = %scan3A_885 to %scan3A_887 step %scan3A_888 iter_args(%scan3A_951 = %scan3A_838) -> (vector<16xf32>)  : i32 {
        %mul3A_952 = arith.constant 256 : i32
        %mul3A_953 = arith.muli %scan3A_950, %mul3A_952 : i32
        %get3A_954 = arith.index_cast %mul3A_953 : i32 to index
        %get3A_955 = tpu.vector_load %arg4[%get3A_954] {strides = array<i32>} : memref<65536xf32, #tpu.memory_space<vmem>>, vector<16xf32>,
        %mul3A_956 = arith.constant 256 : i32
        %mul3A_957 = arith.muli %scan3A_950, %mul3A_956 : i32
        %add3A_958 = arith.constant 16 : i32
        %add3A_959 = arith.addi %mul3A_957, %add3A_958 : i32
        %get3A_960 = arith.index_cast %add3A_959 : i32 to index
        %get3A_961 = tpu.vector_load %arg4[%get3A_960] {strides = array<i32>} : memref<65536xf32, #tpu.memory_space<vmem>>, vector<16xf32>,
        %max3A = arith.maximumf %get3A_955, %get3A_961 : vector<16xf32>
        %mul3A_962 = arith.constant 256 : i32
        %mul3A_963 = arith.muli %scan3A_950, %mul3A_962 : i32
        %add3A_964 = arith.constant 32 : i32
        %add3A_965 = arith.addi %mul3A_963, %add3A_964 : i32
        %get3A_966 = arith.index_cast %add3A_965 : i32 to index
        %get3A_967 = tpu.vector_load %arg4[%get3A_966] {strides = array<i32>} : memref<65536xf32, #tpu.memory_space<vmem>>, vector<16xf32>,
        %max3A_968 = arith.maximumf %max3A, %get3A_967 : vector<16xf32>
        %mul3A_969 = arith.constant 256 : i32
        %mul3A_970 = arith.muli %scan3A_950, %mul3A_969 : i32
        %add3A_971 = arith.constant 48 : i32
        %add3A_972 = arith.addi %mul3A_970, %add3A_971 : i32
        %get3A_973 = arith.index_cast %add3A_972 : i32 to index
        %get3A_974 = tpu.vector_load %arg4[%get3A_973] {strides = array<i32>} : memref<65536xf32, #tpu.memory_space<vmem>>, vector<16xf32>,
        %max3A_975 = arith.maximumf %max3A_968, %get3A_974 : vector<16xf32>
        %mul3A_976 = arith.constant 256 : i32
        %mul3A_977 = arith.muli %scan3A_950, %mul3A_976 : i32
        %add3A_978 = arith.constant 64 : i32
        %add3A_979 = arith.addi %mul3A_977, %add3A_978 : i32
        %get3A_980 = arith.index_cast %add3A_979 : i32 to index
        %get3A_981 = tpu.vector_load %arg4[%get3A_980] {strides = array<i32>} : memref<65536xf32, #tpu.memory_space<vmem>>, vector<16xf32>,
        %max3A_982 = arith.maximumf %max3A_975, %get3A_981 : vector<16xf32>
        %mul3A_983 = arith.constant 256 : i32
        %mul3A_984 = arith.muli %scan3A_950, %mul3A_983 : i32
        %add3A_985 = arith.constant 80 : i32
        %add3A_986 = arith.addi %mul3A_984, %add3A_985 : i32
        %get3A_987 = arith.index_cast %add3A_986 : i32 to index
        %get3A_988 = tpu.vector_load %arg4[%get3A_987] {strides = array<i32>} : memref<65536xf32, #tpu.memory_space<vmem>>, vector<16xf32>,
        %max3A_989 = arith.maximumf %max3A_982, %get3A_988 : vector<16xf32>
        %mul3A_990 = arith.constant 256 : i32
        %mul3A_991 = arith.muli %scan3A_950, %mul3A_990 : i32
        %add3A_992 = arith.constant 96 : i32
        %add3A_993 = arith.addi %mul3A_991, %add3A_992 : i32
        %get3A_994 = arith.index_cast %add3A_993 : i32 to index
        %get3A_995 = tpu.vector_load %arg4[%get3A_994] {strides = array<i32>} : memref<65536xf32, #tpu.memory_space<vmem>>, vector<16xf32>,
        %max3A_996 = arith.maximumf %max3A_989, %get3A_995 : vector<16xf32>
        %mul3A_997 = arith.constant 256 : i32
        %mul3A_998 = arith.muli %scan3A_950, %mul3A_997 : i32
        %add3A_999 = arith.constant 112 : i32
        %add3A_1000 = arith.addi %mul3A_998, %add3A_999 : i32
        %get3A_1001 = arith.index_cast %add3A_1000 : i32 to index
        %get3A_1002 = tpu.vector_load %arg4[%get3A_1001] {strides = array<i32>} : memref<65536xf32, #tpu.memory_space<vmem>>, vector<16xf32>,
        %max3A_1003 = arith.maximumf %max3A_996, %get3A_1002 : vector<16xf32>
        %mul3A_1004 = arith.constant 256 : i32
        %mul3A_1005 = arith.muli %scan3A_950, %mul3A_1004 : i32
        %add3A_1006 = arith.constant 128 : i32
        %add3A_1007 = arith.addi %mul3A_1005, %add3A_1006 : i32
        %get3A_1008 = arith.index_cast %add3A_1007 : i32 to index
        %get3A_1009 = tpu.vector_load %arg4[%get3A_1008] {strides = array<i32>} : memref<65536xf32, #tpu.memory_space<vmem>>, vector<16xf32>,
        %max3A_1010 = arith.maximumf %max3A_1003, %get3A_1009 : vector<16xf32>
        %mul3A_1011 = arith.constant 256 : i32
        %mul3A_1012 = arith.muli %scan3A_950, %mul3A_1011 : i32
        %add3A_1013 = arith.constant 144 : i32
        %add3A_1014 = arith.addi %mul3A_1012, %add3A_1013 : i32
        %get3A_1015 = arith.index_cast %add3A_1014 : i32 to index
        %get3A_1016 = tpu.vector_load %arg4[%get3A_1015] {strides = array<i32>} : memref<65536xf32, #tpu.memory_space<vmem>>, vector<16xf32>,
        %max3A_1017 = arith.maximumf %max3A_1010, %get3A_1016 : vector<16xf32>
        %mul3A_1018 = arith.constant 256 : i32
        %mul3A_1019 = arith.muli %scan3A_950, %mul3A_1018 : i32
        %add3A_1020 = arith.constant 160 : i32
        %add3A_1021 = arith.addi %mul3A_1019, %add3A_1020 : i32
        %get3A_1022 = arith.index_cast %add3A_1021 : i32 to index
        %get3A_1023 = tpu.vector_load %arg4[%get3A_1022] {strides = array<i32>} : memref<65536xf32, #tpu.memory_space<vmem>>, vector<16xf32>,
        %max3A_1024 = arith.maximumf %max3A_1017, %get3A_1023 : vector<16xf32>
        %mul3A_1025 = arith.constant 256 : i32
        %mul3A_1026 = arith.muli %scan3A_950, %mul3A_1025 : i32
        %add3A_1027 = arith.constant 176 : i32
        %add3A_1028 = arith.addi %mul3A_1026, %add3A_1027 : i32
        %get3A_1029 = arith.index_cast %add3A_1028 : i32 to index
        %get3A_1030 = tpu.vector_load %arg4[%get3A_1029] {strides = array<i32>} : memref<65536xf32, #tpu.memory_space<vmem>>, vector<16xf32>,
        %max3A_1031 = arith.maximumf %max3A_1024, %get3A_1030 : vector<16xf32>
        %mul3A_1032 = arith.constant 256 : i32
        %mul3A_1033 = arith.muli %scan3A_950, %mul3A_1032 : i32
        %add3A_1034 = arith.constant 192 : i32
        %add3A_1035 = arith.addi %mul3A_1033, %add3A_1034 : i32
        %get3A_1036 = arith.index_cast %add3A_1035 : i32 to index
        %get3A_1037 = tpu.vector_load %arg4[%get3A_1036] {strides = array<i32>} : memref<65536xf32, #tpu.memory_space<vmem>>, vector<16xf32>,
        %max3A_1038 = arith.maximumf %max3A_1031, %get3A_1037 : vector<16xf32>
        %mul3A_1039 = arith.constant 256 : i32
        %mul3A_1040 = arith.muli %scan3A_950, %mul3A_1039 : i32
        %add3A_1041 = arith.constant 208 : i32
        %add3A_1042 = arith.addi %mul3A_1040, %add3A_1041 : i32
        %get3A_1043 = arith.index_cast %add3A_1042 : i32 to index
        %get3A_1044 = tpu.vector_load %arg4[%get3A_1043] {strides = array<i32>} : memref<65536xf32, #tpu.memory_space<vmem>>, vector<16xf32>,
        %max3A_1045 = arith.maximumf %max3A_1038, %get3A_1044 : vector<16xf32>
        %mul3A_1046 = arith.constant 256 : i32
        %mul3A_1047 = arith.muli %scan3A_950, %mul3A_1046 : i32
        %add3A_1048 = arith.constant 224 : i32
        %add3A_1049 = arith.addi %mul3A_1047, %add3A_1048 : i32
        %get3A_1050 = arith.index_cast %add3A_1049 : i32 to index
        %get3A_1051 = tpu.vector_load %arg4[%get3A_1050] {strides = array<i32>} : memref<65536xf32, #tpu.memory_space<vmem>>, vector<16xf32>,
        %max3A_1052 = arith.maximumf %max3A_1045, %get3A_1051 : vector<16xf32>
        %mul3A_1053 = arith.constant 256 : i32
        %mul3A_1054 = arith.muli %scan3A_950, %mul3A_1053 : i32
        %add3A_1055 = arith.constant 240 : i32
        %add3A_1056 = arith.addi %mul3A_1054, %add3A_1055 : i32
        %get3A_1057 = arith.index_cast %add3A_1056 : i32 to index
        %get3A_1058 = tpu.vector_load %arg4[%get3A_1057] {strides = array<i32>} : memref<65536xf32, #tpu.memory_space<vmem>>, vector<16xf32>,
        %max3A_1059 = arith.maximumf %max3A_1052, %get3A_1058 : vector<16xf32>
        %mul3A_1060 = arith.constant 16 : i32
        %mul3A_1061 = arith.muli %scan3A_950, %mul3A_1060 : i32
        %swap3A_1062 = arith.index_cast %mul3A_1061 : i32 to index
        %swap3A_1063 = tpu.vector_load %arg5[%swap3A_1062] {strides = array<i32>} : memref<4096xf32, #tpu.memory_space<vmem>>, vector<16xf32>,
        tpu.vector_store %arg5[%swap3A_1062], %max3A_1059 {strides = array<i32>} : memref<4096xf32, #tpu.memory_space<vmem>>, vector<16xf32>,
        %max3A_1064 = arith.maximumf %scan3A_951, %max3A_1059 : vector<16xf32>
        %scan3A_1065 = arith.constant 1 : i32
        %scan3A_1066 = arith.addi %scan3A_950, %scan3A_1065 : i32
        %mul3A_1067 = arith.constant 256 : i32
        %mul3A_1068 = arith.muli %scan3A_1066, %mul3A_1067 : i32
        %get3A_1069 = arith.index_cast %mul3A_1068 : i32 to index
        %get3A_1070 = tpu.vector_load %arg4[%get3A_1069] {strides = array<i32>} : memref<65536xf32, #tpu.memory_space<vmem>>, vector<16xf32>,
        %mul3A_1071 = arith.constant 256 : i32
        %mul3A_1072 = arith.muli %scan3A_1066, %mul3A_1071 : i32
        %add3A_1073 = arith.constant 16 : i32
        %add3A_1074 = arith.addi %mul3A_1072, %add3A_1073 : i32
        %get3A_1075 = arith.index_cast %add3A_1074 : i32 to index
        %get3A_1076 = tpu.vector_load %arg4[%get3A_1075] {strides = array<i32>} : memref<65536xf32, #tpu.memory_space<vmem>>, vector<16xf32>,
        %max3A_1077 = arith.maximumf %get3A_1070, %get3A_1076 : vector<16xf32>
        %mul3A_1078 = arith.constant 256 : i32
        %mul3A_1079 = arith.muli %scan3A_1066, %mul3A_1078 : i32
        %add3A_1080 = arith.constant 32 : i32
        %add3A_1081 = arith.addi %mul3A_1079, %add3A_1080 : i32
        %get3A_1082 = arith.index_cast %add3A_1081 : i32 to index
        %get3A_1083 = tpu.vector_load %arg4[%get3A_1082] {strides = array<i32>} : memref<65536xf32, #tpu.memory_space<vmem>>, vector<16xf32>,
        %max3A_1084 = arith.maximumf %max3A_1077, %get3A_1083 : vector<16xf32>
        %mul3A_1085 = arith.constant 256 : i32
        %mul3A_1086 = arith.muli %scan3A_1066, %mul3A_1085 : i32
        %add3A_1087 = arith.constant 48 : i32
        %add3A_1088 = arith.addi %mul3A_1086, %add3A_1087 : i32
        %get3A_1089 = arith.index_cast %add3A_1088 : i32 to index
        %get3A_1090 = tpu.vector_load %arg4[%get3A_1089] {strides = array<i32>} : memref<65536xf32, #tpu.memory_space<vmem>>, vector<16xf32>,
        %max3A_1091 = arith.maximumf %max3A_1084, %get3A_1090 : vector<16xf32>
        %mul3A_1092 = arith.constant 256 : i32
        %mul3A_1093 = arith.muli %scan3A_1066, %mul3A_1092 : i32
        %add3A_1094 = arith.constant 64 : i32
        %add3A_1095 = arith.addi %mul3A_1093, %add3A_1094 : i32
        %get3A_1096 = arith.index_cast %add3A_1095 : i32 to index
        %get3A_1097 = tpu.vector_load %arg4[%get3A_1096] {strides = array<i32>} : memref<65536xf32, #tpu.memory_space<vmem>>, vector<16xf32>,
        %max3A_1098 = arith.maximumf %max3A_1091, %get3A_1097 : vector<16xf32>
        %mul3A_1099 = arith.constant 256 : i32
        %mul3A_1100 = arith.muli %scan3A_1066, %mul3A_1099 : i32
        %add3A_1101 = arith.constant 80 : i32
        %add3A_1102 = arith.addi %mul3A_1100, %add3A_1101 : i32
        %get3A_1103 = arith.index_cast %add3A_1102 : i32 to index
        %get3A_1104 = tpu.vector_load %arg4[%get3A_1103] {strides = array<i32>} : memref<65536xf32, #tpu.memory_space<vmem>>, vector<16xf32>,
        %max3A_1105 = arith.maximumf %max3A_1098, %get3A_1104 : vector<16xf32>
        %mul3A_1106 = arith.constant 256 : i32
        %mul3A_1107 = arith.muli %scan3A_1066, %mul3A_1106 : i32
        %add3A_1108 = arith.constant 96 : i32
        %add3A_1109 = arith.addi %mul3A_1107, %add3A_1108 : i32
        %get3A_1110 = arith.index_cast %add3A_1109 : i32 to index
        %get3A_1111 = tpu.vector_load %arg4[%get3A_1110] {strides = array<i32>} : memref<65536xf32, #tpu.memory_space<vmem>>, vector<16xf32>,
        %max3A_1112 = arith.maximumf %max3A_1105, %get3A_1111 : vector<16xf32>
        %mul3A_1113 = arith.constant 256 : i32
        %mul3A_1114 = arith.muli %scan3A_1066, %mul3A_1113 : i32
        %add3A_1115 = arith.constant 112 : i32
        %add3A_1116 = arith.addi %mul3A_1114, %add3A_1115 : i32
        %get3A_1117 = arith.index_cast %add3A_1116 : i32 to index
        %get3A_1118 = tpu.vector_load %arg4[%get3A_1117] {strides = array<i32>} : memref<65536xf32, #tpu.memory_space<vmem>>, vector<16xf32>,
        %max3A_1119 = arith.maximumf %max3A_1112, %get3A_1118 : vector<16xf32>
        %mul3A_1120 = arith.constant 256 : i32
        %mul3A_1121 = arith.muli %scan3A_1066, %mul3A_1120 : i32
        %add3A_1122 = arith.constant 128 : i32
        %add3A_1123 = arith.addi %mul3A_1121, %add3A_1122 : i32
        %get3A_1124 = arith.index_cast %add3A_1123 : i32 to index
        %get3A_1125 = tpu.vector_load %arg4[%get3A_1124] {strides = array<i32>} : memref<65536xf32, #tpu.memory_space<vmem>>, vector<16xf32>,
        %max3A_1126 = arith.maximumf %max3A_1119, %get3A_1125 : vector<16xf32>
        %mul3A_1127 = arith.constant 256 : i32
        %mul3A_1128 = arith.muli %scan3A_1066, %mul3A_1127 : i32
        %add3A_1129 = arith.constant 144 : i32
        %add3A_1130 = arith.addi %mul3A_1128, %add3A_1129 : i32
        %get3A_1131 = arith.index_cast %add3A_1130 : i32 to index
        %get3A_1132 = tpu.vector_load %arg4[%get3A_1131] {strides = array<i32>} : memref<65536xf32, #tpu.memory_space<vmem>>, vector<16xf32>,
        %max3A_1133 = arith.maximumf %max3A_1126, %get3A_1132 : vector<16xf32>
        %mul3A_1134 = arith.constant 256 : i32
        %mul3A_1135 = arith.muli %scan3A_1066, %mul3A_1134 : i32
        %add3A_1136 = arith.constant 160 : i32
        %add3A_1137 = arith.addi %mul3A_1135, %add3A_1136 : i32
        %get3A_1138 = arith.index_cast %add3A_1137 : i32 to index
        %get3A_1139 = tpu.vector_load %arg4[%get3A_1138] {strides = array<i32>} : memref<65536xf32, #tpu.memory_space<vmem>>, vector<16xf32>,
        %max3A_1140 = arith.maximumf %max3A_1133, %get3A_1139 : vector<16xf32>
        %mul3A_1141 = arith.constant 256 : i32
        %mul3A_1142 = arith.muli %scan3A_1066, %mul3A_1141 : i32
        %add3A_1143 = arith.constant 176 : i32
        %add3A_1144 = arith.addi %mul3A_1142, %add3A_1143 : i32
        %get3A_1145 = arith.index_cast %add3A_1144 : i32 to index
        %get3A_1146 = tpu.vector_load %arg4[%get3A_1145] {strides = array<i32>} : memref<65536xf32, #tpu.memory_space<vmem>>, vector<16xf32>,
        %max3A_1147 = arith.maximumf %max3A_1140, %get3A_1146 : vector<16xf32>
        %mul3A_1148 = arith.constant 256 : i32
        %mul3A_1149 = arith.muli %scan3A_1066, %mul3A_1148 : i32
        %add3A_1150 = arith.constant 192 : i32
        %add3A_1151 = arith.addi %mul3A_1149, %add3A_1150 : i32
        %get3A_1152 = arith.index_cast %add3A_1151 : i32 to index
        %get3A_1153 = tpu.vector_load %arg4[%get3A_1152] {strides = array<i32>} : memref<65536xf32, #tpu.memory_space<vmem>>, vector<16xf32>,
        %max3A_1154 = arith.maximumf %max3A_1147, %get3A_1153 : vector<16xf32>
        %mul3A_1155 = arith.constant 256 : i32
        %mul3A_1156 = arith.muli %scan3A_1066, %mul3A_1155 : i32
        %add3A_1157 = arith.constant 208 : i32
        %add3A_1158 = arith.addi %mul3A_1156, %add3A_1157 : i32
        %get3A_1159 = arith.index_cast %add3A_1158 : i32 to index
        %get3A_1160 = tpu.vector_load %arg4[%get3A_1159] {strides = array<i32>} : memref<65536xf32, #tpu.memory_space<vmem>>, vector<16xf32>,
        %max3A_1161 = arith.maximumf %max3A_1154, %get3A_1160 : vector<16xf32>
        %mul3A_1162 = arith.constant 256 : i32
        %mul3A_1163 = arith.muli %scan3A_1066, %mul3A_1162 : i32
        %add3A_1164 = arith.constant 224 : i32
        %add3A_1165 = arith.addi %mul3A_1163, %add3A_1164 : i32
        %get3A_1166 = arith.index_cast %add3A_1165 : i32 to index
        %get3A_1167 = tpu.vector_load %arg4[%get3A_1166] {strides = array<i32>} : memref<65536xf32, #tpu.memory_space<vmem>>, vector<16xf32>,
        %max3A_1168 = arith.maximumf %max3A_1161, %get3A_1167 : vector<16xf32>
        %mul3A_1169 = arith.constant 256 : i32
        %mul3A_1170 = arith.muli %scan3A_1066, %mul3A_1169 : i32
        %add3A_1171 = arith.constant 240 : i32
        %add3A_1172 = arith.addi %mul3A_1170, %add3A_1171 : i32
        %get3A_1173 = arith.index_cast %add3A_1172 : i32 to index
        %get3A_1174 = tpu.vector_load %arg4[%get3A_1173] {strides = array<i32>} : memref<65536xf32, #tpu.memory_space<vmem>>, vector<16xf32>,
        %max3A_1175 = arith.maximumf %max3A_1168, %get3A_1174 : vector<16xf32>
        %mul3A_1176 = arith.constant 16 : i32
        %mul3A_1177 = arith.muli %scan3A_1066, %mul3A_1176 : i32
        %swap3A_1178 = arith.index_cast %mul3A_1177 : i32 to index
        %swap3A_1179 = tpu.vector_load %arg5[%swap3A_1178] {strides = array<i32>} : memref<4096xf32, #tpu.memory_space<vmem>>, vector<16xf32>,
        tpu.vector_store %arg5[%swap3A_1178], %max3A_1175 {strides = array<i32>} : memref<4096xf32, #tpu.memory_space<vmem>>, vector<16xf32>,
        %max3A_1180 = arith.maximumf %max3A_1064, %max3A_1175 : vector<16xf32>
        scf.yield %max3A_1180 : vector<16xf32>
      }
      %scan3A_890 = arith.constant 64 : i32
      %mul3A_891 = arith.constant 2 : i32
      %mul3A_892 = arith.muli %add3A, %mul3A_891 : i32
      %add3A_893 = arith.constant 0 : i32
      %add3A_894 = arith.addi %mul3A_892, %add3A_893 : i32
      %mul3A_895 = arith.constant 16384 : i32
      %mul3A_896 = arith.muli %add3A_894, %mul3A_895 : i32
      %dma_wait3A_897 = arith.constant 0 : i32
      %dma_wait3A_898 = tpu.memref_slice %arg4[%dma_wait3A_897] : memref<65536xf32, #tpu.memory_space<vmem>> -> memref<16384xf32, #tpu.memory_space<vmem>>
      %dma_wait3A_899 = tpu.memref_slice %arg17[%mul3A_896] : memref<491520xf32, #tpu.memory_space<vmem_shared>> -> memref<16384xf32, #tpu.memory_space<vmem_shared>>
      %dma_wait3A_900 = arith.constant 0 : i32
      %dma_wait3A_901 = tpu.memref_slice %arg4[%dma_wait3A_900] : memref<65536xf32, #tpu.memory_space<vmem>> -> memref<16384xf32, #tpu.memory_space<vmem>>
      %dma_wait3A_902 = tpu.memref_slice %arg17[%mul3A_896] : memref<491520xf32, #tpu.memory_space<vmem_shared>> -> memref<16384xf32, #tpu.memory_space<vmem_shared>>
      tpu.wait_dma2 semaphore(%arg23 : memref<!tpu.dma_semaphore, #tpu.memory_space<semaphore_mem>>) src(%dma_wait3A_902 : memref<16384xf32, #tpu.memory_space<vmem_shared>>) dst(%dma_wait3A_901 : memref<16384xf32, #tpu.memory_space<vmem>>)
      %mul3A_903 = arith.constant 2 : i32
      %mul3A_904 = arith.muli %add3A, %mul3A_903 : i32
      %add3A_905 = arith.constant 0 : i32
      %add3A_906 = arith.addi %mul3A_904, %add3A_905 : i32
      %mul3A_907 = arith.constant 16384 : i32
      %mul3A_908 = arith.muli %add3A_906, %mul3A_907 : i32
      %dma_wait3A_909 = tpu.memref_slice %arg17[%mul3A_908] : memref<491520xf32, #tpu.memory_space<vmem_shared>> -> memref<16384xf32, #tpu.memory_space<vmem_shared>>
      %dma_wait3A_910 = arith.constant 0 : i32
      %dma_wait3A_911 = tpu.memref_slice %arg2[%dma_wait3A_910] : memref<1000000xf32, #tpu.memory_space<hbm>> -> memref<16384xf32, #tpu.memory_space<hbm>>
      tpu.wait_dma2 semaphore(%arg22 : memref<!tpu.dma_semaphore, #tpu.memory_space<semaphore_mem>>) src(%dma_wait3A_911 : memref<16384xf32, #tpu.memory_space<hbm>>) dst(%dma_wait3A_909 : memref<16384xf32, #tpu.memory_space<vmem_shared>>)
      %mul3A_912 = arith.constant 2 : i32
      %mul3A_913 = arith.muli %add3A, %mul3A_912 : i32
      %add3A_914 = arith.constant 1 : i32
      %add3A_915 = arith.addi %mul3A_913, %add3A_914 : i32
      %mul3A_916 = arith.constant 16384 : i32
      %mul3A_917 = arith.muli %add3A_915, %mul3A_916 : i32
      %dma_start3A_918 = arith.constant 49152 : i32
      %dma_start3A_919 = tpu.memref_slice %arg4[%dma_start3A_918] : memref<65536xf32, #tpu.memory_space<vmem>> -> memref<16384xf32, #tpu.memory_space<vmem>>
      %dma_start3A_920 = tpu.memref_slice %arg17[%mul3A_917] : memref<491520xf32, #tpu.memory_space<vmem_shared>> -> memref<16384xf32, #tpu.memory_space<vmem_shared>>
      %dma_start3A_921 = arith.constant 49152 : i32
      %dma_start3A_922 = tpu.memref_slice %arg4[%dma_start3A_921] : memref<65536xf32, #tpu.memory_space<vmem>> -> memref<16384xf32, #tpu.memory_space<vmem>>
      %dma_start3A_923 = tpu.memref_slice %arg17[%mul3A_917] : memref<491520xf32, #tpu.memory_space<vmem_shared>> -> memref<16384xf32, #tpu.memory_space<vmem_shared>>
      tpu.enqueue_dma source(%dma_start3A_923 : memref<16384xf32, #tpu.memory_space<vmem_shared>>) target(%dma_start3A_922 : memref<16384xf32, #tpu.memory_space<vmem>>) target_semaphore(%arg23 : memref<!tpu.dma_semaphore, #tpu.memory_space<semaphore_mem>>)
      %scan3A_924 = arith.constant 128 : i32
      %scan3A_925 = arith.constant 64 : i32
      %scan3A_926 = arith.addi %scan3A_924, %scan3A_925 : i32
      %scan3A_927 = arith.constant 2 : i32
      %scan3A_928 = scf.for %scan3A_950 = %scan3A_924 to %scan3A_926 step %scan3A_927 iter_args(%scan3A_951 = %scan3A_889) -> (vector<16xf32>)  : i32 {
        %mul3A_952 = arith.constant 256 : i32
        %mul3A_953 = arith.muli %scan3A_950, %mul3A_952 : i32
        %get3A_954 = arith.index_cast %mul3A_953 : i32 to index
        %get3A_955 = tpu.vector_load %arg4[%get3A_954] {strides = array<i32>} : memref<65536xf32, #tpu.memory_space<vmem>>, vector<16xf32>,
        %mul3A_956 = arith.constant 256 : i32
        %mul3A_957 = arith.muli %scan3A_950, %mul3A_956 : i32
        %add3A_958 = arith.constant 16 : i32
        %add3A_959 = arith.addi %mul3A_957, %add3A_958 : i32
        %get3A_960 = arith.index_cast %add3A_959 : i32 to index
        %get3A_961 = tpu.vector_load %arg4[%get3A_960] {strides = array<i32>} : memref<65536xf32, #tpu.memory_space<vmem>>, vector<16xf32>,
        %max3A = arith.maximumf %get3A_955, %get3A_961 : vector<16xf32>
        %mul3A_962 = arith.constant 256 : i32
        %mul3A_963 = arith.muli %scan3A_950, %mul3A_962 : i32
        %add3A_964 = arith.constant 32 : i32
        %add3A_965 = arith.addi %mul3A_963, %add3A_964 : i32
        %get3A_966 = arith.index_cast %add3A_965 : i32 to index
        %get3A_967 = tpu.vector_load %arg4[%get3A_966] {strides = array<i32>} : memref<65536xf32, #tpu.memory_space<vmem>>, vector<16xf32>,
        %max3A_968 = arith.maximumf %max3A, %get3A_967 : vector<16xf32>
        %mul3A_969 = arith.constant 256 : i32
        %mul3A_970 = arith.muli %scan3A_950, %mul3A_969 : i32
        %add3A_971 = arith.constant 48 : i32
        %add3A_972 = arith.addi %mul3A_970, %add3A_971 : i32
        %get3A_973 = arith.index_cast %add3A_972 : i32 to index
        %get3A_974 = tpu.vector_load %arg4[%get3A_973] {strides = array<i32>} : memref<65536xf32, #tpu.memory_space<vmem>>, vector<16xf32>,
        %max3A_975 = arith.maximumf %max3A_968, %get3A_974 : vector<16xf32>
        %mul3A_976 = arith.constant 256 : i32
        %mul3A_977 = arith.muli %scan3A_950, %mul3A_976 : i32
        %add3A_978 = arith.constant 64 : i32
        %add3A_979 = arith.addi %mul3A_977, %add3A_978 : i32
        %get3A_980 = arith.index_cast %add3A_979 : i32 to index
        %get3A_981 = tpu.vector_load %arg4[%get3A_980] {strides = array<i32>} : memref<65536xf32, #tpu.memory_space<vmem>>, vector<16xf32>,
        %max3A_982 = arith.maximumf %max3A_975, %get3A_981 : vector<16xf32>
        %mul3A_983 = arith.constant 256 : i32
        %mul3A_984 = arith.muli %scan3A_950, %mul3A_983 : i32
        %add3A_985 = arith.constant 80 : i32
        %add3A_986 = arith.addi %mul3A_984, %add3A_985 : i32
        %get3A_987 = arith.index_cast %add3A_986 : i32 to index
        %get3A_988 = tpu.vector_load %arg4[%get3A_987] {strides = array<i32>} : memref<65536xf32, #tpu.memory_space<vmem>>, vector<16xf32>,
        %max3A_989 = arith.maximumf %max3A_982, %get3A_988 : vector<16xf32>
        %mul3A_990 = arith.constant 256 : i32
        %mul3A_991 = arith.muli %scan3A_950, %mul3A_990 : i32
        %add3A_992 = arith.constant 96 : i32
        %add3A_993 = arith.addi %mul3A_991, %add3A_992 : i32
        %get3A_994 = arith.index_cast %add3A_993 : i32 to index
        %get3A_995 = tpu.vector_load %arg4[%get3A_994] {strides = array<i32>} : memref<65536xf32, #tpu.memory_space<vmem>>, vector<16xf32>,
        %max3A_996 = arith.maximumf %max3A_989, %get3A_995 : vector<16xf32>
        %mul3A_997 = arith.constant 256 : i32
        %mul3A_998 = arith.muli %scan3A_950, %mul3A_997 : i32
        %add3A_999 = arith.constant 112 : i32
        %add3A_1000 = arith.addi %mul3A_998, %add3A_999 : i32
        %get3A_1001 = arith.index_cast %add3A_1000 : i32 to index
        %get3A_1002 = tpu.vector_load %arg4[%get3A_1001] {strides = array<i32>} : memref<65536xf32, #tpu.memory_space<vmem>>, vector<16xf32>,
        %max3A_1003 = arith.maximumf %max3A_996, %get3A_1002 : vector<16xf32>
        %mul3A_1004 = arith.constant 256 : i32
        %mul3A_1005 = arith.muli %scan3A_950, %mul3A_1004 : i32
        %add3A_1006 = arith.constant 128 : i32
        %add3A_1007 = arith.addi %mul3A_1005, %add3A_1006 : i32
        %get3A_1008 = arith.index_cast %add3A_1007 : i32 to index
        %get3A_1009 = tpu.vector_load %arg4[%get3A_1008] {strides = array<i32>} : memref<65536xf32, #tpu.memory_space<vmem>>, vector<16xf32>,
        %max3A_1010 = arith.maximumf %max3A_1003, %get3A_1009 : vector<16xf32>
        %mul3A_1011 = arith.constant 256 : i32
        %mul3A_1012 = arith.muli %scan3A_950, %mul3A_1011 : i32
        %add3A_1013 = arith.constant 144 : i32
        %add3A_1014 = arith.addi %mul3A_1012, %add3A_1013 : i32
        %get3A_1015 = arith.index_cast %add3A_1014 : i32 to index
        %get3A_1016 = tpu.vector_load %arg4[%get3A_1015] {strides = array<i32>} : memref<65536xf32, #tpu.memory_space<vmem>>, vector<16xf32>,
        %max3A_1017 = arith.maximumf %max3A_1010, %get3A_1016 : vector<16xf32>
        %mul3A_1018 = arith.constant 256 : i32
        %mul3A_1019 = arith.muli %scan3A_950, %mul3A_1018 : i32
        %add3A_1020 = arith.constant 160 : i32
        %add3A_1021 = arith.addi %mul3A_1019, %add3A_1020 : i32
        %get3A_1022 = arith.index_cast %add3A_1021 : i32 to index
        %get3A_1023 = tpu.vector_load %arg4[%get3A_1022] {strides = array<i32>} : memref<65536xf32, #tpu.memory_space<vmem>>, vector<16xf32>,
        %max3A_1024 = arith.maximumf %max3A_1017, %get3A_1023 : vector<16xf32>
        %mul3A_1025 = arith.constant 256 : i32
        %mul3A_1026 = arith.muli %scan3A_950, %mul3A_1025 : i32
        %add3A_1027 = arith.constant 176 : i32
        %add3A_1028 = arith.addi %mul3A_1026, %add3A_1027 : i32
        %get3A_1029 = arith.index_cast %add3A_1028 : i32 to index
        %get3A_1030 = tpu.vector_load %arg4[%get3A_1029] {strides = array<i32>} : memref<65536xf32, #tpu.memory_space<vmem>>, vector<16xf32>,
        %max3A_1031 = arith.maximumf %max3A_1024, %get3A_1030 : vector<16xf32>
        %mul3A_1032 = arith.constant 256 : i32
        %mul3A_1033 = arith.muli %scan3A_950, %mul3A_1032 : i32
        %add3A_1034 = arith.constant 192 : i32
        %add3A_1035 = arith.addi %mul3A_1033, %add3A_1034 : i32
        %get3A_1036 = arith.index_cast %add3A_1035 : i32 to index
        %get3A_1037 = tpu.vector_load %arg4[%get3A_1036] {strides = array<i32>} : memref<65536xf32, #tpu.memory_space<vmem>>, vector<16xf32>,
        %max3A_1038 = arith.maximumf %max3A_1031, %get3A_1037 : vector<16xf32>
        %mul3A_1039 = arith.constant 256 : i32
        %mul3A_1040 = arith.muli %scan3A_950, %mul3A_1039 : i32
        %add3A_1041 = arith.constant 208 : i32
        %add3A_1042 = arith.addi %mul3A_1040, %add3A_1041 : i32
        %get3A_1043 = arith.index_cast %add3A_1042 : i32 to index
        %get3A_1044 = tpu.vector_load %arg4[%get3A_1043] {strides = array<i32>} : memref<65536xf32, #tpu.memory_space<vmem>>, vector<16xf32>,
        %max3A_1045 = arith.maximumf %max3A_1038, %get3A_1044 : vector<16xf32>
        %mul3A_1046 = arith.constant 256 : i32
        %mul3A_1047 = arith.muli %scan3A_950, %mul3A_1046 : i32
        %add3A_1048 = arith.constant 224 : i32
        %add3A_1049 = arith.addi %mul3A_1047, %add3A_1048 : i32
        %get3A_1050 = arith.index_cast %add3A_1049 : i32 to index
        %get3A_1051 = tpu.vector_load %arg4[%get3A_1050] {strides = array<i32>} : memref<65536xf32, #tpu.memory_space<vmem>>, vector<16xf32>,
        %max3A_1052 = arith.maximumf %max3A_1045, %get3A_1051 : vector<16xf32>
        %mul3A_1053 = arith.constant 256 : i32
        %mul3A_1054 = arith.muli %scan3A_950, %mul3A_1053 : i32
        %add3A_1055 = arith.constant 240 : i32
        %add3A_1056 = arith.addi %mul3A_1054, %add3A_1055 : i32
        %get3A_1057 = arith.index_cast %add3A_1056 : i32 to index
        %get3A_1058 = tpu.vector_load %arg4[%get3A_1057] {strides = array<i32>} : memref<65536xf32, #tpu.memory_space<vmem>>, vector<16xf32>,
        %max3A_1059 = arith.maximumf %max3A_1052, %get3A_1058 : vector<16xf32>
        %mul3A_1060 = arith.constant 16 : i32
        %mul3A_1061 = arith.muli %scan3A_950, %mul3A_1060 : i32
        %swap3A_1062 = arith.index_cast %mul3A_1061 : i32 to index
        %swap3A_1063 = tpu.vector_load %arg5[%swap3A_1062] {strides = array<i32>} : memref<4096xf32, #tpu.memory_space<vmem>>, vector<16xf32>,
        tpu.vector_store %arg5[%swap3A_1062], %max3A_1059 {strides = array<i32>} : memref<4096xf32, #tpu.memory_space<vmem>>, vector<16xf32>,
        %max3A_1064 = arith.maximumf %scan3A_951, %max3A_1059 : vector<16xf32>
        %scan3A_1065 = arith.constant 1 : i32
        %scan3A_1066 = arith.addi %scan3A_950, %scan3A_1065 : i32
        %mul3A_1067 = arith.constant 256 : i32
        %mul3A_1068 = arith.muli %scan3A_1066, %mul3A_1067 : i32
        %get3A_1069 = arith.index_cast %mul3A_1068 : i32 to index
        %get3A_1070 = tpu.vector_load %arg4[%get3A_1069] {strides = array<i32>} : memref<65536xf32, #tpu.memory_space<vmem>>, vector<16xf32>,
        %mul3A_1071 = arith.constant 256 : i32
        %mul3A_1072 = arith.muli %scan3A_1066, %mul3A_1071 : i32
        %add3A_1073 = arith.constant 16 : i32
        %add3A_1074 = arith.addi %mul3A_1072, %add3A_1073 : i32
        %get3A_1075 = arith.index_cast %add3A_1074 : i32 to index
        %get3A_1076 = tpu.vector_load %arg4[%get3A_1075] {strides = array<i32>} : memref<65536xf32, #tpu.memory_space<vmem>>, vector<16xf32>,
        %max3A_1077 = arith.maximumf %get3A_1070, %get3A_1076 : vector<16xf32>
        %mul3A_1078 = arith.constant 256 : i32
        %mul3A_1079 = arith.muli %scan3A_1066, %mul3A_1078 : i32
        %add3A_1080 = arith.constant 32 : i32
        %add3A_1081 = arith.addi %mul3A_1079, %add3A_1080 : i32
        %get3A_1082 = arith.index_cast %add3A_1081 : i32 to index
        %get3A_1083 = tpu.vector_load %arg4[%get3A_1082] {strides = array<i32>} : memref<65536xf32, #tpu.memory_space<vmem>>, vector<16xf32>,
        %max3A_1084 = arith.maximumf %max3A_1077, %get3A_1083 : vector<16xf32>
        %mul3A_1085 = arith.constant 256 : i32
        %mul3A_1086 = arith.muli %scan3A_1066, %mul3A_1085 : i32
        %add3A_1087 = arith.constant 48 : i32
        %add3A_1088 = arith.addi %mul3A_1086, %add3A_1087 : i32
        %get3A_1089 = arith.index_cast %add3A_1088 : i32 to index
        %get3A_1090 = tpu.vector_load %arg4[%get3A_1089] {strides = array<i32>} : memref<65536xf32, #tpu.memory_space<vmem>>, vector<16xf32>,
        %max3A_1091 = arith.maximumf %max3A_1084, %get3A_1090 : vector<16xf32>
        %mul3A_1092 = arith.constant 256 : i32
        %mul3A_1093 = arith.muli %scan3A_1066, %mul3A_1092 : i32
        %add3A_1094 = arith.constant 64 : i32
        %add3A_1095 = arith.addi %mul3A_1093, %add3A_1094 : i32
        %get3A_1096 = arith.index_cast %add3A_1095 : i32 to index
        %get3A_1097 = tpu.vector_load %arg4[%get3A_1096] {strides = array<i32>} : memref<65536xf32, #tpu.memory_space<vmem>>, vector<16xf32>,
        %max3A_1098 = arith.maximumf %max3A_1091, %get3A_1097 : vector<16xf32>
        %mul3A_1099 = arith.constant 256 : i32
        %mul3A_1100 = arith.muli %scan3A_1066, %mul3A_1099 : i32
        %add3A_1101 = arith.constant 80 : i32
        %add3A_1102 = arith.addi %mul3A_1100, %add3A_1101 : i32
        %get3A_1103 = arith.index_cast %add3A_1102 : i32 to index
        %get3A_1104 = tpu.vector_load %arg4[%get3A_1103] {strides = array<i32>} : memref<65536xf32, #tpu.memory_space<vmem>>, vector<16xf32>,
        %max3A_1105 = arith.maximumf %max3A_1098, %get3A_1104 : vector<16xf32>
        %mul3A_1106 = arith.constant 256 : i32
        %mul3A_1107 = arith.muli %scan3A_1066, %mul3A_1106 : i32
        %add3A_1108 = arith.constant 96 : i32
        %add3A_1109 = arith.addi %mul3A_1107, %add3A_1108 : i32
        %get3A_1110 = arith.index_cast %add3A_1109 : i32 to index
        %get3A_1111 = tpu.vector_load %arg4[%get3A_1110] {strides = array<i32>} : memref<65536xf32, #tpu.memory_space<vmem>>, vector<16xf32>,
        %max3A_1112 = arith.maximumf %max3A_1105, %get3A_1111 : vector<16xf32>
        %mul3A_1113 = arith.constant 256 : i32
        %mul3A_1114 = arith.muli %scan3A_1066, %mul3A_1113 : i32
        %add3A_1115 = arith.constant 112 : i32
        %add3A_1116 = arith.addi %mul3A_1114, %add3A_1115 : i32
        %get3A_1117 = arith.index_cast %add3A_1116 : i32 to index
        %get3A_1118 = tpu.vector_load %arg4[%get3A_1117] {strides = array<i32>} : memref<65536xf32, #tpu.memory_space<vmem>>, vector<16xf32>,
        %max3A_1119 = arith.maximumf %max3A_1112, %get3A_1118 : vector<16xf32>
        %mul3A_1120 = arith.constant 256 : i32
        %mul3A_1121 = arith.muli %scan3A_1066, %mul3A_1120 : i32
        %add3A_1122 = arith.constant 128 : i32
        %add3A_1123 = arith.addi %mul3A_1121, %add3A_1122 : i32
        %get3A_1124 = arith.index_cast %add3A_1123 : i32 to index
        %get3A_1125 = tpu.vector_load %arg4[%get3A_1124] {strides = array<i32>} : memref<65536xf32, #tpu.memory_space<vmem>>, vector<16xf32>,
        %max3A_1126 = arith.maximumf %max3A_1119, %get3A_1125 : vector<16xf32>
        %mul3A_1127 = arith.constant 256 : i32
        %mul3A_1128 = arith.muli %scan3A_1066, %mul3A_1127 : i32
        %add3A_1129 = arith.constant 144 : i32
        %add3A_1130 = arith.addi %mul3A_1128, %add3A_1129 : i32
        %get3A_1131 = arith.index_cast %add3A_1130 : i32 to index
        %get3A_1132 = tpu.vector_load %arg4[%get3A_1131] {strides = array<i32>} : memref<65536xf32, #tpu.memory_space<vmem>>, vector<16xf32>,
        %max3A_1133 = arith.maximumf %max3A_1126, %get3A_1132 : vector<16xf32>
        %mul3A_1134 = arith.constant 256 : i32
        %mul3A_1135 = arith.muli %scan3A_1066, %mul3A_1134 : i32
        %add3A_1136 = arith.constant 160 : i32
        %add3A_1137 = arith.addi %mul3A_1135, %add3A_1136 : i32
        %get3A_1138 = arith.index_cast %add3A_1137 : i32 to index
        %get3A_1139 = tpu.vector_load %arg4[%get3A_1138] {strides = array<i32>} : memref<65536xf32, #tpu.memory_space<vmem>>, vector<16xf32>,
        %max3A_1140 = arith.maximumf %max3A_1133, %get3A_1139 : vector<16xf32>
        %mul3A_1141 = arith.constant 256 : i32
        %mul3A_1142 = arith.muli %scan3A_1066, %mul3A_1141 : i32
        %add3A_1143 = arith.constant 176 : i32
        %add3A_1144 = arith.addi %mul3A_1142, %add3A_1143 : i32
        %get3A_1145 = arith.index_cast %add3A_1144 : i32 to index
        %get3A_1146 = tpu.vector_load %arg4[%get3A_1145] {strides = array<i32>} : memref<65536xf32, #tpu.memory_space<vmem>>, vector<16xf32>,
        %max3A_1147 = arith.maximumf %max3A_1140, %get3A_1146 : vector<16xf32>
        %mul3A_1148 = arith.constant 256 : i32
        %mul3A_1149 = arith.muli %scan3A_1066, %mul3A_1148 : i32
        %add3A_1150 = arith.constant 192 : i32
        %add3A_1151 = arith.addi %mul3A_1149, %add3A_1150 : i32
        %get3A_1152 = arith.index_cast %add3A_1151 : i32 to index
        %get3A_1153 = tpu.vector_load %arg4[%get3A_1152] {strides = array<i32>} : memref<65536xf32, #tpu.memory_space<vmem>>, vector<16xf32>,
        %max3A_1154 = arith.maximumf %max3A_1147, %get3A_1153 : vector<16xf32>
        %mul3A_1155 = arith.constant 256 : i32
        %mul3A_1156 = arith.muli %scan3A_1066, %mul3A_1155 : i32
        %add3A_1157 = arith.constant 208 : i32
        %add3A_1158 = arith.addi %mul3A_1156, %add3A_1157 : i32
        %get3A_1159 = arith.index_cast %add3A_1158 : i32 to index
        %get3A_1160 = tpu.vector_load %arg4[%get3A_1159] {strides = array<i32>} : memref<65536xf32, #tpu.memory_space<vmem>>, vector<16xf32>,
        %max3A_1161 = arith.maximumf %max3A_1154, %get3A_1160 : vector<16xf32>
        %mul3A_1162 = arith.constant 256 : i32
        %mul3A_1163 = arith.muli %scan3A_1066, %mul3A_1162 : i32
        %add3A_1164 = arith.constant 224 : i32
        %add3A_1165 = arith.addi %mul3A_1163, %add3A_1164 : i32
        %get3A_1166 = arith.index_cast %add3A_1165 : i32 to index
        %get3A_1167 = tpu.vector_load %arg4[%get3A_1166] {strides = array<i32>} : memref<65536xf32, #tpu.memory_space<vmem>>, vector<16xf32>,
        %max3A_1168 = arith.maximumf %max3A_1161, %get3A_1167 : vector<16xf32>
        %mul3A_1169 = arith.constant 256 : i32
        %mul3A_1170 = arith.muli %scan3A_1066, %mul3A_1169 : i32
        %add3A_1171 = arith.constant 240 : i32
        %add3A_1172 = arith.addi %mul3A_1170, %add3A_1171 : i32
        %get3A_1173 = arith.index_cast %add3A_1172 : i32 to index
        %get3A_1174 = tpu.vector_load %arg4[%get3A_1173] {strides = array<i32>} : memref<65536xf32, #tpu.memory_space<vmem>>, vector<16xf32>,
        %max3A_1175 = arith.maximumf %max3A_1168, %get3A_1174 : vector<16xf32>
        %mul3A_1176 = arith.constant 16 : i32
        %mul3A_1177 = arith.muli %scan3A_1066, %mul3A_1176 : i32
        %swap3A_1178 = arith.index_cast %mul3A_1177 : i32 to index
        %swap3A_1179 = tpu.vector_load %arg5[%swap3A_1178] {strides = array<i32>} : memref<4096xf32, #tpu.memory_space<vmem>>, vector<16xf32>,
        tpu.vector_store %arg5[%swap3A_1178], %max3A_1175 {strides = array<i32>} : memref<4096xf32, #tpu.memory_space<vmem>>, vector<16xf32>,
        %max3A_1180 = arith.maximumf %max3A_1064, %max3A_1175 : vector<16xf32>
        scf.yield %max3A_1180 : vector<16xf32>
      }
      %scan3A_929 = arith.constant 64 : i32
      %mul3A_930 = arith.constant 2 : i32
      %mul3A_931 = arith.muli %add3A, %mul3A_930 : i32
      %add3A_932 = arith.constant 0 : i32
      %add3A_933 = arith.addi %mul3A_931, %add3A_932 : i32
      %mul3A_934 = arith.constant 16384 : i32
      %mul3A_935 = arith.muli %add3A_933, %mul3A_934 : i32
      %dma_wait3A_936 = arith.constant 0 : i32
      %dma_wait3A_937 = tpu.memref_slice %arg4[%dma_wait3A_936] : memref<65536xf32, #tpu.memory_space<vmem>> -> memref<16384xf32, #tpu.memory_space<vmem>>
      %dma_wait3A_938 = tpu.memref_slice %arg17[%mul3A_935] : memref<491520xf32, #tpu.memory_space<vmem_shared>> -> memref<16384xf32, #tpu.memory_space<vmem_shared>>
      %dma_wait3A_939 = arith.constant 0 : i32
      %dma_wait3A_940 = tpu.memref_slice %arg4[%dma_wait3A_939] : memref<65536xf32, #tpu.memory_space<vmem>> -> memref<16384xf32, #tpu.memory_space<vmem>>
      %dma_wait3A_941 = tpu.memref_slice %arg17[%mul3A_935] : memref<491520xf32, #tpu.memory_space<vmem_shared>> -> memref<16384xf32, #tpu.memory_space<vmem_shared>>
      tpu.wait_dma2 semaphore(%arg23 : memref<!tpu.dma_semaphore, #tpu.memory_space<semaphore_mem>>) src(%dma_wait3A_941 : memref<16384xf32, #tpu.memory_space<vmem_shared>>) dst(%dma_wait3A_940 : memref<16384xf32, #tpu.memory_space<vmem>>)
      %scan3A_942 = arith.constant 192 : i32
      %scan3A_943 = arith.constant 64 : i32
      %scan3A_944 = arith.addi %scan3A_942, %scan3A_943 : i32
      %scan3A_945 = arith.constant 2 : i32
      %scan3A_946 = scf.for %scan3A_950 = %scan3A_942 to %scan3A_944 step %scan3A_945 iter_args(%scan3A_951 = %scan3A_928) -> (vector<16xf32>)  : i32 {
        %mul3A_952 = arith.constant 256 : i32
        %mul3A_953 = arith.muli %scan3A_950, %mul3A_952 : i32
        %get3A_954 = arith.index_cast %mul3A_953 : i32 to index
        %get3A_955 = tpu.vector_load %arg4[%get3A_954] {strides = array<i32>} : memref<65536xf32, #tpu.memory_space<vmem>>, vector<16xf32>,
        %mul3A_956 = arith.constant 256 : i32
        %mul3A_957 = arith.muli %scan3A_950, %mul3A_956 : i32
        %add3A_958 = arith.constant 16 : i32
        %add3A_959 = arith.addi %mul3A_957, %add3A_958 : i32
        %get3A_960 = arith.index_cast %add3A_959 : i32 to index
        %get3A_961 = tpu.vector_load %arg4[%get3A_960] {strides = array<i32>} : memref<65536xf32, #tpu.memory_space<vmem>>, vector<16xf32>,
        %max3A = arith.maximumf %get3A_955, %get3A_961 : vector<16xf32>
        %mul3A_962 = arith.constant 256 : i32
        %mul3A_963 = arith.muli %scan3A_950, %mul3A_962 : i32
        %add3A_964 = arith.constant 32 : i32
        %add3A_965 = arith.addi %mul3A_963, %add3A_964 : i32
        %get3A_966 = arith.index_cast %add3A_965 : i32 to index
        %get3A_967 = tpu.vector_load %arg4[%get3A_966] {strides = array<i32>} : memref<65536xf32, #tpu.memory_space<vmem>>, vector<16xf32>,
        %max3A_968 = arith.maximumf %max3A, %get3A_967 : vector<16xf32>
        %mul3A_969 = arith.constant 256 : i32
        %mul3A_970 = arith.muli %scan3A_950, %mul3A_969 : i32
        %add3A_971 = arith.constant 48 : i32
        %add3A_972 = arith.addi %mul3A_970, %add3A_971 : i32
        %get3A_973 = arith.index_cast %add3A_972 : i32 to index
        %get3A_974 = tpu.vector_load %arg4[%get3A_973] {strides = array<i32>} : memref<65536xf32, #tpu.memory_space<vmem>>, vector<16xf32>,
        %max3A_975 = arith.maximumf %max3A_968, %get3A_974 : vector<16xf32>
        %mul3A_976 = arith.constant 256 : i32
        %mul3A_977 = arith.muli %scan3A_950, %mul3A_976 : i32
        %add3A_978 = arith.constant 64 : i32
        %add3A_979 = arith.addi %mul3A_977, %add3A_978 : i32
        %get3A_980 = arith.index_cast %add3A_979 : i32 to index
        %get3A_981 = tpu.vector_load %arg4[%get3A_980] {strides = array<i32>} : memref<65536xf32, #tpu.memory_space<vmem>>, vector<16xf32>,
        %max3A_982 = arith.maximumf %max3A_975, %get3A_981 : vector<16xf32>
        %mul3A_983 = arith.constant 256 : i32
        %mul3A_984 = arith.muli %scan3A_950, %mul3A_983 : i32
        %add3A_985 = arith.constant 80 : i32
        %add3A_986 = arith.addi %mul3A_984, %add3A_985 : i32
        %get3A_987 = arith.index_cast %add3A_986 : i32 to index
        %get3A_988 = tpu.vector_load %arg4[%get3A_987] {strides = array<i32>} : memref<65536xf32, #tpu.memory_space<vmem>>, vector<16xf32>,
        %max3A_989 = arith.maximumf %max3A_982, %get3A_988 : vector<16xf32>
        %mul3A_990 = arith.constant 256 : i32
        %mul3A_991 = arith.muli %scan3A_950, %mul3A_990 : i32
        %add3A_992 = arith.constant 96 : i32
        %add3A_993 = arith.addi %mul3A_991, %add3A_992 : i32
        %get3A_994 = arith.index_cast %add3A_993 : i32 to index
        %get3A_995 = tpu.vector_load %arg4[%get3A_994] {strides = array<i32>} : memref<65536xf32, #tpu.memory_space<vmem>>, vector<16xf32>,
        %max3A_996 = arith.maximumf %max3A_989, %get3A_995 : vector<16xf32>
        %mul3A_997 = arith.constant 256 : i32
        %mul3A_998 = arith.muli %scan3A_950, %mul3A_997 : i32
        %add3A_999 = arith.constant 112 : i32
        %add3A_1000 = arith.addi %mul3A_998, %add3A_999 : i32
        %get3A_1001 = arith.index_cast %add3A_1000 : i32 to index
        %get3A_1002 = tpu.vector_load %arg4[%get3A_1001] {strides = array<i32>} : memref<65536xf32, #tpu.memory_space<vmem>>, vector<16xf32>,
        %max3A_1003 = arith.maximumf %max3A_996, %get3A_1002 : vector<16xf32>
        %mul3A_1004 = arith.constant 256 : i32
        %mul3A_1005 = arith.muli %scan3A_950, %mul3A_1004 : i32
        %add3A_1006 = arith.constant 128 : i32
        %add3A_1007 = arith.addi %mul3A_1005, %add3A_1006 : i32
        %get3A_1008 = arith.index_cast %add3A_1007 : i32 to index
        %get3A_1009 = tpu.vector_load %arg4[%get3A_1008] {strides = array<i32>} : memref<65536xf32, #tpu.memory_space<vmem>>, vector<16xf32>,
        %max3A_1010 = arith.maximumf %max3A_1003, %get3A_1009 : vector<16xf32>
        %mul3A_1011 = arith.constant 256 : i32
        %mul3A_1012 = arith.muli %scan3A_950, %mul3A_1011 : i32
        %add3A_1013 = arith.constant 144 : i32
        %add3A_1014 = arith.addi %mul3A_1012, %add3A_1013 : i32
        %get3A_1015 = arith.index_cast %add3A_1014 : i32 to index
        %get3A_1016 = tpu.vector_load %arg4[%get3A_1015] {strides = array<i32>} : memref<65536xf32, #tpu.memory_space<vmem>>, vector<16xf32>,
        %max3A_1017 = arith.maximumf %max3A_1010, %get3A_1016 : vector<16xf32>
        %mul3A_1018 = arith.constant 256 : i32
        %mul3A_1019 = arith.muli %scan3A_950, %mul3A_1018 : i32
        %add3A_1020 = arith.constant 160 : i32
        %add3A_1021 = arith.addi %mul3A_1019, %add3A_1020 : i32
        %get3A_1022 = arith.index_cast %add3A_1021 : i32 to index
        %get3A_1023 = tpu.vector_load %arg4[%get3A_1022] {strides = array<i32>} : memref<65536xf32, #tpu.memory_space<vmem>>, vector<16xf32>,
        %max3A_1024 = arith.maximumf %max3A_1017, %get3A_1023 : vector<16xf32>
        %mul3A_1025 = arith.constant 256 : i32
        %mul3A_1026 = arith.muli %scan3A_950, %mul3A_1025 : i32
        %add3A_1027 = arith.constant 176 : i32
        %add3A_1028 = arith.addi %mul3A_1026, %add3A_1027 : i32
        %get3A_1029 = arith.index_cast %add3A_1028 : i32 to index
        %get3A_1030 = tpu.vector_load %arg4[%get3A_1029] {strides = array<i32>} : memref<65536xf32, #tpu.memory_space<vmem>>, vector<16xf32>,
        %max3A_1031 = arith.maximumf %max3A_1024, %get3A_1030 : vector<16xf32>
        %mul3A_1032 = arith.constant 256 : i32
        %mul3A_1033 = arith.muli %scan3A_950, %mul3A_1032 : i32
        %add3A_1034 = arith.constant 192 : i32
        %add3A_1035 = arith.addi %mul3A_1033, %add3A_1034 : i32
        %get3A_1036 = arith.index_cast %add3A_1035 : i32 to index
        %get3A_1037 = tpu.vector_load %arg4[%get3A_1036] {strides = array<i32>} : memref<65536xf32, #tpu.memory_space<vmem>>, vector<16xf32>,
        %max3A_1038 = arith.maximumf %max3A_1031, %get3A_1037 : vector<16xf32>
        %mul3A_1039 = arith.constant 256 : i32
        %mul3A_1040 = arith.muli %scan3A_950, %mul3A_1039 : i32
        %add3A_1041 = arith.constant 208 : i32
        %add3A_1042 = arith.addi %mul3A_1040, %add3A_1041 : i32
        %get3A_1043 = arith.index_cast %add3A_1042 : i32 to index
        %get3A_1044 = tpu.vector_load %arg4[%get3A_1043] {strides = array<i32>} : memref<65536xf32, #tpu.memory_space<vmem>>, vector<16xf32>,
        %max3A_1045 = arith.maximumf %max3A_1038, %get3A_1044 : vector<16xf32>
        %mul3A_1046 = arith.constant 256 : i32
        %mul3A_1047 = arith.muli %scan3A_950, %mul3A_1046 : i32
        %add3A_1048 = arith.constant 224 : i32
        %add3A_1049 = arith.addi %mul3A_1047, %add3A_1048 : i32
        %get3A_1050 = arith.index_cast %add3A_1049 : i32 to index
        %get3A_1051 = tpu.vector_load %arg4[%get3A_1050] {strides = array<i32>} : memref<65536xf32, #tpu.memory_space<vmem>>, vector<16xf32>,
        %max3A_1052 = arith.maximumf %max3A_1045, %get3A_1051 : vector<16xf32>
        %mul3A_1053 = arith.constant 256 : i32
        %mul3A_1054 = arith.muli %scan3A_950, %mul3A_1053 : i32
        %add3A_1055 = arith.constant 240 : i32
        %add3A_1056 = arith.addi %mul3A_1054, %add3A_1055 : i32
        %get3A_1057 = arith.index_cast %add3A_1056 : i32 to index
        %get3A_1058 = tpu.vector_load %arg4[%get3A_1057] {strides = array<i32>} : memref<65536xf32, #tpu.memory_space<vmem>>, vector<16xf32>,
        %max3A_1059 = arith.maximumf %max3A_1052, %get3A_1058 : vector<16xf32>
        %mul3A_1060 = arith.constant 16 : i32
        %mul3A_1061 = arith.muli %scan3A_950, %mul3A_1060 : i32
        %swap3A_1062 = arith.index_cast %mul3A_1061 : i32 to index
        %swap3A_1063 = tpu.vector_load %arg5[%swap3A_1062] {strides = array<i32>} : memref<4096xf32, #tpu.memory_space<vmem>>, vector<16xf32>,
        tpu.vector_store %arg5[%swap3A_1062], %max3A_1059 {strides = array<i32>} : memref<4096xf32, #tpu.memory_space<vmem>>, vector<16xf32>,
        %max3A_1064 = arith.maximumf %scan3A_951, %max3A_1059 : vector<16xf32>
        %scan3A_1065 = arith.constant 1 : i32
        %scan3A_1066 = arith.addi %scan3A_950, %scan3A_1065 : i32
        %mul3A_1067 = arith.constant 256 : i32
        %mul3A_1068 = arith.muli %scan3A_1066, %mul3A_1067 : i32
        %get3A_1069 = arith.index_cast %mul3A_1068 : i32 to index
        %get3A_1070 = tpu.vector_load %arg4[%get3A_1069] {strides = array<i32>} : memref<65536xf32, #tpu.memory_space<vmem>>, vector<16xf32>,
        %mul3A_1071 = arith.constant 256 : i32
        %mul3A_1072 = arith.muli %scan3A_1066, %mul3A_1071 : i32
        %add3A_1073 = arith.constant 16 : i32
        %add3A_1074 = arith.addi %mul3A_1072, %add3A_1073 : i32
        %get3A_1075 = arith.index_cast %add3A_1074 : i32 to index
        %get3A_1076 = tpu.vector_load %arg4[%get3A_1075] {strides = array<i32>} : memref<65536xf32, #tpu.memory_space<vmem>>, vector<16xf32>,
        %max3A_1077 = arith.maximumf %get3A_1070, %get3A_1076 : vector<16xf32>
        %mul3A_1078 = arith.constant 256 : i32
        %mul3A_1079 = arith.muli %scan3A_1066, %mul3A_1078 : i32
        %add3A_1080 = arith.constant 32 : i32
        %add3A_1081 = arith.addi %mul3A_1079, %add3A_1080 : i32
        %get3A_1082 = arith.index_cast %add3A_1081 : i32 to index
        %get3A_1083 = tpu.vector_load %arg4[%get3A_1082] {strides = array<i32>} : memref<65536xf32, #tpu.memory_space<vmem>>, vector<16xf32>,
        %max3A_1084 = arith.maximumf %max3A_1077, %get3A_1083 : vector<16xf32>
        %mul3A_1085 = arith.constant 256 : i32
        %mul3A_1086 = arith.muli %scan3A_1066, %mul3A_1085 : i32
        %add3A_1087 = arith.constant 48 : i32
        %add3A_1088 = arith.addi %mul3A_1086, %add3A_1087 : i32
        %get3A_1089 = arith.index_cast %add3A_1088 : i32 to index
        %get3A_1090 = tpu.vector_load %arg4[%get3A_1089] {strides = array<i32>} : memref<65536xf32, #tpu.memory_space<vmem>>, vector<16xf32>,
        %max3A_1091 = arith.maximumf %max3A_1084, %get3A_1090 : vector<16xf32>
        %mul3A_1092 = arith.constant 256 : i32
        %mul3A_1093 = arith.muli %scan3A_1066, %mul3A_1092 : i32
        %add3A_1094 = arith.constant 64 : i32
        %add3A_1095 = arith.addi %mul3A_1093, %add3A_1094 : i32
        %get3A_1096 = arith.index_cast %add3A_1095 : i32 to index
        %get3A_1097 = tpu.vector_load %arg4[%get3A_1096] {strides = array<i32>} : memref<65536xf32, #tpu.memory_space<vmem>>, vector<16xf32>,
        %max3A_1098 = arith.maximumf %max3A_1091, %get3A_1097 : vector<16xf32>
        %mul3A_1099 = arith.constant 256 : i32
        %mul3A_1100 = arith.muli %scan3A_1066, %mul3A_1099 : i32
        %add3A_1101 = arith.constant 80 : i32
        %add3A_1102 = arith.addi %mul3A_1100, %add3A_1101 : i32
        %get3A_1103 = arith.index_cast %add3A_1102 : i32 to index
        %get3A_1104 = tpu.vector_load %arg4[%get3A_1103] {strides = array<i32>} : memref<65536xf32, #tpu.memory_space<vmem>>, vector<16xf32>,
        %max3A_1105 = arith.maximumf %max3A_1098, %get3A_1104 : vector<16xf32>
        %mul3A_1106 = arith.constant 256 : i32
        %mul3A_1107 = arith.muli %scan3A_1066, %mul3A_1106 : i32
        %add3A_1108 = arith.constant 96 : i32
        %add3A_1109 = arith.addi %mul3A_1107, %add3A_1108 : i32
        %get3A_1110 = arith.index_cast %add3A_1109 : i32 to index
        %get3A_1111 = tpu.vector_load %arg4[%get3A_1110] {strides = array<i32>} : memref<65536xf32, #tpu.memory_space<vmem>>, vector<16xf32>,
        %max3A_1112 = arith.maximumf %max3A_1105, %get3A_1111 : vector<16xf32>
        %mul3A_1113 = arith.constant 256 : i32
        %mul3A_1114 = arith.muli %scan3A_1066, %mul3A_1113 : i32
        %add3A_1115 = arith.constant 112 : i32
        %add3A_1116 = arith.addi %mul3A_1114, %add3A_1115 : i32
        %get3A_1117 = arith.index_cast %add3A_1116 : i32 to index
        %get3A_1118 = tpu.vector_load %arg4[%get3A_1117] {strides = array<i32>} : memref<65536xf32, #tpu.memory_space<vmem>>, vector<16xf32>,
        %max3A_1119 = arith.maximumf %max3A_1112, %get3A_1118 : vector<16xf32>
        %mul3A_1120 = arith.constant 256 : i32
        %mul3A_1121 = arith.muli %scan3A_1066, %mul3A_1120 : i32
        %add3A_1122 = arith.constant 128 : i32
        %add3A_1123 = arith.addi %mul3A_1121, %add3A_1122 : i32
        %get3A_1124 = arith.index_cast %add3A_1123 : i32 to index
        %get3A_1125 = tpu.vector_load %arg4[%get3A_1124] {strides = array<i32>} : memref<65536xf32, #tpu.memory_space<vmem>>, vector<16xf32>,
        %max3A_1126 = arith.maximumf %max3A_1119, %get3A_1125 : vector<16xf32>
        %mul3A_1127 = arith.constant 256 : i32
        %mul3A_1128 = arith.muli %scan3A_1066, %mul3A_1127 : i32
        %add3A_1129 = arith.constant 144 : i32
        %add3A_1130 = arith.addi %mul3A_1128, %add3A_1129 : i32
        %get3A_1131 = arith.index_cast %add3A_1130 : i32 to index
        %get3A_1132 = tpu.vector_load %arg4[%get3A_1131] {strides = array<i32>} : memref<65536xf32, #tpu.memory_space<vmem>>, vector<16xf32>,
        %max3A_1133 = arith.maximumf %max3A_1126, %get3A_1132 : vector<16xf32>
        %mul3A_1134 = arith.constant 256 : i32
        %mul3A_1135 = arith.muli %scan3A_1066, %mul3A_1134 : i32
        %add3A_1136 = arith.constant 160 : i32
        %add3A_1137 = arith.addi %mul3A_1135, %add3A_1136 : i32
        %get3A_1138 = arith.index_cast %add3A_1137 : i32 to index
        %get3A_1139 = tpu.vector_load %arg4[%get3A_1138] {strides = array<i32>} : memref<65536xf32, #tpu.memory_space<vmem>>, vector<16xf32>,
        %max3A_1140 = arith.maximumf %max3A_1133, %get3A_1139 : vector<16xf32>
        %mul3A_1141 = arith.constant 256 : i32
        %mul3A_1142 = arith.muli %scan3A_1066, %mul3A_1141 : i32
        %add3A_1143 = arith.constant 176 : i32
        %add3A_1144 = arith.addi %mul3A_1142, %add3A_1143 : i32
        %get3A_1145 = arith.index_cast %add3A_1144 : i32 to index
        %get3A_1146 = tpu.vector_load %arg4[%get3A_1145] {strides = array<i32>} : memref<65536xf32, #tpu.memory_space<vmem>>, vector<16xf32>,
        %max3A_1147 = arith.maximumf %max3A_1140, %get3A_1146 : vector<16xf32>
        %mul3A_1148 = arith.constant 256 : i32
        %mul3A_1149 = arith.muli %scan3A_1066, %mul3A_1148 : i32
        %add3A_1150 = arith.constant 192 : i32
        %add3A_1151 = arith.addi %mul3A_1149, %add3A_1150 : i32
        %get3A_1152 = arith.index_cast %add3A_1151 : i32 to index
        %get3A_1153 = tpu.vector_load %arg4[%get3A_1152] {strides = array<i32>} : memref<65536xf32, #tpu.memory_space<vmem>>, vector<16xf32>,
        %max3A_1154 = arith.maximumf %max3A_1147, %get3A_1153 : vector<16xf32>
        %mul3A_1155 = arith.constant 256 : i32
        %mul3A_1156 = arith.muli %scan3A_1066, %mul3A_1155 : i32
        %add3A_1157 = arith.constant 208 : i32
        %add3A_1158 = arith.addi %mul3A_1156, %add3A_1157 : i32
        %get3A_1159 = arith.index_cast %add3A_1158 : i32 to index
        %get3A_1160 = tpu.vector_load %arg4[%get3A_1159] {strides = array<i32>} : memref<65536xf32, #tpu.memory_space<vmem>>, vector<16xf32>,
        %max3A_1161 = arith.maximumf %max3A_1154, %get3A_1160 : vector<16xf32>
        %mul3A_1162 = arith.constant 256 : i32
        %mul3A_1163 = arith.muli %scan3A_1066, %mul3A_1162 : i32
        %add3A_1164 = arith.constant 224 : i32
        %add3A_1165 = arith.addi %mul3A_1163, %add3A_1164 : i32
        %get3A_1166 = arith.index_cast %add3A_1165 : i32 to index
        %get3A_1167 = tpu.vector_load %arg4[%get3A_1166] {strides = array<i32>} : memref<65536xf32, #tpu.memory_space<vmem>>, vector<16xf32>,
        %max3A_1168 = arith.maximumf %max3A_1161, %get3A_1167 : vector<16xf32>
        %mul3A_1169 = arith.constant 256 : i32
        %mul3A_1170 = arith.muli %scan3A_1066, %mul3A_1169 : i32
        %add3A_1171 = arith.constant 240 : i32
        %add3A_1172 = arith.addi %mul3A_1170, %add3A_1171 : i32
        %get3A_1173 = arith.index_cast %add3A_1172 : i32 to index
        %get3A_1174 = tpu.vector_load %arg4[%get3A_1173] {strides = array<i32>} : memref<65536xf32, #tpu.memory_space<vmem>>, vector<16xf32>,
        %max3A_1175 = arith.maximumf %max3A_1168, %get3A_1174 : vector<16xf32>
        %mul3A_1176 = arith.constant 16 : i32
        %mul3A_1177 = arith.muli %scan3A_1066, %mul3A_1176 : i32
        %swap3A_1178 = arith.index_cast %mul3A_1177 : i32 to index
        %swap3A_1179 = tpu.vector_load %arg5[%swap3A_1178] {strides = array<i32>} : memref<4096xf32, #tpu.memory_space<vmem>>, vector<16xf32>,
        tpu.vector_store %arg5[%swap3A_1178], %max3A_1175 {strides = array<i32>} : memref<4096xf32, #tpu.memory_space<vmem>>, vector<16xf32>,
        %max3A_1180 = arith.maximumf %max3A_1064, %max3A_1175 : vector<16xf32>
        scf.yield %max3A_1180 : vector<16xf32>
      }
      %scan3A_947 = arith.constant 64 : i32
      %swap3A_948 = arith.constant 0 : index
      %swap3A_949 = tpu.vector_load %arg16[%swap3A_948] {strides = array<i32>} : memref<16xf32, #tpu.memory_space<vmem>>, vector<16xf32>,
      tpu.vector_store %arg16[%swap3A_948], %scan3A_946 {strides = array<i32>} : memref<16xf32, #tpu.memory_space<vmem>>, vector<16xf32>,
    } else {
    }
    %eq3A_528 = arith.constant 15 : i32
    %eq3A_529 = arith.cmpi eq, %add3A, %eq3A_528 : i32
    %convert_element_type3A_530 = arith.extui %eq3A_529 : i1 to i32
    %cond3A_531 = arith.constant 0 : i32
    %cond3A_532 = arith.cmpi ne, %convert_element_type3A_530, %cond3A_531 : i32
    scf.if %cond3A_532 {
      %swap3A_770 = arith.constant 16960 : index
      %swap3A_771 = tpu.vector_load %arg4[%swap3A_770] {strides = array<i32>} : memref<65536xf32, #tpu.memory_space<vmem>>, vector<16xf32>,
      tpu.vector_store %arg4[%swap3A_770], %broadcast_in_dim3A_1 {strides = array<i32>} : memref<65536xf32, #tpu.memory_space<vmem>>, vector<16xf32>,
      %swap3A_772 = arith.constant 16976 : index
      %swap3A_773 = tpu.vector_load %arg4[%swap3A_772] {strides = array<i32>} : memref<65536xf32, #tpu.memory_space<vmem>>, vector<16xf32>,
      tpu.vector_store %arg4[%swap3A_772], %broadcast_in_dim3A_1 {strides = array<i32>} : memref<65536xf32, #tpu.memory_space<vmem>>, vector<16xf32>,
      %swap3A_774 = arith.constant 16992 : index
      %swap3A_775 = tpu.vector_load %arg4[%swap3A_774] {strides = array<i32>} : memref<65536xf32, #tpu.memory_space<vmem>>, vector<16xf32>,
      tpu.vector_store %arg4[%swap3A_774], %broadcast_in_dim3A_1 {strides = array<i32>} : memref<65536xf32, #tpu.memory_space<vmem>>, vector<16xf32>,
      %swap3A_776 = arith.constant 17008 : index
      %swap3A_777 = tpu.vector_load %arg4[%swap3A_776] {strides = array<i32>} : memref<65536xf32, #tpu.memory_space<vmem>>, vector<16xf32>,
      tpu.vector_store %arg4[%swap3A_776], %broadcast_in_dim3A_1 {strides = array<i32>} : memref<65536xf32, #tpu.memory_space<vmem>>, vector<16xf32>,
      %swap3A_778 = arith.constant 17024 : index
      %swap3A_779 = tpu.vector_load %arg4[%swap3A_778] {strides = array<i32>} : memref<65536xf32, #tpu.memory_space<vmem>>, vector<16xf32>,
      tpu.vector_store %arg4[%swap3A_778], %broadcast_in_dim3A_1 {strides = array<i32>} : memref<65536xf32, #tpu.memory_space<vmem>>, vector<16xf32>,
      %swap3A_780 = arith.constant 17040 : index
      %swap3A_781 = tpu.vector_load %arg4[%swap3A_780] {strides = array<i32>} : memref<65536xf32, #tpu.memory_space<vmem>>, vector<16xf32>,
      tpu.vector_store %arg4[%swap3A_780], %broadcast_in_dim3A_1 {strides = array<i32>} : memref<65536xf32, #tpu.memory_space<vmem>>, vector<16xf32>,
      %swap3A_782 = arith.constant 17056 : index
      %swap3A_783 = tpu.vector_load %arg4[%swap3A_782] {strides = array<i32>} : memref<65536xf32, #tpu.memory_space<vmem>>, vector<16xf32>,
      tpu.vector_store %arg4[%swap3A_782], %broadcast_in_dim3A_1 {strides = array<i32>} : memref<65536xf32, #tpu.memory_space<vmem>>, vector<16xf32>,
      %swap3A_784 = arith.constant 17072 : index
      %swap3A_785 = tpu.vector_load %arg4[%swap3A_784] {strides = array<i32>} : memref<65536xf32, #tpu.memory_space<vmem>>, vector<16xf32>,
      tpu.vector_store %arg4[%swap3A_784], %broadcast_in_dim3A_1 {strides = array<i32>} : memref<65536xf32, #tpu.memory_space<vmem>>, vector<16xf32>,
      %swap3A_786 = arith.constant 17088 : index
      %swap3A_787 = tpu.vector_load %arg4[%swap3A_786] {strides = array<i32>} : memref<65536xf32, #tpu.memory_space<vmem>>, vector<16xf32>,
      tpu.vector_store %arg4[%swap3A_786], %broadcast_in_dim3A_1 {strides = array<i32>} : memref<65536xf32, #tpu.memory_space<vmem>>, vector<16xf32>,
      %swap3A_788 = arith.constant 17104 : index
      %swap3A_789 = tpu.vector_load %arg4[%swap3A_788] {strides = array<i32>} : memref<65536xf32, #tpu.memory_space<vmem>>, vector<16xf32>,
      tpu.vector_store %arg4[%swap3A_788], %broadcast_in_dim3A_1 {strides = array<i32>} : memref<65536xf32, #tpu.memory_space<vmem>>, vector<16xf32>,
      %swap3A_790 = arith.constant 17120 : index
      %swap3A_791 = tpu.vector_load %arg4[%swap3A_790] {strides = array<i32>} : memref<65536xf32, #tpu.memory_space<vmem>>, vector<16xf32>,
      tpu.vector_store %arg4[%swap3A_790], %broadcast_in_dim3A_1 {strides = array<i32>} : memref<65536xf32, #tpu.memory_space<vmem>>, vector<16xf32>,
      %swap3A_792 = arith.constant 17136 : index
      %swap3A_793 = tpu.vector_load %arg4[%swap3A_792] {strides = array<i32>} : memref<65536xf32, #tpu.memory_space<vmem>>, vector<16xf32>,
      tpu.vector_store %arg4[%swap3A_792], %broadcast_in_dim3A_1 {strides = array<i32>} : memref<65536xf32, #tpu.memory_space<vmem>>, vector<16xf32>,
      %swap3A_794 = arith.constant 17152 : index
      %swap3A_795 = tpu.vector_load %arg4[%swap3A_794] {strides = array<i32>} : memref<65536xf32, #tpu.memory_space<vmem>>, vector<16xf32>,
      tpu.vector_store %arg4[%swap3A_794], %broadcast_in_dim3A_1 {strides = array<i32>} : memref<65536xf32, #tpu.memory_space<vmem>>, vector<16xf32>,
      %swap3A_796 = arith.constant 17168 : index
      %swap3A_797 = tpu.vector_load %arg4[%swap3A_796] {strides = array<i32>} : memref<65536xf32, #tpu.memory_space<vmem>>, vector<16xf32>,
      tpu.vector_store %arg4[%swap3A_796], %broadcast_in_dim3A_1 {strides = array<i32>} : memref<65536xf32, #tpu.memory_space<vmem>>, vector<16xf32>,
      %swap3A_798 = arith.constant 17184 : index
      %swap3A_799 = tpu.vector_load %arg4[%swap3A_798] {strides = array<i32>} : memref<65536xf32, #tpu.memory_space<vmem>>, vector<16xf32>,
      tpu.vector_store %arg4[%swap3A_798], %broadcast_in_dim3A_1 {strides = array<i32>} : memref<65536xf32, #tpu.memory_space<vmem>>, vector<16xf32>,
      %swap3A_800 = arith.constant 17200 : index
      %swap3A_801 = tpu.vector_load %arg4[%swap3A_800] {strides = array<i32>} : memref<65536xf32, #tpu.memory_space<vmem>>, vector<16xf32>,
      tpu.vector_store %arg4[%swap3A_800], %broadcast_in_dim3A_1 {strides = array<i32>} : memref<65536xf32, #tpu.memory_space<vmem>>, vector<16xf32>,
      %swap3A_802 = arith.constant 17216 : index
      %swap3A_803 = tpu.vector_load %arg4[%swap3A_802] {strides = array<i32>} : memref<65536xf32, #tpu.memory_space<vmem>>, vector<16xf32>,
      tpu.vector_store %arg4[%swap3A_802], %broadcast_in_dim3A_1 {strides = array<i32>} : memref<65536xf32, #tpu.memory_space<vmem>>, vector<16xf32>,
      %swap3A_804 = arith.constant 17232 : index
      %swap3A_805 = tpu.vector_load %arg4[%swap3A_804] {strides = array<i32>} : memref<65536xf32, #tpu.memory_space<vmem>>, vector<16xf32>,
      tpu.vector_store %arg4[%swap3A_804], %broadcast_in_dim3A_1 {strides = array<i32>} : memref<65536xf32, #tpu.memory_space<vmem>>, vector<16xf32>,
      %swap3A_806 = arith.constant 17248 : index
      %swap3A_807 = tpu.vector_load %arg4[%swap3A_806] {strides = array<i32>} : memref<65536xf32, #tpu.memory_space<vmem>>, vector<16xf32>,
      tpu.vector_store %arg4[%swap3A_806], %broadcast_in_dim3A_1 {strides = array<i32>} : memref<65536xf32, #tpu.memory_space<vmem>>, vector<16xf32>,
      %swap3A_808 = arith.constant 17264 : index
      %swap3A_809 = tpu.vector_load %arg4[%swap3A_808] {strides = array<i32>} : memref<65536xf32, #tpu.memory_space<vmem>>, vector<16xf32>,
      tpu.vector_store %arg4[%swap3A_808], %broadcast_in_dim3A_1 {strides = array<i32>} : memref<65536xf32, #tpu.memory_space<vmem>>, vector<16xf32>,
      %swap3A_810 = arith.constant 17280 : index
      %swap3A_811 = tpu.vector_load %arg4[%swap3A_810] {strides = array<i32>} : memref<65536xf32, #tpu.memory_space<vmem>>, vector<16xf32>,
      tpu.vector_store %arg4[%swap3A_810], %broadcast_in_dim3A_1 {strides = array<i32>} : memref<65536xf32, #tpu.memory_space<vmem>>, vector<16xf32>,
      %swap3A_812 = arith.constant 17296 : index
      %swap3A_813 = tpu.vector_load %arg4[%swap3A_812] {strides = array<i32>} : memref<65536xf32, #tpu.memory_space<vmem>>, vector<16xf32>,
      tpu.vector_store %arg4[%swap3A_812], %broadcast_in_dim3A_1 {strides = array<i32>} : memref<65536xf32, #tpu.memory_space<vmem>>, vector<16xf32>,
      %swap3A_814 = arith.constant 17312 : index
      %swap3A_815 = tpu.vector_load %arg4[%swap3A_814] {strides = array<i32>} : memref<65536xf32, #tpu.memory_space<vmem>>, vector<16xf32>,
      tpu.vector_store %arg4[%swap3A_814], %broadcast_in_dim3A_1 {strides = array<i32>} : memref<65536xf32, #tpu.memory_space<vmem>>, vector<16xf32>,
      %swap3A_816 = arith.constant 17328 : index
      %swap3A_817 = tpu.vector_load %arg4[%swap3A_816] {strides = array<i32>} : memref<65536xf32, #tpu.memory_space<vmem>>, vector<16xf32>,
      tpu.vector_store %arg4[%swap3A_816], %broadcast_in_dim3A_1 {strides = array<i32>} : memref<65536xf32, #tpu.memory_space<vmem>>, vector<16xf32>,
      %swap3A_818 = arith.constant 17344 : index
      %swap3A_819 = tpu.vector_load %arg4[%swap3A_818] {strides = array<i32>} : memref<65536xf32, #tpu.memory_space<vmem>>, vector<16xf32>,
      tpu.vector_store %arg4[%swap3A_818], %broadcast_in_dim3A_1 {strides = array<i32>} : memref<65536xf32, #tpu.memory_space<vmem>>, vector<16xf32>,
      %swap3A_820 = arith.constant 17360 : index
      %swap3A_821 = tpu.vector_load %arg4[%swap3A_820] {strides = array<i32>} : memref<65536xf32, #tpu.memory_space<vmem>>, vector<16xf32>,
      tpu.vector_store %arg4[%swap3A_820], %broadcast_in_dim3A_1 {strides = array<i32>} : memref<65536xf32, #tpu.memory_space<vmem>>, vector<16xf32>,
      %swap3A_822 = arith.constant 17376 : index
      %swap3A_823 = tpu.vector_load %arg4[%swap3A_822] {strides = array<i32>} : memref<65536xf32, #tpu.memory_space<vmem>>, vector<16xf32>,
      tpu.vector_store %arg4[%swap3A_822], %broadcast_in_dim3A_1 {strides = array<i32>} : memref<65536xf32, #tpu.memory_space<vmem>>, vector<16xf32>,
      %swap3A_824 = arith.constant 17392 : index
      %swap3A_825 = tpu.vector_load %arg4[%swap3A_824] {strides = array<i32>} : memref<65536xf32, #tpu.memory_space<vmem>>, vector<16xf32>,
      tpu.vector_store %arg4[%swap3A_824], %broadcast_in_dim3A_1 {strides = array<i32>} : memref<65536xf32, #tpu.memory_space<vmem>>, vector<16xf32>,
      %dma_wait3A = arith.constant 0 : i32
      %dma_wait3A_826 = tpu.memref_slice %arg4[%dma_wait3A] : memref<65536xf32, #tpu.memory_space<vmem>> -> memref<16960xf32, #tpu.memory_space<vmem>>
      %dma_wait3A_827 = arith.constant 983040 : i32
      %dma_wait3A_828 = tpu.memref_slice %arg2[%dma_wait3A_827] : memref<1000000xf32, #tpu.memory_space<hbm>> -> memref<16960xf32, #tpu.memory_space<hbm>>
      %dma_wait3A_829 = arith.constant 0 : i32
      %dma_wait3A_830 = tpu.memref_slice %arg4[%dma_wait3A_829] : memref<65536xf32, #tpu.memory_space<vmem>> -> memref<16960xf32, #tpu.memory_space<vmem>>
      %dma_wait3A_831 = arith.constant 983040 : i32
      %dma_wait3A_832 = tpu.memref_slice %arg2[%dma_wait3A_831] : memref<1000000xf32, #tpu.memory_space<hbm>> -> memref<16960xf32, #tpu.memory_space<hbm>>
      tpu.wait_dma2 semaphore(%arg22 : memref<!tpu.dma_semaphore, #tpu.memory_space<semaphore_mem>>) src(%dma_wait3A_832 : memref<16960xf32, #tpu.memory_space<hbm>>) dst(%dma_wait3A_830 : memref<16960xf32, #tpu.memory_space<vmem>>)
      %scan3A_833 = arith.constant 0 : i32
      %scan3A_834 = arith.constant 68 : i32
      %scan3A_835 = arith.addi %scan3A_833, %scan3A_834 : i32
      %scan3A_836 = arith.constant 1 : i32
      %scan3A_837 = scf.for %scan3A_841 = %scan3A_833 to %scan3A_835 step %scan3A_836 iter_args(%scan3A_842 = %broadcast_in_dim3A_1) -> (vector<16xf32>)  : i32 {
        %mul3A_843 = arith.constant 256 : i32
        %mul3A_844 = arith.muli %scan3A_841, %mul3A_843 : i32
        %get3A_845 = arith.index_cast %mul3A_844 : i32 to index
        %get3A_846 = tpu.vector_load %arg4[%get3A_845] {strides = array<i32>} : memref<65536xf32, #tpu.memory_space<vmem>>, vector<16xf32>,
        %mul3A_847 = arith.constant 256 : i32
        %mul3A_848 = arith.muli %scan3A_841, %mul3A_847 : i32
        %add3A_849 = arith.constant 16 : i32
        %add3A_850 = arith.addi %mul3A_848, %add3A_849 : i32
        %get3A_851 = arith.index_cast %add3A_850 : i32 to index
        %get3A_852 = tpu.vector_load %arg4[%get3A_851] {strides = array<i32>} : memref<65536xf32, #tpu.memory_space<vmem>>, vector<16xf32>,
        %max3A = arith.maximumf %get3A_846, %get3A_852 : vector<16xf32>
        %mul3A_853 = arith.constant 256 : i32
        %mul3A_854 = arith.muli %scan3A_841, %mul3A_853 : i32
        %add3A_855 = arith.constant 32 : i32
        %add3A_856 = arith.addi %mul3A_854, %add3A_855 : i32
        %get3A_857 = arith.index_cast %add3A_856 : i32 to index
        %get3A_858 = tpu.vector_load %arg4[%get3A_857] {strides = array<i32>} : memref<65536xf32, #tpu.memory_space<vmem>>, vector<16xf32>,
        %max3A_859 = arith.maximumf %max3A, %get3A_858 : vector<16xf32>
        %mul3A_860 = arith.constant 256 : i32
        %mul3A_861 = arith.muli %scan3A_841, %mul3A_860 : i32
        %add3A_862 = arith.constant 48 : i32
        %add3A_863 = arith.addi %mul3A_861, %add3A_862 : i32
        %get3A_864 = arith.index_cast %add3A_863 : i32 to index
        %get3A_865 = tpu.vector_load %arg4[%get3A_864] {strides = array<i32>} : memref<65536xf32, #tpu.memory_space<vmem>>, vector<16xf32>,
        %max3A_866 = arith.maximumf %max3A_859, %get3A_865 : vector<16xf32>
        %mul3A_867 = arith.constant 256 : i32
        %mul3A_868 = arith.muli %scan3A_841, %mul3A_867 : i32
        %add3A_869 = arith.constant 64 : i32
        %add3A_870 = arith.addi %mul3A_868, %add3A_869 : i32
        %get3A_871 = arith.index_cast %add3A_870 : i32 to index
        %get3A_872 = tpu.vector_load %arg4[%get3A_871] {strides = array<i32>} : memref<65536xf32, #tpu.memory_space<vmem>>, vector<16xf32>,
        %max3A_873 = arith.maximumf %max3A_866, %get3A_872 : vector<16xf32>
        %mul3A_874 = arith.constant 256 : i32
        %mul3A_875 = arith.muli %scan3A_841, %mul3A_874 : i32
        %add3A_876 = arith.constant 80 : i32
        %add3A_877 = arith.addi %mul3A_875, %add3A_876 : i32
        %get3A_878 = arith.index_cast %add3A_877 : i32 to index
        %get3A_879 = tpu.vector_load %arg4[%get3A_878] {strides = array<i32>} : memref<65536xf32, #tpu.memory_space<vmem>>, vector<16xf32>,
        %max3A_880 = arith.maximumf %max3A_873, %get3A_879 : vector<16xf32>
        %mul3A_881 = arith.constant 256 : i32
        %mul3A_882 = arith.muli %scan3A_841, %mul3A_881 : i32
        %add3A_883 = arith.constant 96 : i32
        %add3A_884 = arith.addi %mul3A_882, %add3A_883 : i32
        %get3A_885 = arith.index_cast %add3A_884 : i32 to index
        %get3A_886 = tpu.vector_load %arg4[%get3A_885] {strides = array<i32>} : memref<65536xf32, #tpu.memory_space<vmem>>, vector<16xf32>,
        %max3A_887 = arith.maximumf %max3A_880, %get3A_886 : vector<16xf32>
        %mul3A_888 = arith.constant 256 : i32
        %mul3A_889 = arith.muli %scan3A_841, %mul3A_888 : i32
        %add3A_890 = arith.constant 112 : i32
        %add3A_891 = arith.addi %mul3A_889, %add3A_890 : i32
        %get3A_892 = arith.index_cast %add3A_891 : i32 to index
        %get3A_893 = tpu.vector_load %arg4[%get3A_892] {strides = array<i32>} : memref<65536xf32, #tpu.memory_space<vmem>>, vector<16xf32>,
        %max3A_894 = arith.maximumf %max3A_887, %get3A_893 : vector<16xf32>
        %mul3A_895 = arith.constant 256 : i32
        %mul3A_896 = arith.muli %scan3A_841, %mul3A_895 : i32
        %add3A_897 = arith.constant 128 : i32
        %add3A_898 = arith.addi %mul3A_896, %add3A_897 : i32
        %get3A_899 = arith.index_cast %add3A_898 : i32 to index
        %get3A_900 = tpu.vector_load %arg4[%get3A_899] {strides = array<i32>} : memref<65536xf32, #tpu.memory_space<vmem>>, vector<16xf32>,
        %max3A_901 = arith.maximumf %max3A_894, %get3A_900 : vector<16xf32>
        %mul3A_902 = arith.constant 256 : i32
        %mul3A_903 = arith.muli %scan3A_841, %mul3A_902 : i32
        %add3A_904 = arith.constant 144 : i32
        %add3A_905 = arith.addi %mul3A_903, %add3A_904 : i32
        %get3A_906 = arith.index_cast %add3A_905 : i32 to index
        %get3A_907 = tpu.vector_load %arg4[%get3A_906] {strides = array<i32>} : memref<65536xf32, #tpu.memory_space<vmem>>, vector<16xf32>,
        %max3A_908 = arith.maximumf %max3A_901, %get3A_907 : vector<16xf32>
        %mul3A_909 = arith.constant 256 : i32
        %mul3A_910 = arith.muli %scan3A_841, %mul3A_909 : i32
        %add3A_911 = arith.constant 160 : i32
        %add3A_912 = arith.addi %mul3A_910, %add3A_911 : i32
        %get3A_913 = arith.index_cast %add3A_912 : i32 to index
        %get3A_914 = tpu.vector_load %arg4[%get3A_913] {strides = array<i32>} : memref<65536xf32, #tpu.memory_space<vmem>>, vector<16xf32>,
        %max3A_915 = arith.maximumf %max3A_908, %get3A_914 : vector<16xf32>
        %mul3A_916 = arith.constant 256 : i32
        %mul3A_917 = arith.muli %scan3A_841, %mul3A_916 : i32
        %add3A_918 = arith.constant 176 : i32
        %add3A_919 = arith.addi %mul3A_917, %add3A_918 : i32
        %get3A_920 = arith.index_cast %add3A_919 : i32 to index
        %get3A_921 = tpu.vector_load %arg4[%get3A_920] {strides = array<i32>} : memref<65536xf32, #tpu.memory_space<vmem>>, vector<16xf32>,
        %max3A_922 = arith.maximumf %max3A_915, %get3A_921 : vector<16xf32>
        %mul3A_923 = arith.constant 256 : i32
        %mul3A_924 = arith.muli %scan3A_841, %mul3A_923 : i32
        %add3A_925 = arith.constant 192 : i32
        %add3A_926 = arith.addi %mul3A_924, %add3A_925 : i32
        %get3A_927 = arith.index_cast %add3A_926 : i32 to index
        %get3A_928 = tpu.vector_load %arg4[%get3A_927] {strides = array<i32>} : memref<65536xf32, #tpu.memory_space<vmem>>, vector<16xf32>,
        %max3A_929 = arith.maximumf %max3A_922, %get3A_928 : vector<16xf32>
        %mul3A_930 = arith.constant 256 : i32
        %mul3A_931 = arith.muli %scan3A_841, %mul3A_930 : i32
        %add3A_932 = arith.constant 208 : i32
        %add3A_933 = arith.addi %mul3A_931, %add3A_932 : i32
        %get3A_934 = arith.index_cast %add3A_933 : i32 to index
        %get3A_935 = tpu.vector_load %arg4[%get3A_934] {strides = array<i32>} : memref<65536xf32, #tpu.memory_space<vmem>>, vector<16xf32>,
        %max3A_936 = arith.maximumf %max3A_929, %get3A_935 : vector<16xf32>
        %mul3A_937 = arith.constant 256 : i32
        %mul3A_938 = arith.muli %scan3A_841, %mul3A_937 : i32
        %add3A_939 = arith.constant 224 : i32
        %add3A_940 = arith.addi %mul3A_938, %add3A_939 : i32
        %get3A_941 = arith.index_cast %add3A_940 : i32 to index
        %get3A_942 = tpu.vector_load %arg4[%get3A_941] {strides = array<i32>} : memref<65536xf32, #tpu.memory_space<vmem>>, vector<16xf32>,
        %max3A_943 = arith.maximumf %max3A_936, %get3A_942 : vector<16xf32>
        %mul3A_944 = arith.constant 256 : i32
        %mul3A_945 = arith.muli %scan3A_841, %mul3A_944 : i32
        %add3A_946 = arith.constant 240 : i32
        %add3A_947 = arith.addi %mul3A_945, %add3A_946 : i32
        %get3A_948 = arith.index_cast %add3A_947 : i32 to index
        %get3A_949 = tpu.vector_load %arg4[%get3A_948] {strides = array<i32>} : memref<65536xf32, #tpu.memory_space<vmem>>, vector<16xf32>,
        %max3A_950 = arith.maximumf %max3A_943, %get3A_949 : vector<16xf32>
        %mul3A_951 = arith.constant 16 : i32
        %mul3A_952 = arith.muli %scan3A_841, %mul3A_951 : i32
        %swap3A_953 = arith.index_cast %mul3A_952 : i32 to index
        %swap3A_954 = tpu.vector_load %arg5[%swap3A_953] {strides = array<i32>} : memref<4096xf32, #tpu.memory_space<vmem>>, vector<16xf32>,
        tpu.vector_store %arg5[%swap3A_953], %max3A_950 {strides = array<i32>} : memref<4096xf32, #tpu.memory_space<vmem>>, vector<16xf32>,
        %max3A_955 = arith.maximumf %scan3A_842, %max3A_950 : vector<16xf32>
        scf.yield %max3A_955 : vector<16xf32>
      }
      %scan3A_838 = arith.constant 68 : i32
      %swap3A_839 = arith.constant 0 : index
      %swap3A_840 = tpu.vector_load %arg16[%swap3A_839] {strides = array<i32>} : memref<16xf32, #tpu.memory_space<vmem>>, vector<16xf32>,
      tpu.vector_store %arg16[%swap3A_839], %scan3A_837 {strides = array<i32>} : memref<16xf32, #tpu.memory_space<vmem>>, vector<16xf32>,
    } else {
    }
    %mul3A_533 = arith.constant 16 : i32
    %mul3A_534 = arith.muli %add3A, %mul3A_533 : i32
    "tpu.region"() ({
      %run_scoped3A = tpu.sem_alloc : memref<!tpu.dma_semaphore, #tpu.memory_space<semaphore_mem>>
      %dma_start3A = tpu.memref_slice %arg19[%mul3A_534] : memref<256xf32, #tpu.memory_space<vmem_shared>> -> memref<16xf32, #tpu.memory_space<vmem_shared>>
      %dma_start3A_770 = tpu.memref_slice %arg19[%mul3A_534] : memref<256xf32, #tpu.memory_space<vmem_shared>> -> memref<16xf32, #tpu.memory_space<vmem_shared>>
      tpu.enqueue_dma source(%arg16 : memref<16xf32, #tpu.memory_space<vmem>>) target(%dma_start3A_770 : memref<16xf32, #tpu.memory_space<vmem_shared>>) target_semaphore(%run_scoped3A : memref<!tpu.dma_semaphore, #tpu.memory_space<semaphore_mem>>)
      %dma_wait3A = tpu.memref_slice %arg19[%mul3A_534] : memref<256xf32, #tpu.memory_space<vmem_shared>> -> memref<16xf32, #tpu.memory_space<vmem_shared>>
      %dma_wait3A_771 = tpu.memref_slice %arg19[%mul3A_534] : memref<256xf32, #tpu.memory_space<vmem_shared>> -> memref<16xf32, #tpu.memory_space<vmem_shared>>
      tpu.wait_dma2 semaphore(%run_scoped3A : memref<!tpu.dma_semaphore, #tpu.memory_space<semaphore_mem>>) src(%arg16 : memref<16xf32, #tpu.memory_space<vmem>>) dst(%dma_wait3A_771 : memref<16xf32, #tpu.memory_space<vmem_shared>>)
      tpu.yield
    }) : () -> ()
    %barrier3A = arith.constant 0 : index
    tpu.barrier barrier_id(%barrier3A)
    %lt3A_535 = arith.constant 15 : i32
    %lt3A_536 = arith.cmpi slt, %add3A, %lt3A_535 : i32
    %convert_element_type3A_537 = arith.extui %lt3A_536 : i1 to i32
    %cond3A_538 = arith.constant 0 : i32
    %cond3A_539 = arith.cmpi ne, %convert_element_type3A_537, %cond3A_538 : i32
    scf.if %cond3A_539 {
      %mul3A_770 = arith.constant 65536 : i32
      %mul3A_771 = arith.muli %add3A, %mul3A_770 : i32
      %dma_start3A = tpu.memref_slice %arg3[%mul3A_771] : memref<1000000xf32, #tpu.memory_space<hbm>> -> memref<65536xf32, #tpu.memory_space<hbm>>
      tpu.enqueue_dma source(%arg18 : memref<65536xf32, #tpu.memory_space<vmem_shared>>) target(%dma_start3A : memref<65536xf32, #tpu.memory_space<hbm>>) target_semaphore(%arg24 : memref<!tpu.dma_semaphore, #tpu.memory_space<semaphore_mem>>)
    } else {
    }
    %eq3A_540 = arith.constant 15 : i32
    %eq3A_541 = arith.cmpi eq, %add3A, %eq3A_540 : i32
    %convert_element_type3A_542 = arith.extui %eq3A_541 : i1 to i32
    %cond3A_543 = arith.constant 0 : i32
    %cond3A_544 = arith.cmpi ne, %convert_element_type3A_542, %cond3A_543 : i32
    scf.if %cond3A_544 {
      %dma_start3A = arith.constant 983040 : i32
      %dma_start3A_770 = tpu.memref_slice %arg3[%dma_start3A] : memref<1000000xf32, #tpu.memory_space<hbm>> -> memref<4096xf32, #tpu.memory_space<hbm>>
      %dma_start3A_771 = arith.constant 983040 : i32
      %dma_start3A_772 = tpu.memref_slice %arg3[%dma_start3A_771] : memref<1000000xf32, #tpu.memory_space<hbm>> -> memref<4096xf32, #tpu.memory_space<hbm>>
      tpu.enqueue_dma source(%arg9 : memref<4096xf32, #tpu.memory_space<vmem>>) target(%dma_start3A_772 : memref<4096xf32, #tpu.memory_space<hbm>>) target_semaphore(%arg24 : memref<!tpu.dma_semaphore, #tpu.memory_space<semaphore_mem>>)
      %dma_start3A_773 = arith.constant 987136 : i32
      %dma_start3A_774 = tpu.memref_slice %arg3[%dma_start3A_773] : memref<1000000xf32, #tpu.memory_space<hbm>> -> memref<4096xf32, #tpu.memory_space<hbm>>
      %dma_start3A_775 = arith.constant 987136 : i32
      %dma_start3A_776 = tpu.memref_slice %arg3[%dma_start3A_775] : memref<1000000xf32, #tpu.memory_space<hbm>> -> memref<4096xf32, #tpu.memory_space<hbm>>
      tpu.enqueue_dma source(%arg9 : memref<4096xf32, #tpu.memory_space<vmem>>) target(%dma_start3A_776 : memref<4096xf32, #tpu.memory_space<hbm>>) target_semaphore(%arg24 : memref<!tpu.dma_semaphore, #tpu.memory_space<semaphore_mem>>)
      %dma_start3A_777 = arith.constant 991232 : i32
      %dma_start3A_778 = tpu.memref_slice %arg3[%dma_start3A_777] : memref<1000000xf32, #tpu.memory_space<hbm>> -> memref<4096xf32, #tpu.memory_space<hbm>>
      %dma_start3A_779 = arith.constant 991232 : i32
      %dma_start3A_780 = tpu.memref_slice %arg3[%dma_start3A_779] : memref<1000000xf32, #tpu.memory_space<hbm>> -> memref<4096xf32, #tpu.memory_space<hbm>>
      tpu.enqueue_dma source(%arg9 : memref<4096xf32, #tpu.memory_space<vmem>>) target(%dma_start3A_780 : memref<4096xf32, #tpu.memory_space<hbm>>) target_semaphore(%arg24 : memref<!tpu.dma_semaphore, #tpu.memory_space<semaphore_mem>>)
      %dma_start3A_781 = arith.constant 995328 : i32
      %dma_start3A_782 = tpu.memref_slice %arg3[%dma_start3A_781] : memref<1000000xf32, #tpu.memory_space<hbm>> -> memref<4096xf32, #tpu.memory_space<hbm>>
      %dma_start3A_783 = arith.constant 995328 : i32
      %dma_start3A_784 = tpu.memref_slice %arg3[%dma_start3A_783] : memref<1000000xf32, #tpu.memory_space<hbm>> -> memref<4096xf32, #tpu.memory_space<hbm>>
      tpu.enqueue_dma source(%arg9 : memref<4096xf32, #tpu.memory_space<vmem>>) target(%dma_start3A_784 : memref<4096xf32, #tpu.memory_space<hbm>>) target_semaphore(%arg24 : memref<!tpu.dma_semaphore, #tpu.memory_space<semaphore_mem>>)
      %dma_start3A_785 = arith.constant 0 : i32
      %dma_start3A_786 = tpu.memref_slice %arg9[%dma_start3A_785] : memref<4096xf32, #tpu.memory_space<vmem>> -> memref<576xf32, #tpu.memory_space<vmem>>
      %dma_start3A_787 = arith.constant 999424 : i32
      %dma_start3A_788 = tpu.memref_slice %arg3[%dma_start3A_787] : memref<1000000xf32, #tpu.memory_space<hbm>> -> memref<576xf32, #tpu.memory_space<hbm>>
      %dma_start3A_789 = arith.constant 999424 : i32
      %dma_start3A_790 = tpu.memref_slice %arg3[%dma_start3A_789] : memref<1000000xf32, #tpu.memory_space<hbm>> -> memref<576xf32, #tpu.memory_space<hbm>>
      %dma_start3A_791 = arith.constant 0 : i32
      %dma_start3A_792 = tpu.memref_slice %arg9[%dma_start3A_791] : memref<4096xf32, #tpu.memory_space<vmem>> -> memref<576xf32, #tpu.memory_space<vmem>>
      tpu.enqueue_dma source(%dma_start3A_792 : memref<576xf32, #tpu.memory_space<vmem>>) target(%dma_start3A_790 : memref<576xf32, #tpu.memory_space<hbm>>) target_semaphore(%arg24 : memref<!tpu.dma_semaphore, #tpu.memory_space<semaphore_mem>>)
    } else {
    }
    "tpu.region"() ({
      %run_scoped3A = tpu.sem_alloc : memref<!tpu.dma_semaphore, #tpu.memory_space<semaphore_mem>>
      tpu.enqueue_dma source(%arg19 : memref<256xf32, #tpu.memory_space<vmem_shared>>) target(%arg6 : memref<256xf32, #tpu.memory_space<vmem>>) target_semaphore(%run_scoped3A : memref<!tpu.dma_semaphore, #tpu.memory_space<semaphore_mem>>)
      tpu.wait_dma2 semaphore(%run_scoped3A : memref<!tpu.dma_semaphore, #tpu.memory_space<semaphore_mem>>) src(%arg19 : memref<256xf32, #tpu.memory_space<vmem_shared>>) dst(%arg6 : memref<256xf32, #tpu.memory_space<vmem>>)
      tpu.yield
    }) : () -> ()
    %broadcast_in_dim3A_545 = arith.constant -2147483648 : i32
    %broadcast_in_dim3A_546 = vector.broadcast %broadcast_in_dim3A_545 : i32 to vector<16xi32>
    %broadcast_in_dim3A_547 = arith.constant 2147483647 : i32
    %broadcast_in_dim3A_548 = vector.broadcast %broadcast_in_dim3A_547 : i32 to vector<16xi32>
    %get3A = arith.constant 0 : index
    %get3A_549 = tpu.vector_load %arg6[%get3A] {strides = array<i32>} : memref<256xf32, #tpu.memory_space<vmem>>, vector<16xf32>,
    %bitcast3A = vector.bitcast %get3A_549 : vector<16xf32> to vector<16xi32>
    %broadcast_in_dim3A_550 = arith.constant 0 : i32
    %broadcast_in_dim3A_551 = vector.broadcast %broadcast_in_dim3A_550 : i32 to vector<16xi32>
    %lt3A_552 = arith.cmpi slt, %bitcast3A, %broadcast_in_dim3A_551 : vector<16xi32>
    %xor3A = arith.xori %bitcast3A, %broadcast_in_dim3A_548 : vector<16xi32>
    %select_n3A = arith.select %lt3A_552, %xor3A, %bitcast3A : vector<16xi1>, vector<16xi32>
    %xor3A_553 = arith.xori %select_n3A, %broadcast_in_dim3A_546 : vector<16xi32>
    %bitcast3A_554 = vector.bitcast %xor3A_553 : vector<16xi32> to vector<16xi32>
    %get3A_555 = arith.constant 16 : index
    %get3A_556 = tpu.vector_load %arg6[%get3A_555] {strides = array<i32>} : memref<256xf32, #tpu.memory_space<vmem>>, vector<16xf32>,
    %bitcast3A_557 = vector.bitcast %get3A_556 : vector<16xf32> to vector<16xi32>
    %broadcast_in_dim3A_558 = arith.constant 0 : i32
    %broadcast_in_dim3A_559 = vector.broadcast %broadcast_in_dim3A_558 : i32 to vector<16xi32>
    %lt3A_560 = arith.cmpi slt, %bitcast3A_557, %broadcast_in_dim3A_559 : vector<16xi32>
    %xor3A_561 = arith.xori %bitcast3A_557, %broadcast_in_dim3A_548 : vector<16xi32>
    %select_n3A_562 = arith.select %lt3A_560, %xor3A_561, %bitcast3A_557 : vector<16xi1>, vector<16xi32>
    %xor3A_563 = arith.xori %select_n3A_562, %broadcast_in_dim3A_546 : vector<16xi32>
    %bitcast3A_564 = vector.bitcast %xor3A_563 : vector<16xi32> to vector<16xi32>
    %get3A_565 = arith.constant 32 : index
    %get3A_566 = tpu.vector_load %arg6[%get3A_565] {strides = array<i32>} : memref<256xf32, #tpu.memory_space<vmem>>, vector<16xf32>,
    %bitcast3A_567 = vector.bitcast %get3A_566 : vector<16xf32> to vector<16xi32>
    %broadcast_in_dim3A_568 = arith.constant 0 : i32
    %broadcast_in_dim3A_569 = vector.broadcast %broadcast_in_dim3A_568 : i32 to vector<16xi32>
    %lt3A_570 = arith.cmpi slt, %bitcast3A_567, %broadcast_in_dim3A_569 : vector<16xi32>
    %xor3A_571 = arith.xori %bitcast3A_567, %broadcast_in_dim3A_548 : vector<16xi32>
    %select_n3A_572 = arith.select %lt3A_570, %xor3A_571, %bitcast3A_567 : vector<16xi1>, vector<16xi32>
    %xor3A_573 = arith.xori %select_n3A_572, %broadcast_in_dim3A_546 : vector<16xi32>
    %bitcast3A_574 = vector.bitcast %xor3A_573 : vector<16xi32> to vector<16xi32>
    %get3A_575 = arith.constant 48 : index
    %get3A_576 = tpu.vector_load %arg6[%get3A_575] {strides = array<i32>} : memref<256xf32, #tpu.memory_space<vmem>>, vector<16xf32>,
    %bitcast3A_577 = vector.bitcast %get3A_576 : vector<16xf32> to vector<16xi32>
    %broadcast_in_dim3A_578 = arith.constant 0 : i32
    %broadcast_in_dim3A_579 = vector.broadcast %broadcast_in_dim3A_578 : i32 to vector<16xi32>
    %lt3A_580 = arith.cmpi slt, %bitcast3A_577, %broadcast_in_dim3A_579 : vector<16xi32>
    %xor3A_581 = arith.xori %bitcast3A_577, %broadcast_in_dim3A_548 : vector<16xi32>
    %select_n3A_582 = arith.select %lt3A_580, %xor3A_581, %bitcast3A_577 : vector<16xi1>, vector<16xi32>
    %xor3A_583 = arith.xori %select_n3A_582, %broadcast_in_dim3A_546 : vector<16xi32>
    %bitcast3A_584 = vector.bitcast %xor3A_583 : vector<16xi32> to vector<16xi32>
    %get3A_585 = arith.constant 64 : index
    %get3A_586 = tpu.vector_load %arg6[%get3A_585] {strides = array<i32>} : memref<256xf32, #tpu.memory_space<vmem>>, vector<16xf32>,
    %bitcast3A_587 = vector.bitcast %get3A_586 : vector<16xf32> to vector<16xi32>
    %broadcast_in_dim3A_588 = arith.constant 0 : i32
    %broadcast_in_dim3A_589 = vector.broadcast %broadcast_in_dim3A_588 : i32 to vector<16xi32>
    %lt3A_590 = arith.cmpi slt, %bitcast3A_587, %broadcast_in_dim3A_589 : vector<16xi32>
    %xor3A_591 = arith.xori %bitcast3A_587, %broadcast_in_dim3A_548 : vector<16xi32>
    %select_n3A_592 = arith.select %lt3A_590, %xor3A_591, %bitcast3A_587 : vector<16xi1>, vector<16xi32>
    %xor3A_593 = arith.xori %select_n3A_592, %broadcast_in_dim3A_546 : vector<16xi32>
    %bitcast3A_594 = vector.bitcast %xor3A_593 : vector<16xi32> to vector<16xi32>
    %get3A_595 = arith.constant 80 : index
    %get3A_596 = tpu.vector_load %arg6[%get3A_595] {strides = array<i32>} : memref<256xf32, #tpu.memory_space<vmem>>, vector<16xf32>,
    %bitcast3A_597 = vector.bitcast %get3A_596 : vector<16xf32> to vector<16xi32>
    %broadcast_in_dim3A_598 = arith.constant 0 : i32
    %broadcast_in_dim3A_599 = vector.broadcast %broadcast_in_dim3A_598 : i32 to vector<16xi32>
    %lt3A_600 = arith.cmpi slt, %bitcast3A_597, %broadcast_in_dim3A_599 : vector<16xi32>
    %xor3A_601 = arith.xori %bitcast3A_597, %broadcast_in_dim3A_548 : vector<16xi32>
    %select_n3A_602 = arith.select %lt3A_600, %xor3A_601, %bitcast3A_597 : vector<16xi1>, vector<16xi32>
    %xor3A_603 = arith.xori %select_n3A_602, %broadcast_in_dim3A_546 : vector<16xi32>
    %bitcast3A_604 = vector.bitcast %xor3A_603 : vector<16xi32> to vector<16xi32>
    %get3A_605 = arith.constant 96 : index
    %get3A_606 = tpu.vector_load %arg6[%get3A_605] {strides = array<i32>} : memref<256xf32, #tpu.memory_space<vmem>>, vector<16xf32>,
    %bitcast3A_607 = vector.bitcast %get3A_606 : vector<16xf32> to vector<16xi32>
    %broadcast_in_dim3A_608 = arith.constant 0 : i32
    %broadcast_in_dim3A_609 = vector.broadcast %broadcast_in_dim3A_608 : i32 to vector<16xi32>
    %lt3A_610 = arith.cmpi slt, %bitcast3A_607, %broadcast_in_dim3A_609 : vector<16xi32>
    %xor3A_611 = arith.xori %bitcast3A_607, %broadcast_in_dim3A_548 : vector<16xi32>
    %select_n3A_612 = arith.select %lt3A_610, %xor3A_611, %bitcast3A_607 : vector<16xi1>, vector<16xi32>
    %xor3A_613 = arith.xori %select_n3A_612, %broadcast_in_dim3A_546 : vector<16xi32>
    %bitcast3A_614 = vector.bitcast %xor3A_613 : vector<16xi32> to vector<16xi32>
    %get3A_615 = arith.constant 112 : index
    %get3A_616 = tpu.vector_load %arg6[%get3A_615] {strides = array<i32>} : memref<256xf32, #tpu.memory_space<vmem>>, vector<16xf32>,
    %bitcast3A_617 = vector.bitcast %get3A_616 : vector<16xf32> to vector<16xi32>
    %broadcast_in_dim3A_618 = arith.constant 0 : i32
    %broadcast_in_dim3A_619 = vector.broadcast %broadcast_in_dim3A_618 : i32 to vector<16xi32>
    %lt3A_620 = arith.cmpi slt, %bitcast3A_617, %broadcast_in_dim3A_619 : vector<16xi32>
    %xor3A_621 = arith.xori %bitcast3A_617, %broadcast_in_dim3A_548 : vector<16xi32>
    %select_n3A_622 = arith.select %lt3A_620, %xor3A_621, %bitcast3A_617 : vector<16xi1>, vector<16xi32>
    %xor3A_623 = arith.xori %select_n3A_622, %broadcast_in_dim3A_546 : vector<16xi32>
    %bitcast3A_624 = vector.bitcast %xor3A_623 : vector<16xi32> to vector<16xi32>
    %get3A_625 = arith.constant 128 : index
    %get3A_626 = tpu.vector_load %arg6[%get3A_625] {strides = array<i32>} : memref<256xf32, #tpu.memory_space<vmem>>, vector<16xf32>,
    %bitcast3A_627 = vector.bitcast %get3A_626 : vector<16xf32> to vector<16xi32>
    %broadcast_in_dim3A_628 = arith.constant 0 : i32
    %broadcast_in_dim3A_629 = vector.broadcast %broadcast_in_dim3A_628 : i32 to vector<16xi32>
    %lt3A_630 = arith.cmpi slt, %bitcast3A_627, %broadcast_in_dim3A_629 : vector<16xi32>
    %xor3A_631 = arith.xori %bitcast3A_627, %broadcast_in_dim3A_548 : vector<16xi32>
    %select_n3A_632 = arith.select %lt3A_630, %xor3A_631, %bitcast3A_627 : vector<16xi1>, vector<16xi32>
    %xor3A_633 = arith.xori %select_n3A_632, %broadcast_in_dim3A_546 : vector<16xi32>
    %bitcast3A_634 = vector.bitcast %xor3A_633 : vector<16xi32> to vector<16xi32>
    %get3A_635 = arith.constant 144 : index
    %get3A_636 = tpu.vector_load %arg6[%get3A_635] {strides = array<i32>} : memref<256xf32, #tpu.memory_space<vmem>>, vector<16xf32>,
    %bitcast3A_637 = vector.bitcast %get3A_636 : vector<16xf32> to vector<16xi32>
    %broadcast_in_dim3A_638 = arith.constant 0 : i32
    %broadcast_in_dim3A_639 = vector.broadcast %broadcast_in_dim3A_638 : i32 to vector<16xi32>
    %lt3A_640 = arith.cmpi slt, %bitcast3A_637, %broadcast_in_dim3A_639 : vector<16xi32>
    %xor3A_641 = arith.xori %bitcast3A_637, %broadcast_in_dim3A_548 : vector<16xi32>
    %select_n3A_642 = arith.select %lt3A_640, %xor3A_641, %bitcast3A_637 : vector<16xi1>, vector<16xi32>
    %xor3A_643 = arith.xori %select_n3A_642, %broadcast_in_dim3A_546 : vector<16xi32>
    %bitcast3A_644 = vector.bitcast %xor3A_643 : vector<16xi32> to vector<16xi32>
    %get3A_645 = arith.constant 160 : index
    %get3A_646 = tpu.vector_load %arg6[%get3A_645] {strides = array<i32>} : memref<256xf32, #tpu.memory_space<vmem>>, vector<16xf32>,
    %bitcast3A_647 = vector.bitcast %get3A_646 : vector<16xf32> to vector<16xi32>
    %broadcast_in_dim3A_648 = arith.constant 0 : i32
    %broadcast_in_dim3A_649 = vector.broadcast %broadcast_in_dim3A_648 : i32 to vector<16xi32>
    %lt3A_650 = arith.cmpi slt, %bitcast3A_647, %broadcast_in_dim3A_649 : vector<16xi32>
    %xor3A_651 = arith.xori %bitcast3A_647, %broadcast_in_dim3A_548 : vector<16xi32>
    %select_n3A_652 = arith.select %lt3A_650, %xor3A_651, %bitcast3A_647 : vector<16xi1>, vector<16xi32>
    %xor3A_653 = arith.xori %select_n3A_652, %broadcast_in_dim3A_546 : vector<16xi32>
    %bitcast3A_654 = vector.bitcast %xor3A_653 : vector<16xi32> to vector<16xi32>
    %get3A_655 = arith.constant 176 : index
    %get3A_656 = tpu.vector_load %arg6[%get3A_655] {strides = array<i32>} : memref<256xf32, #tpu.memory_space<vmem>>, vector<16xf32>,
    %bitcast3A_657 = vector.bitcast %get3A_656 : vector<16xf32> to vector<16xi32>
    %broadcast_in_dim3A_658 = arith.constant 0 : i32
    %broadcast_in_dim3A_659 = vector.broadcast %broadcast_in_dim3A_658 : i32 to vector<16xi32>
    %lt3A_660 = arith.cmpi slt, %bitcast3A_657, %broadcast_in_dim3A_659 : vector<16xi32>
    %xor3A_661 = arith.xori %bitcast3A_657, %broadcast_in_dim3A_548 : vector<16xi32>
    %select_n3A_662 = arith.select %lt3A_660, %xor3A_661, %bitcast3A_657 : vector<16xi1>, vector<16xi32>
    %xor3A_663 = arith.xori %select_n3A_662, %broadcast_in_dim3A_546 : vector<16xi32>
    %bitcast3A_664 = vector.bitcast %xor3A_663 : vector<16xi32> to vector<16xi32>
    %get3A_665 = arith.constant 192 : index
    %get3A_666 = tpu.vector_load %arg6[%get3A_665] {strides = array<i32>} : memref<256xf32, #tpu.memory_space<vmem>>, vector<16xf32>,
    %bitcast3A_667 = vector.bitcast %get3A_666 : vector<16xf32> to vector<16xi32>
    %broadcast_in_dim3A_668 = arith.constant 0 : i32
    %broadcast_in_dim3A_669 = vector.broadcast %broadcast_in_dim3A_668 : i32 to vector<16xi32>
    %lt3A_670 = arith.cmpi slt, %bitcast3A_667, %broadcast_in_dim3A_669 : vector<16xi32>
    %xor3A_671 = arith.xori %bitcast3A_667, %broadcast_in_dim3A_548 : vector<16xi32>
    %select_n3A_672 = arith.select %lt3A_670, %xor3A_671, %bitcast3A_667 : vector<16xi1>, vector<16xi32>
    %xor3A_673 = arith.xori %select_n3A_672, %broadcast_in_dim3A_546 : vector<16xi32>
    %bitcast3A_674 = vector.bitcast %xor3A_673 : vector<16xi32> to vector<16xi32>
    %get3A_675 = arith.constant 208 : index
    %get3A_676 = tpu.vector_load %arg6[%get3A_675] {strides = array<i32>} : memref<256xf32, #tpu.memory_space<vmem>>, vector<16xf32>,
    %bitcast3A_677 = vector.bitcast %get3A_676 : vector<16xf32> to vector<16xi32>
    %broadcast_in_dim3A_678 = arith.constant 0 : i32
    %broadcast_in_dim3A_679 = vector.broadcast %broadcast_in_dim3A_678 : i32 to vector<16xi32>
    %lt3A_680 = arith.cmpi slt, %bitcast3A_677, %broadcast_in_dim3A_679 : vector<16xi32>
    %xor3A_681 = arith.xori %bitcast3A_677, %broadcast_in_dim3A_548 : vector<16xi32>
    %select_n3A_682 = arith.select %lt3A_680, %xor3A_681, %bitcast3A_677 : vector<16xi1>, vector<16xi32>
    %xor3A_683 = arith.xori %select_n3A_682, %broadcast_in_dim3A_546 : vector<16xi32>
    %bitcast3A_684 = vector.bitcast %xor3A_683 : vector<16xi32> to vector<16xi32>
    %get3A_685 = arith.constant 224 : index
    %get3A_686 = tpu.vector_load %arg6[%get3A_685] {strides = array<i32>} : memref<256xf32, #tpu.memory_space<vmem>>, vector<16xf32>,
    %bitcast3A_687 = vector.bitcast %get3A_686 : vector<16xf32> to vector<16xi32>
    %broadcast_in_dim3A_688 = arith.constant 0 : i32
    %broadcast_in_dim3A_689 = vector.broadcast %broadcast_in_dim3A_688 : i32 to vector<16xi32>
    %lt3A_690 = arith.cmpi slt, %bitcast3A_687, %broadcast_in_dim3A_689 : vector<16xi32>
    %xor3A_691 = arith.xori %bitcast3A_687, %broadcast_in_dim3A_548 : vector<16xi32>
    %select_n3A_692 = arith.select %lt3A_690, %xor3A_691, %bitcast3A_687 : vector<16xi1>, vector<16xi32>
    %xor3A_693 = arith.xori %select_n3A_692, %broadcast_in_dim3A_546 : vector<16xi32>
    %bitcast3A_694 = vector.bitcast %xor3A_693 : vector<16xi32> to vector<16xi32>
    %get3A_695 = arith.constant 240 : index
    %get3A_696 = tpu.vector_load %arg6[%get3A_695] {strides = array<i32>} : memref<256xf32, #tpu.memory_space<vmem>>, vector<16xf32>,
    %bitcast3A_697 = vector.bitcast %get3A_696 : vector<16xf32> to vector<16xi32>
    %broadcast_in_dim3A_698 = arith.constant 0 : i32
    %broadcast_in_dim3A_699 = vector.broadcast %broadcast_in_dim3A_698 : i32 to vector<16xi32>
    %lt3A_700 = arith.cmpi slt, %bitcast3A_697, %broadcast_in_dim3A_699 : vector<16xi32>
    %xor3A_701 = arith.xori %bitcast3A_697, %broadcast_in_dim3A_548 : vector<16xi32>
    %select_n3A_702 = arith.select %lt3A_700, %xor3A_701, %bitcast3A_697 : vector<16xi1>, vector<16xi32>
    %xor3A_703 = arith.xori %select_n3A_702, %broadcast_in_dim3A_546 : vector<16xi32>
    %bitcast3A_704 = vector.bitcast %xor3A_703 : vector<16xi32> to vector<16xi32>
    %broadcast_in_dim3A_705 = arith.constant 50 : i32
    %broadcast_in_dim3A_706 = vector.broadcast %broadcast_in_dim3A_705 : i32 to vector<16xi32>
    %broadcast_in_dim3A_707 = arith.constant 0 : i32
    %broadcast_in_dim3A_708 = vector.broadcast %broadcast_in_dim3A_707 : i32 to vector<16xi32>
    %scan3A = arith.constant 0 : i32
    %scan3A_709 = arith.constant 32 : i32
    %scan3A_710 = arith.addi %scan3A, %scan3A_709 : i32
    %scan3A_711 = arith.constant 1 : i32
    %scan3A_712 = scf.for %scan3A_770 = %scan3A to %scan3A_710 step %scan3A_711 iter_args(%scan3A_771 = %broadcast_in_dim3A_708) -> (vector<16xi32>)  : i32 {
      %broadcast_in_dim3A_772 = arith.constant 1 : i32
      %broadcast_in_dim3A_773 = vector.broadcast %broadcast_in_dim3A_772 : i32 to vector<16xi32>
      %broadcast_in_dim3A_774 = arith.constant 31 : i32
      %broadcast_in_dim3A_775 = vector.broadcast %broadcast_in_dim3A_774 : i32 to vector<16xi32>
      %sub3A = vector.broadcast %scan3A_770 : i32 to vector<16xi32>
      %sub3A_776 = arith.subi %broadcast_in_dim3A_775, %sub3A : vector<16xi32>
      %shift_left3A = arith.shli %broadcast_in_dim3A_773, %sub3A_776 : vector<16xi32>
      %bitcast3A_777 = vector.bitcast %shift_left3A : vector<16xi32> to vector<16xi32>
      %or3A = arith.ori %scan3A_771, %bitcast3A_777 : vector<16xi32>
      %ge3A = arith.cmpi uge, %bitcast3A_554, %or3A : vector<16xi32>
      %all_reduce_population_count3A = tpu.all_reduce %ge3A {dim = 0 : i64, kind = #tpu.reduction_kind<sum>} : vector<16xi1> -> vector<16xi32>
      %ge3A_778 = arith.cmpi uge, %bitcast3A_564, %or3A : vector<16xi32>
      %all_reduce_population_count3A_779 = tpu.all_reduce %ge3A_778 {dim = 0 : i64, kind = #tpu.reduction_kind<sum>} : vector<16xi1> -> vector<16xi32>
      %add3A_780 = arith.addi %all_reduce_population_count3A, %all_reduce_population_count3A_779 : vector<16xi32>
      %ge3A_781 = arith.cmpi uge, %bitcast3A_574, %or3A : vector<16xi32>
      %all_reduce_population_count3A_782 = tpu.all_reduce %ge3A_781 {dim = 0 : i64, kind = #tpu.reduction_kind<sum>} : vector<16xi1> -> vector<16xi32>
      %add3A_783 = arith.addi %add3A_780, %all_reduce_population_count3A_782 : vector<16xi32>
      %ge3A_784 = arith.cmpi uge, %bitcast3A_584, %or3A : vector<16xi32>
      %all_reduce_population_count3A_785 = tpu.all_reduce %ge3A_784 {dim = 0 : i64, kind = #tpu.reduction_kind<sum>} : vector<16xi1> -> vector<16xi32>
      %add3A_786 = arith.addi %add3A_783, %all_reduce_population_count3A_785 : vector<16xi32>
      %ge3A_787 = arith.cmpi uge, %bitcast3A_594, %or3A : vector<16xi32>
      %all_reduce_population_count3A_788 = tpu.all_reduce %ge3A_787 {dim = 0 : i64, kind = #tpu.reduction_kind<sum>} : vector<16xi1> -> vector<16xi32>
      %add3A_789 = arith.addi %add3A_786, %all_reduce_population_count3A_788 : vector<16xi32>
      %ge3A_790 = arith.cmpi uge, %bitcast3A_604, %or3A : vector<16xi32>
      %all_reduce_population_count3A_791 = tpu.all_reduce %ge3A_790 {dim = 0 : i64, kind = #tpu.reduction_kind<sum>} : vector<16xi1> -> vector<16xi32>
      %add3A_792 = arith.addi %add3A_789, %all_reduce_population_count3A_791 : vector<16xi32>
      %ge3A_793 = arith.cmpi uge, %bitcast3A_614, %or3A : vector<16xi32>
      %all_reduce_population_count3A_794 = tpu.all_reduce %ge3A_793 {dim = 0 : i64, kind = #tpu.reduction_kind<sum>} : vector<16xi1> -> vector<16xi32>
      %add3A_795 = arith.addi %add3A_792, %all_reduce_population_count3A_794 : vector<16xi32>
      %ge3A_796 = arith.cmpi uge, %bitcast3A_624, %or3A : vector<16xi32>
      %all_reduce_population_count3A_797 = tpu.all_reduce %ge3A_796 {dim = 0 : i64, kind = #tpu.reduction_kind<sum>} : vector<16xi1> -> vector<16xi32>
      %add3A_798 = arith.addi %add3A_795, %all_reduce_population_count3A_797 : vector<16xi32>
      %ge3A_799 = arith.cmpi uge, %bitcast3A_634, %or3A : vector<16xi32>
      %all_reduce_population_count3A_800 = tpu.all_reduce %ge3A_799 {dim = 0 : i64, kind = #tpu.reduction_kind<sum>} : vector<16xi1> -> vector<16xi32>
      %add3A_801 = arith.addi %add3A_798, %all_reduce_population_count3A_800 : vector<16xi32>
      %ge3A_802 = arith.cmpi uge, %bitcast3A_644, %or3A : vector<16xi32>
      %all_reduce_population_count3A_803 = tpu.all_reduce %ge3A_802 {dim = 0 : i64, kind = #tpu.reduction_kind<sum>} : vector<16xi1> -> vector<16xi32>
      %add3A_804 = arith.addi %add3A_801, %all_reduce_population_count3A_803 : vector<16xi32>
      %ge3A_805 = arith.cmpi uge, %bitcast3A_654, %or3A : vector<16xi32>
      %all_reduce_population_count3A_806 = tpu.all_reduce %ge3A_805 {dim = 0 : i64, kind = #tpu.reduction_kind<sum>} : vector<16xi1> -> vector<16xi32>
      %add3A_807 = arith.addi %add3A_804, %all_reduce_population_count3A_806 : vector<16xi32>
      %ge3A_808 = arith.cmpi uge, %bitcast3A_664, %or3A : vector<16xi32>
      %all_reduce_population_count3A_809 = tpu.all_reduce %ge3A_808 {dim = 0 : i64, kind = #tpu.reduction_kind<sum>} : vector<16xi1> -> vector<16xi32>
      %add3A_810 = arith.addi %add3A_807, %all_reduce_population_count3A_809 : vector<16xi32>
      %ge3A_811 = arith.cmpi uge, %bitcast3A_674, %or3A : vector<16xi32>
      %all_reduce_population_count3A_812 = tpu.all_reduce %ge3A_811 {dim = 0 : i64, kind = #tpu.reduction_kind<sum>} : vector<16xi1> -> vector<16xi32>
      %add3A_813 = arith.addi %add3A_810, %all_reduce_population_count3A_812 : vector<16xi32>
      %ge3A_814 = arith.cmpi uge, %bitcast3A_684, %or3A : vector<16xi32>
      %all_reduce_population_count3A_815 = tpu.all_reduce %ge3A_814 {dim = 0 : i64, kind = #tpu.reduction_kind<sum>} : vector<16xi1> -> vector<16xi32>
      %add3A_816 = arith.addi %add3A_813, %all_reduce_population_count3A_815 : vector<16xi32>
      %ge3A_817 = arith.cmpi uge, %bitcast3A_694, %or3A : vector<16xi32>
      %all_reduce_population_count3A_818 = tpu.all_reduce %ge3A_817 {dim = 0 : i64, kind = #tpu.reduction_kind<sum>} : vector<16xi1> -> vector<16xi32>
      %add3A_819 = arith.addi %add3A_816, %all_reduce_population_count3A_818 : vector<16xi32>
      %ge3A_820 = arith.cmpi uge, %bitcast3A_704, %or3A : vector<16xi32>
      %all_reduce_population_count3A_821 = tpu.all_reduce %ge3A_820 {dim = 0 : i64, kind = #tpu.reduction_kind<sum>} : vector<16xi1> -> vector<16xi32>
      %add3A_822 = arith.addi %add3A_819, %all_reduce_population_count3A_821 : vector<16xi32>
      %ge3A_823 = arith.cmpi sge, %add3A_822, %broadcast_in_dim3A_706 : vector<16xi32>
      %select_n3A_824 = arith.select %ge3A_823, %or3A, %scan3A_771 : vector<16xi1>, vector<16xi32>
      scf.yield %select_n3A_824 : vector<16xi32>
    }
    %scan3A_713 = arith.constant 32 : i32
    %bitcast3A_714 = vector.bitcast %scan3A_712 : vector<16xi32> to vector<16xi32>
    %xor3A_715 = arith.xori %bitcast3A_714, %broadcast_in_dim3A_546 : vector<16xi32>
    %broadcast_in_dim3A_716 = arith.constant 0 : i32
    %broadcast_in_dim3A_717 = vector.broadcast %broadcast_in_dim3A_716 : i32 to vector<16xi32>
    %lt3A_718 = arith.cmpi slt, %xor3A_715, %broadcast_in_dim3A_717 : vector<16xi32>
    %xor3A_719 = arith.xori %xor3A_715, %broadcast_in_dim3A_548 : vector<16xi32>
    %select_n3A_720 = arith.select %lt3A_718, %xor3A_719, %xor3A_715 : vector<16xi1>, vector<16xi32>
    %bitcast3A_721 = vector.bitcast %select_n3A_720 : vector<16xi32> to vector<16xf32>
    %swap3A_722 = arith.constant 0 : index
    %swap3A_723 = tpu.vector_load %arg7[%swap3A_722] {strides = array<i32>} : memref<32xf32, #tpu.memory_space<vmem>>, vector<16xf32>,
    tpu.vector_store %arg7[%swap3A_722], %broadcast_in_dim3A_1 {strides = array<i32>} : memref<32xf32, #tpu.memory_space<vmem>>, vector<16xf32>,
    %broadcast_in_dim3A_724 = arith.constant -1 : i32
    %broadcast_in_dim3A_725 = vector.broadcast %broadcast_in_dim3A_724 : i32 to vector<16xi32>
    %swap3A_726 = arith.constant 0 : index
    %swap3A_727 = tpu.vector_load %arg8[%swap3A_726] {strides = array<i32>} : memref<32xi32, #tpu.memory_space<vmem>>, vector<16xi32>,
    tpu.vector_store %arg8[%swap3A_726], %broadcast_in_dim3A_725 {strides = array<i32>} : memref<32xi32, #tpu.memory_space<vmem>>, vector<16xi32>,
    %swap3A_728 = arith.constant 16 : index
    %swap3A_729 = tpu.vector_load %arg7[%swap3A_728] {strides = array<i32>} : memref<32xf32, #tpu.memory_space<vmem>>, vector<16xf32>,
    tpu.vector_store %arg7[%swap3A_728], %broadcast_in_dim3A_1 {strides = array<i32>} : memref<32xf32, #tpu.memory_space<vmem>>, vector<16xf32>,
    %broadcast_in_dim3A_730 = arith.constant -1 : i32
    %broadcast_in_dim3A_731 = vector.broadcast %broadcast_in_dim3A_730 : i32 to vector<16xi32>
    %swap3A_732 = arith.constant 16 : index
    %swap3A_733 = tpu.vector_load %arg8[%swap3A_732] {strides = array<i32>} : memref<32xi32, #tpu.memory_space<vmem>>, vector<16xi32>,
    tpu.vector_store %arg8[%swap3A_732], %broadcast_in_dim3A_731 {strides = array<i32>} : memref<32xi32, #tpu.memory_space<vmem>>, vector<16xi32>,
    %eq3A_734 = arith.constant 15 : i32
    %eq3A_735 = arith.cmpi eq, %add3A, %eq3A_734 : i32
    %jit3A = arith.constant 17 : i32
    %jit3A_736 = arith.constant 64 : i32
    %select_n3A_737 = arith.select %eq3A_735, %jit3A, %jit3A_736 : i32
    %broadcast_in_dim3A_738 = arith.constant 0 : i32
    %broadcast_in_dim3A_739 = vector.broadcast %broadcast_in_dim3A_738 : i32 to vector<16xi32>
    %while3A = arith.constant 0 : i32
    %while3A_740 = arith.subi %select_n3A_737, %while3A : i32
    %while3A_741 = arith.addi %while3A, %while3A_740 : i32
    %while3A_742 = arith.constant 1 : i32
    %while3A_743 = arith.divsi %while3A_740, %while3A_742 : i32
    %while3A_744 = arith.muli %while3A_743, %while3A_742 : i32
    %while3A_745 = arith.addi %while3A, %while3A_744 : i32
    %while3A_746 = arith.constant 1 : i32
    %while3A_747 = scf.for %while3A_770 = %while3A to %while3A_745 step %while3A_746 iter_args(%while3A_771 = %broadcast_in_dim3A_739) -> (vector<16xi32>)  : i32 {
      %mul3A_772 = arith.constant 64 : i32
      %mul3A_773 = arith.muli %while3A_770, %mul3A_772 : i32
      %get3A_774 = arith.index_cast %mul3A_773 : i32 to index
      %get3A_775 = tpu.vector_load %arg5[%get3A_774] {strides = array<i32>} : memref<4096xf32, #tpu.memory_space<vmem>>, vector<16xf32>,
      %mul3A_776 = arith.constant 64 : i32
      %mul3A_777 = arith.muli %while3A_770, %mul3A_776 : i32
      %add3A_778 = arith.constant 16 : i32
      %add3A_779 = arith.addi %mul3A_777, %add3A_778 : i32
      %get3A_780 = arith.index_cast %add3A_779 : i32 to index
      %get3A_781 = tpu.vector_load %arg5[%get3A_780] {strides = array<i32>} : memref<4096xf32, #tpu.memory_space<vmem>>, vector<16xf32>,
      %max3A = arith.maximumf %get3A_775, %get3A_781 : vector<16xf32>
      %mul3A_782 = arith.constant 64 : i32
      %mul3A_783 = arith.muli %while3A_770, %mul3A_782 : i32
      %add3A_784 = arith.constant 32 : i32
      %add3A_785 = arith.addi %mul3A_783, %add3A_784 : i32
      %get3A_786 = arith.index_cast %add3A_785 : i32 to index
      %get3A_787 = tpu.vector_load %arg5[%get3A_786] {strides = array<i32>} : memref<4096xf32, #tpu.memory_space<vmem>>, vector<16xf32>,
      %max3A_788 = arith.maximumf %max3A, %get3A_787 : vector<16xf32>
      %mul3A_789 = arith.constant 64 : i32
      %mul3A_790 = arith.muli %while3A_770, %mul3A_789 : i32
      %add3A_791 = arith.constant 48 : i32
      %add3A_792 = arith.addi %mul3A_790, %add3A_791 : i32
      %get3A_793 = arith.index_cast %add3A_792 : i32 to index
      %get3A_794 = tpu.vector_load %arg5[%get3A_793] {strides = array<i32>} : memref<4096xf32, #tpu.memory_space<vmem>>, vector<16xf32>,
      %max3A_795 = arith.maximumf %max3A_788, %get3A_794 : vector<16xf32>
      %ge3A = arith.cmpf oge, %max3A_795, %bitcast3A_721 : vector<16xf32>
      %reduce_or3A = arith.constant 1.000000e+00 : f32
      %reduce_or3A_796 = arith.constant 0.000000e+00 : f32
      %reduce_or3A_797 = vector.broadcast %reduce_or3A : f32 to vector<16xf32>
      %reduce_or3A_798 = vector.broadcast %reduce_or3A_796 : f32 to vector<16xf32>
      %reduce_or3A_799 = arith.select %ge3A, %reduce_or3A_797, %reduce_or3A_798 : vector<16xi1>, vector<16xf32>
      %reduce_or3A_800 = arith.constant true
      %reduce_or3A_801 = vector.broadcast %reduce_or3A_800 : i1 to vector<16xi1>
      %reduce_or3A_802 = tpu.scan <max>, %reduce_or3A_799 masked %reduce_or3A_801 : vector<16xf32>, vector<16xi1> -> vector<16xf32>
      %reduce_or3A_803 = vector.extract %reduce_or3A_802[15] : f32 from vector<16xf32>
      %reduce_or3A_804 = arith.constant 0.000000e+00 : f32
      %reduce_or3A_805 = arith.cmpf ogt, %reduce_or3A_803, %reduce_or3A_804 : f32
      %convert_element_type3A_806 = arith.extui %reduce_or3A_805 : i1 to i32
      %cond3A_807 = arith.constant 0 : i32
      %cond3A_808 = arith.cmpi ne, %convert_element_type3A_806, %cond3A_807 : i32
      %cond3A_809 = scf.if %cond3A_808 -> (vector<16xi32>) {
        %scan3A_810 = arith.constant 0 : i32
        %scan3A_811 = arith.constant 64 : i32
        %scan3A_812 = arith.addi %scan3A_810, %scan3A_811 : i32
        %scan3A_813 = arith.constant 1 : i32
        %scan3A_814 = scf.for %scan3A_816 = %scan3A_810 to %scan3A_812 step %scan3A_813 iter_args(%scan3A_817 = %while3A_771) -> (vector<16xi32>)  : i32 {
          %mul3A_818 = arith.constant 1024 : i32
          %mul3A_819 = arith.muli %while3A_770, %mul3A_818 : i32
          %mul3A_820 = arith.constant 16 : i32
          %mul3A_821 = arith.muli %scan3A_816, %mul3A_820 : i32
          %add3A_822 = arith.addi %mul3A_819, %mul3A_821 : i32
          %get3A_823 = arith.index_cast %add3A_822 : i32 to index
          %get3A_824 = tpu.vector_load %arg4[%get3A_823] {strides = array<i32>} : memref<65536xf32, #tpu.memory_space<vmem>>, vector<16xf32>,
          %ge3A_825 = arith.cmpf oge, %get3A_824, %bitcast3A_721 : vector<16xf32>
          %mul3A_826 = arith.constant 65536 : i32
          %mul3A_827 = arith.muli %add3A, %mul3A_826 : i32
          %mul3A_828 = arith.constant 1024 : i32
          %mul3A_829 = arith.muli %while3A_770, %mul3A_828 : i32
          %add3A_830 = arith.addi %mul3A_827, %mul3A_829 : i32
          %mul3A_831 = arith.constant 16 : i32
          %mul3A_832 = arith.muli %scan3A_816, %mul3A_831 : i32
          %add3A_833 = arith.addi %add3A_830, %mul3A_832 : i32
          %broadcast_in_dim3A_834 = vector.broadcast %add3A_833 : i32 to vector<16xi32>
          %iota3A = tpu.iota {dimensions = array<i32: 0>} : vector<16xi32>
          %add3A_835 = arith.addi %broadcast_in_dim3A_834, %iota3A : vector<16xi32>
          %convert_element_type3A_836 = arith.extui %ge3A_825 : vector<16xi1> to vector<16xi32>
          %cumsum3A = arith.constant true
          %cumsum3A_837 = vector.broadcast %cumsum3A : i1 to vector<16xi1>
          %cumsum3A_838 = tpu.scan <sum>, %convert_element_type3A_836 masked %cumsum3A_837 : vector<16xi32>, vector<16xi1> -> vector<16xi32>
          %add3A_839 = arith.addi %scan3A_817, %cumsum3A_838 : vector<16xi32>
          %sub3A = arith.constant 1 : i32
          %sub3A_840 = vector.broadcast %sub3A : i32 to vector<16xi32>
          %sub3A_841 = arith.subi %add3A_839, %sub3A_840 : vector<16xi32>
          %broadcast_in_dim3A_842 = arith.constant 31 : i32
          %broadcast_in_dim3A_843 = vector.broadcast %broadcast_in_dim3A_842 : i32 to vector<16xi32>
          %min3A = arith.minsi %sub3A_841, %broadcast_in_dim3A_843 : vector<16xi32>
          tpu.vector_store_idx %arg7[%min3A], %get3A_824 masked %ge3A_825 : memref<32xf32, #tpu.memory_space<vmem>>[vector<16xi32>], vector<16xf32>, vector<16xi1>
          tpu.vector_store_idx %arg8[%min3A], %add3A_835 masked %ge3A_825 : memref<32xi32, #tpu.memory_space<vmem>>[vector<16xi32>], vector<16xi32>, vector<16xi1>
          %all_reduce_population_count3A = tpu.all_reduce %ge3A_825 {dim = 0 : i64, kind = #tpu.reduction_kind<sum>} : vector<16xi1> -> vector<16xi32>
          %add3A_844 = arith.addi %scan3A_817, %all_reduce_population_count3A : vector<16xi32>
          scf.yield %add3A_844 : vector<16xi32>
        }
        %scan3A_815 = arith.constant 64 : i32
        scf.yield %scan3A_814 : vector<16xi32>
      } else {
        scf.yield %while3A_771 : vector<16xi32>
      }
      scf.yield %cond3A_809 : vector<16xi32>
    }
    %while3A_748 = arith.constant 1 : i32
    %while3A_749 = scf.for %while3A_770 = %while3A_745 to %while3A_741 step %while3A_748 iter_args(%while3A_771 = %while3A_747) -> (vector<16xi32>)  : i32 {
      %mul3A_772 = arith.constant 64 : i32
      %mul3A_773 = arith.muli %while3A_770, %mul3A_772 : i32
      %get3A_774 = arith.index_cast %mul3A_773 : i32 to index
      %get3A_775 = tpu.vector_load %arg5[%get3A_774] {strides = array<i32>} : memref<4096xf32, #tpu.memory_space<vmem>>, vector<16xf32>,
      %mul3A_776 = arith.constant 64 : i32
      %mul3A_777 = arith.muli %while3A_770, %mul3A_776 : i32
      %add3A_778 = arith.constant 16 : i32
      %add3A_779 = arith.addi %mul3A_777, %add3A_778 : i32
      %get3A_780 = arith.index_cast %add3A_779 : i32 to index
      %get3A_781 = tpu.vector_load %arg5[%get3A_780] {strides = array<i32>} : memref<4096xf32, #tpu.memory_space<vmem>>, vector<16xf32>,
      %max3A = arith.maximumf %get3A_775, %get3A_781 : vector<16xf32>
      %mul3A_782 = arith.constant 64 : i32
      %mul3A_783 = arith.muli %while3A_770, %mul3A_782 : i32
      %add3A_784 = arith.constant 32 : i32
      %add3A_785 = arith.addi %mul3A_783, %add3A_784 : i32
      %get3A_786 = arith.index_cast %add3A_785 : i32 to index
      %get3A_787 = tpu.vector_load %arg5[%get3A_786] {strides = array<i32>} : memref<4096xf32, #tpu.memory_space<vmem>>, vector<16xf32>,
      %max3A_788 = arith.maximumf %max3A, %get3A_787 : vector<16xf32>
      %mul3A_789 = arith.constant 64 : i32
      %mul3A_790 = arith.muli %while3A_770, %mul3A_789 : i32
      %add3A_791 = arith.constant 48 : i32
      %add3A_792 = arith.addi %mul3A_790, %add3A_791 : i32
      %get3A_793 = arith.index_cast %add3A_792 : i32 to index
      %get3A_794 = tpu.vector_load %arg5[%get3A_793] {strides = array<i32>} : memref<4096xf32, #tpu.memory_space<vmem>>, vector<16xf32>,
      %max3A_795 = arith.maximumf %max3A_788, %get3A_794 : vector<16xf32>
      %ge3A = arith.cmpf oge, %max3A_795, %bitcast3A_721 : vector<16xf32>
      %reduce_or3A = arith.constant 1.000000e+00 : f32
      %reduce_or3A_796 = arith.constant 0.000000e+00 : f32
      %reduce_or3A_797 = vector.broadcast %reduce_or3A : f32 to vector<16xf32>
      %reduce_or3A_798 = vector.broadcast %reduce_or3A_796 : f32 to vector<16xf32>
      %reduce_or3A_799 = arith.select %ge3A, %reduce_or3A_797, %reduce_or3A_798 : vector<16xi1>, vector<16xf32>
      %reduce_or3A_800 = arith.constant true
      %reduce_or3A_801 = vector.broadcast %reduce_or3A_800 : i1 to vector<16xi1>
      %reduce_or3A_802 = tpu.scan <max>, %reduce_or3A_799 masked %reduce_or3A_801 : vector<16xf32>, vector<16xi1> -> vector<16xf32>
      %reduce_or3A_803 = vector.extract %reduce_or3A_802[15] : f32 from vector<16xf32>
      %reduce_or3A_804 = arith.constant 0.000000e+00 : f32
      %reduce_or3A_805 = arith.cmpf ogt, %reduce_or3A_803, %reduce_or3A_804 : f32
      %convert_element_type3A_806 = arith.extui %reduce_or3A_805 : i1 to i32
      %cond3A_807 = arith.constant 0 : i32
      %cond3A_808 = arith.cmpi ne, %convert_element_type3A_806, %cond3A_807 : i32
      %cond3A_809 = scf.if %cond3A_808 -> (vector<16xi32>) {
        %scan3A_810 = arith.constant 0 : i32
        %scan3A_811 = arith.constant 64 : i32
        %scan3A_812 = arith.addi %scan3A_810, %scan3A_811 : i32
        %scan3A_813 = arith.constant 1 : i32
        %scan3A_814 = scf.for %scan3A_816 = %scan3A_810 to %scan3A_812 step %scan3A_813 iter_args(%scan3A_817 = %while3A_771) -> (vector<16xi32>)  : i32 {
          %mul3A_818 = arith.constant 1024 : i32
          %mul3A_819 = arith.muli %while3A_770, %mul3A_818 : i32
          %mul3A_820 = arith.constant 16 : i32
          %mul3A_821 = arith.muli %scan3A_816, %mul3A_820 : i32
          %add3A_822 = arith.addi %mul3A_819, %mul3A_821 : i32
          %get3A_823 = arith.index_cast %add3A_822 : i32 to index
          %get3A_824 = tpu.vector_load %arg4[%get3A_823] {strides = array<i32>} : memref<65536xf32, #tpu.memory_space<vmem>>, vector<16xf32>,
          %ge3A_825 = arith.cmpf oge, %get3A_824, %bitcast3A_721 : vector<16xf32>
          %mul3A_826 = arith.constant 65536 : i32
          %mul3A_827 = arith.muli %add3A, %mul3A_826 : i32
          %mul3A_828 = arith.constant 1024 : i32
          %mul3A_829 = arith.muli %while3A_770, %mul3A_828 : i32
          %add3A_830 = arith.addi %mul3A_827, %mul3A_829 : i32
          %mul3A_831 = arith.constant 16 : i32
          %mul3A_832 = arith.muli %scan3A_816, %mul3A_831 : i32
          %add3A_833 = arith.addi %add3A_830, %mul3A_832 : i32
          %broadcast_in_dim3A_834 = vector.broadcast %add3A_833 : i32 to vector<16xi32>
          %iota3A = tpu.iota {dimensions = array<i32: 0>} : vector<16xi32>
          %add3A_835 = arith.addi %broadcast_in_dim3A_834, %iota3A : vector<16xi32>
          %convert_element_type3A_836 = arith.extui %ge3A_825 : vector<16xi1> to vector<16xi32>
          %cumsum3A = arith.constant true
          %cumsum3A_837 = vector.broadcast %cumsum3A : i1 to vector<16xi1>
          %cumsum3A_838 = tpu.scan <sum>, %convert_element_type3A_836 masked %cumsum3A_837 : vector<16xi32>, vector<16xi1> -> vector<16xi32>
          %add3A_839 = arith.addi %scan3A_817, %cumsum3A_838 : vector<16xi32>
          %sub3A = arith.constant 1 : i32
          %sub3A_840 = vector.broadcast %sub3A : i32 to vector<16xi32>
          %sub3A_841 = arith.subi %add3A_839, %sub3A_840 : vector<16xi32>
          %broadcast_in_dim3A_842 = arith.constant 31 : i32
          %broadcast_in_dim3A_843 = vector.broadcast %broadcast_in_dim3A_842 : i32 to vector<16xi32>
          %min3A = arith.minsi %sub3A_841, %broadcast_in_dim3A_843 : vector<16xi32>
          tpu.vector_store_idx %arg7[%min3A], %get3A_824 masked %ge3A_825 : memref<32xf32, #tpu.memory_space<vmem>>[vector<16xi32>], vector<16xf32>, vector<16xi1>
          tpu.vector_store_idx %arg8[%min3A], %add3A_835 masked %ge3A_825 : memref<32xi32, #tpu.memory_space<vmem>>[vector<16xi32>], vector<16xi32>, vector<16xi1>
          %all_reduce_population_count3A = tpu.all_reduce %ge3A_825 {dim = 0 : i64, kind = #tpu.reduction_kind<sum>} : vector<16xi1> -> vector<16xi32>
          %add3A_844 = arith.addi %scan3A_817, %all_reduce_population_count3A : vector<16xi32>
          scf.yield %add3A_844 : vector<16xi32>
        }
        %scan3A_815 = arith.constant 64 : i32
        scf.yield %scan3A_814 : vector<16xi32>
      } else {
        scf.yield %while3A_771 : vector<16xi32>
      }
      scf.yield %cond3A_809 : vector<16xi32>
    }
    %mul3A_750 = arith.constant 32 : i32
    %mul3A_751 = arith.muli %add3A, %mul3A_750 : i32
    "tpu.region"() ({
      %run_scoped3A = tpu.sem_alloc : memref<!tpu.dma_semaphore, #tpu.memory_space<semaphore_mem>>
      %dma_start3A = tpu.memref_slice %arg20[%mul3A_751] : memref<512xf32, #tpu.memory_space<vmem_shared>> -> memref<32xf32, #tpu.memory_space<vmem_shared>>
      %dma_start3A_770 = tpu.memref_slice %arg20[%mul3A_751] : memref<512xf32, #tpu.memory_space<vmem_shared>> -> memref<32xf32, #tpu.memory_space<vmem_shared>>
      tpu.enqueue_dma source(%arg7 : memref<32xf32, #tpu.memory_space<vmem>>) target(%dma_start3A_770 : memref<32xf32, #tpu.memory_space<vmem_shared>>) target_semaphore(%run_scoped3A : memref<!tpu.dma_semaphore, #tpu.memory_space<semaphore_mem>>)
      %dma_wait3A = tpu.memref_slice %arg20[%mul3A_751] : memref<512xf32, #tpu.memory_space<vmem_shared>> -> memref<32xf32, #tpu.memory_space<vmem_shared>>
      %dma_wait3A_771 = tpu.memref_slice %arg20[%mul3A_751] : memref<512xf32, #tpu.memory_space<vmem_shared>> -> memref<32xf32, #tpu.memory_space<vmem_shared>>
      tpu.wait_dma2 semaphore(%run_scoped3A : memref<!tpu.dma_semaphore, #tpu.memory_space<semaphore_mem>>) src(%arg7 : memref<32xf32, #tpu.memory_space<vmem>>) dst(%dma_wait3A_771 : memref<32xf32, #tpu.memory_space<vmem_shared>>)
      tpu.yield
    }) : () -> ()
    %mul3A_752 = arith.constant 32 : i32
    %mul3A_753 = arith.muli %add3A, %mul3A_752 : i32
    "tpu.region"() ({
      %run_scoped3A = tpu.sem_alloc : memref<!tpu.dma_semaphore, #tpu.memory_space<semaphore_mem>>
      %dma_start3A = tpu.memref_slice %arg21[%mul3A_753] : memref<512xi32, #tpu.memory_space<vmem_shared>> -> memref<32xi32, #tpu.memory_space<vmem_shared>>
      %dma_start3A_770 = tpu.memref_slice %arg21[%mul3A_753] : memref<512xi32, #tpu.memory_space<vmem_shared>> -> memref<32xi32, #tpu.memory_space<vmem_shared>>
      tpu.enqueue_dma source(%arg8 : memref<32xi32, #tpu.memory_space<vmem>>) target(%dma_start3A_770 : memref<32xi32, #tpu.memory_space<vmem_shared>>) target_semaphore(%run_scoped3A : memref<!tpu.dma_semaphore, #tpu.memory_space<semaphore_mem>>)
      %dma_wait3A = tpu.memref_slice %arg21[%mul3A_753] : memref<512xi32, #tpu.memory_space<vmem_shared>> -> memref<32xi32, #tpu.memory_space<vmem_shared>>
      %dma_wait3A_771 = tpu.memref_slice %arg21[%mul3A_753] : memref<512xi32, #tpu.memory_space<vmem_shared>> -> memref<32xi32, #tpu.memory_space<vmem_shared>>
      tpu.wait_dma2 semaphore(%run_scoped3A : memref<!tpu.dma_semaphore, #tpu.memory_space<semaphore_mem>>) src(%arg8 : memref<32xi32, #tpu.memory_space<vmem>>) dst(%dma_wait3A_771 : memref<32xi32, #tpu.memory_space<vmem_shared>>)
      tpu.yield
    }) : () -> ()
    %lt3A_754 = arith.constant 15 : i32
    %lt3A_755 = arith.cmpi slt, %add3A, %lt3A_754 : i32
    %convert_element_type3A_756 = arith.extui %lt3A_755 : i1 to i32
    %cond3A_757 = arith.constant 0 : i32
    %cond3A_758 = arith.cmpi ne, %convert_element_type3A_756, %cond3A_757 : i32
    scf.if %cond3A_758 {
      %mul3A_770 = arith.constant 65536 : i32
      %mul3A_771 = arith.muli %add3A, %mul3A_770 : i32
      %dma_wait3A = tpu.memref_slice %arg3[%mul3A_771] : memref<1000000xf32, #tpu.memory_space<hbm>> -> memref<65536xf32, #tpu.memory_space<hbm>>
      tpu.wait_dma2 semaphore(%arg24 : memref<!tpu.dma_semaphore, #tpu.memory_space<semaphore_mem>>) src(%arg18 : memref<65536xf32, #tpu.memory_space<vmem_shared>>) dst(%dma_wait3A : memref<65536xf32, #tpu.memory_space<hbm>>)
    } else {
    }
    %eq3A_759 = arith.constant 15 : i32
    %eq3A_760 = arith.cmpi eq, %add3A, %eq3A_759 : i32
    %convert_element_type3A_761 = arith.extui %eq3A_760 : i1 to i32
    %cond3A_762 = arith.constant 0 : i32
    %cond3A_763 = arith.cmpi ne, %convert_element_type3A_761, %cond3A_762 : i32
    scf.if %cond3A_763 {
      %dma_wait3A = arith.constant 983040 : i32
      %dma_wait3A_770 = tpu.memref_slice %arg3[%dma_wait3A] : memref<1000000xf32, #tpu.memory_space<hbm>> -> memref<4096xf32, #tpu.memory_space<hbm>>
      %dma_wait3A_771 = arith.constant 983040 : i32
      %dma_wait3A_772 = tpu.memref_slice %arg3[%dma_wait3A_771] : memref<1000000xf32, #tpu.memory_space<hbm>> -> memref<4096xf32, #tpu.memory_space<hbm>>
      tpu.wait_dma2 semaphore(%arg24 : memref<!tpu.dma_semaphore, #tpu.memory_space<semaphore_mem>>) src(%arg9 : memref<4096xf32, #tpu.memory_space<vmem>>) dst(%dma_wait3A_772 : memref<4096xf32, #tpu.memory_space<hbm>>)
      %dma_wait3A_773 = arith.constant 987136 : i32
      %dma_wait3A_774 = tpu.memref_slice %arg3[%dma_wait3A_773] : memref<1000000xf32, #tpu.memory_space<hbm>> -> memref<4096xf32, #tpu.memory_space<hbm>>
      %dma_wait3A_775 = arith.constant 987136 : i32
      %dma_wait3A_776 = tpu.memref_slice %arg3[%dma_wait3A_775] : memref<1000000xf32, #tpu.memory_space<hbm>> -> memref<4096xf32, #tpu.memory_space<hbm>>
      tpu.wait_dma2 semaphore(%arg24 : memref<!tpu.dma_semaphore, #tpu.memory_space<semaphore_mem>>) src(%arg9 : memref<4096xf32, #tpu.memory_space<vmem>>) dst(%dma_wait3A_776 : memref<4096xf32, #tpu.memory_space<hbm>>)
      %dma_wait3A_777 = arith.constant 991232 : i32
      %dma_wait3A_778 = tpu.memref_slice %arg3[%dma_wait3A_777] : memref<1000000xf32, #tpu.memory_space<hbm>> -> memref<4096xf32, #tpu.memory_space<hbm>>
      %dma_wait3A_779 = arith.constant 991232 : i32
      %dma_wait3A_780 = tpu.memref_slice %arg3[%dma_wait3A_779] : memref<1000000xf32, #tpu.memory_space<hbm>> -> memref<4096xf32, #tpu.memory_space<hbm>>
      tpu.wait_dma2 semaphore(%arg24 : memref<!tpu.dma_semaphore, #tpu.memory_space<semaphore_mem>>) src(%arg9 : memref<4096xf32, #tpu.memory_space<vmem>>) dst(%dma_wait3A_780 : memref<4096xf32, #tpu.memory_space<hbm>>)
      %dma_wait3A_781 = arith.constant 995328 : i32
      %dma_wait3A_782 = tpu.memref_slice %arg3[%dma_wait3A_781] : memref<1000000xf32, #tpu.memory_space<hbm>> -> memref<4096xf32, #tpu.memory_space<hbm>>
      %dma_wait3A_783 = arith.constant 995328 : i32
      %dma_wait3A_784 = tpu.memref_slice %arg3[%dma_wait3A_783] : memref<1000000xf32, #tpu.memory_space<hbm>> -> memref<4096xf32, #tpu.memory_space<hbm>>
      tpu.wait_dma2 semaphore(%arg24 : memref<!tpu.dma_semaphore, #tpu.memory_space<semaphore_mem>>) src(%arg9 : memref<4096xf32, #tpu.memory_space<vmem>>) dst(%dma_wait3A_784 : memref<4096xf32, #tpu.memory_space<hbm>>)
      %dma_wait3A_785 = arith.constant 0 : i32
      %dma_wait3A_786 = tpu.memref_slice %arg9[%dma_wait3A_785] : memref<4096xf32, #tpu.memory_space<vmem>> -> memref<576xf32, #tpu.memory_space<vmem>>
      %dma_wait3A_787 = arith.constant 999424 : i32
      %dma_wait3A_788 = tpu.memref_slice %arg3[%dma_wait3A_787] : memref<1000000xf32, #tpu.memory_space<hbm>> -> memref<576xf32, #tpu.memory_space<hbm>>
      %dma_wait3A_789 = arith.constant 999424 : i32
      %dma_wait3A_790 = tpu.memref_slice %arg3[%dma_wait3A_789] : memref<1000000xf32, #tpu.memory_space<hbm>> -> memref<576xf32, #tpu.memory_space<hbm>>
      %dma_wait3A_791 = arith.constant 0 : i32
      %dma_wait3A_792 = tpu.memref_slice %arg9[%dma_wait3A_791] : memref<4096xf32, #tpu.memory_space<vmem>> -> memref<576xf32, #tpu.memory_space<vmem>>
      tpu.wait_dma2 semaphore(%arg24 : memref<!tpu.dma_semaphore, #tpu.memory_space<semaphore_mem>>) src(%dma_wait3A_792 : memref<576xf32, #tpu.memory_space<vmem>>) dst(%dma_wait3A_790 : memref<576xf32, #tpu.memory_space<hbm>>)
    } else {
    }
    %barrier3A_764 = arith.constant 0 : index
    tpu.barrier barrier_id(%barrier3A_764)
    %eq3A_765 = arith.constant 0 : i32
    %eq3A_766 = arith.cmpi eq, %add3A, %eq3A_765 : i32
    %convert_element_type3A_767 = arith.extui %eq3A_766 : i1 to i32
    %cond3A_768 = arith.constant 0 : i32
    %cond3A_769 = arith.cmpi ne, %convert_element_type3A_767, %cond3A_768 : i32
    scf.if %cond3A_769 {
      "tpu.region"() ({
        %run_scoped3A = tpu.sem_alloc : memref<!tpu.dma_semaphore, #tpu.memory_space<semaphore_mem>>
        tpu.enqueue_dma source(%arg20 : memref<512xf32, #tpu.memory_space<vmem_shared>>) target(%arg10 : memref<512xf32, #tpu.memory_space<vmem>>) target_semaphore(%run_scoped3A : memref<!tpu.dma_semaphore, #tpu.memory_space<semaphore_mem>>)
        tpu.wait_dma2 semaphore(%run_scoped3A : memref<!tpu.dma_semaphore, #tpu.memory_space<semaphore_mem>>) src(%arg20 : memref<512xf32, #tpu.memory_space<vmem_shared>>) dst(%arg10 : memref<512xf32, #tpu.memory_space<vmem>>)
        tpu.yield
      }) : () -> ()
      "tpu.region"() ({
        %run_scoped3A = tpu.sem_alloc : memref<!tpu.dma_semaphore, #tpu.memory_space<semaphore_mem>>
        tpu.enqueue_dma source(%arg21 : memref<512xi32, #tpu.memory_space<vmem_shared>>) target(%arg11 : memref<512xi32, #tpu.memory_space<vmem>>) target_semaphore(%run_scoped3A : memref<!tpu.dma_semaphore, #tpu.memory_space<semaphore_mem>>)
        tpu.wait_dma2 semaphore(%run_scoped3A : memref<!tpu.dma_semaphore, #tpu.memory_space<semaphore_mem>>) src(%arg21 : memref<512xi32, #tpu.memory_space<vmem_shared>>) dst(%arg11 : memref<512xi32, #tpu.memory_space<vmem>>)
        tpu.yield
      }) : () -> ()
      %swap3A_770 = arith.constant 0 : index
      %swap3A_771 = tpu.vector_load %arg12[%swap3A_770] {strides = array<i32>} : memref<128xf32, #tpu.memory_space<vmem>>, vector<16xf32>,
      tpu.vector_store %arg12[%swap3A_770], %broadcast_in_dim3A_1 {strides = array<i32>} : memref<128xf32, #tpu.memory_space<vmem>>, vector<16xf32>,
      %broadcast_in_dim3A_772 = arith.constant 1073741824 : i32
      %broadcast_in_dim3A_773 = vector.broadcast %broadcast_in_dim3A_772 : i32 to vector<16xi32>
      %swap3A_774 = arith.constant 0 : index
      %swap3A_775 = tpu.vector_load %arg13[%swap3A_774] {strides = array<i32>} : memref<128xi32, #tpu.memory_space<vmem>>, vector<16xi32>,
      tpu.vector_store %arg13[%swap3A_774], %broadcast_in_dim3A_773 {strides = array<i32>} : memref<128xi32, #tpu.memory_space<vmem>>, vector<16xi32>,
      %swap3A_776 = arith.constant 16 : index
      %swap3A_777 = tpu.vector_load %arg12[%swap3A_776] {strides = array<i32>} : memref<128xf32, #tpu.memory_space<vmem>>, vector<16xf32>,
      tpu.vector_store %arg12[%swap3A_776], %broadcast_in_dim3A_1 {strides = array<i32>} : memref<128xf32, #tpu.memory_space<vmem>>, vector<16xf32>,
      %broadcast_in_dim3A_778 = arith.constant 1073741824 : i32
      %broadcast_in_dim3A_779 = vector.broadcast %broadcast_in_dim3A_778 : i32 to vector<16xi32>
      %swap3A_780 = arith.constant 16 : index
      %swap3A_781 = tpu.vector_load %arg13[%swap3A_780] {strides = array<i32>} : memref<128xi32, #tpu.memory_space<vmem>>, vector<16xi32>,
      tpu.vector_store %arg13[%swap3A_780], %broadcast_in_dim3A_779 {strides = array<i32>} : memref<128xi32, #tpu.memory_space<vmem>>, vector<16xi32>,
      %swap3A_782 = arith.constant 32 : index
      %swap3A_783 = tpu.vector_load %arg12[%swap3A_782] {strides = array<i32>} : memref<128xf32, #tpu.memory_space<vmem>>, vector<16xf32>,
      tpu.vector_store %arg12[%swap3A_782], %broadcast_in_dim3A_1 {strides = array<i32>} : memref<128xf32, #tpu.memory_space<vmem>>, vector<16xf32>,
      %broadcast_in_dim3A_784 = arith.constant 1073741824 : i32
      %broadcast_in_dim3A_785 = vector.broadcast %broadcast_in_dim3A_784 : i32 to vector<16xi32>
      %swap3A_786 = arith.constant 32 : index
      %swap3A_787 = tpu.vector_load %arg13[%swap3A_786] {strides = array<i32>} : memref<128xi32, #tpu.memory_space<vmem>>, vector<16xi32>,
      tpu.vector_store %arg13[%swap3A_786], %broadcast_in_dim3A_785 {strides = array<i32>} : memref<128xi32, #tpu.memory_space<vmem>>, vector<16xi32>,
      %swap3A_788 = arith.constant 48 : index
      %swap3A_789 = tpu.vector_load %arg12[%swap3A_788] {strides = array<i32>} : memref<128xf32, #tpu.memory_space<vmem>>, vector<16xf32>,
      tpu.vector_store %arg12[%swap3A_788], %broadcast_in_dim3A_1 {strides = array<i32>} : memref<128xf32, #tpu.memory_space<vmem>>, vector<16xf32>,
      %broadcast_in_dim3A_790 = arith.constant 1073741824 : i32
      %broadcast_in_dim3A_791 = vector.broadcast %broadcast_in_dim3A_790 : i32 to vector<16xi32>
      %swap3A_792 = arith.constant 48 : index
      %swap3A_793 = tpu.vector_load %arg13[%swap3A_792] {strides = array<i32>} : memref<128xi32, #tpu.memory_space<vmem>>, vector<16xi32>,
      tpu.vector_store %arg13[%swap3A_792], %broadcast_in_dim3A_791 {strides = array<i32>} : memref<128xi32, #tpu.memory_space<vmem>>, vector<16xi32>,
      %swap3A_794 = arith.constant 64 : index
      %swap3A_795 = tpu.vector_load %arg12[%swap3A_794] {strides = array<i32>} : memref<128xf32, #tpu.memory_space<vmem>>, vector<16xf32>,
      tpu.vector_store %arg12[%swap3A_794], %broadcast_in_dim3A_1 {strides = array<i32>} : memref<128xf32, #tpu.memory_space<vmem>>, vector<16xf32>,
      %broadcast_in_dim3A_796 = arith.constant 1073741824 : i32
      %broadcast_in_dim3A_797 = vector.broadcast %broadcast_in_dim3A_796 : i32 to vector<16xi32>
      %swap3A_798 = arith.constant 64 : index
      %swap3A_799 = tpu.vector_load %arg13[%swap3A_798] {strides = array<i32>} : memref<128xi32, #tpu.memory_space<vmem>>, vector<16xi32>,
      tpu.vector_store %arg13[%swap3A_798], %broadcast_in_dim3A_797 {strides = array<i32>} : memref<128xi32, #tpu.memory_space<vmem>>, vector<16xi32>,
      %swap3A_800 = arith.constant 80 : index
      %swap3A_801 = tpu.vector_load %arg12[%swap3A_800] {strides = array<i32>} : memref<128xf32, #tpu.memory_space<vmem>>, vector<16xf32>,
      tpu.vector_store %arg12[%swap3A_800], %broadcast_in_dim3A_1 {strides = array<i32>} : memref<128xf32, #tpu.memory_space<vmem>>, vector<16xf32>,
      %broadcast_in_dim3A_802 = arith.constant 1073741824 : i32
      %broadcast_in_dim3A_803 = vector.broadcast %broadcast_in_dim3A_802 : i32 to vector<16xi32>
      %swap3A_804 = arith.constant 80 : index
      %swap3A_805 = tpu.vector_load %arg13[%swap3A_804] {strides = array<i32>} : memref<128xi32, #tpu.memory_space<vmem>>, vector<16xi32>,
      tpu.vector_store %arg13[%swap3A_804], %broadcast_in_dim3A_803 {strides = array<i32>} : memref<128xi32, #tpu.memory_space<vmem>>, vector<16xi32>,
      %swap3A_806 = arith.constant 96 : index
      %swap3A_807 = tpu.vector_load %arg12[%swap3A_806] {strides = array<i32>} : memref<128xf32, #tpu.memory_space<vmem>>, vector<16xf32>,
      tpu.vector_store %arg12[%swap3A_806], %broadcast_in_dim3A_1 {strides = array<i32>} : memref<128xf32, #tpu.memory_space<vmem>>, vector<16xf32>,
      %broadcast_in_dim3A_808 = arith.constant 1073741824 : i32
      %broadcast_in_dim3A_809 = vector.broadcast %broadcast_in_dim3A_808 : i32 to vector<16xi32>
      %swap3A_810 = arith.constant 96 : index
      %swap3A_811 = tpu.vector_load %arg13[%swap3A_810] {strides = array<i32>} : memref<128xi32, #tpu.memory_space<vmem>>, vector<16xi32>,
      tpu.vector_store %arg13[%swap3A_810], %broadcast_in_dim3A_809 {strides = array<i32>} : memref<128xi32, #tpu.memory_space<vmem>>, vector<16xi32>,
      %swap3A_812 = arith.constant 112 : index
      %swap3A_813 = tpu.vector_load %arg12[%swap3A_812] {strides = array<i32>} : memref<128xf32, #tpu.memory_space<vmem>>, vector<16xf32>,
      tpu.vector_store %arg12[%swap3A_812], %broadcast_in_dim3A_1 {strides = array<i32>} : memref<128xf32, #tpu.memory_space<vmem>>, vector<16xf32>,
      %broadcast_in_dim3A_814 = arith.constant 1073741824 : i32
      %broadcast_in_dim3A_815 = vector.broadcast %broadcast_in_dim3A_814 : i32 to vector<16xi32>
      %swap3A_816 = arith.constant 112 : index
      %swap3A_817 = tpu.vector_load %arg13[%swap3A_816] {strides = array<i32>} : memref<128xi32, #tpu.memory_space<vmem>>, vector<16xi32>,
      tpu.vector_store %arg13[%swap3A_816], %broadcast_in_dim3A_815 {strides = array<i32>} : memref<128xi32, #tpu.memory_space<vmem>>, vector<16xi32>,
      %broadcast_in_dim3A_818 = arith.constant 0 : i32
      %broadcast_in_dim3A_819 = vector.broadcast %broadcast_in_dim3A_818 : i32 to vector<16xi32>
      %scan3A_820 = arith.constant 0 : i32
      %scan3A_821 = arith.constant 32 : i32
      %scan3A_822 = arith.addi %scan3A_820, %scan3A_821 : i32
      %scan3A_823 = arith.constant 1 : i32
      %scan3A_824 = scf.for %scan3A_1085 = %scan3A_820 to %scan3A_822 step %scan3A_823 iter_args(%scan3A_1086 = %broadcast_in_dim3A_819) -> (vector<16xi32>)  : i32 {
        %mul3A_1087 = arith.constant 16 : i32
        %mul3A_1088 = arith.muli %scan3A_1085, %mul3A_1087 : i32
        %get3A_1089 = arith.index_cast %mul3A_1088 : i32 to index
        %get3A_1090 = tpu.vector_load %arg11[%get3A_1089] {strides = array<i32>} : memref<512xi32, #tpu.memory_space<vmem>>, vector<16xi32>,
        %mul3A_1091 = arith.constant 16 : i32
        %mul3A_1092 = arith.muli %scan3A_1085, %mul3A_1091 : i32
        %get3A_1093 = arith.index_cast %mul3A_1092 : i32 to index
        %get3A_1094 = tpu.vector_load %arg10[%get3A_1093] {strides = array<i32>} : memref<512xf32, #tpu.memory_space<vmem>>, vector<16xf32>,
        %broadcast_in_dim3A_1095 = arith.constant 0 : i32
        %broadcast_in_dim3A_1096 = vector.broadcast %broadcast_in_dim3A_1095 : i32 to vector<16xi32>
        %ge3A_1097 = arith.cmpi sge, %get3A_1090, %broadcast_in_dim3A_1096 : vector<16xi32>
        %convert_element_type3A_1098 = arith.extui %ge3A_1097 : vector<16xi1> to vector<16xi32>
        %cumsum3A_1099 = arith.constant true
        %cumsum3A_1100 = vector.broadcast %cumsum3A_1099 : i1 to vector<16xi1>
        %cumsum3A_1101 = tpu.scan <sum>, %convert_element_type3A_1098 masked %cumsum3A_1100 : vector<16xi32>, vector<16xi1> -> vector<16xi32>
        %add3A_1102 = arith.addi %scan3A_1086, %cumsum3A_1101 : vector<16xi32>
        %sub3A_1103 = arith.constant 1 : i32
        %sub3A_1104 = vector.broadcast %sub3A_1103 : i32 to vector<16xi32>
        %sub3A_1105 = arith.subi %add3A_1102, %sub3A_1104 : vector<16xi32>
        %broadcast_in_dim3A_1106 = arith.constant 127 : i32
        %broadcast_in_dim3A_1107 = vector.broadcast %broadcast_in_dim3A_1106 : i32 to vector<16xi32>
        %min3A = arith.minsi %sub3A_1105, %broadcast_in_dim3A_1107 : vector<16xi32>
        tpu.vector_store_idx %arg12[%min3A], %get3A_1094 masked %ge3A_1097 : memref<128xf32, #tpu.memory_space<vmem>>[vector<16xi32>], vector<16xf32>, vector<16xi1>
        tpu.vector_store_idx %arg13[%min3A], %get3A_1090 masked %ge3A_1097 : memref<128xi32, #tpu.memory_space<vmem>>[vector<16xi32>], vector<16xi32>, vector<16xi1>
        %all_reduce_population_count3A = tpu.all_reduce %ge3A_1097 {dim = 0 : i64, kind = #tpu.reduction_kind<sum>} : vector<16xi1> -> vector<16xi32>
        %add3A_1108 = arith.addi %scan3A_1086, %all_reduce_population_count3A : vector<16xi32>
        scf.yield %add3A_1108 : vector<16xi32>
      }
      %scan3A_825 = arith.constant 32 : i32
      %get3A_826 = arith.constant 0 : index
      %get3A_827 = tpu.vector_load %arg12[%get3A_826] {strides = array<i32>} : memref<128xf32, #tpu.memory_space<vmem>>, vector<16xf32>,
      %get3A_828 = arith.constant 16 : index
      %get3A_829 = tpu.vector_load %arg12[%get3A_828] {strides = array<i32>} : memref<128xf32, #tpu.memory_space<vmem>>, vector<16xf32>,
      %get3A_830 = arith.constant 32 : index
      %get3A_831 = tpu.vector_load %arg12[%get3A_830] {strides = array<i32>} : memref<128xf32, #tpu.memory_space<vmem>>, vector<16xf32>,
      %get3A_832 = arith.constant 48 : index
      %get3A_833 = tpu.vector_load %arg12[%get3A_832] {strides = array<i32>} : memref<128xf32, #tpu.memory_space<vmem>>, vector<16xf32>,
      %get3A_834 = arith.constant 64 : index
      %get3A_835 = tpu.vector_load %arg12[%get3A_834] {strides = array<i32>} : memref<128xf32, #tpu.memory_space<vmem>>, vector<16xf32>,
      %get3A_836 = arith.constant 80 : index
      %get3A_837 = tpu.vector_load %arg12[%get3A_836] {strides = array<i32>} : memref<128xf32, #tpu.memory_space<vmem>>, vector<16xf32>,
      %get3A_838 = arith.constant 96 : index
      %get3A_839 = tpu.vector_load %arg12[%get3A_838] {strides = array<i32>} : memref<128xf32, #tpu.memory_space<vmem>>, vector<16xf32>,
      %get3A_840 = arith.constant 112 : index
      %get3A_841 = tpu.vector_load %arg12[%get3A_840] {strides = array<i32>} : memref<128xf32, #tpu.memory_space<vmem>>, vector<16xf32>,
      %get3A_842 = arith.constant 0 : index
      %get3A_843 = tpu.vector_load %arg13[%get3A_842] {strides = array<i32>} : memref<128xi32, #tpu.memory_space<vmem>>, vector<16xi32>,
      %get3A_844 = arith.constant 16 : index
      %get3A_845 = tpu.vector_load %arg13[%get3A_844] {strides = array<i32>} : memref<128xi32, #tpu.memory_space<vmem>>, vector<16xi32>,
      %get3A_846 = arith.constant 32 : index
      %get3A_847 = tpu.vector_load %arg13[%get3A_846] {strides = array<i32>} : memref<128xi32, #tpu.memory_space<vmem>>, vector<16xi32>,
      %get3A_848 = arith.constant 48 : index
      %get3A_849 = tpu.vector_load %arg13[%get3A_848] {strides = array<i32>} : memref<128xi32, #tpu.memory_space<vmem>>, vector<16xi32>,
      %get3A_850 = arith.constant 64 : index
      %get3A_851 = tpu.vector_load %arg13[%get3A_850] {strides = array<i32>} : memref<128xi32, #tpu.memory_space<vmem>>, vector<16xi32>,
      %get3A_852 = arith.constant 80 : index
      %get3A_853 = tpu.vector_load %arg13[%get3A_852] {strides = array<i32>} : memref<128xi32, #tpu.memory_space<vmem>>, vector<16xi32>,
      %get3A_854 = arith.constant 96 : index
      %get3A_855 = tpu.vector_load %arg13[%get3A_854] {strides = array<i32>} : memref<128xi32, #tpu.memory_space<vmem>>, vector<16xi32>,
      %get3A_856 = arith.constant 112 : index
      %get3A_857 = tpu.vector_load %arg13[%get3A_856] {strides = array<i32>} : memref<128xi32, #tpu.memory_space<vmem>>, vector<16xi32>,
      %broadcast_in_dim3A_858 = arith.constant 1073741824 : i32
      %broadcast_in_dim3A_859 = vector.broadcast %broadcast_in_dim3A_858 : i32 to vector<16xi32>
      %scan3A_860 = arith.constant 0 : i32
      %scan3A_861 = arith.constant 64 : i32
      %scan3A_862 = arith.addi %scan3A_860, %scan3A_861 : i32
      %scan3A_863 = arith.constant 1 : i32
      %scan3A_864:8 = scf.for %scan3A_1085 = %scan3A_860 to %scan3A_862 step %scan3A_863 iter_args(%scan3A_1086 = %get3A_827, %scan3A_1087 = %get3A_829, %scan3A_1088 = %get3A_831, %scan3A_1089 = %get3A_833, %scan3A_1090 = %get3A_835, %scan3A_1091 = %get3A_837, %scan3A_1092 = %get3A_839, %scan3A_1093 = %get3A_841) -> (vector<16xf32>, vector<16xf32>, vector<16xf32>, vector<16xf32>, vector<16xf32>, vector<16xf32>, vector<16xf32>, vector<16xf32>)  : i32 {
        %max3A = arith.maximumf %scan3A_1086, %scan3A_1087 : vector<16xf32>
        %max3A_1094 = arith.maximumf %max3A, %scan3A_1088 : vector<16xf32>
        %max3A_1095 = arith.maximumf %max3A_1094, %scan3A_1089 : vector<16xf32>
        %max3A_1096 = arith.maximumf %max3A_1095, %scan3A_1090 : vector<16xf32>
        %max3A_1097 = arith.maximumf %max3A_1096, %scan3A_1091 : vector<16xf32>
        %max3A_1098 = arith.maximumf %max3A_1097, %scan3A_1092 : vector<16xf32>
        %max3A_1099 = arith.maximumf %max3A_1098, %scan3A_1093 : vector<16xf32>
        %reduce_max3A_1100 = arith.constant true
        %reduce_max3A_1101 = vector.broadcast %reduce_max3A_1100 : i1 to vector<16xi1>
        %reduce_max3A_1102 = tpu.scan <max>, %max3A_1099 masked %reduce_max3A_1101 : vector<16xf32>, vector<16xi1> -> vector<16xf32>
        %reduce_max3A_1103 = vector.extract %reduce_max3A_1102[15] : f32 from vector<16xf32>
        %broadcast_in_dim3A_1104 = vector.broadcast %reduce_max3A_1103 : f32 to vector<16xf32>
        %eq3A_1105 = arith.cmpf oeq, %scan3A_1086, %broadcast_in_dim3A_1104 : vector<16xf32>
        %select_n3A_1106 = arith.select %eq3A_1105, %get3A_843, %broadcast_in_dim3A_859 : vector<16xi1>, vector<16xi32>
        %eq3A_1107 = arith.cmpf oeq, %scan3A_1087, %broadcast_in_dim3A_1104 : vector<16xf32>
        %select_n3A_1108 = arith.select %eq3A_1107, %get3A_845, %broadcast_in_dim3A_859 : vector<16xi1>, vector<16xi32>
        %min3A = arith.minsi %select_n3A_1106, %select_n3A_1108 : vector<16xi32>
        %eq3A_1109 = arith.cmpf oeq, %scan3A_1088, %broadcast_in_dim3A_1104 : vector<16xf32>
        %select_n3A_1110 = arith.select %eq3A_1109, %get3A_847, %broadcast_in_dim3A_859 : vector<16xi1>, vector<16xi32>
        %min3A_1111 = arith.minsi %min3A, %select_n3A_1110 : vector<16xi32>
        %eq3A_1112 = arith.cmpf oeq, %scan3A_1089, %broadcast_in_dim3A_1104 : vector<16xf32>
        %select_n3A_1113 = arith.select %eq3A_1112, %get3A_849, %broadcast_in_dim3A_859 : vector<16xi1>, vector<16xi32>
        %min3A_1114 = arith.minsi %min3A_1111, %select_n3A_1113 : vector<16xi32>
        %eq3A_1115 = arith.cmpf oeq, %scan3A_1090, %broadcast_in_dim3A_1104 : vector<16xf32>
        %select_n3A_1116 = arith.select %eq3A_1115, %get3A_851, %broadcast_in_dim3A_859 : vector<16xi1>, vector<16xi32>
        %min3A_1117 = arith.minsi %min3A_1114, %select_n3A_1116 : vector<16xi32>
        %eq3A_1118 = arith.cmpf oeq, %scan3A_1091, %broadcast_in_dim3A_1104 : vector<16xf32>
        %select_n3A_1119 = arith.select %eq3A_1118, %get3A_853, %broadcast_in_dim3A_859 : vector<16xi1>, vector<16xi32>
        %min3A_1120 = arith.minsi %min3A_1117, %select_n3A_1119 : vector<16xi32>
        %eq3A_1121 = arith.cmpf oeq, %scan3A_1092, %broadcast_in_dim3A_1104 : vector<16xf32>
        %select_n3A_1122 = arith.select %eq3A_1121, %get3A_855, %broadcast_in_dim3A_859 : vector<16xi1>, vector<16xi32>
        %min3A_1123 = arith.minsi %min3A_1120, %select_n3A_1122 : vector<16xi32>
        %eq3A_1124 = arith.cmpf oeq, %scan3A_1093, %broadcast_in_dim3A_1104 : vector<16xf32>
        %select_n3A_1125 = arith.select %eq3A_1124, %get3A_857, %broadcast_in_dim3A_859 : vector<16xi1>, vector<16xi32>
        %min3A_1126 = arith.minsi %min3A_1123, %select_n3A_1125 : vector<16xi32>
        %reduce_min3A = arith.constant true
        %reduce_min3A_1127 = vector.broadcast %reduce_min3A : i1 to vector<16xi1>
        %reduce_min3A_1128 = arith.constant -2147483648 : i32
        %reduce_min3A_1129 = vector.broadcast %reduce_min3A_1128 : i32 to vector<16xi32>
        %reduce_min3A_1130 = arith.xori %min3A_1126, %reduce_min3A_1129 : vector<16xi32>
        %reduce_min3A_1131 = tpu.scan <min>, %reduce_min3A_1130 masked %reduce_min3A_1127 : vector<16xi32>, vector<16xi1> -> vector<16xi32>
        %reduce_min3A_1132 = arith.xori %reduce_min3A_1131, %reduce_min3A_1129 : vector<16xi32>
        %reduce_min3A_1133 = vector.extract %reduce_min3A_1132[15] : i32 from vector<16xi32>
        %broadcast_in_dim3A_1134 = vector.broadcast %reduce_min3A_1133 : i32 to vector<16xi32>
        %jit3A_1135 = arith.constant 16 : i32
        %div3A_1136 = arith.divsi %scan3A_1085, %jit3A_1135 : i32
        %sign3A = arith.constant 0 : i32
        %sign3A_1137 = arith.cmpi sgt, %scan3A_1085, %sign3A : i32
        %sign3A_1138 = arith.extui %sign3A_1137 : i1 to i32
        %sign3A_1139 = arith.constant 0 : i32
        %sign3A_1140 = arith.cmpi slt, %scan3A_1085, %sign3A_1139 : i32
        %sign3A_1141 = arith.extui %sign3A_1140 : i1 to i32
        %sign3A_1142 = arith.subi %sign3A_1138, %sign3A_1141 : i32
        %sign3A_1143 = arith.constant 0 : i32
        %sign3A_1144 = arith.cmpi sgt, %jit3A_1135, %sign3A_1143 : i32
        %sign3A_1145 = arith.extui %sign3A_1144 : i1 to i32
        %sign3A_1146 = arith.constant 0 : i32
        %sign3A_1147 = arith.cmpi slt, %jit3A_1135, %sign3A_1146 : i32
        %sign3A_1148 = arith.extui %sign3A_1147 : i1 to i32
        %sign3A_1149 = arith.subi %sign3A_1145, %sign3A_1148 : i32
        %ne3A = arith.cmpi ne, %sign3A_1142, %sign3A_1149 : i32
        %rem3A = arith.remsi %scan3A_1085, %jit3A_1135 : i32
        %ne3A_1150 = arith.constant 0 : i32
        %ne3A_1151 = arith.cmpi ne, %rem3A, %ne3A_1150 : i32
        %and3A_1152 = arith.andi %ne3A, %ne3A_1151 : i1
        %sub3A_1153 = arith.constant 1 : i32
        %sub3A_1154 = arith.subi %div3A_1136, %sub3A_1153 : i32
        %select_n3A_1155 = arith.select %and3A_1152, %sub3A_1154, %div3A_1136 : i32
        %mul3A_1156 = arith.constant 16 : i32
        %mul3A_1157 = arith.muli %select_n3A_1155, %mul3A_1156 : i32
        %iota3A_1158 = tpu.iota {dimensions = array<i32: 0>} : vector<16xi32>
        %sub3A_1159 = arith.subi %scan3A_1085, %mul3A_1157 : i32
        %eq3A_1160 = vector.broadcast %sub3A_1159 : i32 to vector<16xi32>
        %eq3A_1161 = arith.cmpi eq, %iota3A_1158, %eq3A_1160 : vector<16xi32>
        %get3A_1162 = arith.index_cast %mul3A_1157 : i32 to index
        %get3A_1163 = tpu.vector_load %arg14[%get3A_1162] {strides = array<i32>} : memref<64xf32, #tpu.memory_space<vmem>>, vector<16xf32>,
        %get3A_1164 = arith.index_cast %mul3A_1157 : i32 to index
        %get3A_1165 = tpu.vector_load %arg15[%get3A_1164] {strides = array<i32>} : memref<64xi32, #tpu.memory_space<vmem>>, vector<16xi32>,
        %select_n3A_1166 = arith.select %eq3A_1161, %broadcast_in_dim3A_1104, %get3A_1163 : vector<16xi1>, vector<16xf32>
        %swap3A_1167 = arith.index_cast %mul3A_1157 : i32 to index
        %swap3A_1168 = tpu.vector_load %arg14[%swap3A_1167] {strides = array<i32>} : memref<64xf32, #tpu.memory_space<vmem>>, vector<16xf32>,
        tpu.vector_store %arg14[%swap3A_1167], %select_n3A_1166 {strides = array<i32>} : memref<64xf32, #tpu.memory_space<vmem>>, vector<16xf32>,
        %select_n3A_1169 = arith.select %eq3A_1161, %broadcast_in_dim3A_1134, %get3A_1165 : vector<16xi1>, vector<16xi32>
        %swap3A_1170 = arith.index_cast %mul3A_1157 : i32 to index
        %swap3A_1171 = tpu.vector_load %arg15[%swap3A_1170] {strides = array<i32>} : memref<64xi32, #tpu.memory_space<vmem>>, vector<16xi32>,
        tpu.vector_store %arg15[%swap3A_1170], %select_n3A_1169 {strides = array<i32>} : memref<64xi32, #tpu.memory_space<vmem>>, vector<16xi32>,
        %eq3A_1172 = arith.cmpf oeq, %scan3A_1086, %broadcast_in_dim3A_1104 : vector<16xf32>
        %eq3A_1173 = arith.cmpi eq, %get3A_843, %broadcast_in_dim3A_1134 : vector<16xi32>
        %and3A_1174 = arith.andi %eq3A_1172, %eq3A_1173 : vector<16xi1>
        %select_n3A_1175 = arith.select %and3A_1174, %broadcast_in_dim3A_1, %scan3A_1086 : vector<16xi1>, vector<16xf32>
        %eq3A_1176 = arith.cmpf oeq, %scan3A_1087, %broadcast_in_dim3A_1104 : vector<16xf32>
        %eq3A_1177 = arith.cmpi eq, %get3A_845, %broadcast_in_dim3A_1134 : vector<16xi32>
        %and3A_1178 = arith.andi %eq3A_1176, %eq3A_1177 : vector<16xi1>
        %select_n3A_1179 = arith.select %and3A_1178, %broadcast_in_dim3A_1, %scan3A_1087 : vector<16xi1>, vector<16xf32>
        %eq3A_1180 = arith.cmpf oeq, %scan3A_1088, %broadcast_in_dim3A_1104 : vector<16xf32>
        %eq3A_1181 = arith.cmpi eq, %get3A_847, %broadcast_in_dim3A_1134 : vector<16xi32>
        %and3A_1182 = arith.andi %eq3A_1180, %eq3A_1181 : vector<16xi1>
        %select_n3A_1183 = arith.select %and3A_1182, %broadcast_in_dim3A_1, %scan3A_1088 : vector<16xi1>, vector<16xf32>
        %eq3A_1184 = arith.cmpf oeq, %scan3A_1089, %broadcast_in_dim3A_1104 : vector<16xf32>
        %eq3A_1185 = arith.cmpi eq, %get3A_849, %broadcast_in_dim3A_1134 : vector<16xi32>
        %and3A_1186 = arith.andi %eq3A_1184, %eq3A_1185 : vector<16xi1>
        %select_n3A_1187 = arith.select %and3A_1186, %broadcast_in_dim3A_1, %scan3A_1089 : vector<16xi1>, vector<16xf32>
        %eq3A_1188 = arith.cmpf oeq, %scan3A_1090, %broadcast_in_dim3A_1104 : vector<16xf32>
        %eq3A_1189 = arith.cmpi eq, %get3A_851, %broadcast_in_dim3A_1134 : vector<16xi32>
        %and3A_1190 = arith.andi %eq3A_1188, %eq3A_1189 : vector<16xi1>
        %select_n3A_1191 = arith.select %and3A_1190, %broadcast_in_dim3A_1, %scan3A_1090 : vector<16xi1>, vector<16xf32>
        %eq3A_1192 = arith.cmpf oeq, %scan3A_1091, %broadcast_in_dim3A_1104 : vector<16xf32>
        %eq3A_1193 = arith.cmpi eq, %get3A_853, %broadcast_in_dim3A_1134 : vector<16xi32>
        %and3A_1194 = arith.andi %eq3A_1192, %eq3A_1193 : vector<16xi1>
        %select_n3A_1195 = arith.select %and3A_1194, %broadcast_in_dim3A_1, %scan3A_1091 : vector<16xi1>, vector<16xf32>
        %eq3A_1196 = arith.cmpf oeq, %scan3A_1092, %broadcast_in_dim3A_1104 : vector<16xf32>
        %eq3A_1197 = arith.cmpi eq, %get3A_855, %broadcast_in_dim3A_1134 : vector<16xi32>
        %and3A_1198 = arith.andi %eq3A_1196, %eq3A_1197 : vector<16xi1>
        %select_n3A_1199 = arith.select %and3A_1198, %broadcast_in_dim3A_1, %scan3A_1092 : vector<16xi1>, vector<16xf32>
        %eq3A_1200 = arith.cmpf oeq, %scan3A_1093, %broadcast_in_dim3A_1104 : vector<16xf32>
        %eq3A_1201 = arith.cmpi eq, %get3A_857, %broadcast_in_dim3A_1134 : vector<16xi32>
        %and3A_1202 = arith.andi %eq3A_1200, %eq3A_1201 : vector<16xi1>
        %select_n3A_1203 = arith.select %and3A_1202, %broadcast_in_dim3A_1, %scan3A_1093 : vector<16xi1>, vector<16xf32>
        scf.yield %select_n3A_1175, %select_n3A_1179, %select_n3A_1183, %select_n3A_1187, %select_n3A_1191, %select_n3A_1195, %select_n3A_1199, %select_n3A_1203 : vector<16xf32>, vector<16xf32>, vector<16xf32>, vector<16xf32>, vector<16xf32>, vector<16xf32>, vector<16xf32>, vector<16xf32>
      }
      %scan3A_865 = arith.constant 64 : i32
      %get3A_866 = arith.constant 0 : index
      %get3A_867 = tpu.vector_load %arg14[%get3A_866] {strides = array<i32>} : memref<64xf32, #tpu.memory_space<vmem>>, vector<16xf32>,
      %get3A_868 = arith.constant 16 : index
      %get3A_869 = tpu.vector_load %arg14[%get3A_868] {strides = array<i32>} : memref<64xf32, #tpu.memory_space<vmem>>, vector<16xf32>,
      %get3A_870 = arith.constant 32 : index
      %get3A_871 = tpu.vector_load %arg14[%get3A_870] {strides = array<i32>} : memref<64xf32, #tpu.memory_space<vmem>>, vector<16xf32>,
      %get3A_872 = arith.constant 48 : index
      %get3A_873 = tpu.vector_load %arg14[%get3A_872] {strides = array<i32>} : memref<64xf32, #tpu.memory_space<vmem>>, vector<16xf32>,
      %get3A_874 = arith.constant 0 : index
      %get3A_875 = tpu.vector_load %arg15[%get3A_874] {strides = array<i32>} : memref<64xi32, #tpu.memory_space<vmem>>, vector<16xi32>,
      %get3A_876 = arith.constant 16 : index
      %get3A_877 = tpu.vector_load %arg15[%get3A_876] {strides = array<i32>} : memref<64xi32, #tpu.memory_space<vmem>>, vector<16xi32>,
      %get3A_878 = arith.constant 32 : index
      %get3A_879 = tpu.vector_load %arg15[%get3A_878] {strides = array<i32>} : memref<64xi32, #tpu.memory_space<vmem>>, vector<16xi32>,
      %get3A_880 = arith.constant 48 : index
      %get3A_881 = tpu.vector_load %arg15[%get3A_880] {strides = array<i32>} : memref<64xi32, #tpu.memory_space<vmem>>, vector<16xi32>,
      %iota3A = tpu.iota {dimensions = array<i32: 0>} : vector<16xi32>
      %eq3A_882 = arith.constant 1 : i32
      %eq3A_883 = vector.broadcast %eq3A_882 : i32 to vector<16xi32>
      %eq3A_884 = arith.cmpi eq, %iota3A, %eq3A_883 : vector<16xi32>
      %broadcast_in_dim3A_885 = arith.constant 0xFF800000 : f32
      %broadcast_in_dim3A_886 = vector.broadcast %broadcast_in_dim3A_885 : f32 to vector<16xf32>
      %select_n3A_887 = arith.select %eq3A_884, %get3A_873, %broadcast_in_dim3A_886 : vector<16xi1>, vector<16xf32>
      %reduce_max3A = arith.constant true
      %reduce_max3A_888 = vector.broadcast %reduce_max3A : i1 to vector<16xi1>
      %reduce_max3A_889 = tpu.scan <max>, %select_n3A_887 masked %reduce_max3A_888 : vector<16xf32>, vector<16xi1> -> vector<16xf32>
      %reduce_max3A_890 = vector.extract %reduce_max3A_889[15] : f32 from vector<16xf32>
      %broadcast_in_dim3A_891 = vector.broadcast %reduce_max3A_890 : f32 to vector<16xf32>
      %reduce_max3A_892 = arith.constant true
      %reduce_max3A_893 = vector.broadcast %reduce_max3A_892 : i1 to vector<16xi1>
      %reduce_max3A_894 = tpu.scan <max>, %get3A_867 masked %reduce_max3A_893 : vector<16xf32>, vector<16xi1> -> vector<16xf32>
      %reduce_max3A_895 = vector.extract %reduce_max3A_894[15] : f32 from vector<16xf32>
      %broadcast_in_dim3A_896 = vector.broadcast %reduce_max3A_895 : f32 to vector<16xf32>
      %ge3A = arith.cmpf oge, %get3A_867, %broadcast_in_dim3A_891 : vector<16xf32>
      %ge3A_897 = arith.cmpf oge, %get3A_869, %broadcast_in_dim3A_891 : vector<16xf32>
      %ge3A_898 = arith.cmpf oge, %get3A_871, %broadcast_in_dim3A_891 : vector<16xf32>
      %ge3A_899 = arith.cmpf oge, %get3A_873, %broadcast_in_dim3A_891 : vector<16xf32>
      %sub3A = arith.subf %get3A_867, %broadcast_in_dim3A_896 : vector<16xf32>
      %exp3A = math.exp %sub3A : vector<16xf32>
      %broadcast_in_dim3A_900 = arith.constant 0.000000e+00 : f32
      %broadcast_in_dim3A_901 = vector.broadcast %broadcast_in_dim3A_900 : f32 to vector<16xf32>
      %select_n3A_902 = arith.select %ge3A, %exp3A, %broadcast_in_dim3A_901 : vector<16xi1>, vector<16xf32>
      %sub3A_903 = arith.subf %get3A_869, %broadcast_in_dim3A_896 : vector<16xf32>
      %exp3A_904 = math.exp %sub3A_903 : vector<16xf32>
      %broadcast_in_dim3A_905 = arith.constant 0.000000e+00 : f32
      %broadcast_in_dim3A_906 = vector.broadcast %broadcast_in_dim3A_905 : f32 to vector<16xf32>
      %select_n3A_907 = arith.select %ge3A_897, %exp3A_904, %broadcast_in_dim3A_906 : vector<16xi1>, vector<16xf32>
      %sub3A_908 = arith.subf %get3A_871, %broadcast_in_dim3A_896 : vector<16xf32>
      %exp3A_909 = math.exp %sub3A_908 : vector<16xf32>
      %broadcast_in_dim3A_910 = arith.constant 0.000000e+00 : f32
      %broadcast_in_dim3A_911 = vector.broadcast %broadcast_in_dim3A_910 : f32 to vector<16xf32>
      %select_n3A_912 = arith.select %ge3A_898, %exp3A_909, %broadcast_in_dim3A_911 : vector<16xi1>, vector<16xf32>
      %sub3A_913 = arith.subf %get3A_873, %broadcast_in_dim3A_896 : vector<16xf32>
      %exp3A_914 = math.exp %sub3A_913 : vector<16xf32>
      %broadcast_in_dim3A_915 = arith.constant 0.000000e+00 : f32
      %broadcast_in_dim3A_916 = vector.broadcast %broadcast_in_dim3A_915 : f32 to vector<16xf32>
      %select_n3A_917 = arith.select %ge3A_899, %exp3A_914, %broadcast_in_dim3A_916 : vector<16xi1>, vector<16xf32>
      %reduce_sum3A = arith.constant true
      %reduce_sum3A_918 = vector.broadcast %reduce_sum3A : i1 to vector<16xi1>
      %reduce_sum3A_919 = tpu.scan <sum>, %select_n3A_902 masked %reduce_sum3A_918 : vector<16xf32>, vector<16xi1> -> vector<16xf32>
      %reduce_sum3A_920 = vector.extract %reduce_sum3A_919[15] : f32 from vector<16xf32>
      %reduce_sum3A_921 = arith.constant true
      %reduce_sum3A_922 = vector.broadcast %reduce_sum3A_921 : i1 to vector<16xi1>
      %reduce_sum3A_923 = tpu.scan <sum>, %select_n3A_907 masked %reduce_sum3A_922 : vector<16xf32>, vector<16xi1> -> vector<16xf32>
      %reduce_sum3A_924 = vector.extract %reduce_sum3A_923[15] : f32 from vector<16xf32>
      %add3A_925 = arith.addf %reduce_sum3A_920, %reduce_sum3A_924 : f32
      %reduce_sum3A_926 = arith.constant true
      %reduce_sum3A_927 = vector.broadcast %reduce_sum3A_926 : i1 to vector<16xi1>
      %reduce_sum3A_928 = tpu.scan <sum>, %select_n3A_912 masked %reduce_sum3A_927 : vector<16xf32>, vector<16xi1> -> vector<16xf32>
      %reduce_sum3A_929 = vector.extract %reduce_sum3A_928[15] : f32 from vector<16xf32>
      %add3A_930 = arith.addf %add3A_925, %reduce_sum3A_929 : f32
      %reduce_sum3A_931 = arith.constant true
      %reduce_sum3A_932 = vector.broadcast %reduce_sum3A_931 : i1 to vector<16xi1>
      %reduce_sum3A_933 = tpu.scan <sum>, %select_n3A_917 masked %reduce_sum3A_932 : vector<16xf32>, vector<16xi1> -> vector<16xf32>
      %reduce_sum3A_934 = vector.extract %reduce_sum3A_933[15] : f32 from vector<16xf32>
      %add3A_935 = arith.addf %add3A_930, %reduce_sum3A_934 : f32
      %broadcast_in_dim3A_936 = vector.broadcast %add3A_935 : f32 to vector<16xf32>
      %div3A = arith.divf %select_n3A_902, %broadcast_in_dim3A_936 : vector<16xf32>
      %div3A_937 = arith.divf %select_n3A_907, %broadcast_in_dim3A_936 : vector<16xf32>
      %div3A_938 = arith.divf %select_n3A_912, %broadcast_in_dim3A_936 : vector<16xf32>
      %div3A_939 = arith.divf %select_n3A_917, %broadcast_in_dim3A_936 : vector<16xf32>
      %cumsum3A = arith.constant true
      %cumsum3A_940 = vector.broadcast %cumsum3A : i1 to vector<16xi1>
      %cumsum3A_941 = tpu.scan <sum>, %div3A masked %cumsum3A_940 : vector<16xf32>, vector<16xi1> -> vector<16xf32>
      %broadcast_in_dim3A_942 = arith.constant 0.000000e+00 : f32
      %broadcast_in_dim3A_943 = vector.broadcast %broadcast_in_dim3A_942 : f32 to vector<16xf32>
      %add3A_944 = arith.addf %broadcast_in_dim3A_943, %cumsum3A_941 : vector<16xf32>
      %sub3A_945 = arith.subf %add3A_944, %div3A : vector<16xf32>
      %reduce_sum3A_946 = arith.constant true
      %reduce_sum3A_947 = vector.broadcast %reduce_sum3A_946 : i1 to vector<16xi1>
      %reduce_sum3A_948 = tpu.scan <sum>, %div3A masked %reduce_sum3A_947 : vector<16xf32>, vector<16xi1> -> vector<16xf32>
      %reduce_sum3A_949 = vector.extract %reduce_sum3A_948[15] : f32 from vector<16xf32>
      %add3A_950 = arith.constant 0.000000e+00 : f32
      %add3A_951 = arith.addf %add3A_950, %reduce_sum3A_949 : f32
      %cumsum3A_952 = arith.constant true
      %cumsum3A_953 = vector.broadcast %cumsum3A_952 : i1 to vector<16xi1>
      %cumsum3A_954 = tpu.scan <sum>, %div3A_937 masked %cumsum3A_953 : vector<16xf32>, vector<16xi1> -> vector<16xf32>
      %broadcast_in_dim3A_955 = vector.broadcast %add3A_951 : f32 to vector<16xf32>
      %add3A_956 = arith.addf %broadcast_in_dim3A_955, %cumsum3A_954 : vector<16xf32>
      %sub3A_957 = arith.subf %add3A_956, %div3A_937 : vector<16xf32>
      %reduce_sum3A_958 = arith.constant true
      %reduce_sum3A_959 = vector.broadcast %reduce_sum3A_958 : i1 to vector<16xi1>
      %reduce_sum3A_960 = tpu.scan <sum>, %div3A_937 masked %reduce_sum3A_959 : vector<16xf32>, vector<16xi1> -> vector<16xf32>
      %reduce_sum3A_961 = vector.extract %reduce_sum3A_960[15] : f32 from vector<16xf32>
      %add3A_962 = arith.addf %add3A_951, %reduce_sum3A_961 : f32
      %cumsum3A_963 = arith.constant true
      %cumsum3A_964 = vector.broadcast %cumsum3A_963 : i1 to vector<16xi1>
      %cumsum3A_965 = tpu.scan <sum>, %div3A_938 masked %cumsum3A_964 : vector<16xf32>, vector<16xi1> -> vector<16xf32>
      %broadcast_in_dim3A_966 = vector.broadcast %add3A_962 : f32 to vector<16xf32>
      %add3A_967 = arith.addf %broadcast_in_dim3A_966, %cumsum3A_965 : vector<16xf32>
      %sub3A_968 = arith.subf %add3A_967, %div3A_938 : vector<16xf32>
      %reduce_sum3A_969 = arith.constant true
      %reduce_sum3A_970 = vector.broadcast %reduce_sum3A_969 : i1 to vector<16xi1>
      %reduce_sum3A_971 = tpu.scan <sum>, %div3A_938 masked %reduce_sum3A_970 : vector<16xf32>, vector<16xi1> -> vector<16xf32>
      %reduce_sum3A_972 = vector.extract %reduce_sum3A_971[15] : f32 from vector<16xf32>
      %add3A_973 = arith.addf %add3A_962, %reduce_sum3A_972 : f32
      %cumsum3A_974 = arith.constant true
      %cumsum3A_975 = vector.broadcast %cumsum3A_974 : i1 to vector<16xi1>
      %cumsum3A_976 = tpu.scan <sum>, %div3A_939 masked %cumsum3A_975 : vector<16xf32>, vector<16xi1> -> vector<16xf32>
      %broadcast_in_dim3A_977 = vector.broadcast %add3A_973 : f32 to vector<16xf32>
      %add3A_978 = arith.addf %broadcast_in_dim3A_977, %cumsum3A_976 : vector<16xf32>
      %sub3A_979 = arith.subf %add3A_978, %div3A_939 : vector<16xf32>
      %reduce_sum3A_980 = arith.constant true
      %reduce_sum3A_981 = vector.broadcast %reduce_sum3A_980 : i1 to vector<16xi1>
      %reduce_sum3A_982 = tpu.scan <sum>, %div3A_939 masked %reduce_sum3A_981 : vector<16xf32>, vector<16xi1> -> vector<16xf32>
      %reduce_sum3A_983 = vector.extract %reduce_sum3A_982[15] : f32 from vector<16xf32>
      %add3A_984 = arith.addf %add3A_973, %reduce_sum3A_983 : f32
      %broadcast_in_dim3A_985 = arith.constant 0.899999976 : f32
      %broadcast_in_dim3A_986 = vector.broadcast %broadcast_in_dim3A_985 : f32 to vector<16xf32>
      %le3A = arith.cmpf ole, %sub3A_945, %broadcast_in_dim3A_986 : vector<16xf32>
      %and3A = arith.andi %ge3A, %le3A : vector<16xi1>
      %le3A_987 = arith.cmpf ole, %sub3A_957, %broadcast_in_dim3A_986 : vector<16xf32>
      %and3A_988 = arith.andi %ge3A_897, %le3A_987 : vector<16xi1>
      %le3A_989 = arith.cmpf ole, %sub3A_968, %broadcast_in_dim3A_986 : vector<16xf32>
      %and3A_990 = arith.andi %ge3A_898, %le3A_989 : vector<16xi1>
      %le3A_991 = arith.cmpf ole, %sub3A_979, %broadcast_in_dim3A_986 : vector<16xf32>
      %and3A_992 = arith.andi %ge3A_899, %le3A_991 : vector<16xi1>
      %broadcast_in_dim3A_993 = arith.constant 0.000000e+00 : f32
      %broadcast_in_dim3A_994 = vector.broadcast %broadcast_in_dim3A_993 : f32 to vector<16xf32>
      %select_n3A_995 = arith.select %and3A, %select_n3A_902, %broadcast_in_dim3A_994 : vector<16xi1>, vector<16xf32>
      %reduce_sum3A_996 = arith.constant true
      %reduce_sum3A_997 = vector.broadcast %reduce_sum3A_996 : i1 to vector<16xi1>
      %reduce_sum3A_998 = tpu.scan <sum>, %select_n3A_995 masked %reduce_sum3A_997 : vector<16xf32>, vector<16xi1> -> vector<16xf32>
      %reduce_sum3A_999 = vector.extract %reduce_sum3A_998[15] : f32 from vector<16xf32>
      %add3A_1000 = arith.constant 0.000000e+00 : f32
      %add3A_1001 = arith.addf %add3A_1000, %reduce_sum3A_999 : f32
      %broadcast_in_dim3A_1002 = arith.constant 0.000000e+00 : f32
      %broadcast_in_dim3A_1003 = vector.broadcast %broadcast_in_dim3A_1002 : f32 to vector<16xf32>
      %select_n3A_1004 = arith.select %and3A_988, %select_n3A_907, %broadcast_in_dim3A_1003 : vector<16xi1>, vector<16xf32>
      %reduce_sum3A_1005 = arith.constant true
      %reduce_sum3A_1006 = vector.broadcast %reduce_sum3A_1005 : i1 to vector<16xi1>
      %reduce_sum3A_1007 = tpu.scan <sum>, %select_n3A_1004 masked %reduce_sum3A_1006 : vector<16xf32>, vector<16xi1> -> vector<16xf32>
      %reduce_sum3A_1008 = vector.extract %reduce_sum3A_1007[15] : f32 from vector<16xf32>
      %add3A_1009 = arith.addf %add3A_1001, %reduce_sum3A_1008 : f32
      %broadcast_in_dim3A_1010 = arith.constant 0.000000e+00 : f32
      %broadcast_in_dim3A_1011 = vector.broadcast %broadcast_in_dim3A_1010 : f32 to vector<16xf32>
      %select_n3A_1012 = arith.select %and3A_990, %select_n3A_912, %broadcast_in_dim3A_1011 : vector<16xi1>, vector<16xf32>
      %reduce_sum3A_1013 = arith.constant true
      %reduce_sum3A_1014 = vector.broadcast %reduce_sum3A_1013 : i1 to vector<16xi1>
      %reduce_sum3A_1015 = tpu.scan <sum>, %select_n3A_1012 masked %reduce_sum3A_1014 : vector<16xf32>, vector<16xi1> -> vector<16xf32>
      %reduce_sum3A_1016 = vector.extract %reduce_sum3A_1015[15] : f32 from vector<16xf32>
      %add3A_1017 = arith.addf %add3A_1009, %reduce_sum3A_1016 : f32
      %broadcast_in_dim3A_1018 = arith.constant 0.000000e+00 : f32
      %broadcast_in_dim3A_1019 = vector.broadcast %broadcast_in_dim3A_1018 : f32 to vector<16xf32>
      %select_n3A_1020 = arith.select %and3A_992, %select_n3A_917, %broadcast_in_dim3A_1019 : vector<16xi1>, vector<16xf32>
      %reduce_sum3A_1021 = arith.constant true
      %reduce_sum3A_1022 = vector.broadcast %reduce_sum3A_1021 : i1 to vector<16xi1>
      %reduce_sum3A_1023 = tpu.scan <sum>, %select_n3A_1020 masked %reduce_sum3A_1022 : vector<16xf32>, vector<16xi1> -> vector<16xf32>
      %reduce_sum3A_1024 = vector.extract %reduce_sum3A_1023[15] : f32 from vector<16xf32>
      %add3A_1025 = arith.addf %add3A_1017, %reduce_sum3A_1024 : f32
      %broadcast_in_dim3A_1026 = vector.broadcast %add3A_1025 : f32 to vector<16xf32>
      %div3A_1027 = arith.divf %select_n3A_902, %broadcast_in_dim3A_1026 : vector<16xf32>
      %div3A_1028 = arith.divf %select_n3A_907, %broadcast_in_dim3A_1026 : vector<16xf32>
      %div3A_1029 = arith.divf %select_n3A_912, %broadcast_in_dim3A_1026 : vector<16xf32>
      %div3A_1030 = arith.divf %select_n3A_917, %broadcast_in_dim3A_1026 : vector<16xf32>
      %iota3A_1031 = tpu.iota {dimensions = array<i32: 0>} : vector<16xi32>
      %eq3A_1032 = arith.constant 0 : i32
      %eq3A_1033 = vector.broadcast %eq3A_1032 : i32 to vector<16xi32>
      %eq3A_1034 = arith.cmpi eq, %iota3A_1031, %eq3A_1033 : vector<16xi32>
      %broadcast_in_dim3A_1035 = arith.constant 0xFF800000 : f32
      %broadcast_in_dim3A_1036 = vector.broadcast %broadcast_in_dim3A_1035 : f32 to vector<16xf32>
      %select_n3A_1037 = arith.select %eq3A_1034, %div3A_1027, %broadcast_in_dim3A_1036 : vector<16xi1>, vector<16xf32>
      %reduce_max3A_1038 = arith.constant true
      %reduce_max3A_1039 = vector.broadcast %reduce_max3A_1038 : i1 to vector<16xi1>
      %reduce_max3A_1040 = tpu.scan <max>, %select_n3A_1037 masked %reduce_max3A_1039 : vector<16xf32>, vector<16xi1> -> vector<16xf32>
      %reduce_max3A_1041 = vector.extract %reduce_max3A_1040[15] : f32 from vector<16xf32>
      %broadcast_in_dim3A_1042 = vector.broadcast %reduce_max3A_1041 : f32 to vector<16xf32>
      %iota3A_1043 = tpu.iota {dimensions = array<i32: 0>} : vector<16xi32>
      %eq3A_1044 = arith.constant 0 : i32
      %eq3A_1045 = vector.broadcast %eq3A_1044 : i32 to vector<16xi32>
      %eq3A_1046 = arith.cmpi eq, %iota3A_1043, %eq3A_1045 : vector<16xi32>
      %broadcast_in_dim3A_1047 = arith.constant -2147483647 : i32
      %broadcast_in_dim3A_1048 = vector.broadcast %broadcast_in_dim3A_1047 : i32 to vector<16xi32>
      %select_n3A_1049 = arith.select %eq3A_1046, %get3A_875, %broadcast_in_dim3A_1048 : vector<16xi1>, vector<16xi32>
      %reduce_max3A_1050 = arith.constant true
      %reduce_max3A_1051 = vector.broadcast %reduce_max3A_1050 : i1 to vector<16xi1>
      %reduce_max3A_1052 = arith.constant -2147483648 : i32
      %reduce_max3A_1053 = vector.broadcast %reduce_max3A_1052 : i32 to vector<16xi32>
      %reduce_max3A_1054 = arith.xori %select_n3A_1049, %reduce_max3A_1053 : vector<16xi32>
      %reduce_max3A_1055 = tpu.scan <max>, %reduce_max3A_1054 masked %reduce_max3A_1051 : vector<16xi32>, vector<16xi1> -> vector<16xi32>
      %reduce_max3A_1056 = arith.xori %reduce_max3A_1055, %reduce_max3A_1053 : vector<16xi32>
      %reduce_max3A_1057 = vector.extract %reduce_max3A_1056[15] : i32 from vector<16xi32>
      %broadcast_in_dim3A_1058 = vector.broadcast %reduce_max3A_1057 : i32 to vector<16xi32>
      %select_n3A_1059 = arith.select %and3A, %div3A_1027, %broadcast_in_dim3A_1042 : vector<16xi1>, vector<16xf32>
      %swap3A_1060 = arith.constant 0 : index
      %swap3A_1061 = tpu.vector_load %arg14[%swap3A_1060] {strides = array<i32>} : memref<64xf32, #tpu.memory_space<vmem>>, vector<16xf32>,
      tpu.vector_store %arg14[%swap3A_1060], %select_n3A_1059 {strides = array<i32>} : memref<64xf32, #tpu.memory_space<vmem>>, vector<16xf32>,
      %select_n3A_1062 = arith.select %and3A, %get3A_875, %broadcast_in_dim3A_1058 : vector<16xi1>, vector<16xi32>
      %swap3A_1063 = arith.constant 0 : index
      %swap3A_1064 = tpu.vector_load %arg15[%swap3A_1063] {strides = array<i32>} : memref<64xi32, #tpu.memory_space<vmem>>, vector<16xi32>,
      tpu.vector_store %arg15[%swap3A_1063], %select_n3A_1062 {strides = array<i32>} : memref<64xi32, #tpu.memory_space<vmem>>, vector<16xi32>,
      %select_n3A_1065 = arith.select %and3A_988, %div3A_1028, %broadcast_in_dim3A_1042 : vector<16xi1>, vector<16xf32>
      %swap3A_1066 = arith.constant 16 : index
      %swap3A_1067 = tpu.vector_load %arg14[%swap3A_1066] {strides = array<i32>} : memref<64xf32, #tpu.memory_space<vmem>>, vector<16xf32>,
      tpu.vector_store %arg14[%swap3A_1066], %select_n3A_1065 {strides = array<i32>} : memref<64xf32, #tpu.memory_space<vmem>>, vector<16xf32>,
      %select_n3A_1068 = arith.select %and3A_988, %get3A_877, %broadcast_in_dim3A_1058 : vector<16xi1>, vector<16xi32>
      %swap3A_1069 = arith.constant 16 : index
      %swap3A_1070 = tpu.vector_load %arg15[%swap3A_1069] {strides = array<i32>} : memref<64xi32, #tpu.memory_space<vmem>>, vector<16xi32>,
      tpu.vector_store %arg15[%swap3A_1069], %select_n3A_1068 {strides = array<i32>} : memref<64xi32, #tpu.memory_space<vmem>>, vector<16xi32>,
      %select_n3A_1071 = arith.select %and3A_990, %div3A_1029, %broadcast_in_dim3A_1042 : vector<16xi1>, vector<16xf32>
      %swap3A_1072 = arith.constant 32 : index
      %swap3A_1073 = tpu.vector_load %arg14[%swap3A_1072] {strides = array<i32>} : memref<64xf32, #tpu.memory_space<vmem>>, vector<16xf32>,
      tpu.vector_store %arg14[%swap3A_1072], %select_n3A_1071 {strides = array<i32>} : memref<64xf32, #tpu.memory_space<vmem>>, vector<16xf32>,
      %select_n3A_1074 = arith.select %and3A_990, %get3A_879, %broadcast_in_dim3A_1058 : vector<16xi1>, vector<16xi32>
      %swap3A_1075 = arith.constant 32 : index
      %swap3A_1076 = tpu.vector_load %arg15[%swap3A_1075] {strides = array<i32>} : memref<64xi32, #tpu.memory_space<vmem>>, vector<16xi32>,
      tpu.vector_store %arg15[%swap3A_1075], %select_n3A_1074 {strides = array<i32>} : memref<64xi32, #tpu.memory_space<vmem>>, vector<16xi32>,
      %select_n3A_1077 = arith.select %and3A_992, %div3A_1030, %broadcast_in_dim3A_1042 : vector<16xi1>, vector<16xf32>
      %swap3A_1078 = arith.constant 48 : index
      %swap3A_1079 = tpu.vector_load %arg14[%swap3A_1078] {strides = array<i32>} : memref<64xf32, #tpu.memory_space<vmem>>, vector<16xf32>,
      tpu.vector_store %arg14[%swap3A_1078], %select_n3A_1077 {strides = array<i32>} : memref<64xf32, #tpu.memory_space<vmem>>, vector<16xf32>,
      %select_n3A_1080 = arith.select %and3A_992, %get3A_881, %broadcast_in_dim3A_1058 : vector<16xi1>, vector<16xi32>
      %swap3A_1081 = arith.constant 48 : index
      %swap3A_1082 = tpu.vector_load %arg15[%swap3A_1081] {strides = array<i32>} : memref<64xi32, #tpu.memory_space<vmem>>, vector<16xi32>,
      tpu.vector_store %arg15[%swap3A_1081], %select_n3A_1080 {strides = array<i32>} : memref<64xi32, #tpu.memory_space<vmem>>, vector<16xi32>,
      %dma_start3A = arith.constant 0 : i32
      %dma_start3A_1083 = tpu.memref_slice %arg3[%dma_start3A] : memref<1000000xf32, #tpu.memory_space<hbm>> -> memref<1000000xf32, #tpu.memory_space<hbm>>
      tpu.enqueue_indirect_dma source(%arg14 : memref<64xf32, #tpu.memory_space<vmem>>) target(%dma_start3A_1083 : memref<1000000xf32, #tpu.memory_space<hbm>>) offsets(%arg15 : memref<64xi32, #tpu.memory_space<vmem>>) semaphore(%arg25 : memref<!tpu.dma_semaphore, #tpu.memory_space<semaphore_mem>>)
      %dma_wait3A = arith.constant 0 : i32
      %dma_wait3A_1084 = tpu.memref_slice %arg3[%dma_wait3A] : memref<1000000xf32, #tpu.memory_space<hbm>> -> memref<1000000xf32, #tpu.memory_space<hbm>>
      tpu.wait_indirect_dma semaphore(%arg25 : memref<!tpu.dma_semaphore, #tpu.memory_space<semaphore_mem>>) src(%arg14 : memref<64xf32, #tpu.memory_space<vmem>>) dst(%dma_wait3A_1084 : memref<1000000xf32, #tpu.memory_space<hbm>>)
    } else {
    }
    return
  }
}

</mosaic_0001>

<sc_bundles>
// kernel: kernel.3.cloned.1.call-start
scs
__scs_entry_jumppad:
0x0: {  	(pc) =	sbr.rel $0x88, $3  }
0x1: {  	(tag) =	ssettag $0x0;
	lr =	simm.s32 $0x1  }
0x2: {  	[smem:$0x3FA0] =	sst lr;
	_ =	strace $0xD0000000  }
0x3: {  	_ = 	snop  }
0x4: {  	_ = 	snop  }
0x5: {  	_ = 	snop  }
0x6: {  	_ = 	snop  }
0x7: {  	_ = 	snop  }
__scs_overlays_trampoline_lowered:
0x8: {  	[smem:$0x3FAF] =	sst s0  }
0x9: {  	[smem:$0x3FB0] =	sst s1  }
0xa: {  	[smem:$0x3FB1] =	sst s2  }
0xb: {  	[smem:$0x3FB2] =	sst s3  }
0xc: {  	[smem:$0x3FB3] =	sst s4  }
0xd: {  	[smem:$0x3FB4] =	sst s5  }
0xe: {  	[smem:$0x3FB5] =	sst s6  }
0xf: {  	[smem:$0x3FB6] =	sst s7  }
0x10: {  	[smem:$0x3FB7] =	sst s8  }
0x11: {  	[smem:$0x3FB8] =	sst s9;
	s0 =	simm.s32 @!p0 $0x0  }
0x12: {  	s1 =	sld [smem:$0x3F9E];
	s0 =	simm.s32 @p0 $0x1  }
0x13: {  	[smem:$0x3FB9] =	sst s0;
	s0 =	simm.s32 @!p1 $0x0  }
0x14: {  	s2 =	sld [smem:$0x3F9D];
	s0 =	simm.s32 @p1 $0x1  }
0x15: {  	[smem:$0x3FBA] =	sst s0;
	s0 =	simm.s32 @!p2 $0x0  }
0x16: {  	s3 =	sld [smem:$0x3FDB];
	s0 =	simm.s32 @p2 $0x1  }
0x17: {  	s4 =	simm.s32 $0x1BF5;
	[smem:$0x3FBC] =	sst s0  }
0x18: {  	s0 =	sld [smem:$0x3F9F];
	_ =	swait.ge [sflag:s4], $0x0  }
0x19: {  	s7 =	sld [smem:$0x3FA0]  }
0x1a: {  	s8 =	sadd.s32 $0xFFFFE003, lr  }
0x1b: {  	s9 =	sadd.s32 $0xFFFFFEF7, lr;
	s5 =	simm.s32 $0xFFFFFFFF;
	p2 =	slt.u32 s8, $0xFFFFF086  }
0x1c: {  	p1 =	slt.u32 s9, $0xF7A;
	s5 =	simm.s32 @!p2 $0x0  }
0x1d: {  	s5 =	simm.s32 @p1 $0x1;
	p0 =	seq.s32 s7, s2  }
0x1e: {  	s7 =	smul.u32 @!p0 $0xF7A, s2;
	p2 =	seq.s32 @!p0 s5, $0x0  }
0x1f: {  	s9 =	smul.u32 $0xF7A, s1;
	s8 =	simm.s32 @!p0 $0x1BF5;
	p2 =	por !p2, p0  }
0x20: {  	[sflag:s8] =	ssyncset.s32 @!p0 $0xFFFFF086;
	s6 =	sadd.s32 @!p0 s3, s7;
	s7 =	simm.s32 @!p0 $0x108  }
0x21: {  	s3 =	sadd.s32 s3, s9;
	s6 =	sadd.s32 @!p0 $0x88, s6;
	s7 =	simm.s32 @p2 $0x1082  }
0x22: {  	[simem:s7], [sflag:s8] =	dma.local @!p0 [hbm:s6], $0xF7A  }
0x23: {  	s9 =	sor.u32 $0xD0000000, s2;
	s6 =	simm.s32 $0x108;
	_ =	swait.ge @!p0 [sflag:s8], $0x0  }
0x24: {  	s3 =	sadd.s32 $0x88, s3;
	s6 =	simm.s32 @!p1 $0x1082;
	[sflag:s4] =	ssyncset.s32 $0xFFFFF086  }
0x25: {  	[simem:s6], [sflag:s4] =	dma.local [hbm:s3], $0xF7A  }
0x26: {  	[smem:$0x3FA0] =	sst s1;
	(tag) =	ssettag s2;
	_ =	strace s9  }
0x27: {  	s1 =	sld [smem:$0x3FB0]  }
0x28: {  	s2 =	sld [smem:$0x3FB1]  }
0x29: {  	s4 =	sld [smem:$0x3FB3]  }
0x2a: {  	p0 =	seq.s32 s5, $0x0;
	s5 =	sld [smem:$0x3FB4]  }
0x2b: {  	s6 =	sld [smem:$0x3FB5]  }
0x2c: {  	s7 =	sld [smem:$0x3FB6]  }
0x2d: {  	s3 =	simm.s32 $0x108;
	s8 =	sld [smem:$0x3FB7]  }
0x2e: {  	s3 =	simm.s32 @!p0 $0x1082;
	s9 =	sld [smem:$0x3FB8]  }
0x2f: {  	lr =	sadd.s32 s0, s3;
	s0 =	sld [smem:$0x3FAF]  }
0x30: {  	s3 =	sld [smem:$0x3FB2]  }
0x31: {  	[smem:$0x3FBB] =	sst s10  }
0x32: {  	s10 =	sld [smem:$0x3FB9];
	_ =	sdelay $0x3  }
0x33: {  	p0 =	seq.s32 s10, $0x1;
	s10 =	sld [smem:$0x3FBB];
	_ =	sdelay $0x3  }
0x34: {  	[smem:$0x3FBB] =	sst s10  }
0x35: {  	s10 =	sld [smem:$0x3FBA];
	_ =	sdelay $0x3  }
0x36: {  	p1 =	seq.s32 s10, $0x1;
	s10 =	sld [smem:$0x3FBB];
	_ =	sdelay $0x3  }
0x37: {  	[smem:$0x3FBB] =	sst s10  }
0x38: {  	s10 =	sld [smem:$0x3FBC]  }
0x39: {  	_ = 	snop;
	(pc) =	sbr.ind lr, $3  }
0x3a: {  	_ = 	snop  }
0x3b: {  	_ = 	snop  }
0x3c: {  	p2 =	seq.s32 s10, $0x1;
	s10 =	sld [smem:$0x3FBB]  }
0x3d: {  	_ =	shalt  }
0x3e: {  	_ =	shalt  }
0x3f: {  	_ =	shalt  }
0x40: {  	_ =	shalt  }
0x41: {  	_ =	shalt  }
0x42: {  	_ =	shalt  }
0x43: {  	_ =	shalt  }
0x44: {  	_ =	shalt  }
0x45: {  	_ =	shalt  }
0x46: {  	_ =	shalt  }
0x47: {  	_ =	shalt  }
0x48: {  	_ =	shalt  }
0x49: {  	_ =	shalt  }
0x4a: {  	_ =	shalt  }
0x4b: {  	_ =	shalt  }
0x4c: {  	_ =	shalt  }
0x4d: {  	_ =	shalt  }
0x4e: {  	_ =	shalt  }
0x4f: {  	_ =	shalt  }
0x50: {  	_ =	shalt  }
0x51: {  	_ =	shalt  }
0x52: {  	_ =	shalt  }
0x53: {  	_ =	shalt  }
0x54: {  	_ =	shalt  }
0x55: {  	_ =	shalt  }
0x56: {  	_ =	shalt  }
0x57: {  	_ =	shalt  }
0x58: {  	_ =	shalt  }
0x59: {  	_ =	shalt  }
0x5a: {  	_ =	shalt  }
0x5b: {  	_ =	shalt  }
0x5c: {  	_ =	shalt  }
0x5d: {  	_ =	shalt  }
0x5e: {  	_ =	shalt  }
0x5f: {  	_ =	shalt  }
0x60: {  	_ =	shalt  }
0x61: {  	_ =	shalt  }
0x62: {  	_ =	shalt  }
0x63: {  	_ =	shalt  }
0x64: {  	_ =	shalt  }
0x65: {  	_ =	shalt  }
0x66: {  	_ =	shalt  }
0x67: {  	_ =	shalt  }
0x68: {  	_ =	shalt  }
0x69: {  	_ =	shalt  }
0x6a: {  	_ =	shalt  }
0x6b: {  	_ =	shalt  }
0x6c: {  	_ =	shalt  }
0x6d: {  	_ =	shalt  }
0x6e: {  	_ =	shalt  }
0x6f: {  	_ =	shalt  }
0x70: {  	_ =	shalt  }
0x71: {  	_ =	shalt  }
0x72: {  	_ =	shalt  }
0x73: {  	_ =	shalt  }
0x74: {  	_ =	shalt  }
0x75: {  	_ =	shalt  }
0x76: {  	_ =	shalt  }
0x77: {  	_ =	shalt  }
0x78: {  	_ =	shalt  }
0x79: {  	_ =	shalt  }
0x7a: {  	_ =	shalt  }
0x7b: {  	_ =	shalt  }
0x7c: {  	_ =	shalt  }
0x7d: {  	_ =	shalt  }
0x7e: {  	_ =	shalt  }
0x7f: {  	_ =	shalt  }
0x80: {  	_ =	shalt  }
0x81: {  	_ =	shalt  }
0x82: {  	_ =	shalt  }
0x83: {  	_ =	shalt  }
0x84: {  	_ =	shalt  }
0x85: {  	_ =	shalt  }
0x86: {  	_ =	shalt  }
0x87: {  	_ =	shalt  }
.Lfunc_end0:
.L_simem_size_0:
called_computation_lowered:
.L_overlay_start_0:
0x88: {  	s0 =	sld [smem:$0x3FD9]  }
0x89: {  	s1 =	sld [smem:$0x3FFE];
	_ =	sdelay $0x3  }
0x8a: {  	s0 =	sadd.s32 s1, s0  }
0x8b: {  	[smem:$0x3FC7] =	sst s0  }
0x8c: {  	_ = 	snop  }
0x8d: {  	s0 =	sld [smem:$0x3FC9]  }
0x8e: {  	s17 =	sld [smem:$0x3FD0];
	(tm) =	ssettm $0x1  }
0x8f: {  	s2 =	sld [smem:$0x3FFB];
	_ =	sdelay $0x3  }
0x90: {  	_ =	strace s2  }
0x91: {  	s2 =	sld [smem:$0x3FFC];
	_ =	sdelay $0x3  }
0x92: {  	_ =	strace s2  }
0x93: {  	s2 =	sld [smem:$0x3FFD];
	_ =	sdelay $0x3  }
0x94: {  	_ =	strace s2  }
0x95: {  	_ =	strace $0x8FFFFFFF  }
0x96: {  	s18 =	sld [smem:$0x3FDB];
	_ =	sdelay $0x1  }
0x97: {  	s3 =	simm.s32 $_scs_section_size  }
0x98: {  	s4 =	simm.s32 $_size__tile_overlayer_lowered;
	s5 =	simm.s32 $_tile_overlayer_lowered  }
0x99: {  	s21 =	simm.s32 $0x1BFF;
	s20 =	sshll.u32 s5, $0x1;
	s2 =	sadd.s32 s3, s18  }
0x9a: {  	s6 =	simm.s32 $0x0;
	s19 =	sshll.u32 s4, $0x1;
	s4 =	sadd.s32 s20, s2  }
0x9b: {  	[timem:s6], [sflag:s21] =	dma.local [hbm:s4], s19  }
0x9c: {  	_ =	swait.ge [sflag:s21], s19  }
0x9d: {  	s3 =	ssub.s32 $0x0, s19;
	[sflag:s21] =	ssyncset.done $0x0  }
0x9e: {  	[sflag:s21] =	ssyncadd.s32 s3;
	_ =	sdelay $0x1  }
0x9f: {  	s22 =	simm.s32 $0x1B8B  }
0xa0: {  	_ =	swait.ge [sflag:s22], $0x1  }
0xa1: {  	[sflag:s22] =	ssyncset.done $0x0  }
0xa2: {  	s23 =	simm.s32 $0x1B8E;
	[sflag:s22] =	ssyncadd.s32 $0xFFFFFFFF  }
0xa3: {  	s24 =	simm.s32 $execute0_lowered;
	[smem:$0x3FD2] =	sst s23  }
0xa4: {  	s3 =	sshll.u32 s24, $0x1;
	_ =	strace $0x80000046;
	[dreg:$0x1] =	wrdreg $0xFFFFFFFF  }
0xa5: {  	s25 =	simm.s32 $_size_execute0_lowered;
	s2 =	sadd.s32 s2, s3;
	[dreg:$0x0] =	wrdreg $0x0  }
0xa6: {  	s3 =	sshll.u32 s25, $0x1;
	[dreg:$0x2] =	wrdreg s2  }
0xa7: {  	[dreg:$0x3] =	wrdreg s3  }
0xa8: {  	[dreg:$0x4] =	wrdreg $0xC0  }
0xa9: {  	_ =	task [dreg:s6], $0x5FFFF  }
0xaa: {  	[dreg:$0x1] =	wrdreg $0xFFFFFFFF  }
0xab: {  	[dreg:$0x0] =	wrdreg $0x60  }
0xac: {  	[dreg:$0x2] =	wrdreg s0  }
0xad: {  	[dreg:$0x3] =	wrdreg s17  }
0xae: {  	[dreg:$0x4] =	wrdreg $0x128800  }
0xaf: {  	[dreg:$0x5] =	wrdreg $0x1A0800  }
0xb0: {  	[dreg:$0x6] =	wrdreg $0x1B0800  }
0xb1: {  	[dreg:$0x7] =	wrdreg $0x1B0900  }
0xb2: {  	[dreg:$0x8] =	wrdreg $0x1B0B00  }
0xb3: {  	[dreg:$0x9] =	wrdreg $0x9  }
0xb4: {  	_ =	task.clear_ibuf [dreg:s6], $0xAFFFF;
	_ =	strace $0x90000046  }
0xb5: {  	s26 =	simm.s32 $0x9;
	_ =	strace $0x80000048  }
0xb6: {  	_ =	swait.ge [sflag:s26], $0x1  }
0xb7: {  	[sflag:s26] =	ssyncadd.s32 $0xFFFFFFFF  }
0xb8: {  	_ =	strace $0x90000048  }
0xb9: {  	_ =	sfence  }
0xba: {  	s28 =	sld [smem:$0x0];
	_ =	sdelay $0x1  }
0xbb: {  	s29 =	srdreg.scid  }
0xbc: {  	s30 =	sshll.u32 s29, $0xD;
	s31 =	sshrl.u32 s29, $0x2  }
0xbd: {  	s1 =	sand.u32 $0x1, s29;
	s2 =	sand.u32 $0x4000, s30;
	s0 =	sadd.s32 s31, s28  }
0xbe: {  	s1 =	sor.u32 s2, s1;
	s0 =	sshll.u32 s0, $0x11  }
0xbf: {  	s0 =	sor.u32 s0, s1  }
0xc0: {  	s0 =	sadd.s32 $0x8F2B, s0  }
0xc1: {  	[sflag:s0] =	ssyncadd.remote.s32 $0x1  }
0xc2: {  	_ =	sfence.sel $0xFFFF  }
0xc3: {  	[dreg:$0x0] =	wrdreg $0xFFFFFFFF;
	(pc) =	sbr.abs _section_cstart, $3  }
0xc4: {  	[dreg:$0x1] =	wrdreg $0xFFFFFFFF  }
0xc5: {  	_ =	task.clear_ibuf [dreg:s6], $0x2FFFF;
	_ =	strace $0x9FFFFFFF  }
0xc6: {  	(tm) =	ssettm $0x7FFFFFFF  }
0xc7: {  	_ =	shalt  }
tec
execute0_lowered:
.L_overlay_start_1:
0x0: {  	(tag) =	ssettag $0x1  }
0x1: {  	s14 =	rddreg [dreg:$0x0]  }
0x2: {  	s2 =	rddreg [dreg:$0x1]  }
0x3: {  	s5 =	rddreg [dreg:$0x2]  }
0x4: {  	s7 =	rddreg [dreg:$0x3]  }
0x5: {  	s6 =	rddreg [dreg:$0x4]  }
0x6: {  	s4 =	rddreg [dreg:$0x5]  }
0x7: {  	s3 =	rddreg [dreg:$0x6]  }
0x8: {  	s0 =	rddreg [dreg:$0x7];
	s10 =	simm.s32 $0x0  }
0x9: {  	s1 =	stileid.u32;
	[smem:$0x7FF] =	sst s10  }
0xa: {  	p0 =	seq.s32 s1, $0xF;
	s8 =	sshll.u32 s1, $0xF;
	_ =	strace $0x80000047  }
0xb: {  	s13 =	sadd.s32 s8, s5;
	s5 =	sadd.s32 @p0 $0x1E000, s14;
	s8 =	simm.s32 @p0 $0x0  }
0xc: {  	[tilespmem:s8], [sflag:$0x1] =	stream.linear.gather @p0 [hbm4b:s5+s8], $0x4240, $0x38;
	[tilespmem:$0x1B0D0] =	vst v63  }
0xd: {  	s11 =	sshll.u32 s1, $0xD;
	s12 =	sadd.s32 $0x4000, s13;
	s5 =	sshll.u32 @!p0 s1, $0x6  }
0xe: {  	s8 =	sadd.s32 @!p0 s14, s11;
	s9 =	sshrl.u32 @!p0 s13, $0x3;
	s5 =	sor.u32 @!p0 $0x1C01, s5  }
0xf: {  	[spmem:s9], [sflag:s5] =	dma.local @!p0 [hbm:s8], $0x800  }
0x10: {  	v0 =	vimm.f32 $0.0e+00;
	s8 =	sadd.s32 @!p0 $0x800, s8;
	s9 =	sshrl.u32 @!p0 s12, $0x3  }
0x11: {  	[spmem:s9], [sflag:s5] =	dma.local @!p0 [hbm:s8], $0x800;
	[tilespmem:$0x11200] =	vst v0  }
0x12: {  	[tilespmem:$0x11210] =	vst v0  }
0x13: {  	[tilespmem:$0x11220] =	vst v0  }
0x14: {  	[tilespmem:$0x11230] =	vst v0  }
0x15: {  	[tilespmem:$0x11240] =	vst v0  }
0x16: {  	[tilespmem:$0x11250] =	vst v0  }
0x17: {  	[tilespmem:$0x11260] =	vst v0  }
0x18: {  	[tilespmem:$0x11270] =	vst v0  }
0x19: {  	[tilespmem:$0x11280] =	vst v0  }
0x1a: {  	[tilespmem:$0x11290] =	vst v0  }
0x1b: {  	[tilespmem:$0x112A0] =	vst v0  }
0x1c: {  	[tilespmem:$0x112B0] =	vst v0  }
0x1d: {  	[tilespmem:$0x112C0] =	vst v0  }
0x1e: {  	[tilespmem:$0x112D0] =	vst v0  }
0x1f: {  	[tilespmem:$0x112E0] =	vst v0  }
0x20: {  	[tilespmem:$0x112F0] =	vst v0  }
0x21: {  	[tilespmem:$0x11300] =	vst v0  }
0x22: {  	[tilespmem:$0x11310] =	vst v0  }
0x23: {  	[tilespmem:$0x11320] =	vst v0  }
0x24: {  	[tilespmem:$0x11330] =	vst v0  }
0x25: {  	[tilespmem:$0x11340] =	vst v0  }
0x26: {  	[tilespmem:$0x11350] =	vst v0  }
0x27: {  	[tilespmem:$0x11360] =	vst v0  }
0x28: {  	[tilespmem:$0x11370] =	vst v0  }
0x29: {  	[tilespmem:$0x11380] =	vst v0  }
0x2a: {  	[tilespmem:$0x11390] =	vst v0  }
0x2b: {  	[tilespmem:$0x113A0] =	vst v0  }
0x2c: {  	[tilespmem:$0x113B0] =	vst v0  }
0x2d: {  	[tilespmem:$0x113C0] =	vst v0  }
0x2e: {  	[tilespmem:$0x113D0] =	vst v0  }
0x2f: {  	[tilespmem:$0x113E0] =	vst v0  }
0x30: {  	[tilespmem:$0x113F0] =	vst v0  }
0x31: {  	[tilespmem:$0x11400] =	vst v0  }
0x32: {  	[tilespmem:$0x11410] =	vst v0  }
0x33: {  	[tilespmem:$0x11420] =	vst v0  }
0x34: {  	[tilespmem:$0x11430] =	vst v0  }
0x35: {  	[tilespmem:$0x11440] =	vst v0  }
0x36: {  	[tilespmem:$0x11450] =	vst v0  }
0x37: {  	[tilespmem:$0x11460] =	vst v0  }
0x38: {  	[tilespmem:$0x11470] =	vst v0  }
0x39: {  	[tilespmem:$0x11480] =	vst v0  }
0x3a: {  	[tilespmem:$0x11490] =	vst v0  }
0x3b: {  	[tilespmem:$0x114A0] =	vst v0  }
0x3c: {  	[tilespmem:$0x114B0] =	vst v0  }
0x3d: {  	[tilespmem:$0x114C0] =	vst v0  }
0x3e: {  	[tilespmem:$0x114D0] =	vst v0  }
0x3f: {  	[tilespmem:$0x114E0] =	vst v0  }
0x40: {  	[tilespmem:$0x114F0] =	vst v0  }
0x41: {  	[tilespmem:$0x11500] =	vst v0  }
0x42: {  	[tilespmem:$0x11510] =	vst v0  }
0x43: {  	[tilespmem:$0x11520] =	vst v0  }
0x44: {  	[tilespmem:$0x11530] =	vst v0  }
0x45: {  	[tilespmem:$0x11540] =	vst v0  }
0x46: {  	[tilespmem:$0x11550] =	vst v0  }
0x47: {  	[tilespmem:$0x11560] =	vst v0  }
0x48: {  	[tilespmem:$0x11570] =	vst v0  }
0x49: {  	[tilespmem:$0x11580] =	vst v0  }
0x4a: {  	[tilespmem:$0x11590] =	vst v0  }
0x4b: {  	[tilespmem:$0x115A0] =	vst v0  }
0x4c: {  	[tilespmem:$0x115B0] =	vst v0  }
0x4d: {  	[tilespmem:$0x115C0] =	vst v0  }
0x4e: {  	[tilespmem:$0x115D0] =	vst v0  }
0x4f: {  	[tilespmem:$0x115E0] =	vst v0  }
0x50: {  	[tilespmem:$0x115F0] =	vst v0  }
0x51: {  	[tilespmem:$0x11600] =	vst v0  }
0x52: {  	[tilespmem:$0x11610] =	vst v0  }
0x53: {  	[tilespmem:$0x11620] =	vst v0  }
0x54: {  	[tilespmem:$0x11630] =	vst v0  }
0x55: {  	[tilespmem:$0x11640] =	vst v0  }
0x56: {  	[tilespmem:$0x11650] =	vst v0  }
0x57: {  	[tilespmem:$0x11660] =	vst v0  }
0x58: {  	[tilespmem:$0x11670] =	vst v0  }
0x59: {  	[tilespmem:$0x11680] =	vst v0  }
0x5a: {  	[tilespmem:$0x11690] =	vst v0  }
0x5b: {  	[tilespmem:$0x116A0] =	vst v0  }
0x5c: {  	[tilespmem:$0x116B0] =	vst v0  }
0x5d: {  	[tilespmem:$0x116C0] =	vst v0  }
0x5e: {  	[tilespmem:$0x116D0] =	vst v0  }
0x5f: {  	[tilespmem:$0x116E0] =	vst v0  }
0x60: {  	[tilespmem:$0x116F0] =	vst v0  }
0x61: {  	[tilespmem:$0x11700] =	vst v0  }
0x62: {  	[tilespmem:$0x11710] =	vst v0  }
0x63: {  	[tilespmem:$0x11720] =	vst v0  }
0x64: {  	[tilespmem:$0x11730] =	vst v0  }
0x65: {  	[tilespmem:$0x11740] =	vst v0  }
0x66: {  	[tilespmem:$0x11750] =	vst v0  }
0x67: {  	[tilespmem:$0x11760] =	vst v0  }
0x68: {  	[tilespmem:$0x11770] =	vst v0  }
0x69: {  	[tilespmem:$0x11780] =	vst v0  }
0x6a: {  	[tilespmem:$0x11790] =	vst v0  }
0x6b: {  	[tilespmem:$0x117A0] =	vst v0  }
0x6c: {  	[tilespmem:$0x117B0] =	vst v0  }
0x6d: {  	[tilespmem:$0x117C0] =	vst v0  }
0x6e: {  	[tilespmem:$0x117D0] =	vst v0  }
0x6f: {  	[tilespmem:$0x117E0] =	vst v0  }
0x70: {  	[tilespmem:$0x117F0] =	vst v0  }
0x71: {  	[tilespmem:$0x11800] =	vst v0  }
0x72: {  	[tilespmem:$0x11810] =	vst v0  }
0x73: {  	[tilespmem:$0x11820] =	vst v0  }
0x74: {  	[tilespmem:$0x11830] =	vst v0  }
0x75: {  	[tilespmem:$0x11840] =	vst v0  }
0x76: {  	[tilespmem:$0x11850] =	vst v0  }
0x77: {  	[tilespmem:$0x11860] =	vst v0  }
0x78: {  	[tilespmem:$0x11870] =	vst v0  }
0x79: {  	[tilespmem:$0x11880] =	vst v0  }
0x7a: {  	[tilespmem:$0x11890] =	vst v0  }
0x7b: {  	[tilespmem:$0x118A0] =	vst v0  }
0x7c: {  	[tilespmem:$0x118B0] =	vst v0  }
0x7d: {  	[tilespmem:$0x118C0] =	vst v0  }
0x7e: {  	[tilespmem:$0x118D0] =	vst v0  }
0x7f: {  	[tilespmem:$0x118E0] =	vst v0  }
0x80: {  	[tilespmem:$0x118F0] =	vst v0  }
0x81: {  	[tilespmem:$0x11900] =	vst v0  }
0x82: {  	[tilespmem:$0x11910] =	vst v0  }
0x83: {  	[tilespmem:$0x11920] =	vst v0  }
0x84: {  	[tilespmem:$0x11930] =	vst v0  }
0x85: {  	[tilespmem:$0x11940] =	vst v0  }
0x86: {  	[tilespmem:$0x11950] =	vst v0  }
0x87: {  	[tilespmem:$0x11960] =	vst v0  }
0x88: {  	[tilespmem:$0x11970] =	vst v0  }
0x89: {  	[tilespmem:$0x11980] =	vst v0  }
0x8a: {  	[tilespmem:$0x11990] =	vst v0  }
0x8b: {  	[tilespmem:$0x119A0] =	vst v0  }
0x8c: {  	[tilespmem:$0x119B0] =	vst v0  }
0x8d: {  	[tilespmem:$0x119C0] =	vst v0  }
0x8e: {  	[tilespmem:$0x119D0] =	vst v0  }
0x8f: {  	[tilespmem:$0x119E0] =	vst v0  }
0x90: {  	[tilespmem:$0x119F0] =	vst v0  }
0x91: {  	[tilespmem:$0x11A00] =	vst v0  }
0x92: {  	[tilespmem:$0x11A10] =	vst v0  }
0x93: {  	[tilespmem:$0x11A20] =	vst v0  }
0x94: {  	[tilespmem:$0x11A30] =	vst v0  }
0x95: {  	[tilespmem:$0x11A40] =	vst v0  }
0x96: {  	[tilespmem:$0x11A50] =	vst v0  }
0x97: {  	[tilespmem:$0x11A60] =	vst v0  }
0x98: {  	[tilespmem:$0x11A70] =	vst v0  }
0x99: {  	[tilespmem:$0x11A80] =	vst v0  }
0x9a: {  	[tilespmem:$0x11A90] =	vst v0  }
0x9b: {  	[tilespmem:$0x11AA0] =	vst v0  }
0x9c: {  	[tilespmem:$0x11AB0] =	vst v0  }
0x9d: {  	[tilespmem:$0x11AC0] =	vst v0  }
0x9e: {  	[tilespmem:$0x11AD0] =	vst v0  }
0x9f: {  	[tilespmem:$0x11AE0] =	vst v0  }
0xa0: {  	[tilespmem:$0x11AF0] =	vst v0  }
0xa1: {  	[tilespmem:$0x11B00] =	vst v0  }
0xa2: {  	[tilespmem:$0x11B10] =	vst v0  }
0xa3: {  	[tilespmem:$0x11B20] =	vst v0  }
0xa4: {  	[tilespmem:$0x11B30] =	vst v0  }
0xa5: {  	[tilespmem:$0x11B40] =	vst v0  }
0xa6: {  	[tilespmem:$0x11B50] =	vst v0  }
0xa7: {  	[tilespmem:$0x11B60] =	vst v0  }
0xa8: {  	[tilespmem:$0x11B70] =	vst v0  }
0xa9: {  	[tilespmem:$0x11B80] =	vst v0  }
0xaa: {  	[tilespmem:$0x11B90] =	vst v0  }
0xab: {  	[tilespmem:$0x11BA0] =	vst v0  }
0xac: {  	[tilespmem:$0x11BB0] =	vst v0  }
0xad: {  	[tilespmem:$0x11BC0] =	vst v0  }
0xae: {  	[tilespmem:$0x11BD0] =	vst v0  }
0xaf: {  	[tilespmem:$0x11BE0] =	vst v0  }
0xb0: {  	[tilespmem:$0x11BF0] =	vst v0  }
0xb1: {  	[tilespmem:$0x11C00] =	vst v0  }
0xb2: {  	[tilespmem:$0x11C10] =	vst v0  }
0xb3: {  	[tilespmem:$0x11C20] =	vst v0  }
0xb4: {  	[tilespmem:$0x11C30] =	vst v0  }
0xb5: {  	[tilespmem:$0x11C40] =	vst v0  }
0xb6: {  	[tilespmem:$0x11C50] =	vst v0  }
0xb7: {  	[tilespmem:$0x11C60] =	vst v0  }
0xb8: {  	[tilespmem:$0x11C70] =	vst v0  }
0xb9: {  	[tilespmem:$0x11C80] =	vst v0  }
0xba: {  	[tilespmem:$0x11C90] =	vst v0  }
0xbb: {  	[tilespmem:$0x11CA0] =	vst v0  }
0xbc: {  	[tilespmem:$0x11CB0] =	vst v0  }
0xbd: {  	[tilespmem:$0x11CC0] =	vst v0  }
0xbe: {  	[tilespmem:$0x11CD0] =	vst v0  }
0xbf: {  	[tilespmem:$0x11CE0] =	vst v0  }
0xc0: {  	[tilespmem:$0x11CF0] =	vst v0  }
0xc1: {  	[tilespmem:$0x11D00] =	vst v0  }
0xc2: {  	[tilespmem:$0x11D10] =	vst v0  }
0xc3: {  	[tilespmem:$0x11D20] =	vst v0  }
0xc4: {  	[tilespmem:$0x11D30] =	vst v0  }
0xc5: {  	[tilespmem:$0x11D40] =	vst v0  }
0xc6: {  	[tilespmem:$0x11D50] =	vst v0  }
0xc7: {  	[tilespmem:$0x11D60] =	vst v0  }
0xc8: {  	[tilespmem:$0x11D70] =	vst v0  }
0xc9: {  	[tilespmem:$0x11D80] =	vst v0  }
0xca: {  	[tilespmem:$0x11D90] =	vst v0  }
0xcb: {  	[tilespmem:$0x11DA0] =	vst v0  }
0xcc: {  	[tilespmem:$0x11DB0] =	vst v0  }
0xcd: {  	[tilespmem:$0x11DC0] =	vst v0  }
0xce: {  	[tilespmem:$0x11DD0] =	vst v0  }
0xcf: {  	[tilespmem:$0x11DE0] =	vst v0  }
0xd0: {  	[tilespmem:$0x11DF0] =	vst v0  }
0xd1: {  	[tilespmem:$0x11E00] =	vst v0  }
0xd2: {  	[tilespmem:$0x11E10] =	vst v0  }
0xd3: {  	[tilespmem:$0x11E20] =	vst v0  }
0xd4: {  	[tilespmem:$0x11E30] =	vst v0  }
0xd5: {  	[tilespmem:$0x11E40] =	vst v0  }
0xd6: {  	[tilespmem:$0x11E50] =	vst v0  }
0xd7: {  	[tilespmem:$0x11E60] =	vst v0  }
0xd8: {  	[tilespmem:$0x11E70] =	vst v0  }
0xd9: {  	[tilespmem:$0x11E80] =	vst v0  }
0xda: {  	[tilespmem:$0x11E90] =	vst v0  }
0xdb: {  	[tilespmem:$0x11EA0] =	vst v0  }
0xdc: {  	[tilespmem:$0x11EB0] =	vst v0  }
0xdd: {  	[tilespmem:$0x11EC0] =	vst v0  }
0xde: {  	[tilespmem:$0x11ED0] =	vst v0  }
0xdf: {  	[tilespmem:$0x11EE0] =	vst v0  }
0xe0: {  	[tilespmem:$0x11EF0] =	vst v0  }
0xe1: {  	[tilespmem:$0x11F00] =	vst v0  }
0xe2: {  	[tilespmem:$0x11F10] =	vst v0  }
0xe3: {  	[tilespmem:$0x11F20] =	vst v0  }
0xe4: {  	[tilespmem:$0x11F30] =	vst v0  }
0xe5: {  	[tilespmem:$0x11F40] =	vst v0  }
0xe6: {  	[tilespmem:$0x11F50] =	vst v0  }
0xe7: {  	[tilespmem:$0x11F60] =	vst v0  }
0xe8: {  	[tilespmem:$0x11F70] =	vst v0  }
0xe9: {  	[tilespmem:$0x11F80] =	vst v0  }
0xea: {  	[tilespmem:$0x11F90] =	vst v0  }
0xeb: {  	[tilespmem:$0x11FA0] =	vst v0  }
0xec: {  	[tilespmem:$0x11FB0] =	vst v0  }
0xed: {  	[tilespmem:$0x11FC0] =	vst v0  }
0xee: {  	[tilespmem:$0x11FD0] =	vst v0  }
0xef: {  	[tilespmem:$0x11FE0] =	vst v0  }
0xf0: {  	[tilespmem:$0x11FF0] =	vst v0  }
0xf1: {  	[tilespmem:$0x12000] =	vst v0  }
0xf2: {  	[tilespmem:$0x12010] =	vst v0  }
0xf3: {  	[tilespmem:$0x12020] =	vst v0  }
0xf4: {  	[tilespmem:$0x12030] =	vst v0  }
0xf5: {  	[tilespmem:$0x12040] =	vst v0  }
0xf6: {  	[tilespmem:$0x12050] =	vst v0  }
0xf7: {  	[tilespmem:$0x12060] =	vst v0  }
0xf8: {  	[tilespmem:$0x12070] =	vst v0  }
0xf9: {  	[tilespmem:$0x12080] =	vst v0  }
0xfa: {  	[tilespmem:$0x12090] =	vst v0  }
0xfb: {  	[tilespmem:$0x120A0] =	vst v0  }
0xfc: {  	[tilespmem:$0x120B0] =	vst v0  }
0xfd: {  	[tilespmem:$0x120C0] =	vst v0  }
0xfe: {  	[tilespmem:$0x120D0] =	vst v0  }
0xff: {  	[tilespmem:$0x120E0] =	vst v0  }
0x100: {  	[tilespmem:$0x120F0] =	vst v0  }
0x101: {  	[tilespmem:$0x12100] =	vst v0  }
0x102: {  	[tilespmem:$0x12110] =	vst v0  }
0x103: {  	[tilespmem:$0x12120] =	vst v0  }
0x104: {  	[tilespmem:$0x12130] =	vst v0  }
0x105: {  	[tilespmem:$0x12140] =	vst v0  }
0x106: {  	[tilespmem:$0x12150] =	vst v0  }
0x107: {  	[tilespmem:$0x12160] =	vst v0  }
0x108: {  	[tilespmem:$0x12170] =	vst v0  }
0x109: {  	[tilespmem:$0x12180] =	vst v0  }
0x10a: {  	[tilespmem:$0x12190] =	vst v0  }
0x10b: {  	[tilespmem:$0x121A0] =	vst v0  }
0x10c: {  	[tilespmem:$0x121B0] =	vst v0  }
0x10d: {  	[tilespmem:$0x121C0] =	vst v0  }
0x10e: {  	[tilespmem:$0x121E0] =	vst v0  }
0x10f: {  	s30 =	simm.s32 $0x11200;
	s29 =	sshll.u32 s1, $0xC;
	[tilespmem:$0x121D0] =	vst v0  }
.Ltmp0:
0x110: {  	s15 =	simm.s32 $0x5;
	[tilespmem:$0x121F0] =	vst v0;
	s5 =	sadd.s32 s29, s7;
	(pc) =	sbr.rel @!p0 .LBB2_1-.Ltmp0, $4  }
0x111: {  	[spmem:s5] =	stream.linear.scatter [tilespmem:s30], [sflag:$0x5], $0x1000, $0x38;
	[tilespmem:$0x1B0D0] =	vst v63  }
0x112: {  	s31 =	sshll.u32 s1, $0x4;
	_ =	swait.ge [sflag:s15], $0x1000  }
0x113: {  	s9 =	sadd.s32 s31, s6;
	[sflag:s15] =	ssyncset.done $0x0  }
0x114: {  	s8 =	sshll.u32 s1, $0x5;
	s5 =	simm.s32 $0x11;
	[sflag:s15] =	ssyncadd.s32 $0xFFFFF000  }
0x115: {  	v0 =	vimm.f32 $-Inf  }
0x116: {  	[tilespmem:$0x4240] =	vst v0  }
0x117: {  	[tilespmem:$0x4250] =	vst v0  }
0x118: {  	[tilespmem:$0x4260] =	vst v0  }
0x119: {  	[tilespmem:$0x4270] =	vst v0  }
0x11a: {  	[tilespmem:$0x4280] =	vst v0  }
0x11b: {  	[tilespmem:$0x4290] =	vst v0  }
0x11c: {  	[tilespmem:$0x42A0] =	vst v0  }
0x11d: {  	[tilespmem:$0x42B0] =	vst v0  }
0x11e: {  	[tilespmem:$0x42C0] =	vst v0  }
0x11f: {  	[tilespmem:$0x42D0] =	vst v0  }
0x120: {  	[tilespmem:$0x42E0] =	vst v0  }
0x121: {  	[tilespmem:$0x42F0] =	vst v0  }
0x122: {  	[tilespmem:$0x4300] =	vst v0  }
0x123: {  	[tilespmem:$0x4310] =	vst v0  }
0x124: {  	[tilespmem:$0x4320] =	vst v0  }
0x125: {  	[tilespmem:$0x4330] =	vst v0  }
0x126: {  	[tilespmem:$0x4340] =	vst v0  }
0x127: {  	[tilespmem:$0x4350] =	vst v0  }
0x128: {  	[tilespmem:$0x4360] =	vst v0  }
0x129: {  	[tilespmem:$0x4370] =	vst v0  }
0x12a: {  	[tilespmem:$0x4380] =	vst v0  }
0x12b: {  	[tilespmem:$0x4390] =	vst v0  }
0x12c: {  	[tilespmem:$0x43A0] =	vst v0  }
0x12d: {  	[tilespmem:$0x43B0] =	vst v0  }
0x12e: {  	[tilespmem:$0x43C0] =	vst v0  }
0x12f: {  	[tilespmem:$0x43D0] =	vst v0  }
0x130: {  	[tilespmem:$0x43E0] =	vst v0  }
0x131: {  	s7 =	simm.s32 $0x1;
	[tilespmem:$0x43F0] =	vst v0  }
0x132: {  	_ =	swait.ge [sflag:s7], $0x4240  }
0x133: {  	[sflag:s7] =	ssyncset.done $0x0  }
0x134: {  	s15 =	simm.s32 $0x80;
	[sflag:s7] =	ssyncadd.s32 $0xFFFFBDC0  }
0x135: {  	s11 =	sadd.s32 $0x1E200, s2;
	s12 =	sadd.s32 $0x1E400, s2;
	s13 =	sadd.s32 $0x1E600, s2;
	v1 =	vld [tilespmem:s15+$0xFFFFFF90]  }
0x136: {  	s14 =	sadd.s32 $0x1E800, s2;
	s16 =	simm.s32 $0x40;
	s7 =	sadd.s32 $0x1E000, s2;
	v2 =	vld [tilespmem:s15+$0xFFFFFF80]  }
.LBB2_11:
0x137: {  	p1 =	sne.s32 s16, $0x10C0;
	v3 =	vld [tilespmem:s15+$0xFFFFFFA0]  }
0x138: {  	v4 =	vld [tilespmem:s15+$0xFFFFFFB0]  }
0x139: {  	v5 =	vld [tilespmem:s15+$0xFFFFFFC0]  }
0x13a: {  	v6 =	vld [tilespmem:s15+$0xFFFFFFD0]  }
0x13b: {  	v1 =	vmax.f32 v2, v1;
	v2 =	vld [tilespmem:s15+$0xFFFFFFE0]  }
0x13c: {  	v1 =	vmax.f32 v1, v3;
	v3 =	vld [tilespmem:s15+$0xFFFFFFF0]  }
0x13d: {  	v1 =	vmax.f32 v1, v4;
	v4 =	vld [tilespmem:s15+$0x0]  }
0x13e: {  	v1 =	vmax.f32 v1, v5;
	v5 =	vld [tilespmem:s15+$0x10]  }
0x13f: {  	v1 =	vmax.f32 v1, v6;
	v6 =	vld [tilespmem:s15+$0x20]  }
0x140: {  	v1 =	vmax.f32 v1, v2;
	v2 =	vld [tilespmem:s15+$0x30]  }
0x141: {  	v1 =	vmax.f32 v1, v3;
	v3 =	vld [tilespmem:s15+$0x40]  }
0x142: {  	v1 =	vmax.f32 v1, v4;
	v4 =	vld [tilespmem:s15+$0x50]  }
0x143: {  	v1 =	vmax.f32 v1, v5;
	v5 =	vld [tilespmem:s15+$0x60]  }
0x144: {  	v1 =	vmax.f32 v1, v6;
	v6 =	vld [tilespmem:s15+$0x70]  }
0x145: {  	v1 =	vmax.f32 v1, v2  }
0x146: {  	v1 =	vmax.f32 v1, v3  }
0x147: {  	v1 =	vmax.f32 v1, v4  }
.Ltmp1:
0x148: {  	v1 =	vmax.f32 v1, v5;
	(pc) =	sbr.rel @p1 .LBB2_11-.Ltmp1, $4  }
0x149: {  	s17 =	sshra.s32 s10, $0x2;
	s10 =	smov.u32 s16;
	v1 =	vmax.f32 v1, v6  }
0x14a: {  	s15 =	sadd.s32 $0x100, s15;
	[tilespmem:s17+$0x10000] =	vst v1;
	v0 =	vmax.f32 v0, v1  }
0x14b: {  	v1 =	vld [tilespmem:s15+$0xFFFFFF90]  }
0x14c: {  	s16 =	sadd.s32 $0x40, s16;
	v2 =	vld [tilespmem:s15+$0xFFFFFF80]  }
0x14d: {  	v3 =	vld [tilespmem:s15+$0xFFFFFFA0]  }
0x14e: {  	v4 =	vld [tilespmem:s15+$0xFFFFFFB0]  }
0x14f: {  	v5 =	vld [tilespmem:s15+$0xFFFFFFC0]  }
0x150: {  	v6 =	vld [tilespmem:s15+$0xFFFFFFD0]  }
0x151: {  	v54 =	vld [tilespmem:s15+$0xFFFFFFE0];
	v1 =	vmax.f32 v2, v1  }
0x152: {  	v55 =	vld [tilespmem:s15+$0xFFFFFFF0];
	v1 =	vmax.f32 v1, v3  }
0x153: {  	v56 =	vld [tilespmem:s15+$0x0];
	v1 =	vmax.f32 v1, v4  }
0x154: {  	v57 =	vld [tilespmem:s15+$0x10];
	v1 =	vmax.f32 v1, v5  }
0x155: {  	v58 =	vld [tilespmem:s15+$0x20];
	v1 =	vmax.f32 v1, v6  }
0x156: {  	v59 =	vld [tilespmem:s15+$0x30];
	v1 =	vmax.f32 v1, v54  }
0x157: {  	v60 =	vld [tilespmem:s15+$0x40];
	v1 =	vmax.f32 v1, v55  }
0x158: {  	v61 =	vld [tilespmem:s15+$0x50];
	v1 =	vmax.f32 v1, v56  }
0x159: {  	v62 =	vld [tilespmem:s15+$0x60];
	v1 =	vmax.f32 v1, v57  }
0x15a: {  	v63 =	vld [tilespmem:s15+$0x70];
	v1 =	vmax.f32 v1, v58  }
0x15b: {  	v1 =	vmax.f32 v1, v59  }
0x15c: {  	v1 =	vmax.f32 v1, v60  }
0x15d: {  	v1 =	vmax.f32 v1, v61  }
0x15e: {  	v1 =	vmax.f32 v1, v62  }
0x15f: {  	s10 =	sshra.s32 s10, $0x2;
	v1 =	vmax.f32 v1, v63  }
0x160: {  	[tilespmem:s10+$0x10000] =	vst v1;
	v0 =	vmax.f32 v0, v1  }
0x161: {  	s28 =	simm.s32 $0x12800;
	s29 =	simm.s32 $0x5;
	[tilespmem:$0x12800] =	vst v0  }
0x162: {  	[spmem:s9] =	stream.linear.scatter [tilespmem:s28], [sflag:$0x5], $0x10, $0x38;
	[tilespmem:$0x1B0D0] =	vst v63  }
0x163: {  	_ =	swait.ge [sflag:s29], $0x10  }
0x164: {  	[sflag:s29] =	ssyncset.done $0x0  }
0x165: {  	[sflag:s29] =	ssyncadd.s32 $0xFFFFFFF0  }
0x166: {  	s30 =	simm.s32 $0x0;
	s31 =	simm.s32 $0x11200;
	[bflag:$0x0] =	sbarrier.arrive $0xFFFF  }
0x167: {  	[hbm4b:s7+s30] =	stream.linear.scatter [tilespmem:s31], [sflag:$0x3], $0x1000, $0x38;
	[tilespmem:$0x1B0D0] =	vst v63  }
0x168: {  	_ = 	snop  }
0x169: {  	[hbm4b:s11+s30] =	stream.linear.scatter [tilespmem:s31], [sflag:$0x3], $0x1000, $0x38;
	[tilespmem:$0x1B0D0] =	vst v63  }
0x16a: {  	_ = 	snop  }
0x16b: {  	[hbm4b:s12+s30] =	stream.linear.scatter [tilespmem:s31], [sflag:$0x3], $0x1000, $0x38;
	[tilespmem:$0x1B0D0] =	vst v63  }
.Ltmp2:
0x16c: {  	_ = 	snop;
	(pc) =	sbr.rel .LBB2_13-.Ltmp2, $4  }
0x16d: {  	_ = 	snop  }
0x16e: {  	[hbm4b:s13+s30] =	stream.linear.scatter [tilespmem:s31], [sflag:$0x3], $0x1000, $0x38;
	[tilespmem:$0x1B0D0] =	vst v63  }
0x16f: {  	_ = 	snop  }
0x170: {  	[hbm4b:s14+s30] =	stream.linear.scatter [tilespmem:s31], [sflag:$0x3], $0x240, $0x38;
	[tilespmem:$0x1B0D0] =	vst v63  }
.LBB2_1:
0x171: {  	s15 =	simm.s32 $0x1  }
0x172: {  	_ =	swait.ge [sflag:s15], $0x800  }
0x173: {  	[sflag:s15] =	ssyncset.done $0x0  }
0x174: {  	s29 =	simm.s32 $0x2;
	[sflag:s15] =	ssyncadd.s32 $0xFFFFF800  }
0x175: {  	[tilespmem:s10], [sflag:$0x2] =	stream.linear.gather [spmem:s13], $0x4000, $0x38;
	[tilespmem:$0x1B0D0] =	vst v63  }
0x176: {  	_ =	swait.ge [sflag:s29], $0x4000  }
0x177: {  	[sflag:s29] =	ssyncset.done $0x0  }
0x178: {  	s30 =	simm.s32 $0x4000;
	[sflag:s29] =	ssyncadd.s32 $0xFFFFC000  }
0x179: {  	s17 =	sadd.s32 s11, s14;
	s16 =	sshrl.u32 s13, $0x3;
	_ =	swait.ge [sflag:s15], $0x800  }
0x17a: {  	s31 =	sadd.s32 $0x1000, s17;
	s10 =	sshll.u32 s1, $0x6;
	[sflag:s15] =	ssyncset.done $0x0  }
0x17b: {  	s14 =	sor.u32 $0x1C01, s10;
	[sflag:s15] =	ssyncadd.s32 $0xFFFFF800;
	s15 =	simm.s32 $0x100  }
0x17c: {  	[tilespmem:s30], [sflag:$0x2] =	stream.linear.gather [spmem:s12], $0x4000, $0x38;
	[tilespmem:$0x1B0D0] =	vst v63  }
0x17d: {  	[spmem:s16], [sflag:s14] =	dma.local [hbm:s31], $0x800  }
0x17e: {  	v0 =	vld [tilespmem:s15+$0xFFFFFF00]  }
0x17f: {  	v1 =	vld [tilespmem:s15+$0xFFFFFF10]  }
0x180: {  	v2 =	vld [tilespmem:s15+$0xFFFFFF20]  }
0x181: {  	v3 =	vld [tilespmem:s15+$0xFFFFFF30]  }
0x182: {  	v4 =	vld [tilespmem:s15+$0xFFFFFF40]  }
0x183: {  	v5 =	vld [tilespmem:s15+$0xFFFFFF50]  }
0x184: {  	v0 =	vmax.f32 v0, v1;
	v1 =	vld [tilespmem:s15+$0xFFFFFF60]  }
0x185: {  	v0 =	vmax.f32 v0, v2;
	v2 =	vld [tilespmem:s15+$0xFFFFFF70]  }
0x186: {  	v0 =	vmax.f32 v0, v3;
	v3 =	vld [tilespmem:s15+$0xFFFFFF80]  }
0x187: {  	v0 =	vmax.f32 v0, v4;
	v4 =	vld [tilespmem:s15+$0xFFFFFF90]  }
0x188: {  	v0 =	vmax.f32 v0, v5;
	v5 =	vld [tilespmem:s15+$0xFFFFFFA0]  }
0x189: {  	v0 =	vmax.f32 v0, v1;
	v1 =	vld [tilespmem:s15+$0xFFFFFFB0]  }
0x18a: {  	v0 =	vmax.f32 v0, v2;
	v2 =	vld [tilespmem:s15+$0xFFFFFFC0]  }
0x18b: {  	v0 =	vmax.f32 v0, v3;
	v3 =	vld [tilespmem:s15+$0xFFFFFFD0]  }
0x18c: {  	v0 =	vmax.f32 v0, v4;
	v4 =	vld [tilespmem:s15+$0xFFFFFFE0]  }
0x18d: {  	v0 =	vmax.f32 v0, v5;
	v5 =	vld [tilespmem:s15+$0xFFFFFFF0]  }
0x18e: {  	v0 =	vmax.f32 v0, v1  }
0x18f: {  	v0 =	vmax.f32 v0, v2  }
0x190: {  	v0 =	vmax.f32 v0, v3  }
0x191: {  	v0 =	vmax.f32 v0, v4  }
0x192: {  	s16 =	simm.s32 $0x10010;
	v0 =	vmax.f32 v0, v5  }
0x193: {  	[tilespmem:s16+$0xFFFFFFF0] =	vst v0  }
0x194: {  	v1 =	vld [tilespmem:s15+$0x0]  }
0x195: {  	v2 =	vld [tilespmem:s15+$0x10]  }
0x196: {  	v3 =	vld [tilespmem:s15+$0x20]  }
0x197: {  	v4 =	vld [tilespmem:s15+$0x30]  }
0x198: {  	v5 =	vld [tilespmem:s15+$0x40]  }
0x199: {  	v6 =	vld [tilespmem:s15+$0x50]  }
0x19a: {  	v7 =	vld [tilespmem:s15+$0x60];
	v1 =	vmax.f32 v1, v2  }
0x19b: {  	v2 =	vld [tilespmem:s15+$0x70];
	v1 =	vmax.f32 v1, v3  }
0x19c: {  	v3 =	vld [tilespmem:s15+$0x80];
	v1 =	vmax.f32 v1, v4  }
0x19d: {  	v4 =	vld [tilespmem:s15+$0x90];
	v1 =	vmax.f32 v1, v5  }
0x19e: {  	v5 =	vld [tilespmem:s15+$0xA0];
	v1 =	vmax.f32 v1, v6  }
0x19f: {  	v62 =	vld [tilespmem:s15+$0xB0];
	v1 =	vmax.f32 v1, v7  }
0x1a0: {  	v63 =	vld [tilespmem:s15+$0xC0];
	v1 =	vmax.f32 v1, v2  }
0x1a1: {  	v1 =	vmax.f32 v1, v3  }
0x1a2: {  	v1 =	vmax.f32 v1, v4  }
0x1a3: {  	v8 =	vld [tilespmem:s15+$0xD0];
	v1 =	vmax.f32 v1, v5  }
0x1a4: {  	v2 =	vmax.f32 v1, v62;
	v1 =	vld [tilespmem:s15+$0xE0]  }
0x1a5: {  	v4 =	vmax.f32 v2, v63;
	v2 =	vld [tilespmem:s15+$0xF0];
	_ =	sdelay $0x1  }
0x1a6: {  	s11 =	sadd.s32 s2, s11;
	v3 =	vimm.f32 $-Inf  }
0x1a7: {  	s18 =	simm.s32 $0x0;
	s19 =	simm.s32 $0x10010;
	s17 =	sadd.s32 $0x1800, s17;
	v0 =	vmax.f32 v3, v0;
	v3 =	vmax.f32 v4, v8  }
.LBB2_2:
0x1a8: {  	s18 =	sadd.s32 $0x2, s18;
	v1 =	vmax.f32 v3, v1;
	s16 =	sadd.s32 $0x20, s16;
	s15 =	sadd.s32 $0x200, s15  }
0x1a9: {  	p1 =	slt.u32 s18, $0x3E;
	v1 =	vmax.f32 v1, v2  }
0x1aa: {  	[tilespmem:s19+$0x0] =	vst v1;
	v0 =	vmax.f32 v0, v1;
	s19 =	smov.u32 s16  }
0x1ab: {  	v1 =	vld [tilespmem:s15+$0xFFFFFF00]  }
0x1ac: {  	v2 =	vld [tilespmem:s15+$0xFFFFFF10]  }
0x1ad: {  	v3 =	vld [tilespmem:s15+$0xFFFFFF20]  }
0x1ae: {  	v4 =	vld [tilespmem:s15+$0xFFFFFF30]  }
0x1af: {  	v5 =	vld [tilespmem:s15+$0xFFFFFF40]  }
0x1b0: {  	v6 =	vld [tilespmem:s15+$0xFFFFFF50]  }
0x1b1: {  	v1 =	vmax.f32 v1, v2;
	v2 =	vld [tilespmem:s15+$0xFFFFFF60]  }
0x1b2: {  	v1 =	vmax.f32 v1, v3;
	v3 =	vld [tilespmem:s15+$0xFFFFFF70]  }
0x1b3: {  	v1 =	vmax.f32 v1, v4;
	v4 =	vld [tilespmem:s15+$0xFFFFFF80]  }
0x1b4: {  	v1 =	vmax.f32 v1, v5;
	v5 =	vld [tilespmem:s15+$0xFFFFFF90]  }
0x1b5: {  	v1 =	vmax.f32 v1, v6;
	v6 =	vld [tilespmem:s15+$0xFFFFFFA0]  }
0x1b6: {  	v1 =	vmax.f32 v1, v2;
	v2 =	vld [tilespmem:s15+$0xFFFFFFB0]  }
0x1b7: {  	v1 =	vmax.f32 v1, v3;
	v3 =	vld [tilespmem:s15+$0xFFFFFFC0]  }
0x1b8: {  	v1 =	vmax.f32 v1, v4;
	v4 =	vld [tilespmem:s15+$0xFFFFFFD0]  }
0x1b9: {  	v1 =	vmax.f32 v1, v5;
	v5 =	vld [tilespmem:s15+$0xFFFFFFE0]  }
0x1ba: {  	v1 =	vmax.f32 v1, v6;
	v6 =	vld [tilespmem:s15+$0xFFFFFFF0]  }
0x1bb: {  	v1 =	vmax.f32 v1, v2  }
0x1bc: {  	v1 =	vmax.f32 v1, v3  }
0x1bd: {  	v1 =	vmax.f32 v1, v4  }
0x1be: {  	v1 =	vmax.f32 v1, v5  }
0x1bf: {  	v1 =	vmax.f32 v1, v6  }
0x1c0: {  	[tilespmem:s16+$0xFFFFFFF0] =	vst v1;
	v0 =	vmax.f32 v0, v1  }
0x1c1: {  	v1 =	vld [tilespmem:s15+$0x20]  }
0x1c2: {  	v2 =	vld [tilespmem:s15+$0x0]  }
0x1c3: {  	v3 =	vld [tilespmem:s15+$0x10]  }
0x1c4: {  	v4 =	vld [tilespmem:s15+$0x30]  }
0x1c5: {  	v5 =	vld [tilespmem:s15+$0x40]  }
0x1c6: {  	v6 =	vld [tilespmem:s15+$0x50]  }
0x1c7: {  	v7 =	vld [tilespmem:s15+$0x60]  }
0x1c8: {  	v2 =	vmax.f32 v2, v3;
	v3 =	vld [tilespmem:s15+$0x70]  }
0x1c9: {  	v1 =	vmax.f32 v2, v1;
	v2 =	vld [tilespmem:s15+$0x80]  }
0x1ca: {  	v1 =	vmax.f32 v1, v4;
	v4 =	vld [tilespmem:s15+$0x90]  }
0x1cb: {  	v1 =	vmax.f32 v1, v5;
	v5 =	vld [tilespmem:s15+$0xA0]  }
0x1cc: {  	v1 =	vmax.f32 v1, v6;
	v6 =	vld [tilespmem:s15+$0xB0]  }
0x1cd: {  	v1 =	vmax.f32 v1, v7;
	v7 =	vld [tilespmem:s15+$0xC0]  }
0x1ce: {  	v1 =	vmax.f32 v1, v3;
	v3 =	vld [tilespmem:s15+$0xD0]  }
0x1cf: {  	v2 =	vmax.f32 v1, v2;
	v1 =	vld [tilespmem:s15+$0xE0]  }
.Ltmp3:
0x1d0: {  	v4 =	vmax.f32 v2, v4;
	v2 =	vld [tilespmem:s15+$0xF0];
	(pc) =	sbr.rel @p1 .LBB2_2-.Ltmp3, $4  }
0x1d1: {  	v4 =	vmax.f32 v4, v5  }
0x1d2: {  	v4 =	vmax.f32 v4, v6  }
0x1d3: {  	v4 =	vmax.f32 v4, v7  }
0x1d4: {  	v3 =	vmax.f32 v4, v3  }
0x1d5: {  	v1 =	vmax.f32 v3, v1  }
0x1d6: {  	v1 =	vmax.f32 v1, v2  }
0x1d7: {  	s15 =	simm.s32 $0x2;
	[tilespmem:s19+$0x0] =	vst v1  }
0x1d8: {  	_ =	swait.ge [sflag:s15], $0x4000  }
0x1d9: {  	[sflag:s15] =	ssyncset.done $0x0  }
0x1da: {  	s29 =	simm.s32 $0x1;
	[sflag:s15] =	ssyncadd.s32 $0xFFFFC000  }
0x1db: {  	_ =	swait.ge [sflag:s29], $0x800  }
0x1dc: {  	[sflag:s29] =	ssyncset.done $0x0  }
0x1dd: {  	s30 =	simm.s32 $0x8000;
	[sflag:s29] =	ssyncadd.s32 $0xFFFFF800  }
0x1de: {  	[tilespmem:s30], [sflag:$0x2] =	stream.linear.gather [spmem:s13], $0x4000, $0x38;
	[tilespmem:$0x1B0D0] =	vst v63  }
0x1df: {  	s31 =	sshrl.u32 s12, $0x3;
	s13 =	simm.s32 $0x41F0  }
0x1e0: {  	[spmem:s31], [sflag:s14] =	dma.local [hbm:s17], $0x800  }
0x1e1: {  	v2 =	vld [tilespmem:s13+$0xFFFFFE10]  }
0x1e2: {  	v3 =	vld [tilespmem:s13+$0xFFFFFE20]  }
0x1e3: {  	v4 =	vld [tilespmem:s13+$0xFFFFFE30]  }
0x1e4: {  	v5 =	vld [tilespmem:s13+$0xFFFFFE40]  }
0x1e5: {  	v6 =	vld [tilespmem:s13+$0xFFFFFE50]  }
0x1e6: {  	v7 =	vld [tilespmem:s13+$0xFFFFFE60]  }
0x1e7: {  	v2 =	vmax.f32 v2, v3;
	v3 =	vld [tilespmem:s13+$0xFFFFFE70]  }
0x1e8: {  	v2 =	vmax.f32 v2, v4;
	v4 =	vld [tilespmem:s13+$0xFFFFFE80]  }
0x1e9: {  	v2 =	vmax.f32 v2, v5;
	v5 =	vld [tilespmem:s13+$0xFFFFFE90]  }
0x1ea: {  	v54 =	vld [tilespmem:s13+$0xFFFFFEA0];
	v2 =	vmax.f32 v2, v6  }
0x1eb: {  	v55 =	vld [tilespmem:s13+$0xFFFFFEB0];
	v2 =	vmax.f32 v2, v7  }
0x1ec: {  	v2 =	vmax.f32 v2, v3;
	v3 =	vld [tilespmem:s13+$0xFFFFFEC0]  }
0x1ed: {  	v2 =	vmax.f32 v2, v4;
	v4 =	vld [tilespmem:s13+$0xFFFFFED0]  }
0x1ee: {  	v2 =	vmax.f32 v2, v5;
	v5 =	vld [tilespmem:s13+$0xFFFFFEE0]  }
0x1ef: {  	v56 =	vld [tilespmem:s13+$0xFFFFFEF0];
	v2 =	vmax.f32 v2, v54  }
0x1f0: {  	v57 =	vld [tilespmem:s13+$0xFFFFFF00];
	v2 =	vmax.f32 v2, v55  }
0x1f1: {  	v2 =	vmax.f32 v2, v3  }
0x1f2: {  	v2 =	vmax.f32 v2, v4  }
0x1f3: {  	v2 =	vmax.f32 v2, v5  }
0x1f4: {  	v2 =	vmax.f32 v2, v56  }
0x1f5: {  	s14 =	simm.s32 $0x10410;
	v2 =	vmax.f32 v2, v57  }
0x1f6: {  	[tilespmem:s14+$0xFFFFFFF0] =	vst v2  }
0x1f7: {  	v3 =	vld [tilespmem:s13+$0xFFFFFF10]  }
0x1f8: {  	v4 =	vld [tilespmem:s13+$0xFFFFFF20]  }
0x1f9: {  	v5 =	vld [tilespmem:s13+$0xFFFFFF30]  }
0x1fa: {  	v58 =	vld [tilespmem:s13+$0xFFFFFF40]  }
0x1fb: {  	v59 =	vld [tilespmem:s13+$0xFFFFFF50]  }
0x1fc: {  	v8 =	vld [tilespmem:s13+$0xFFFFFF60]  }
0x1fd: {  	v3 =	vmax.f32 v3, v4;
	v4 =	vld [tilespmem:s13+$0xFFFFFF70]  }
0x1fe: {  	v3 =	vmax.f32 v3, v5;
	v5 =	vld [tilespmem:s13+$0xFFFFFF80]  }
0x1ff: {  	v60 =	vld [tilespmem:s13+$0xFFFFFF90];
	v3 =	vmax.f32 v3, v58  }
0x200: {  	v61 =	vld [tilespmem:s13+$0xFFFFFFA0];
	v3 =	vmax.f32 v3, v59  }
0x201: {  	v62 =	vld [tilespmem:s13+$0xFFFFFFB0];
	v3 =	vmax.f32 v3, v8  }
0x202: {  	v3 =	vmax.f32 v3, v4;
	v4 =	vld [tilespmem:s13+$0xFFFFFFC0]  }
0x203: {  	v3 =	vmax.f32 v3, v5;
	v5 =	vld [tilespmem:s13+$0xFFFFFFD0]  }
0x204: {  	v63 =	vld [tilespmem:s13+$0xFFFFFFE0];
	v3 =	vmax.f32 v3, v60  }
0x205: {  	v0 =	vmax.f32 v0, v1;
	v1 =	vld [tilespmem:s13+$0xFFFFFFF0];
	v3 =	vmax.f32 v3, v61  }
0x206: {  	v0 =	vmax.f32 v0, v2;
	v2 =	vld [tilespmem:s13+$0x0];
	v3 =	vmax.f32 v3, v62  }
0x207: {  	v3 =	vmax.f32 v3, v4  }
0x208: {  	v3 =	vmax.f32 v3, v5  }
0x209: {  	s16 =	simm.s32 $0x10410;
	s15 =	simm.s32 $0x40;
	v3 =	vmax.f32 v3, v63  }
.LBB2_4:
0x20a: {  	s15 =	sadd.s32 $0x2, s15;
	v1 =	vmax.f32 v3, v1;
	s13 =	sadd.s32 $0x200, s13;
	s14 =	sadd.s32 $0x20, s14  }
0x20b: {  	p1 =	slt.u32 s15, $0x7E;
	v1 =	vmax.f32 v1, v2  }
0x20c: {  	[tilespmem:s16+$0x0] =	vst v1;
	v0 =	vmax.f32 v0, v1;
	s16 =	smov.u32 s14  }
0x20d: {  	v1 =	vld [tilespmem:s13+$0xFFFFFE10]  }
0x20e: {  	v2 =	vld [tilespmem:s13+$0xFFFFFE20]  }
0x20f: {  	v3 =	vld [tilespmem:s13+$0xFFFFFE30]  }
0x210: {  	v4 =	vld [tilespmem:s13+$0xFFFFFE40]  }
0x211: {  	v5 =	vld [tilespmem:s13+$0xFFFFFE50]  }
0x212: {  	v6 =	vld [tilespmem:s13+$0xFFFFFE60]  }
0x213: {  	v1 =	vmax.f32 v1, v2;
	v2 =	vld [tilespmem:s13+$0xFFFFFE70]  }
0x214: {  	v1 =	vmax.f32 v1, v3;
	v3 =	vld [tilespmem:s13+$0xFFFFFE80]  }
0x215: {  	v1 =	vmax.f32 v1, v4;
	v4 =	vld [tilespmem:s13+$0xFFFFFE90]  }
0x216: {  	v1 =	vmax.f32 v1, v5;
	v5 =	vld [tilespmem:s13+$0xFFFFFEA0]  }
0x217: {  	v1 =	vmax.f32 v1, v6;
	v6 =	vld [tilespmem:s13+$0xFFFFFEB0]  }
0x218: {  	v1 =	vmax.f32 v1, v2;
	v2 =	vld [tilespmem:s13+$0xFFFFFEC0]  }
0x219: {  	v1 =	vmax.f32 v1, v3;
	v3 =	vld [tilespmem:s13+$0xFFFFFED0]  }
0x21a: {  	v1 =	vmax.f32 v1, v4;
	v4 =	vld [tilespmem:s13+$0xFFFFFEE0]  }
0x21b: {  	v1 =	vmax.f32 v1, v5;
	v5 =	vld [tilespmem:s13+$0xFFFFFEF0]  }
0x21c: {  	v1 =	vmax.f32 v1, v6;
	v6 =	vld [tilespmem:s13+$0xFFFFFF00]  }
0x21d: {  	v1 =	vmax.f32 v1, v2  }
0x21e: {  	v1 =	vmax.f32 v1, v3  }
0x21f: {  	v1 =	vmax.f32 v1, v4  }
0x220: {  	v1 =	vmax.f32 v1, v5  }
0x221: {  	v1 =	vmax.f32 v1, v6  }
0x222: {  	[tilespmem:s14+$0xFFFFFFF0] =	vst v1;
	v0 =	vmax.f32 v0, v1  }
0x223: {  	v1 =	vld [tilespmem:s13+$0xFFFFFF30]  }
0x224: {  	v2 =	vld [tilespmem:s13+$0xFFFFFF10]  }
0x225: {  	v3 =	vld [tilespmem:s13+$0xFFFFFF20]  }
0x226: {  	v4 =	vld [tilespmem:s13+$0xFFFFFF40]  }
0x227: {  	v5 =	vld [tilespmem:s13+$0xFFFFFF50]  }
0x228: {  	v6 =	vld [tilespmem:s13+$0xFFFFFF60]  }
0x229: {  	v7 =	vld [tilespmem:s13+$0xFFFFFF70]  }
0x22a: {  	v2 =	vmax.f32 v2, v3;
	v3 =	vld [tilespmem:s13+$0xFFFFFF80]  }
0x22b: {  	v1 =	vmax.f32 v2, v1;
	v2 =	vld [tilespmem:s13+$0xFFFFFF90]  }
0x22c: {  	v1 =	vmax.f32 v1, v4;
	v4 =	vld [tilespmem:s13+$0xFFFFFFA0]  }
0x22d: {  	v1 =	vmax.f32 v1, v5;
	v5 =	vld [tilespmem:s13+$0xFFFFFFB0]  }
0x22e: {  	v1 =	vmax.f32 v1, v6;
	v6 =	vld [tilespmem:s13+$0xFFFFFFC0]  }
0x22f: {  	v1 =	vmax.f32 v1, v7;
	v7 =	vld [tilespmem:s13+$0xFFFFFFD0]  }
0x230: {  	v1 =	vmax.f32 v1, v3;
	v3 =	vld [tilespmem:s13+$0xFFFFFFE0]  }
0x231: {  	v2 =	vmax.f32 v1, v2;
	v1 =	vld [tilespmem:s13+$0xFFFFFFF0]  }
.Ltmp4:
0x232: {  	v4 =	vmax.f32 v2, v4;
	v2 =	vld [tilespmem:s13+$0x0];
	(pc) =	sbr.rel @p1 .LBB2_4-.Ltmp4, $4  }
0x233: {  	v4 =	vmax.f32 v4, v5  }
0x234: {  	v4 =	vmax.f32 v4, v6  }
0x235: {  	v4 =	vmax.f32 v4, v7  }
0x236: {  	v3 =	vmax.f32 v4, v3  }
0x237: {  	v1 =	vmax.f32 v3, v1  }
0x238: {  	v1 =	vmax.f32 v1, v2  }
0x239: {  	s13 =	simm.s32 $0x2;
	[tilespmem:s16+$0x0] =	vst v1  }
0x23a: {  	_ =	swait.ge [sflag:s13], $0x4000  }
0x23b: {  	[sflag:s13] =	ssyncset.done $0x0  }
0x23c: {  	s30 =	simm.s32 $0x1;
	[sflag:s13] =	ssyncadd.s32 $0xFFFFC000  }
0x23d: {  	_ =	swait.ge [sflag:s30], $0x800  }
0x23e: {  	[sflag:s30] =	ssyncset.done $0x0  }
0x23f: {  	s31 =	simm.s32 $0xC000;
	[sflag:s30] =	ssyncadd.s32 $0xFFFFF800  }
0x240: {  	[tilespmem:s31], [sflag:$0x2] =	stream.linear.gather [spmem:s12], $0x4000, $0x38;
	[tilespmem:$0x1B0D0] =	vst v63  }
0x241: {  	s12 =	simm.s32 $0x81F0  }
0x242: {  	v2 =	vld [tilespmem:s12+$0xFFFFFE10]  }
0x243: {  	v3 =	vld [tilespmem:s12+$0xFFFFFE20]  }
0x244: {  	v4 =	vld [tilespmem:s12+$0xFFFFFE30]  }
0x245: {  	v5 =	vld [tilespmem:s12+$0xFFFFFE40]  }
0x246: {  	v6 =	vld [tilespmem:s12+$0xFFFFFE50]  }
0x247: {  	v7 =	vld [tilespmem:s12+$0xFFFFFE60]  }
0x248: {  	v2 =	vmax.f32 v2, v3;
	v3 =	vld [tilespmem:s12+$0xFFFFFE70]  }
0x249: {  	v2 =	vmax.f32 v2, v4;
	v4 =	vld [tilespmem:s12+$0xFFFFFE80]  }
0x24a: {  	v2 =	vmax.f32 v2, v5;
	v5 =	vld [tilespmem:s12+$0xFFFFFE90]  }
0x24b: {  	v54 =	vld [tilespmem:s12+$0xFFFFFEA0];
	v2 =	vmax.f32 v2, v6  }
0x24c: {  	v55 =	vld [tilespmem:s12+$0xFFFFFEB0];
	v2 =	vmax.f32 v2, v7  }
0x24d: {  	v2 =	vmax.f32 v2, v3;
	v3 =	vld [tilespmem:s12+$0xFFFFFEC0]  }
0x24e: {  	v2 =	vmax.f32 v2, v4;
	v4 =	vld [tilespmem:s12+$0xFFFFFED0]  }
0x24f: {  	v2 =	vmax.f32 v2, v5;
	v5 =	vld [tilespmem:s12+$0xFFFFFEE0]  }
0x250: {  	v56 =	vld [tilespmem:s12+$0xFFFFFEF0];
	v2 =	vmax.f32 v2, v54  }
0x251: {  	v57 =	vld [tilespmem:s12+$0xFFFFFF00];
	v2 =	vmax.f32 v2, v55  }
0x252: {  	v2 =	vmax.f32 v2, v3  }
0x253: {  	v2 =	vmax.f32 v2, v4  }
0x254: {  	v2 =	vmax.f32 v2, v5  }
0x255: {  	v2 =	vmax.f32 v2, v56  }
0x256: {  	s13 =	simm.s32 $0x10810;
	v2 =	vmax.f32 v2, v57  }
0x257: {  	[tilespmem:s13+$0xFFFFFFF0] =	vst v2  }
0x258: {  	v3 =	vld [tilespmem:s12+$0xFFFFFF10]  }
0x259: {  	v4 =	vld [tilespmem:s12+$0xFFFFFF20]  }
0x25a: {  	v5 =	vld [tilespmem:s12+$0xFFFFFF30]  }
0x25b: {  	v58 =	vld [tilespmem:s12+$0xFFFFFF40]  }
0x25c: {  	v59 =	vld [tilespmem:s12+$0xFFFFFF50]  }
0x25d: {  	v8 =	vld [tilespmem:s12+$0xFFFFFF60]  }
0x25e: {  	v3 =	vmax.f32 v3, v4;
	v4 =	vld [tilespmem:s12+$0xFFFFFF70]  }
0x25f: {  	v3 =	vmax.f32 v3, v5;
	v5 =	vld [tilespmem:s12+$0xFFFFFF80]  }
0x260: {  	v60 =	vld [tilespmem:s12+$0xFFFFFF90];
	v3 =	vmax.f32 v3, v58  }
0x261: {  	v61 =	vld [tilespmem:s12+$0xFFFFFFA0];
	v3 =	vmax.f32 v3, v59  }
0x262: {  	v62 =	vld [tilespmem:s12+$0xFFFFFFB0];
	v3 =	vmax.f32 v3, v8  }
0x263: {  	v3 =	vmax.f32 v3, v4;
	v4 =	vld [tilespmem:s12+$0xFFFFFFC0]  }
0x264: {  	v3 =	vmax.f32 v3, v5;
	v5 =	vld [tilespmem:s12+$0xFFFFFFD0]  }
0x265: {  	v63 =	vld [tilespmem:s12+$0xFFFFFFE0];
	v3 =	vmax.f32 v3, v60  }
0x266: {  	v0 =	vmax.f32 v0, v1;
	v1 =	vld [tilespmem:s12+$0xFFFFFFF0];
	v3 =	vmax.f32 v3, v61  }
0x267: {  	v0 =	vmax.f32 v0, v2;
	v2 =	vld [tilespmem:s12+$0x0];
	v3 =	vmax.f32 v3, v62  }
0x268: {  	v3 =	vmax.f32 v3, v4  }
0x269: {  	v3 =	vmax.f32 v3, v5  }
0x26a: {  	s14 =	simm.s32 $0x80;
	s15 =	simm.s32 $0x10810;
	v3 =	vmax.f32 v3, v63  }
.LBB2_6:
0x26b: {  	s14 =	sadd.s32 $0x2, s14;
	v1 =	vmax.f32 v3, v1;
	s12 =	sadd.s32 $0x200, s12;
	s13 =	sadd.s32 $0x20, s13  }
0x26c: {  	p1 =	slt.u32 s14, $0xBE;
	v1 =	vmax.f32 v1, v2  }
0x26d: {  	[tilespmem:s15+$0x0] =	vst v1;
	v0 =	vmax.f32 v0, v1;
	s15 =	smov.u32 s13  }
0x26e: {  	v1 =	vld [tilespmem:s12+$0xFFFFFE10]  }
0x26f: {  	v2 =	vld [tilespmem:s12+$0xFFFFFE20]  }
0x270: {  	v3 =	vld [tilespmem:s12+$0xFFFFFE30]  }
0x271: {  	v4 =	vld [tilespmem:s12+$0xFFFFFE40]  }
0x272: {  	v5 =	vld [tilespmem:s12+$0xFFFFFE50]  }
0x273: {  	v6 =	vld [tilespmem:s12+$0xFFFFFE60]  }
0x274: {  	v1 =	vmax.f32 v1, v2;
	v2 =	vld [tilespmem:s12+$0xFFFFFE70]  }
0x275: {  	v1 =	vmax.f32 v1, v3;
	v3 =	vld [tilespmem:s12+$0xFFFFFE80]  }
0x276: {  	v1 =	vmax.f32 v1, v4;
	v4 =	vld [tilespmem:s12+$0xFFFFFE90]  }
0x277: {  	v1 =	vmax.f32 v1, v5;
	v5 =	vld [tilespmem:s12+$0xFFFFFEA0]  }
0x278: {  	v1 =	vmax.f32 v1, v6;
	v6 =	vld [tilespmem:s12+$0xFFFFFEB0]  }
0x279: {  	v1 =	vmax.f32 v1, v2;
	v2 =	vld [tilespmem:s12+$0xFFFFFEC0]  }
0x27a: {  	v1 =	vmax.f32 v1, v3;
	v3 =	vld [tilespmem:s12+$0xFFFFFED0]  }
0x27b: {  	v1 =	vmax.f32 v1, v4;
	v4 =	vld [tilespmem:s12+$0xFFFFFEE0]  }
0x27c: {  	v1 =	vmax.f32 v1, v5;
	v5 =	vld [tilespmem:s12+$0xFFFFFEF0]  }
0x27d: {  	v1 =	vmax.f32 v1, v6;
	v6 =	vld [tilespmem:s12+$0xFFFFFF00]  }
0x27e: {  	v1 =	vmax.f32 v1, v2  }
0x27f: {  	v1 =	vmax.f32 v1, v3  }
0x280: {  	v1 =	vmax.f32 v1, v4  }
0x281: {  	v1 =	vmax.f32 v1, v5  }
0x282: {  	v1 =	vmax.f32 v1, v6  }
0x283: {  	[tilespmem:s13+$0xFFFFFFF0] =	vst v1;
	v0 =	vmax.f32 v0, v1  }
0x284: {  	v1 =	vld [tilespmem:s12+$0xFFFFFF30]  }
0x285: {  	v2 =	vld [tilespmem:s12+$0xFFFFFF10]  }
0x286: {  	v3 =	vld [tilespmem:s12+$0xFFFFFF20]  }
0x287: {  	v4 =	vld [tilespmem:s12+$0xFFFFFF40]  }
0x288: {  	v5 =	vld [tilespmem:s12+$0xFFFFFF50]  }
0x289: {  	v6 =	vld [tilespmem:s12+$0xFFFFFF60]  }
0x28a: {  	v7 =	vld [tilespmem:s12+$0xFFFFFF70]  }
0x28b: {  	v2 =	vmax.f32 v2, v3;
	v3 =	vld [tilespmem:s12+$0xFFFFFF80]  }
0x28c: {  	v1 =	vmax.f32 v2, v1;
	v2 =	vld [tilespmem:s12+$0xFFFFFF90]  }
0x28d: {  	v1 =	vmax.f32 v1, v4;
	v4 =	vld [tilespmem:s12+$0xFFFFFFA0]  }
0x28e: {  	v1 =	vmax.f32 v1, v5;
	v5 =	vld [tilespmem:s12+$0xFFFFFFB0]  }
0x28f: {  	v1 =	vmax.f32 v1, v6;
	v6 =	vld [tilespmem:s12+$0xFFFFFFC0]  }
0x290: {  	v1 =	vmax.f32 v1, v7;
	v7 =	vld [tilespmem:s12+$0xFFFFFFD0]  }
0x291: {  	v1 =	vmax.f32 v1, v3;
	v3 =	vld [tilespmem:s12+$0xFFFFFFE0]  }
0x292: {  	v2 =	vmax.f32 v1, v2;
	v1 =	vld [tilespmem:s12+$0xFFFFFFF0]  }
.Ltmp5:
0x293: {  	v4 =	vmax.f32 v2, v4;
	v2 =	vld [tilespmem:s12+$0x0];
	(pc) =	sbr.rel @p1 .LBB2_6-.Ltmp5, $4  }
0x294: {  	v4 =	vmax.f32 v4, v5  }
0x295: {  	v4 =	vmax.f32 v4, v6  }
0x296: {  	v4 =	vmax.f32 v4, v7  }
0x297: {  	v3 =	vmax.f32 v4, v3  }
0x298: {  	v1 =	vmax.f32 v3, v1  }
0x299: {  	v1 =	vmax.f32 v1, v2  }
0x29a: {  	s12 =	simm.s32 $0x2;
	[tilespmem:s15+$0x0] =	vst v1  }
0x29b: {  	_ =	swait.ge [sflag:s12], $0x4000  }
0x29c: {  	[sflag:s12] =	ssyncset.done $0x0  }
0x29d: {  	[sflag:s12] =	ssyncadd.s32 $0xFFFFC000;
	s12 =	simm.s32 $0xC1F0  }
0x29e: {  	v2 =	vld [tilespmem:s12+$0xFFFFFE10]  }
0x29f: {  	v3 =	vld [tilespmem:s12+$0xFFFFFE20]  }
0x2a0: {  	v4 =	vld [tilespmem:s12+$0xFFFFFE30]  }
0x2a1: {  	v5 =	vld [tilespmem:s12+$0xFFFFFE40]  }
0x2a2: {  	v6 =	vld [tilespmem:s12+$0xFFFFFE50]  }
0x2a3: {  	v7 =	vld [tilespmem:s12+$0xFFFFFE60]  }
0x2a4: {  	v2 =	vmax.f32 v2, v3;
	v3 =	vld [tilespmem:s12+$0xFFFFFE70]  }
0x2a5: {  	v2 =	vmax.f32 v2, v4;
	v4 =	vld [tilespmem:s12+$0xFFFFFE80]  }
0x2a6: {  	v2 =	vmax.f32 v2, v5;
	v5 =	vld [tilespmem:s12+$0xFFFFFE90]  }
0x2a7: {  	v54 =	vld [tilespmem:s12+$0xFFFFFEA0];
	v2 =	vmax.f32 v2, v6  }
0x2a8: {  	v55 =	vld [tilespmem:s12+$0xFFFFFEB0];
	v2 =	vmax.f32 v2, v7  }
0x2a9: {  	v2 =	vmax.f32 v2, v3;
	v3 =	vld [tilespmem:s12+$0xFFFFFEC0]  }
0x2aa: {  	v2 =	vmax.f32 v2, v4;
	v4 =	vld [tilespmem:s12+$0xFFFFFED0]  }
0x2ab: {  	v2 =	vmax.f32 v2, v5;
	v5 =	vld [tilespmem:s12+$0xFFFFFEE0]  }
0x2ac: {  	v56 =	vld [tilespmem:s12+$0xFFFFFEF0];
	v2 =	vmax.f32 v2, v54  }
0x2ad: {  	v57 =	vld [tilespmem:s12+$0xFFFFFF00];
	v2 =	vmax.f32 v2, v55  }
0x2ae: {  	v2 =	vmax.f32 v2, v3  }
0x2af: {  	v2 =	vmax.f32 v2, v4  }
0x2b0: {  	v2 =	vmax.f32 v2, v5  }
0x2b1: {  	v2 =	vmax.f32 v2, v56  }
0x2b2: {  	s13 =	simm.s32 $0x10C10;
	v2 =	vmax.f32 v2, v57  }
0x2b3: {  	[tilespmem:s13+$0xFFFFFFF0] =	vst v2  }
0x2b4: {  	v3 =	vld [tilespmem:s12+$0xFFFFFF10]  }
0x2b5: {  	v4 =	vld [tilespmem:s12+$0xFFFFFF20]  }
0x2b6: {  	v5 =	vld [tilespmem:s12+$0xFFFFFF30]  }
0x2b7: {  	v58 =	vld [tilespmem:s12+$0xFFFFFF40]  }
0x2b8: {  	v59 =	vld [tilespmem:s12+$0xFFFFFF50]  }
0x2b9: {  	v8 =	vld [tilespmem:s12+$0xFFFFFF60]  }
0x2ba: {  	v3 =	vmax.f32 v3, v4;
	v4 =	vld [tilespmem:s12+$0xFFFFFF70]  }
0x2bb: {  	v3 =	vmax.f32 v3, v5;
	v5 =	vld [tilespmem:s12+$0xFFFFFF80]  }
0x2bc: {  	v60 =	vld [tilespmem:s12+$0xFFFFFF90];
	v3 =	vmax.f32 v3, v58  }
0x2bd: {  	v61 =	vld [tilespmem:s12+$0xFFFFFFA0];
	v3 =	vmax.f32 v3, v59  }
0x2be: {  	v62 =	vld [tilespmem:s12+$0xFFFFFFB0];
	v3 =	vmax.f32 v3, v8  }
0x2bf: {  	v3 =	vmax.f32 v3, v4;
	v4 =	vld [tilespmem:s12+$0xFFFFFFC0]  }
0x2c0: {  	v3 =	vmax.f32 v3, v5;
	v5 =	vld [tilespmem:s12+$0xFFFFFFD0]  }
0x2c1: {  	v63 =	vld [tilespmem:s12+$0xFFFFFFE0];
	v3 =	vmax.f32 v3, v60  }
0x2c2: {  	v0 =	vmax.f32 v0, v1;
	v1 =	vld [tilespmem:s12+$0xFFFFFFF0];
	v3 =	vmax.f32 v3, v61  }
0x2c3: {  	v0 =	vmax.f32 v0, v2;
	v2 =	vld [tilespmem:s12+$0x0];
	v3 =	vmax.f32 v3, v62  }
0x2c4: {  	v3 =	vmax.f32 v3, v4  }
0x2c5: {  	v3 =	vmax.f32 v3, v5  }
0x2c6: {  	s14 =	simm.s32 $0xC0;
	s15 =	simm.s32 $0x10C10;
	v3 =	vmax.f32 v3, v63  }
.LBB2_8:
0x2c7: {  	s14 =	sadd.s32 $0x2, s14;
	v1 =	vmax.f32 v3, v1;
	s12 =	sadd.s32 $0x200, s12;
	s13 =	sadd.s32 $0x20, s13  }
0x2c8: {  	p1 =	slt.u32 s14, $0xFE;
	v1 =	vmax.f32 v1, v2  }
0x2c9: {  	[tilespmem:s15+$0x0] =	vst v1;
	v0 =	vmax.f32 v0, v1;
	s15 =	smov.u32 s13  }
0x2ca: {  	v1 =	vld [tilespmem:s12+$0xFFFFFE10]  }
0x2cb: {  	v2 =	vld [tilespmem:s12+$0xFFFFFE20]  }
0x2cc: {  	v3 =	vld [tilespmem:s12+$0xFFFFFE30]  }
0x2cd: {  	v4 =	vld [tilespmem:s12+$0xFFFFFE40]  }
0x2ce: {  	v5 =	vld [tilespmem:s12+$0xFFFFFE50]  }
0x2cf: {  	v6 =	vld [tilespmem:s12+$0xFFFFFE60]  }
0x2d0: {  	v1 =	vmax.f32 v1, v2;
	v2 =	vld [tilespmem:s12+$0xFFFFFE70]  }
0x2d1: {  	v1 =	vmax.f32 v1, v3;
	v3 =	vld [tilespmem:s12+$0xFFFFFE80]  }
0x2d2: {  	v1 =	vmax.f32 v1, v4;
	v4 =	vld [tilespmem:s12+$0xFFFFFE90]  }
0x2d3: {  	v1 =	vmax.f32 v1, v5;
	v5 =	vld [tilespmem:s12+$0xFFFFFEA0]  }
0x2d4: {  	v1 =	vmax.f32 v1, v6;
	v6 =	vld [tilespmem:s12+$0xFFFFFEB0]  }
0x2d5: {  	v1 =	vmax.f32 v1, v2;
	v2 =	vld [tilespmem:s12+$0xFFFFFEC0]  }
0x2d6: {  	v1 =	vmax.f32 v1, v3;
	v3 =	vld [tilespmem:s12+$0xFFFFFED0]  }
0x2d7: {  	v1 =	vmax.f32 v1, v4;
	v4 =	vld [tilespmem:s12+$0xFFFFFEE0]  }
0x2d8: {  	v1 =	vmax.f32 v1, v5;
	v5 =	vld [tilespmem:s12+$0xFFFFFEF0]  }
0x2d9: {  	v1 =	vmax.f32 v1, v6;
	v6 =	vld [tilespmem:s12+$0xFFFFFF00]  }
0x2da: {  	v1 =	vmax.f32 v1, v2  }
0x2db: {  	v1 =	vmax.f32 v1, v3  }
0x2dc: {  	v1 =	vmax.f32 v1, v4  }
0x2dd: {  	v1 =	vmax.f32 v1, v5  }
0x2de: {  	v1 =	vmax.f32 v1, v6  }
0x2df: {  	[tilespmem:s13+$0xFFFFFFF0] =	vst v1;
	v0 =	vmax.f32 v0, v1  }
0x2e0: {  	v1 =	vld [tilespmem:s12+$0xFFFFFF30]  }
0x2e1: {  	v2 =	vld [tilespmem:s12+$0xFFFFFF10]  }
0x2e2: {  	v3 =	vld [tilespmem:s12+$0xFFFFFF20]  }
0x2e3: {  	v4 =	vld [tilespmem:s12+$0xFFFFFF40]  }
0x2e4: {  	v5 =	vld [tilespmem:s12+$0xFFFFFF50]  }
0x2e5: {  	v6 =	vld [tilespmem:s12+$0xFFFFFF60]  }
0x2e6: {  	v7 =	vld [tilespmem:s12+$0xFFFFFF70]  }
0x2e7: {  	v2 =	vmax.f32 v2, v3;
	v3 =	vld [tilespmem:s12+$0xFFFFFF80]  }
0x2e8: {  	v1 =	vmax.f32 v2, v1;
	v2 =	vld [tilespmem:s12+$0xFFFFFF90]  }
0x2e9: {  	v1 =	vmax.f32 v1, v4;
	v4 =	vld [tilespmem:s12+$0xFFFFFFA0]  }
0x2ea: {  	v1 =	vmax.f32 v1, v5;
	v5 =	vld [tilespmem:s12+$0xFFFFFFB0]  }
0x2eb: {  	v1 =	vmax.f32 v1, v6;
	v6 =	vld [tilespmem:s12+$0xFFFFFFC0]  }
0x2ec: {  	v1 =	vmax.f32 v1, v7;
	v7 =	vld [tilespmem:s12+$0xFFFFFFD0]  }
0x2ed: {  	v1 =	vmax.f32 v1, v3;
	v3 =	vld [tilespmem:s12+$0xFFFFFFE0]  }
0x2ee: {  	v2 =	vmax.f32 v1, v2;
	v1 =	vld [tilespmem:s12+$0xFFFFFFF0]  }
.Ltmp6:
0x2ef: {  	v4 =	vmax.f32 v2, v4;
	v2 =	vld [tilespmem:s12+$0x0];
	(pc) =	sbr.rel @p1 .LBB2_8-.Ltmp6, $4  }
0x2f0: {  	v4 =	vmax.f32 v4, v5  }
0x2f1: {  	v4 =	vmax.f32 v4, v6  }
0x2f2: {  	v4 =	vmax.f32 v4, v7  }
0x2f3: {  	v3 =	vmax.f32 v4, v3  }
0x2f4: {  	v1 =	vmax.f32 v3, v1  }
0x2f5: {  	v1 =	vmax.f32 v1, v2  }
0x2f6: {  	[tilespmem:s15+$0x0] =	vst v1;
	v0 =	vmax.f32 v0, v1  }
0x2f7: {  	s12 =	simm.s32 $0x12800;
	s30 =	simm.s32 $0x5;
	[tilespmem:$0x12800] =	vst v0  }
0x2f8: {  	[spmem:s9] =	stream.linear.scatter [tilespmem:s12], [sflag:$0x5], $0x10, $0x38;
	[tilespmem:$0x1B0D0] =	vst v63  }
0x2f9: {  	_ =	swait.ge [sflag:s30], $0x10  }
0x2fa: {  	[sflag:s30] =	ssyncset.done $0x0  }
0x2fb: {  	[sflag:s30] =	ssyncadd.s32 $0xFFFFFFF0  }
0x2fc: {  	s31 =	sor.u32 $0x1C03, s10;
	s7 =	sshrl.u32 s7, $0x3;
	[bflag:$0x0] =	sbarrier.arrive $0xFFFF  }
0x2fd: {  	[hbm:s11], [sflag:s31] =	dma.local [spmem:s7], $0x2000  }
.LBB2_13:
0x2fe: {  	s7 =	simm.s32 $0x11000;
	s30 =	simm.s32 $0x5  }
0x2ff: {  	[tilespmem:s7], [sflag:$0x5] =	stream.linear.gather [spmem:s6], $0x100, $0x38;
	[tilespmem:$0x1B0D0] =	vst v63  }
0x300: {  	_ =	swait.ge [sflag:s30], $0x100  }
0x301: {  	[sflag:s30] =	ssyncset.done $0x0  }
0x302: {  	[sflag:s30] =	ssyncadd.s32 $0xFFFFFF00  }
0x303: {  	v0 =	vld [tilespmem:$0x11000]  }
0x304: {  	v1 =	vld [tilespmem:$0x11010]  }
0x305: {  	v2 =	vld [tilespmem:$0x11020]  }
0x306: {  	v3 =	vld [tilespmem:$0x11030]  }
0x307: {  	v4 =	vld [tilespmem:$0x11040]  }
0x308: {  	v5 =	vld [tilespmem:$0x11050]  }
0x309: {  	v8 =	vld [tilespmem:$0x11060];
	v6 =	vshra.s32 v0, $0x1F;
	v7 =	vshra.s32 v1, $0x1F  }
0x30a: {  	v10 =	vld [tilespmem:$0x11070];
	v9 =	vshra.s32 v2, $0x1F;
	v6 =	vor.u32 $0x80000000, v6;
	v7 =	vor.u32 $0x80000000, v7  }
0x30b: {  	v0 =	vxor.u32 v0, v6;
	v1 =	vxor.u32 v1, v7;
	v6 =	vor.u32 $0x80000000, v9;
	v9 =	vld [tilespmem:$0x11080]  }
0x30c: {  	v11 =	vld [tilespmem:$0x11090];
	v7 =	vshra.s32 v4, $0x1F;
	v2 =	vxor.u32 v2, v6;
	v6 =	vshra.s32 v3, $0x1F  }
0x30d: {  	v13 =	vld [tilespmem:$0x110A0];
	v12 =	vshra.s32 v5, $0x1F;
	v7 =	vor.u32 $0x80000000, v7;
	v6 =	vor.u32 $0x80000000, v6  }
0x30e: {  	v6 =	vxor.u32 v3, v6;
	v3 =	vxor.u32 v4, v7;
	v4 =	vor.u32 $0x80000000, v12;
	v12 =	vld [tilespmem:$0x110B0]  }
0x30f: {  	v7 =	vshra.s32 v10, $0x1F;
	v4 =	vxor.u32 v5, v4;
	v5 =	vshra.s32 v8, $0x1F  }
0x310: {  	v15 =	vld [tilespmem:$0x110C0];
	v7 =	vor.u32 $0x80000000, v7;
	v5 =	vor.u32 $0x80000000, v5;
	v14 =	vshra.s32 v9, $0x1F  }
0x311: {  	v7 =	vxor.u32 v10, v7;
	v8 =	vxor.u32 v8, v5;
	v5 =	vor.u32 $0x80000000, v14  }
0x312: {  	v10 =	vshra.s32 v13, $0x1F;
	v14 =	vld [tilespmem:$0x110D0];
	v5 =	vxor.u32 v9, v5;
	v9 =	vshra.s32 v11, $0x1F  }
0x313: {  	v18 =	vld [tilespmem:$0x110E0];
	v10 =	vor.u32 $0x80000000, v10;
	v9 =	vor.u32 $0x80000000, v9;
	v16 =	vshra.s32 v12, $0x1F  }
0x314: {  	s31 =	simm.s32 $0x0;
	v11 =	vxor.u32 v11, v9;
	v9 =	vxor.u32 v13, v10;
	v10 =	vor.u32 $0x80000000, v16  }
0x315: {  	v19 =	vld [tilespmem:$0x110F0];
	v13 =	vmov s31;
	v10 =	vxor.u32 v12, v10;
	v12 =	vshra.s32 v15, $0x1F  }
0x316: {  	v16 =	vimm.s32 $0x1;
	v13 =	vsub.s32 $0x1F, v13;
	v12 =	vor.u32 $0x80000000, v12  }
0x317: {  	v13 =	vshll.u32 v16, v13;
	v12 =	vxor.u32 v15, v12;
	v15 =	vshra.s32 v14, $0x1F  }
0x318: {  	v17 =	vshra.s32 v18, $0x1F;
	v20 =	vbroadcast v13, $0x0;
	v15 =	vor.u32 $0x80000000, v15  }
0x319: {  	v13 =	vxor.u32 v14, v15;
	v14 =	vor.u32 $0x80000000, v17;
	v17 =	vimm.s32 $0x0  }
0x31a: {  	v15 =	vshra.s32 v19, $0x1F;
	v14 =	vxor.u32 v18, v14;
	v18 =	vor.u32 v17, v20  }
0x31b: {  	v15 =	vor.u32 $0x80000000, v15;
	vm0 =	vge.u32 v0, v18;
	vm1 =	vge.u32 v1, v18  }
0x31c: {  	vm14 =	vge.u32 v2, v18;
	v20 =	vmpcnt.ones.xlane vm0;
	v21 =	vmpcnt.ones.xlane vm1  }
0x31d: {  	v15 =	vxor.u32 v19, v15;
	vm15 =	vge.u32 v6, v18;
	v19 =	vmpcnt.ones.xlane vm14  }
0x31e: {  	vm4 =	vge.u32 v3, v18;
	v20 =	vadd.s32 v20, v21;
	v21 =	vmpcnt.ones.xlane vm15  }
0x31f: {  	vm5 =	vge.u32 v4, v18;
	v19 =	vadd.s32 v19, v20;
	v20 =	vmpcnt.ones.xlane vm4  }
0x320: {  	vm6 =	vge.u32 v8, v18;
	v19 =	vadd.s32 v21, v19;
	v21 =	vmpcnt.ones.xlane vm5  }
0x321: {  	vm7 =	vge.u32 v7, v18;
	v19 =	vadd.s32 v20, v19;
	v20 =	vmpcnt.ones.xlane vm6  }
0x322: {  	vm8 =	vge.u32 v5, v18;
	v19 =	vadd.s32 v21, v19;
	v21 =	vmpcnt.ones.xlane vm7  }
0x323: {  	vm9 =	vge.u32 v11, v18;
	v19 =	vadd.s32 v20, v19;
	v20 =	vmpcnt.ones.xlane vm8  }
0x324: {  	vm10 =	vge.u32 v9, v18;
	v19 =	vadd.s32 v21, v19;
	v21 =	vmpcnt.ones.xlane vm9  }
0x325: {  	vm11 =	vge.u32 v10, v18;
	v19 =	vadd.s32 v20, v19;
	v20 =	vmpcnt.ones.xlane vm10  }
0x326: {  	vm12 =	vge.u32 v12, v18;
	v19 =	vadd.s32 v21, v19;
	v21 =	vmpcnt.ones.xlane vm11  }
0x327: {  	vm13 =	vge.u32 v13, v18;
	v19 =	vadd.s32 v20, v19;
	v20 =	vmpcnt.ones.xlane vm12  }
0x328: {  	v22 =	vmpcnt.ones.xlane vm13;
	vm14 =	vge.u32 v14, v18;
	v19 =	vadd.s32 v21, v19  }
0x329: {  	s5 =	simm.s32 @!p0 $0x40;
	s10 =	simm.s32 $0x1;
	s9 =	sadd.s32 s8, s4;
	vm15 =	vge.u32 v15, v18;
	v20 =	vadd.s32 v20, v19;
	v19 =	vmpcnt.ones.xlane vm14  }
0x32a: {  	s7 =	sshll.u32 s1, $0x10;
	s6 =	sadd.s32 s8, s3;
	s8 =	simm.s32 $0x2;
	v21 =	vmov s10;
	v22 =	vadd.s32 v22, v20;
	v20 =	vmpcnt.ones.xlane vm15  }
.LBB2_14:
0x32b: {  	p0 =	sne.s32 s8, $0x1F;
	v21 =	vsub.s32 $0x1F, v21;
	v19 =	vadd.s32 v19, v22  }
0x32c: {  	v21 =	vshll.u32 v16, v21;
	v19 =	vadd.s32 v20, v19  }
0x32d: {  	v20 =	vbroadcast v21, $0x0;
	vm0 =	vgt.s32 v19, $0x31  }
0x32e: {  	v17 =	vsel vm0, v18, v17  }
0x32f: {  	v18 =	vor.u32 v17, v20  }
0x330: {  	vm0 =	vge.u32 v0, v18;
	vm1 =	vge.u32 v1, v18  }
0x331: {  	v19 =	vmpcnt.ones.xlane vm0;
	v20 =	vmpcnt.ones.xlane vm1;
	vm0 =	vge.u32 v2, v18  }
0x332: {  	v21 =	vmpcnt.ones.xlane vm0;
	vm0 =	vge.u32 v6, v18  }
0x333: {  	v19 =	vadd.s32 v19, v20;
	v20 =	vmpcnt.ones.xlane vm0;
	vm0 =	vge.u32 v3, v18  }
0x334: {  	v19 =	vadd.s32 v21, v19;
	v21 =	vmpcnt.ones.xlane vm0;
	vm0 =	vge.u32 v4, v18  }
0x335: {  	v19 =	vadd.s32 v20, v19;
	v20 =	vmpcnt.ones.xlane vm0;
	vm0 =	vge.u32 v8, v18  }
0x336: {  	v19 =	vadd.s32 v21, v19;
	v21 =	vmpcnt.ones.xlane vm0;
	vm0 =	vge.u32 v7, v18  }
0x337: {  	v19 =	vadd.s32 v20, v19;
	v20 =	vmpcnt.ones.xlane vm0;
	vm0 =	vge.u32 v5, v18  }
0x338: {  	v19 =	vadd.s32 v21, v19;
	v21 =	vmpcnt.ones.xlane vm0;
	vm0 =	vge.u32 v11, v18  }
0x339: {  	v19 =	vadd.s32 v20, v19;
	v20 =	vmpcnt.ones.xlane vm0;
	vm0 =	vge.u32 v9, v18  }
0x33a: {  	v19 =	vadd.s32 v21, v19;
	v21 =	vmpcnt.ones.xlane vm0;
	vm0 =	vge.u32 v10, v18  }
.Ltmp7:
0x33b: {  	v19 =	vadd.s32 v20, v19;
	v20 =	vmpcnt.ones.xlane vm0;
	vm0 =	vge.u32 v12, v18;
	(pc) =	sbr.rel @p0 .LBB2_14-.Ltmp7, $4  }
0x33c: {  	v19 =	vadd.s32 v21, v19;
	v21 =	vmpcnt.ones.xlane vm0;
	vm0 =	vge.u32 v13, v18  }
0x33d: {  	v19 =	vadd.s32 v20, v19;
	v20 =	vmpcnt.ones.xlane vm0;
	vm0 =	vge.u32 v14, v18  }
0x33e: {  	v22 =	vadd.s32 v21, v19;
	v19 =	vmpcnt.ones.xlane vm0;
	vm0 =	vge.u32 v15, v18  }
0x33f: {  	v21 =	vmov s8;
	s8 =	sadd.s32 $0x1, s8;
	v22 =	vadd.s32 v20, v22;
	v20 =	vmpcnt.ones.xlane vm0  }
0x340: {  	v21 =	vsub.s32 $0x1F, v21;
	v19 =	vadd.s32 v19, v22  }
0x341: {  	v16 =	vshll.u32 v16, v21;
	v19 =	vadd.s32 v20, v19  }
0x342: {  	v16 =	vbroadcast v16, $0x0;
	vm0 =	vgt.s32 v19, $0x31  }
0x343: {  	v17 =	vsel vm0, v18, v17  }
0x344: {  	v16 =	vor.u32 v17, v16  }
0x345: {  	vm12 =	vge.u32 v0, v16;
	vm1 =	vge.u32 v1, v16  }
0x346: {  	vm13 =	vge.u32 v2, v16;
	v0 =	vmpcnt.ones.xlane vm12;
	v1 =	vmpcnt.ones.xlane vm1  }
0x347: {  	vm14 =	vge.u32 v6, v16;
	v2 =	vmpcnt.ones.xlane vm13  }
0x348: {  	vm15 =	vge.u32 v3, v16;
	v0 =	vadd.s32 v0, v1;
	v1 =	vmpcnt.ones.xlane vm14  }
0x349: {  	vm4 =	vge.u32 v4, v16;
	v0 =	vadd.s32 v2, v0;
	v2 =	vmpcnt.ones.xlane vm15  }
0x34a: {  	vm5 =	vge.u32 v8, v16;
	v0 =	vadd.s32 v1, v0;
	v1 =	vmpcnt.ones.xlane vm4  }
0x34b: {  	vm6 =	vge.u32 v7, v16;
	v0 =	vadd.s32 v2, v0;
	v2 =	vmpcnt.ones.xlane vm5  }
0x34c: {  	vm7 =	vge.u32 v5, v16;
	v0 =	vadd.s32 v1, v0;
	v1 =	vmpcnt.ones.xlane vm6  }
0x34d: {  	vm8 =	vge.u32 v11, v16;
	v0 =	vadd.s32 v2, v0;
	v2 =	vmpcnt.ones.xlane vm7  }
0x34e: {  	vm9 =	vge.u32 v9, v16;
	v0 =	vadd.s32 v1, v0;
	v1 =	vmpcnt.ones.xlane vm8  }
0x34f: {  	vm10 =	vge.u32 v10, v16;
	v0 =	vadd.s32 v2, v0;
	v2 =	vmpcnt.ones.xlane vm9  }
0x350: {  	vm11 =	vge.u32 v12, v16;
	v0 =	vadd.s32 v1, v0;
	v1 =	vmpcnt.ones.xlane vm10  }
0x351: {  	vm12 =	vge.u32 v13, v16;
	v0 =	vadd.s32 v2, v0;
	v2 =	vmpcnt.ones.xlane vm11  }
0x352: {  	vm13 =	vge.u32 v14, v16;
	v0 =	vadd.s32 v1, v0;
	v1 =	vmpcnt.ones.xlane vm12  }
0x353: {  	vm14 =	vge.u32 v15, v16;
	v0 =	vadd.s32 v2, v0;
	v2 =	vmpcnt.ones.xlane vm13  }
0x354: {  	v0 =	vadd.s32 v1, v0;
	v1 =	vmpcnt.ones.xlane vm14  }
0x355: {  	v0 =	vadd.s32 v2, v0  }
0x356: {  	v0 =	vadd.s32 v1, v0  }
.Ltmp8:
0x357: {  	v2 =	vimm.s32 $0xFFFFFFFF;
	vm15 =	vgt.s32 v0, $0x31;
	(pc) =	sbr.rel .LBB2_16-.Ltmp8, $4  }
0x358: {  	[tilespmem:$0x11180] =	vst v2;
	v0 =	vsel vm15, v16, v17  }
0x359: {  	v3 =	vimm.s32 $0x80000000;
	v1 =	vimm.f32 $-Inf;
	[tilespmem:$0x11190] =	vst v2;
	vm0 =	vgt.s32 v0, $0xFFFFFFFF  }
0x35a: {  	v4 =	vimm.s32 $0x0;
	v2 =	vimm.f32 $0.0e+00;
	[tilespmem:$0x11100] =	vst v1;
	v3 =	vsel vm0, $0xFFFFFFFF, v3  }
0x35b: {  	s8 =	simm.s32 $0x0;
	s10 =	simm.s32 $0x11100;
	s11 =	simm.s32 $0x11180;
	[tilespmem:$0x11110] =	vst v1;
	v1 =	vimm.s32 $0x0;
	v0 =	vxor.u32 v0, v3;
	v3 =	vlaneseq.u32  }
.LBB2_19:
0x35c: {  	_ =	sdelay $0x4  }
0x35d: {  	s12 =	sadd.s32 s15, s16;
	[tilespmem:v6+s11+$0x0] =	vst.idx.msk vm0, v7  }
0x35e: {  	v6 =	vld [tilespmem:s12+$0x0];
	_ =	sdelay $0x4  }
0x35f: {  	vm15 =	vge.f32 v6, v0  }
0x360: {  	v7 =	vsel vm15, $0x1, v1  }
0x361: {  	(xrf0) =	vadd.scan.msk.s32 $0xffff, v7;
	_ =	sdelay $0x5  }
0x362: {  	v7, _, _ =	vpop (xrf0)  }
0x363: {  	v5 =	vadd.s32 v7, v5  }
0x364: {  	v5 =	vadd.s32 $0xFFFFFFFF, v5  }
0x365: {  	vm1 =	vlt.s32 v5, $0x1F  }
0x366: {  	v5 =	vnsel vm1, $0x1F, v5;
	_ =	sdelay $0x3  }
0x367: {  	s31 =	sadd.s32 s13, s7;
	v7 =	vmpcnt.ones.xlane vm15  }
0x368: {  	v8 =	vor.u32 s31, v3;
	[tilespmem:v5+s10+$0x0] =	vst.idx.msk vm15, v6  }
0x369: {  	v4 =	vadd.s32 v4, v7;
	[tilespmem:v5+s11+$0x0] =	vst.idx.msk vm15, v8  }
.LBB2_20:
0x36a: {  	s8 =	sadd.s32 $0x1, s8  }
0x36b: {  	p0 =	sne.s32 s8, s5  }
.Ltmp9:
0x36c: {  	_ = 	snop;
	(pc) =	sbr.rel @!p0 .LBB2_21-.Ltmp9, $2  }
0x36d: {  	_ =	sdelay $0x2  }
0x36e: {  	s7 =	sadd.s32 $0x400, s7  }
.LBB2_16:
0x36f: {  	s12 =	sshll.u32 s8, $0x8  }
0x370: {  	s12 =	sshra.s32 s12, $0x2  }
0x371: {  	v5 =	vld [tilespmem:s12+$0x10000]  }
0x372: {  	v6 =	vld [tilespmem:s12+$0x10010]  }
0x373: {  	v7 =	vld [tilespmem:s12+$0x10020]  }
0x374: {  	v8 =	vld [tilespmem:s12+$0x10030];
	_ =	sdelay $0x2  }
0x375: {  	v5 =	vmax.f32 v5, v6  }
0x376: {  	v5 =	vmax.f32 v5, v7  }
0x377: {  	v5 =	vmax.f32 v5, v8  }
0x378: {  	vm0 =	vge.f32 v5, v0  }
0x379: {  	v5 =	vsel vm0, $0x3F800000, v2  }
0x37a: {  	(xrf0) =	vmax.scan.msk.f32 $0xffff, v5;
	_ =	sdelay $0x5  }
0x37b: {  	v5, _, _ =	vpop (xrf0)  }
0x37c: {  	(v2sf) =	vpush v5, $0xF;
	_ =	sdelay $0xe  }
0x37d: {  	s31 =	spop (v2sf)  }
0x37e: {  	p0 =	sgt.f32 s31, $0.0e+00  }
.Ltmp10:
0x37f: {  	_ = 	snop;
	(pc) =	sbr.rel @!p0 .LBB2_20-.Ltmp10, $1  }
0x380: {  	_ =	sdelay $0x3  }
0x381: {  	s13 =	simm.s32 $0x0  }
0x382: {  	s12 =	sshll.u32 s8, $0xA;
	s14 =	sand.u32 $0x380, s13  }
0x383: {  	s13 =	sand.u32 $0x70, s13;
	s14 =	sadd.s32 s14, s12  }
0x384: {  	s13 =	sadd.s32 s13, s14  }
0x385: {  	v5 =	vld [tilespmem:s13+$0x0];
	_ =	sdelay $0x4  }
0x386: {  	vm0 =	vge.f32 v5, v0  }
0x387: {  	v6 =	vsel vm0, $0x1, v1  }
0x388: {  	(xrf0) =	vadd.scan.msk.s32 $0xffff, v6;
	_ =	sdelay $0x5  }
0x389: {  	v6, _, _ =	vpop (xrf0)  }
0x38a: {  	v6 =	vadd.s32 v6, v4  }
0x38b: {  	v6 =	vadd.s32 $0xFFFFFFFF, v6  }
0x38c: {  	vm1 =	vlt.s32 v6, $0x1F  }
0x38d: {  	v6 =	vnsel vm1, $0x1F, v6;
	_ =	sdelay $0x1  }
0x38e: {  	v7 =	vmpcnt.ones.xlane vm0  }
0x38f: {  	s13 =	simm.s32 $0x10  }
0x390: {  	s17 =	sadd.s32 $0x0, s7;
	s31 =	sand.u32 $0x380, s13;
	v4 =	vadd.s32 v4, v7  }
0x391: {  	s14 =	simm.s32 $0x20;
	s15 =	sand.u32 $0x70, s13;
	s16 =	sadd.s32 s31, s12;
	v7 =	vor.u32 s17, v3;
	[tilespmem:v6+s10+$0x0] =	vst.idx.msk vm0, v5;
	v5 =	vmov v4  }
.LBB2_18:
0x392: {  	p0 =	sne.s32 s14, $0x3F0;
	s15 =	sadd.s32 s15, s16;
	[tilespmem:v6+s11+$0x0] =	vst.idx.msk vm0, v7  }
0x393: {  	v8 =	vld [tilespmem:s15+$0x0];
	_ =	sdelay $0x4  }
0x394: {  	vm0 =	vge.f32 v8, v0  }
0x395: {  	v6 =	vsel vm0, $0x1, v1;
	v7 =	vmpcnt.ones.xlane vm0  }
0x396: {  	(xrf0) =	vadd.scan.msk.s32 $0xffff, v6  }
0x397: {  	v4 =	vadd.s32 v4, v7;
	_ =	sdelay $0x4  }
0x398: {  	v6, _, _ =	vpop (xrf0)  }
0x399: {  	v6 =	vadd.s32 v6, v5;
	v5 =	vmov v4  }
0x39a: {  	v6 =	vadd.s32 $0xFFFFFFFF, v6  }
0x39b: {  	vm1 =	vlt.s32 v6, $0x1F  }
0x39c: {  	v6 =	vnsel vm1, $0x1F, v6  }
.Ltmp11:
0x39d: {  	(pc) =	sbr.rel @p0 .LBB2_18-.Ltmp11, $3  }
0x39e: {  	_ =	sdelay $0x1  }
0x39f: {  	s16 =	sand.u32 $0x380, s14;
	s17 =	sadd.s32 s13, s7;
	s13 =	smov.u32 s14  }
0x3a0: {  	s14 =	sadd.s32 $0x10, s14;
	s15 =	sand.u32 $0x70, s13;
	s16 =	sadd.s32 s16, s12;
	v7 =	vor.u32 s17, v3;
	[tilespmem:v6+s10+$0x0] =	vst.idx.msk vm0, v8  }
.Ltmp12:
0x3a1: {  	_ = 	snop;
	(pc) =	sbr.rel .LBB2_19-.Ltmp12, $1  }
0x3a2: {  	_ =	sdelay $0x3  }
.LBB2_21:
0x3a3: {  	s5 =	simm.s32 $0x11100;
	s31 =	simm.s32 $0x5  }
0x3a4: {  	[spmem:s9] =	stream.linear.scatter [tilespmem:s5], [sflag:$0x5], $0x20, $0x38;
	[tilespmem:$0x1B0D0] =	vst v63  }
0x3a5: {  	_ =	swait.ge [sflag:s31], $0x20  }
0x3a6: {  	p0 =	sne.s32 s1, $0xF;
	[sflag:s31] =	ssyncset.done $0x0  }
.Ltmp13:
0x3a7: {  	s7 =	simm.s32 $0x11180;
	[sflag:s31] =	ssyncadd.s32 $0xFFFFFFE0;
	(pc) =	sbr.rel @p0 .LBB2_23-.Ltmp13, $4  }
0x3a8: {  	[spmem:s6] =	stream.linear.scatter [tilespmem:s7], [sflag:$0x5], $0x20, $0x38;
	[tilespmem:$0x1B0D0] =	vst v63  }
0x3a9: {  	_ =	swait.ge [sflag:s31], $0x20  }
0x3aa: {  	[sflag:s31] =	ssyncset.done $0x0  }
0x3ab: {  	[sflag:s31] =	ssyncadd.s32 $0xFFFFFFE0  }
0x3ac: {  	s2 =	simm.s32 $0x3  }
0x3ad: {  	_ =	swait.ge [sflag:s2], $0x1000  }
0x3ae: {  	[sflag:s2] =	ssyncset.done $0x0  }
0x3af: {  	[sflag:s2] =	ssyncadd.s32 $0xFFFFF000  }
0x3b0: {  	_ =	swait.ge [sflag:s2], $0x1000  }
0x3b1: {  	[sflag:s2] =	ssyncset.done $0x0  }
0x3b2: {  	[sflag:s2] =	ssyncadd.s32 $0xFFFFF000  }
0x3b3: {  	_ =	swait.ge [sflag:s2], $0x1000  }
0x3b4: {  	[sflag:s2] =	ssyncset.done $0x0  }
0x3b5: {  	[sflag:s2] =	ssyncadd.s32 $0xFFFFF000  }
0x3b6: {  	_ =	swait.ge [sflag:s2], $0x1000  }
0x3b7: {  	[sflag:s2] =	ssyncset.done $0x0  }
0x3b8: {  	[sflag:s2] =	ssyncadd.s32 $0xFFFFF000  }
.Ltmp14:
0x3b9: {  	_ =	swait.ge [sflag:s2], $0x240;
	(pc) =	sbr.rel .LBB2_29-.Ltmp14, $3  }
0x3ba: {  	[sflag:s2] =	ssyncset.done $0x0  }
0x3bb: {  	[sflag:s2] =	ssyncadd.s32 $0xFFFFFDC0  }
0x3bc: {  	[bflag:$0x0] =	sbarrier.arrive $0xFFFF;
	_ =	sdelay $0x1  }
.LBB2_23:
0x3bd: {  	s5 =	simm.s32 $0x3  }
0x3be: {  	_ =	swait.ge [sflag:s5], $0x2000  }
0x3bf: {  	[sflag:s5] =	ssyncset.done $0x0  }
0x3c0: {  	[sflag:s5] =	ssyncadd.s32 $0xFFFFE000  }
0x3c1: {  	p0 =	sne.s32 s1, $0x0;
	[bflag:$0x0] =	sbarrier.arrive $0xFFFF  }
0x3c2: {  	_ =	sfence.sel @p0 $0x180000  }
0x3c3: {  	[bflag:$0x0] =	sbarrier.arrive @p0 $0xFFFF  }
0x3c4: {  	_ =	strace @p0 $0x90000047  }
0x3c5: {  	[bflag:$0x2] =	sbarrier.arrive @p0 $0xFFFF  }
0x3c6: {  	_ =	shalt @p0  }
.LBB2_24:
0x3c7: {  	s5 =	simm.s32 $0x12200;
	s30 =	simm.s32 $0x5  }
0x3c8: {  	[tilespmem:s5], [sflag:$0x5] =	stream.linear.gather [spmem:s4], $0x200, $0x38;
	[tilespmem:$0x1B0D0] =	vst v63  }
0x3c9: {  	_ =	swait.ge [sflag:s30], $0x200  }
0x3ca: {  	[sflag:s30] =	ssyncset.done $0x0  }
0x3cb: {  	s31 =	simm.s32 $0x12400;
	[sflag:s30] =	ssyncadd.s32 $0xFFFFFE00  }
0x3cc: {  	[tilespmem:s31], [sflag:$0x5] =	stream.linear.gather [spmem:s3], $0x200, $0x38;
	[tilespmem:$0x1B0D0] =	vst v63  }
0x3cd: {  	_ =	swait.ge [sflag:s30], $0x200  }
0x3ce: {  	[sflag:s30] =	ssyncset.done $0x0  }
0x3cf: {  	v0 =	vimm.f32 $-Inf;
	[sflag:s30] =	ssyncadd.s32 $0xFFFFFE00  }
0x3d0: {  	v1 =	vimm.s32 $0x40000000;
	[tilespmem:$0x12600] =	vst v0  }
0x3d1: {  	[tilespmem:$0x12680] =	vst v1  }
0x3d2: {  	[tilespmem:$0x12610] =	vst v0  }
0x3d3: {  	[tilespmem:$0x12690] =	vst v1  }
0x3d4: {  	[tilespmem:$0x12620] =	vst v0  }
0x3d5: {  	[tilespmem:$0x126A0] =	vst v1  }
0x3d6: {  	[tilespmem:$0x12630] =	vst v0  }
0x3d7: {  	[tilespmem:$0x126B0] =	vst v1  }
0x3d8: {  	[tilespmem:$0x12640] =	vst v0  }
0x3d9: {  	[tilespmem:$0x126C0] =	vst v1  }
0x3da: {  	[tilespmem:$0x12650] =	vst v0  }
0x3db: {  	[tilespmem:$0x126D0] =	vst v1  }
0x3dc: {  	[tilespmem:$0x12660] =	vst v0  }
0x3dd: {  	[tilespmem:$0x126E0] =	vst v1  }
0x3de: {  	[tilespmem:$0x12670] =	vst v0  }
0x3df: {  	s5 =	simm.s32 $0x0;
	[tilespmem:$0x126F0] =	vst v1  }
0x3e0: {  	s6 =	simm.s32 $0x40;
	v3 =	vimm.s32 $0x0;
	v2 =	vimm.s32 $0x0;
	s4 =	simm.s32 $0x12680;
	s3 =	simm.s32 $0x12600;
	v1 =	vimm.s32 $0x0;
	v0 =	vld [tilespmem:s5+$0x12400]  }
.LBB2_25:
0x3e1: {  	p0 =	sne.s32 s6, $0x7C0;
	_ =	sdelay $0x3  }
0x3e2: {  	vm0 =	vgt.s32 v0, $0xFFFFFFFF  }
0x3e3: {  	v4 =	vsel vm0, $0x1, v1;
	v5 =	vmpcnt.ones.xlane vm0  }
0x3e4: {  	(xrf0) =	vadd.scan.msk.s32 $0xffff, v4  }
0x3e5: {  	v3 =	vadd.s32 v3, v5;
	_ =	sdelay $0x4  }
0x3e6: {  	v4, _, _ =	vpop (xrf0)  }
0x3e7: {  	v4 =	vadd.s32 v4, v2;
	v2 =	vmov v3  }
0x3e8: {  	v4 =	vadd.s32 $0xFFFFFFFF, v4  }
0x3e9: {  	vm1 =	vlt.s32 v4, $0x7F  }
0x3ea: {  	v5 =	vld [tilespmem:s5+$0x12200];
	v4 =	vnsel vm1, $0x7F, v4;
	_ =	sdelay $0x2  }
.Ltmp15:
0x3eb: {  	(pc) =	sbr.rel @p0 .LBB2_25-.Ltmp15, $4  }
0x3ec: {  	_ = 	snop  }
0x3ed: {  	[tilespmem:v4+s3+$0x0] =	vst.idx.msk vm0, v5  }
0x3ee: {  	s5 =	sshra.s32 s6, $0x2;
	[tilespmem:v4+s4+$0x0] =	vst.idx.msk vm0, v0  }
0x3ef: {  	s6 =	sadd.s32 $0x40, s6;
	v0 =	vld [tilespmem:s5+$0x12400]  }
0x3f0: {  	_ =	sdelay $0x3  }
0x3f1: {  	vm0 =	vgt.s32 v0, $0xFFFFFFFF  }
0x3f2: {  	v1 =	vsel vm0, $0x1, v1  }
0x3f3: {  	(xrf0) =	vadd.scan.msk.s32 $0xffff, v1;
	_ =	sdelay $0x5  }
0x3f4: {  	v1, _, _ =	vpop (xrf0)  }
0x3f5: {  	v1 =	vadd.s32 v1, v2  }
0x3f6: {  	v1 =	vadd.s32 $0xFFFFFFFF, v1  }
0x3f7: {  	vm1 =	vlt.s32 v1, $0x7F  }
0x3f8: {  	v2 =	vld [tilespmem:s5+$0x12200];
	v1 =	vnsel vm1, $0x7F, v1;
	_ =	sdelay $0x4  }
0x3f9: {  	[tilespmem:v1+s3+$0x0] =	vst.idx.msk vm0, v2  }
0x3fa: {  	[tilespmem:v1+s4+$0x0] =	vst.idx.msk vm0, v0  }
0x3fb: {  	v12 =	vld [tilespmem:$0x12600]  }
0x3fc: {  	v14 =	vld [tilespmem:$0x12610]  }
0x3fd: {  	v15 =	vld [tilespmem:$0x12620]  }
0x3fe: {  	v16 =	vld [tilespmem:$0x12630]  }
0x3ff: {  	v19 =	vld [tilespmem:$0x12640]  }
0x400: {  	v10 =	vld [tilespmem:$0x12650]  }
0x401: {  	v9 =	vld [tilespmem:$0x12660];
	v0 =	vmax.f32 v12, v14  }
0x402: {  	v8 =	vld [tilespmem:$0x12670];
	v0 =	vmax.f32 v0, v15  }
0x403: {  	v0 =	vmax.f32 v0, v16  }
0x404: {  	v0 =	vmax.f32 v0, v19  }
0x405: {  	v0 =	vmax.f32 v0, v10  }
0x406: {  	v0 =	vmax.f32 v0, v9  }
0x407: {  	v0 =	vmax.f32 v0, v8  }
0x408: {  	(xrf0) =	vmax.scan.msk.f32 $0xffff, v0;
	_ =	sdelay $0x3  }
0x409: {  	v5 =	vld [tilespmem:$0x12680]  }
0x40a: {  	v6 =	vld [tilespmem:$0x12690]  }
0x40b: {  	v0, _, _ =	vpop (xrf0)  }
0x40c: {  	v2 =	vld [tilespmem:$0x126A0];
	v13 =	vbroadcast v0, $0xF;
	_ =	sdelay $0x1  }
0x40d: {  	v0 =	vld [tilespmem:$0x126B0];
	vm3 =	veq.f32 v12, v13;
	vm4 =	veq.f32 v14, v13  }
0x40e: {  	v3 =	vnsel vm3, $0x40000000, v5;
	v4 =	vnsel vm4, $0x40000000, v6  }
0x40f: {  	v1 =	vld [tilespmem:$0x126C0];
	vm6 =	veq.f32 v15, v13;
	vm0 =	vlt.s32 v3, v4  }
0x410: {  	v7 =	vnsel vm6, $0x40000000, v2;
	v4 =	vsel vm0, v3, v4  }
0x411: {  	vm5 =	veq.f32 v16, v13;
	v3 =	vld [tilespmem:$0x126D0];
	vm0 =	vlt.s32 v4, v7  }
0x412: {  	v11 =	vnsel vm5, $0x40000000, v0;
	v7 =	vsel vm0, v4, v7  }
0x413: {  	vm7 =	veq.f32 v19, v13;
	v4 =	vld [tilespmem:$0x126E0];
	vm0 =	vlt.s32 v7, v11  }
0x414: {  	v17 =	vnsel vm7, $0x40000000, v1;
	v11 =	vsel vm0, v7, v11  }
0x415: {  	vm8 =	veq.f32 v10, v13;
	v7 =	vld [tilespmem:$0x126F0];
	vm0 =	vlt.s32 v11, v17  }
0x416: {  	v11 =	vsel vm0, v11, v17;
	v17 =	vnsel vm8, $0x40000000, v3  }
0x417: {  	vm1 =	veq.f32 v9, v13;
	vm0 =	vlt.s32 v11, v17  }
0x418: {  	v11 =	vsel vm0, v11, v17;
	v17 =	vnsel vm1, $0x40000000, v4  }
0x419: {  	vm2 =	veq.f32 v8, v13;
	vm0 =	vlt.s32 v11, v17  }
0x41a: {  	v11 =	vsel vm0, v11, v17;
	v17 =	vnsel vm2, $0x40000000, v7  }
0x41b: {  	vm0 =	vlt.s32 v11, v17  }
0x41c: {  	v11 =	vsel vm0, v11, v17  }
0x41d: {  	v11 =	vxor.u32 $0x80000000, v11  }
0x41e: {  	(xrf0) =	vmin.scan.msk.u32 $0xffff, v11;
	_ =	sdelay $0x5  }
0x41f: {  	v11, _, _ =	vpop (xrf0)  }
0x420: {  	(v2sf) =	vpush v11, $0xF;
	_ =	sdelay $0x8  }
0x421: {  	s30 =	simm.s32 $0x0  }
0x422: {  	s3 =	sand.u32 $0x30, s30  }
0x423: {  	v17 =	vld [tilespmem:s3+$0x12700];
	_ =	sdelay $0x1  }
0x424: {  	s4 =	sand.u32 $0xF, s30  }
0x425: {  	v18 =	vmov s4;
	v11 =	vlaneseq.u32  }
0x426: {  	vm0 =	veq.s32 v18, v11;
	s31 =	spop (v2sf)  }
0x427: {  	v17 =	vsel vm0, v13, v17;
	s6 =	sxor.u32 $0x80000000, s31  }
0x428: {  	vm9 =	veq.s32 v5, s6;
	vm10 =	veq.s32 v6, s6;
	vm11 =	veq.s32 v2, s6  }
0x429: {  	vm15 =	veq.s32 v3, s6;
	vm3 =	vmand vm3, vm9;
	vm4 =	vmand vm4, vm10  }
0x42a: {  	vm6 =	vmand vm6, vm11;
	v13 =	vsel vm3, $0xFF800000, v12;
	v14 =	vsel vm4, $0xFF800000, v14  }
0x42b: {  	v12 =	vsel vm6, $0xFF800000, v15;
	vm3 =	veq.s32 v0, s6;
	vm4 =	veq.s32 v1, s6  }
0x42c: {  	[tilespmem:s3+$0x12700] =	vst v17;
	v17 =	vld [tilespmem:s3+$0x12780];
	vm5 =	vmand vm5, vm3;
	vm4 =	vmand vm7, vm4;
	vm3 =	vmand vm8, vm15  }
0x42d: {  	s5 =	simm.s32 $0x2;
	s4 =	simm.s32 $0x1;
	v18 =	vmax.f32 v13, v14;
	v16 =	vsel vm5, $0xFF800000, v16;
	v15 =	vsel vm4, $0xFF800000, v19  }
.LBB2_27:
0x42e: {  	p0 =	sne.s32 s5, $0x3F;
	v18 =	vmax.f32 v18, v12;
	v10 =	vsel vm3, $0xFF800000, v10;
	vm3 =	veq.s32 v4, s6  }
0x42f: {  	v18 =	vmax.f32 v18, v16;
	vm1 =	vmand vm1, vm3;
	vm3 =	veq.s32 v7, s6  }
0x430: {  	v18 =	vmax.f32 v18, v15;
	v9 =	vsel vm1, $0xFF800000, v9;
	vm1 =	vmand vm2, vm3  }
0x431: {  	v18 =	vmax.f32 v18, v10;
	v17 =	vsel vm0, s6, v17;
	v8 =	vsel vm1, $0xFF800000, v8  }
0x432: {  	v18 =	vmax.f32 v18, v9;
	[tilespmem:s3+$0x12780] =	vst v17  }
0x433: {  	v17 =	vmax.f32 v18, v8  }
0x434: {  	(xrf0) =	vmax.scan.msk.f32 $0xffff, v17;
	_ =	sdelay $0x2  }
0x435: {  	s3 =	sand.u32 $0x30, s4  }
0x436: {  	v17 =	vld [tilespmem:s3+$0x12700];
	_ =	sdelay $0x1  }
0x437: {  	s6 =	sand.u32 $0xF, s4;
	s4 =	smov.u32 s5;
	v18, _, _ =	vpop (xrf0)  }
0x438: {  	v19 =	vmov s6;
	v18 =	vbroadcast v18, $0xF  }
0x439: {  	vm0 =	veq.s32 v19, v11  }
0x43a: {  	vm3 =	veq.f32 v13, v18;
	vm4 =	veq.f32 v14, v18;
	v17 =	vsel vm0, v18, v17  }
0x43b: {  	v19 =	vnsel vm3, $0x40000000, v5;
	v20 =	vnsel vm4, $0x40000000, v6;
	[tilespmem:s3+$0x12700] =	vst v17  }
0x43c: {  	vm6 =	veq.f32 v12, v18;
	vm1 =	vlt.s32 v19, v20  }
0x43d: {  	v17 =	vsel vm1, v19, v20;
	v19 =	vnsel vm6, $0x40000000, v2  }
0x43e: {  	vm5 =	veq.f32 v16, v18;
	vm1 =	vlt.s32 v17, v19  }
0x43f: {  	v17 =	vsel vm1, v17, v19;
	v19 =	vnsel vm5, $0x40000000, v0  }
0x440: {  	vm7 =	veq.f32 v15, v18;
	vm1 =	vlt.s32 v17, v19  }
0x441: {  	v17 =	vsel vm1, v17, v19;
	v19 =	vnsel vm7, $0x40000000, v1  }
0x442: {  	vm8 =	veq.f32 v10, v18;
	vm1 =	vlt.s32 v17, v19  }
0x443: {  	v17 =	vsel vm1, v17, v19;
	v19 =	vnsel vm8, $0x40000000, v3  }
0x444: {  	vm1 =	veq.f32 v9, v18;
	vm2 =	vlt.s32 v17, v19  }
0x445: {  	v17 =	vsel vm2, v17, v19;
	v19 =	vnsel vm1, $0x40000000, v4  }
0x446: {  	vm2 =	veq.f32 v8, v18;
	vm9 =	vlt.s32 v17, v19  }
0x447: {  	v18 =	vnsel vm2, $0x40000000, v7;
	v17 =	vsel vm9, v17, v19  }
0x448: {  	vm9 =	vlt.s32 v17, v18  }
0x449: {  	v17 =	vsel vm9, v17, v18  }
0x44a: {  	v17 =	vxor.u32 $0x80000000, v17  }
0x44b: {  	(xrf0) =	vmin.scan.msk.u32 $0xffff, v17;
	_ =	sdelay $0x5  }
0x44c: {  	v17, _, _ =	vpop (xrf0)  }
0x44d: {  	(v2sf) =	vpush v17, $0xF;
	_ =	sdelay $0xe  }
0x44e: {  	s6 =	spop (v2sf)  }
0x44f: {  	s6 =	sxor.u32 $0x80000000, s6  }
0x450: {  	vm9 =	veq.s32 v5, s6;
	vm10 =	veq.s32 v6, s6;
	vm11 =	veq.s32 v2, s6  }
.Ltmp16:
0x451: {  	vm3 =	vmand vm3, vm9;
	vm4 =	vmand vm4, vm10;
	vm6 =	vmand vm6, vm11;
	(pc) =	sbr.rel @p0 .LBB2_27-.Ltmp16, $4  }
0x452: {  	v13 =	vsel vm3, $0xFF800000, v13;
	v14 =	vsel vm4, $0xFF800000, v14;
	v12 =	vsel vm6, $0xFF800000, v12  }
0x453: {  	vm3 =	veq.s32 v0, s6;
	vm4 =	veq.s32 v1, s6;
	vm6 =	veq.s32 v3, s6  }
0x454: {  	vm5 =	vmand vm5, vm3;
	vm4 =	vmand vm7, vm4;
	vm3 =	vmand vm8, vm6;
	v17 =	vld [tilespmem:s3+$0x12780]  }
0x455: {  	s5 =	sadd.s32 $0x1, s5;
	v18 =	vmax.f32 v13, v14;
	v16 =	vsel vm5, $0xFF800000, v16;
	v15 =	vsel vm4, $0xFF800000, v15  }
0x456: {  	v18 =	vmax.f32 v18, v12  }
0x457: {  	v10 =	vsel vm3, $0xFF800000, v10;
	vm7 =	veq.s32 v4, s6;
	v18 =	vmax.f32 v18, v16  }
0x458: {  	vm8 =	veq.s32 v7, s6;
	vm1 =	vmand vm1, vm7;
	v18 =	vmax.f32 v18, v15  }
0x459: {  	vm9 =	vmand vm2, vm8;
	v9 =	vsel vm1, $0xFF800000, v9;
	v18 =	vmax.f32 v18, v10  }
0x45a: {  	v8 =	vsel vm9, $0xFF800000, v8;
	v18 =	vmax.f32 v18, v9  }
0x45b: {  	v18 =	vmax.f32 v18, v8  }
0x45c: {  	(xrf0) =	vmax.scan.msk.f32 $0xffff, v18;
	_ =	sdelay $0x5  }
0x45d: {  	v18, _, _ =	vpop (xrf0)  }
0x45e: {  	v18 =	vbroadcast v18, $0xF;
	_ =	sdelay $0x1  }
0x45f: {  	vm10 =	veq.f32 v13, v18;
	vm11 =	veq.f32 v14, v18  }
0x460: {  	v5 =	vnsel vm10, $0x40000000, v5;
	v6 =	vnsel vm11, $0x40000000, v6  }
0x461: {  	vm12 =	veq.f32 v12, v18;
	vm1 =	vlt.s32 v5, v6  }
0x462: {  	v2 =	vnsel vm12, $0x40000000, v2;
	v5 =	vsel vm1, v5, v6  }
0x463: {  	vm13 =	veq.f32 v16, v18;
	vm1 =	vlt.s32 v5, v2  }
0x464: {  	v0 =	vnsel vm13, $0x40000000, v0;
	v2 =	vsel vm1, v5, v2  }
0x465: {  	vm14 =	veq.f32 v15, v18;
	vm1 =	vlt.s32 v2, v0  }
0x466: {  	v1 =	vnsel vm14, $0x40000000, v1;
	v0 =	vsel vm1, v2, v0  }
0x467: {  	vm15 =	veq.f32 v10, v18;
	vm1 =	vlt.s32 v0, v1  }
0x468: {  	v56 =	vnsel vm15, $0x40000000, v3;
	v0 =	vsel vm1, v0, v1  }
0x469: {  	vm4 =	veq.f32 v9, v18;
	vm1 =	vlt.s32 v0, v56  }
0x46a: {  	v57 =	vnsel vm4, $0x40000000, v4;
	v0 =	vsel vm1, v0, v56  }
0x46b: {  	vm5 =	veq.f32 v8, v18;
	vm1 =	vlt.s32 v0, v57  }
0x46c: {  	v58 =	vnsel vm5, $0x40000000, v7;
	v0 =	vsel vm1, v0, v57  }
0x46d: {  	vm1 =	vlt.s32 v0, v58  }
0x46e: {  	v0 =	vsel vm1, v0, v58  }
0x46f: {  	v0 =	vxor.u32 $0x80000000, v0  }
0x470: {  	(xrf0) =	vmin.scan.msk.u32 $0xffff, v0;
	_ =	sdelay $0x5  }
0x471: {  	v0, _, _ =	vpop (xrf0)  }
0x472: {  	(v2sf) =	vpush v0, $0xF;
	_ =	sdelay $0x8  }
0x473: {  	v59 =	vsel vm0, s6, v17  }
0x474: {  	s13 =	sand.u32 $0x30, s4;
	[tilespmem:s3+$0x12780] =	vst v59  }
0x475: {  	v0 =	vld [tilespmem:s13+$0x12700]  }
0x476: {  	v60 =	vld [tilespmem:s13+$0x12780]  }
0x477: {  	s14 =	sand.u32 $0xF, s4  }
0x478: {  	v61 =	vmov s14  }
0x479: {  	vm6 =	veq.s32 v61, v11;
	s15 =	spop (v2sf)  }
0x47a: {  	v0 =	vsel vm6, v18, v0;
	s4 =	sxor.u32 $0x80000000, s15  }
0x47b: {  	[tilespmem:s13+$0x12700] =	vst v0;
	v62 =	vsel vm6, s4, v60  }
0x47c: {  	[tilespmem:s13+$0x12780] =	vst v62  }
0x47d: {  	v0 =	vld [tilespmem:$0x12730];
	_ =	sdelay $0x1  }
0x47e: {  	v63 =	vld [tilespmem:$0x12700];
	_ =	sdelay $0x1  }
0x47f: {  	vm7 =	vcmask $0x308  }
0x480: {  	v11 =	vsel vm7, $0xFF800000, v0  }
0x481: {  	(xrf0) =	vmax.scan.msk.f32 $0xffff, v11  }
0x482: {  	(xrf0) =	vmax.scan.msk.f32 $0xffff, v63;
	_ =	sdelay $0x4  }
0x483: {  	v12 =	vld [tilespmem:$0x12710];
	v13, _, _ =	vpop (xrf0)  }
0x484: {  	v14, _, _ =	vpop (xrf0)  }
0x485: {  	v15 =	vld [tilespmem:$0x12720];
	v4 =	vbroadcast v14, $0xF;
	_ =	sdelay $0x1  }
0x486: {  	v16 =	vsub.f32 v63, v4  }
0x487: {  	v17 =	vsub.f32 v12, v4  }
0x488: {  	v6 =	vmul.f32 $1.442695020e+00, v16  }
0x489: {  	v18 =	vsub.f32 v15, v4;
	v7 =	vmul.f32 $1.442695020e+00, v17  }
0x48a: {  	(erf) = vpow2.f32 v6  }
0x48b: {  	v4 =	vsub.f32 v0, v4;
	v19 =	vmul.f32 $1.442695020e+00, v18;
	(erf) = vpow2.f32 v7;
	_ =	sdelay $0x1  }
0x48c: {  	v4 =	vmul.f32 $1.442695020e+00, v4;
	(erf) = vpow2.f32 v19;
	_ =	sdelay $0x1  }
0x48d: {  	(erf) = vpow2.f32 v4;
	_ =	sdelay $0x1  }
0x48e: {  	v3 =	vbroadcast v13, $0xF;
	_ =	sdelay $0x1  }
0x48f: {  	vm8 =	vge.f32 v63, v3;
	v20 =	vpop (erf)  }
0x490: {  	vm9 =	vge.f32 v12, v3;
	v21 =	vpop (erf);
	v22 =	vnsel vm8, $0x0, v20  }
0x491: {  	v23 =	vnsel vm9, $0x0, v21;
	(xrf2) =	vadd.scan.msk.f32 $0xffff, v22  }
0x492: {  	vm10 =	vge.f32 v15, v3;
	v24 =	vpop (erf);
	(xrf2) =	vadd.scan.msk.f32 $0xffff, v23  }
0x493: {  	v5 =	vnsel vm10, $0x0, v24  }
0x494: {  	vm11 =	vge.f32 v0, v3;
	v25 =	vpop (erf);
	(xrf2) =	vadd.scan.msk.f32 $0xffff, v5  }
0x495: {  	v3 =	vnsel vm11, $0x0, v25  }
0x496: {  	(xrf2) =	vadd.scan.msk.f32 $0xffff, v3;
	_ =	sdelay $0x4  }
0x497: {  	v26, _, _ =	vpop (xrf2)  }
0x498: {  	(v2sf) =	vpush v26, $0xF;
	v27, _, _ =	vpop (xrf2)  }
0x499: {  	(v2sf) =	vpush v27, $0xF  }
0x49a: {  	v28, _, _ =	vpop (xrf2)  }
0x49b: {  	(v2sf) =	vpush v28, $0xF  }
0x49c: {  	v29, _, _ =	vpop (xrf2)  }
0x49d: {  	(v2sf) =	vpush v29, $0xF;
	_ =	sdelay $0x9  }
0x49e: {  	s16 =	spop (v2sf)  }
0x49f: {  	s17 =	spop (v2sf)  }
0x4a0: {  	s3 =	sadd.f32 s17, s16  }
0x4a1: {  	s18 =	spop (v2sf)  }
0x4a2: {  	s3 =	sadd.f32 s3, s18  }
0x4a3: {  	s19 =	spop (v2sf)  }
0x4a4: {  	s3 =	sadd.f32 s3, s19;
	_ =	sdelay $0x1  }
0x4a5: {  	v30 =	vmov s3  }
0x4a6: {  	(erf) = vrcp.f32 v30;
	_ =	sdelay $0x8  }
0x4a7: {  	v8 =	vpop (erf)  }
0x4a8: {  	v31 =	vmul.f32 v8, v22;
	_ =	sdelay $0x1  }
0x4a9: {  	v32 =	vmul.f32 v8, v23;
	(xrf2) =	vadd.scan.msk.f32 $0xffff, v31;
	_ =	sdelay $0x1  }
0x4aa: {  	v33 =	vmul.f32 v8, v5;
	(xrf2) =	vadd.scan.msk.f32 $0xffff, v32;
	_ =	sdelay $0x1  }
0x4ab: {  	(xrf2) =	vadd.scan.msk.f32 $0xffff, v33;
	_ =	sdelay $0x5  }
0x4ac: {  	v34, _, _ =	vpop (xrf2)  }
0x4ad: {  	(v2sf) =	vpush v34, $0xF  }
0x4ae: {  	v35, _, _ =	vpop (xrf2)  }
0x4af: {  	(v2sf) =	vpush v35, $0xF  }
0x4b0: {  	v36, _, _ =	vpop (xrf2)  }
0x4b1: {  	(v2sf) =	vpush v36, $0xF;
	_ =	sdelay $0x4  }
0x4b2: {  	v8 =	vmul.f32 v8, v3;
	_ =	sdelay $0x1  }
0x4b3: {  	(xrf2) =	vadd.scan.msk.f32 $0xffff, v8;
	_ =	sdelay $0x3  }
0x4b4: {  	v12 =	vadd.f32 $0.0e+00, v34;
	s20 =	spop (v2sf)  }
0x4b5: {  	s3 =	sadd.f32 $0.0e+00, s20  }
0x4b6: {  	v9 =	vsub.f32 v12, v31;
	s21 =	spop (v2sf)  }
0x4b7: {  	s4 =	sadd.f32 s3, s21;
	v37 =	vadd.f32 s3, v35  }
0x4b8: {  	vm4 =	vle.f32 v9, $8.999999760e-01;
	s22 =	spop (v2sf)  }
0x4b9: {  	vm3 =	vmand vm8, vm4;
	v38 =	vadd.f32 s4, v36;
	v10 =	vsub.f32 v37, v32;
	s3 =	sadd.f32 s4, s22  }
0x4ba: {  	v4 =	vnsel vm3, $0x0, v20;
	v40, _, _ =	vpop (xrf2)  }
0x4bb: {  	v39 =	vsub.f32 v38, v33;
	v11 =	vadd.f32 s3, v40;
	vm12 =	vle.f32 v10, $8.999999760e-01  }
0x4bc: {  	(xrf2) =	vadd.scan.msk.f32 $0xffff, v4;
	vm1 =	vmand vm9, vm12  }
0x4bd: {  	v41 =	vsub.f32 v11, v8;
	vm13 =	vle.f32 v39, $8.999999760e-01;
	v1 =	vnsel vm1, $0x0, v21  }
0x4be: {  	vm2 =	vmand vm10, vm13;
	(xrf2) =	vadd.scan.msk.f32 $0xffff, v1  }
0x4bf: {  	vm14 =	vle.f32 v41, $8.999999760e-01;
	v42 =	vnsel vm2, $0x0, v24  }
0x4c0: {  	vm0 =	vmand vm11, vm14;
	(xrf2) =	vadd.scan.msk.f32 $0xffff, v42  }
0x4c1: {  	v0 =	vnsel vm0, $0x0, v25  }
0x4c2: {  	(xrf2) =	vadd.scan.msk.f32 $0xffff, v0;
	_ =	sdelay $0x3  }
0x4c3: {  	v43, _, _ =	vpop (xrf2)  }
0x4c4: {  	(v2sf) =	vpush v43, $0xF  }
0x4c5: {  	v44, _, _ =	vpop (xrf2)  }
0x4c6: {  	(v2sf) =	vpush v44, $0xF  }
0x4c7: {  	v45, _, _ =	vpop (xrf2)  }
0x4c8: {  	(v2sf) =	vpush v45, $0xF  }
0x4c9: {  	v46, _, _ =	vpop (xrf2)  }
0x4ca: {  	(v2sf) =	vpush v46, $0xF;
	_ =	sdelay $0x8  }
0x4cb: {  	s23 =	spop (v2sf)  }
0x4cc: {  	s3 =	sadd.f32 $0.0e+00, s23  }
0x4cd: {  	s24 =	spop (v2sf)  }
0x4ce: {  	s3 =	sadd.f32 s24, s3  }
0x4cf: {  	s25 =	spop (v2sf)  }
0x4d0: {  	s3 =	sadd.f32 s25, s3  }
0x4d1: {  	s26 =	spop (v2sf)  }
0x4d2: {  	s3 =	sadd.f32 s26, s3;
	_ =	sdelay $0x1  }
0x4d3: {  	v47 =	vmov s3  }
0x4d4: {  	(erf) = vrcp.f32 v47;
	_ =	sdelay $0x6  }
0x4d5: {  	v48 =	vld [tilespmem:$0x12780];
	_ =	sdelay $0x1  }
0x4d6: {  	v49 =	vpop (erf)  }
0x4d7: {  	v2 =	vmul.f32 v49, v22  }
0x4d8: {  	vm15 =	vmmov $0x1  }
0x4d9: {  	v51 =	vnsel vm15, $0x80000001, v48;
	v50 =	vnsel vm15, $0xFF800000, v2  }
0x4da: {  	v52 =	vxor.u32 $0x80000000, v51;
	(xrf0) =	vmax.scan.msk.f32 $0xffff, v50  }
0x4db: {  	(xrf0) =	vmax.scan.msk.u32 $0xffff, v52;
	_ =	sdelay $0x4  }
0x4dc: {  	v53, _, _ =	vpop (xrf0)  }
0x4dd: {  	v54, _, _ =	vpop (xrf0)  }
0x4de: {  	(v2sf) =	vpush v54, $0xF;
	_ =	sdelay $0xa  }
0x4df: {  	v4 =	vbroadcast v53, $0xF  }
0x4e0: {  	v6 =	vmul.f32 v49, v23  }
0x4e1: {  	v55 =	vld [tilespmem:$0x12790];
	v5 =	vmul.f32 v49, v5;
	v2 =	vsel vm3, v2, v4  }
0x4e2: {  	v56 =	vld [tilespmem:$0x127A0];
	v1 =	vmul.f32 v49, v3;
	v58 =	vsel vm1, v6, v4;
	[tilespmem:$0x12700] =	vst v2  }
0x4e3: {  	v57 =	vld [tilespmem:$0x127B0];
	v60 =	vsel vm2, v5, v4;
	[tilespmem:$0x12710] =	vst v58;
	s28 =	spop (v2sf)  }
0x4e4: {  	v62 =	vsel vm0, v1, v4;
	[tilespmem:$0x12720] =	vst v60;
	s3 =	sxor.u32 $0x80000000, s28  }
0x4e5: {  	[tilespmem:$0x12730] =	vst v62;
	v0 =	vnsel vm3, s3, v48  }
0x4e6: {  	v59 =	vnsel vm1, s3, v55;
	[tilespmem:$0x12780] =	vst v0  }
0x4e7: {  	v61 =	vnsel vm2, s3, v56;
	[tilespmem:$0x12790] =	vst v59  }
0x4e8: {  	s29 =	simm.s32 $0x40;
	v63 =	vnsel vm0, s3, v57;
	[tilespmem:$0x127A0] =	vst v61  }
0x4e9: {  	s30 =	simm.s32 $0x12780;
	s5 =	simm.s32 $0x12700;
	s31 =	simm.s32 $0x4;
	[tilespmem:$0x127B0] =	vst v63  }
0x4ea: {  	[hbm4b:s2+s29] =	stream.indirect.scatter [tilespmem:s5], [sflag:$0x4], $0x1, s30, s29, $0xb8;
	[tilespmem:$0x1B0D0] =	vst v63  }
0x4eb: {  	_ =	swait.ge [sflag:s31], $0x40  }
0x4ec: {  	[sflag:s31] =	ssyncset.done $0x0  }
0x4ed: {  	[sflag:s31] =	ssyncadd.s32 $0xFFFFFFC0  }
.LBB2_29:
0x4ee: {  	_ =	sfence.sel $0x180000  }
0x4ef: {  	[bflag:$0x0] =	sbarrier.arrive $0xFFFF  }
0x4f0: {  	p0 =	sne.s32 s1, $0x0;
	_ =	strace $0x90000047  }
0x4f1: {  	s0 =	sadd.s32 @!p0 $0x100000, s0;
	[bflag:$0x2] =	sbarrier.arrive $0xFFFF  }
0x4f2: {  	[sflag:s0] =	ssyncadd.tile.s32 @!p0 $0x1;
	_ =	shalt  }
.Lfunc_end2:
_tile_overlayer_lowered:
.L_overlay_start_2:
0x4f3: {  	(tag) =	ssettag $0x2  }
0x4f4: {  	s0 =	rddreg [dreg:$0x0];
	s2 =	stileid.u32  }
0x4f5: {  	s1 =	rddreg [dreg:$0x1];
	p0 =	sne.s32 s2, $0x0  }
0x4f6: {  	s3 =	rddreg [dreg:$0x2];
	[bflag:$0x3] =	sbarrier.arrive $0xFFFF;
	s2 =	simm.s32 @!p0 $0x1C05  }
0x4f7: {  	[timem:s3], [sflag:s2] =	dma.local @!p0 [hbm:s0], s1  }
0x4f8: {  	s0 =	simm.s32 @!p0 $0x5  }
0x4f9: {  	_ =	swait.ge @!p0 [sflag:s0], s1  }
0x4fa: {  	s1 =	ssub.s32 @!p0 $0x0, s1;
	[sflag:s0] =	ssyncset.done @!p0 $0x0  }
0x4fb: {  	[sflag:s0] =	ssyncadd.s32 @!p0 s1  }
0x4fc: {  	[bflag:$0x3] =	sbarrier.arrive $0xFFFF  }
0x4fd: {  	_ =	shalt  }

</sc_bundles>
